<compile_context>
chip_gen: v7x
topology: tpu7x:2x2x1
jax: 0.10.2.dev20260603
libtpu: 0.0.44.dev20260713+nightly
codegen_flags: <defaults>
</compile_context>

<pallas_src>
import functools

import jax
import jax.numpy as jnp
from jax import lax
from jax.experimental import pallas as pl
from jax.experimental.pallas import tpu as pltpu
from jax.experimental.pallas import tpu_sc as plsc

_TOPK = 256
_ROWS = 64
_N = 32768
_L = 16
_U = 8
_NB1 = 1024
_NBR = 256

_mesh = plsc.VectorSubcoreMesh(core_axis_name="c", subcore_axis_name="s")


def _scan_hist(hist_ref, nbuckets, total, k):
    target = total - k
    iota = lax.iota(jnp.int32, _L)

    def body(i, carry):
        prefix, found, b, hb, pb = carry
        h = hist_ref[pl.ds(i * _L, _L)]
        c = plsc.cumsum(h)
        pv = c + prefix
        m = (pv > target).astype(jnp.int32)
        cnt = jnp.sum(m)
        j = _L - cnt
        onehot = (iota == j).astype(jnp.int32)
        hb_new = jnp.sum(onehot * h)
        pb_new = jnp.sum(onehot * pv)
        is_new = jnp.logical_and(found == 0, cnt > 0).astype(jnp.int32)
        b = jnp.where(is_new == 1, i * _L + j, b)
        hb = jnp.where(is_new == 1, hb_new, hb)
        pb = jnp.where(is_new == 1, pb_new, pb)
        found = jnp.maximum(found, (cnt > 0).astype(jnp.int32))
        prefix = prefix + jnp.sum(h)
        return prefix, found, b, hb, pb

    z = jnp.int32(0)
    _, _, b, hb, pb = lax.fori_loop(
        0, nbuckets // _L, body, (z, z, z, z, z))
    r = k - (total - pb)
    return b, r, hb


@functools.partial(
    pl.kernel,
    mesh=_mesh,
    compiler_params=pltpu.CompilerParams(needs_layout_passes=False),
    out_type=jax.ShapeDtypeStruct((_ROWS, _N), jnp.int32),
    scratch_types=[
        pltpu.VMEM((_N,), jnp.int32),
        pltpu.VMEM((_N,), jnp.int32),
        pltpu.VMEM((2 * _NB1,), jnp.int32),
        pltpu.VMEM((_N + _L,), jnp.int32),
        pltpu.SemaphoreType.DMA,
        pltpu.SemaphoreType.DMA,
        pltpu.SemaphoreType.DMA,
    ],
)
def _topk_sc(x_hbm, out_hbm, row0_v, row1_v, hist_v, cand_v,
             sem_a, sem_b, sem_out):
    num_cores = 2
    wid = lax.axis_index("s") * num_cores + lax.axis_index("c")
    ones = jnp.ones((_L,), jnp.int32)
    zeros16 = jnp.zeros((_L,), jnp.int32)

    def _zero_hist(nbuckets):
        @plsc.parallel_loop(0, nbuckets // _L, unroll=8)
        def _(i):
            hist_v[pl.ds(i * _L, _L)] = zeros16

    row_bufs = (row0_v, row1_v)
    half = _N // 2
    cp0a = pltpu.async_copy(
        x_hbm.at[wid * 2, pl.ds(0, half)], row0_v.at[pl.ds(0, half)], sem_a)
    cp0b = pltpu.async_copy(
        x_hbm.at[wid * 2, pl.ds(half, half)],
        row0_v.at[pl.ds(half, half)], sem_b)
    cp1 = pltpu.async_copy(x_hbm.at[wid * 2 + 1], row1_v, sem_a)
    waits = [[cp0a, cp0b], [cp1]]
    out_cps = []
    for r in range(2):
        row_v = row_bufs[r]

        _zero_hist(_NB1)

        waits[r][0].wait()

        @plsc.parallel_loop(0, _N // (2 * _L), unroll=_U, carry=zeros16)
        def nneg_a(i, acc):
            bits = row_v[pl.ds(i * _L, _L)]
            plsc.addupdate_scatter(
                hist_v, [lax.shift_right_logical(bits, 21)], ones)
            return acc + lax.shift_right_logical(bits, 31)

        for cp in waits[r][1:]:
            cp.wait()

        @plsc.parallel_loop(_N // (2 * _L), _N // _L, unroll=_U,
                            carry=nneg_a)
        def nneg_vec(i, acc):
            bits = row_v[pl.ds(i * _L, _L)]
            plsc.addupdate_scatter(
                hist_v, [lax.shift_right_logical(bits, 21)], ones)
            return acc + lax.shift_right_logical(bits, 31)
        npos = _N - jnp.sum(nneg_vec)
        b1, k2, t2 = _scan_hist(hist_v, _NB1, npos, jnp.int32(_TOPK))

        @plsc.parallel_loop(0, _N // _L, unroll=_U, carry=jnp.int32(0))
        def _p2_off(i, off):
            bits = row_v[pl.ds(i * _L, _L)]
            sel = lax.shift_right_logical(bits, 21) == b1
            plsc.store_compressed(cand_v.at[pl.ds(off, _L)], bits, mask=sel)
            return off + jnp.sum(sel.astype(jnp.int32))
        nch = lax.div(t2 + (_L - 1), jnp.int32(_L))
        iota = lax.iota(jnp.int32, _L)

        _zero_hist(_NBR)

        def ra_body(i, _):
            bitsc = cand_v[pl.ds(i * _L, _L)]
            valid = (i * _L + iota) < t2
            idx = jnp.bitwise_and(lax.shift_right_logical(bitsc, 13), 0xFF)
            plsc.addupdate_scatter(hist_v, [idx], ones, mask=valid)
            return 0

        lax.fori_loop(0, nch, ra_body, 0)
        bA, kB, tB = _scan_hist(hist_v, _NBR, t2, k2)

        _zero_hist(_NBR)

        def rb_body(i, _):
            bitsc = cand_v[pl.ds(i * _L, _L)]
            valid = (i * _L + iota) < t2
            sel = jnp.logical_and(
                valid,
                jnp.bitwise_and(
                    lax.shift_right_logical(bitsc, 13), 0xFF) == bA)
            idx = jnp.bitwise_and(lax.shift_right_logical(bitsc, 5), 0xFF)
            plsc.addupdate_scatter(hist_v, [idx], ones, mask=sel)
            return 0

        lax.fori_loop(0, nch, rb_body, 0)
        bB, kC, tC = _scan_hist(hist_v, _NBR, tB, kB)
        pAB = jnp.bitwise_or(lax.shift_left(bA, 8), bB)

        hist_v[pl.ds(0, _L)] = zeros16
        hist_v[pl.ds(_L, _L)] = zeros16

        def rc_body(i, _):
            bitsc = cand_v[pl.ds(i * _L, _L)]
            valid = (i * _L + iota) < t2
            sel = jnp.logical_and(
                valid,
                jnp.bitwise_and(
                    lax.shift_right_logical(bitsc, 5), 0xFFFF) == pAB)
            idx = jnp.bitwise_and(bitsc, 0x1F)
            plsc.addupdate_scatter(hist_v, [idx], ones, mask=sel)
            return 0

        lax.fori_loop(0, nch, rc_body, 0)
        bC, _, _ = _scan_hist(hist_v, 2 * _L, tC, kC)
        t = jnp.bitwise_or(
            lax.shift_left(b1, 21),
            jnp.bitwise_or(
                lax.shift_left(bA, 13),
                jnp.bitwise_or(lax.shift_left(bB, 5), bC)))

        @plsc.parallel_loop(0, _N // _L, unroll=_U)
        def _mask(i):
            sl = pl.ds(i * _L, _L)
            bits = row_v[sl]
            row_v[sl] = jnp.where(bits >= t, bits, 0)
        out_cps.append(
            pltpu.async_copy(row_v, out_hbm.at[wid * 2 + r], sem_out))
    for cp in out_cps:
        cp.wait()


def kernel(x):
    xi = lax.bitcast_convert_type(x, jnp.int32)
    out = _topk_sc(xi)
    return lax.bitcast_convert_type(out, jnp.float32)

# --- scband reference (transcript-rebuilt; emitter-appended) ---
"""Pipeline reference for scband-top-k-40424232190192 (READ-ONLY COPY).

The authoritative reference and input builder live on the scoring server;
editing this copy changes nothing except your own understanding.
"""

import jax, jax.numpy as jnp
import numpy as np

K = 256

def setup_inputs(seed: int = 0) -> dict:
    key = jax.random.key(seed)
    x = jax.random.normal(key, (64, 32768), dtype=jnp.float32)
    return {"x": x}

def reference(x):
    # relu then keep only top-k entries along last dim, zeros elsewhere
    xr = jax.nn.relu(x)
    vals, idx = jax.lax.top_k(xr, K)
    rows = jnp.arange(x.shape[0])[:, None]
    result = jnp.zeros_like(x).at[rows, idx].set(vals)
    return result

if __name__ == "__main__":
    import jax
    _d = setup_inputs()
    print(jax.jit(kernel)(*tuple(_d.values())))

</pallas_src>

<mosaic_0001>
#map = affine_map<(d0, d1) -> (0, 0)>
module attributes {stable_mosaic.version = 14 : i64} {
  func.func @_topk_sc(%arg0: i32, %arg1: i32, %arg2: memref<64x32768xi32, #tpu.memory_space<hbm>>, %arg3: memref<64x32768xi32, #tpu.memory_space<hbm>>, %arg4: memref<32768xi32, #tpu.memory_space<vmem>>, %arg5: memref<32768xi32, #tpu.memory_space<vmem>>, %arg6: memref<2048xi32, #tpu.memory_space<vmem>>, %arg7: memref<32784xi32, #tpu.memory_space<vmem>>, %arg8: memref<!tpu.dma_semaphore, #tpu.memory_space<semaphore_mem>>, %arg9: memref<!tpu.dma_semaphore, #tpu.memory_space<semaphore_mem>>, %arg10: memref<!tpu.dma_semaphore, #tpu.memory_space<semaphore_mem>>) attributes {dimension_semantics = [#tpu.dimension_semantics<core_parallel>, #tpu.dimension_semantics<subcore_parallel>], iteration_bounds = array<i64: 2, 16>, scalar_prefetch = 0 : i64, scratch_operands = 7 : i64, tpu.core_type = #tpu.core_type<sc_vector_subcore>, window_params = [{transform_indices = #map}, {transform_indices = #map}]} {
    %mul3A = arith.constant 2 : i32
    %mul3A_0 = arith.muli %arg1, %mul3A : i32
    %add3A = arith.addi %mul3A_0, %arg0 : i32
    %broadcast_in_dim3A = arith.constant 1 : i32
    %broadcast_in_dim3A_1 = vector.broadcast %broadcast_in_dim3A : i32 to vector<16xi32>
    %broadcast_in_dim3A_2 = arith.constant 0 : i32
    %broadcast_in_dim3A_3 = vector.broadcast %broadcast_in_dim3A_2 : i32 to vector<16xi32>
    %mul3A_4 = arith.constant 2 : i32
    %mul3A_5 = arith.muli %add3A, %mul3A_4 : i32
    %dma_start3A = arith.constant 0 : i32
    %dma_start3A_6 = tpu.memref_slice %arg4[%dma_start3A] : memref<32768xi32, #tpu.memory_space<vmem>> -> memref<16384xi32, #tpu.memory_space<vmem>>
    %dma_start3A_7 = arith.constant 0 : i32
    %dma_start3A_8 = tpu.memref_slice %arg2[%mul3A_5, %dma_start3A_7] : memref<64x32768xi32, #tpu.memory_space<hbm>> -> memref<1x16384xi32, #tpu.memory_space<hbm>>
    %dma_start3A_9 = tpu.memref_squeeze %dma_start3A_8 : memref<1x16384xi32, #tpu.memory_space<hbm>> -> memref<16384xi32, #tpu.memory_space<hbm>>
    %dma_start3A_10 = arith.constant 0 : i32
    %dma_start3A_11 = tpu.memref_slice %arg4[%dma_start3A_10] : memref<32768xi32, #tpu.memory_space<vmem>> -> memref<16384xi32, #tpu.memory_space<vmem>>
    %dma_start3A_12 = arith.constant 0 : i32
    %dma_start3A_13 = tpu.memref_slice %arg2[%mul3A_5, %dma_start3A_12] : memref<64x32768xi32, #tpu.memory_space<hbm>> -> memref<1x16384xi32, #tpu.memory_space<hbm>>
    %dma_start3A_14 = tpu.memref_squeeze %dma_start3A_13 : memref<1x16384xi32, #tpu.memory_space<hbm>> -> memref<16384xi32, #tpu.memory_space<hbm>>
    tpu.enqueue_dma source(%dma_start3A_14 : memref<16384xi32, #tpu.memory_space<hbm>>) target(%dma_start3A_11 : memref<16384xi32, #tpu.memory_space<vmem>>) target_semaphore(%arg8 : memref<!tpu.dma_semaphore, #tpu.memory_space<semaphore_mem>>)
    %mul3A_15 = arith.constant 2 : i32
    %mul3A_16 = arith.muli %add3A, %mul3A_15 : i32
    %dma_start3A_17 = arith.constant 16384 : i32
    %dma_start3A_18 = tpu.memref_slice %arg4[%dma_start3A_17] : memref<32768xi32, #tpu.memory_space<vmem>> -> memref<16384xi32, #tpu.memory_space<vmem>>
    %dma_start3A_19 = arith.constant 16384 : i32
    %dma_start3A_20 = tpu.memref_slice %arg2[%mul3A_16, %dma_start3A_19] : memref<64x32768xi32, #tpu.memory_space<hbm>> -> memref<1x16384xi32, #tpu.memory_space<hbm>>
    %dma_start3A_21 = tpu.memref_squeeze %dma_start3A_20 : memref<1x16384xi32, #tpu.memory_space<hbm>> -> memref<16384xi32, #tpu.memory_space<hbm>>
    %dma_start3A_22 = arith.constant 16384 : i32
    %dma_start3A_23 = tpu.memref_slice %arg4[%dma_start3A_22] : memref<32768xi32, #tpu.memory_space<vmem>> -> memref<16384xi32, #tpu.memory_space<vmem>>
    %dma_start3A_24 = arith.constant 16384 : i32
    %dma_start3A_25 = tpu.memref_slice %arg2[%mul3A_16, %dma_start3A_24] : memref<64x32768xi32, #tpu.memory_space<hbm>> -> memref<1x16384xi32, #tpu.memory_space<hbm>>
    %dma_start3A_26 = tpu.memref_squeeze %dma_start3A_25 : memref<1x16384xi32, #tpu.memory_space<hbm>> -> memref<16384xi32, #tpu.memory_space<hbm>>
    tpu.enqueue_dma source(%dma_start3A_26 : memref<16384xi32, #tpu.memory_space<hbm>>) target(%dma_start3A_23 : memref<16384xi32, #tpu.memory_space<vmem>>) target_semaphore(%arg9 : memref<!tpu.dma_semaphore, #tpu.memory_space<semaphore_mem>>)
    %mul3A_27 = arith.constant 2 : i32
    %mul3A_28 = arith.muli %add3A, %mul3A_27 : i32
    %add3A_29 = arith.constant 1 : i32
    %add3A_30 = arith.addi %mul3A_28, %add3A_29 : i32
    %dma_start3A_31 = arith.constant 0 : i32
    %dma_start3A_32 = tpu.memref_slice %arg2[%add3A_30, %dma_start3A_31] : memref<64x32768xi32, #tpu.memory_space<hbm>> -> memref<1x32768xi32, #tpu.memory_space<hbm>>
    %dma_start3A_33 = tpu.memref_squeeze %dma_start3A_32 : memref<1x32768xi32, #tpu.memory_space<hbm>> -> memref<32768xi32, #tpu.memory_space<hbm>>
    %dma_start3A_34 = arith.constant 0 : i32
    %dma_start3A_35 = tpu.memref_slice %arg2[%add3A_30, %dma_start3A_34] : memref<64x32768xi32, #tpu.memory_space<hbm>> -> memref<1x32768xi32, #tpu.memory_space<hbm>>
    %dma_start3A_36 = tpu.memref_squeeze %dma_start3A_35 : memref<1x32768xi32, #tpu.memory_space<hbm>> -> memref<32768xi32, #tpu.memory_space<hbm>>
    tpu.enqueue_dma source(%dma_start3A_36 : memref<32768xi32, #tpu.memory_space<hbm>>) target(%arg5 : memref<32768xi32, #tpu.memory_space<vmem>>) target_semaphore(%arg8 : memref<!tpu.dma_semaphore, #tpu.memory_space<semaphore_mem>>)
    %parallel_loop3A = arith.constant 0 : i32
    %parallel_loop3A_37 = arith.constant 64 : i32
    %parallel_loop3A_38 = arith.constant 1 : i32
    scf.for %parallel_loop3A_384 = %parallel_loop3A to %parallel_loop3A_37 step %parallel_loop3A_38  : i32 {
      %parallel_loop3A_385 = arith.constant 16 : i32
      %parallel_loop3A_386 = arith.muli %parallel_loop3A_384, %parallel_loop3A_385 : i32
      %parallel_loop3A_387 = arith.index_cast %parallel_loop3A_386 : i32 to index
      %parallel_loop3A_388 = tpu.vector_load %arg6[%parallel_loop3A_387] {strides = array<i32>} : memref<2048xi32, #tpu.memory_space<vmem>>, vector<16xi32>,
      tpu.vector_store %arg6[%parallel_loop3A_387], %broadcast_in_dim3A_3 {strides = array<i32>} : memref<2048xi32, #tpu.memory_space<vmem>>, vector<16xi32>,
    } {sc.loop_unroll_factor = 8 : i64, sc.parallel_access}
    %dma_wait3A = arith.constant 0 : i32
    %dma_wait3A_39 = tpu.memref_slice %arg4[%dma_wait3A] : memref<32768xi32, #tpu.memory_space<vmem>> -> memref<16384xi32, #tpu.memory_space<vmem>>
    %dma_wait3A_40 = arith.constant 0 : i32
    %dma_wait3A_41 = tpu.memref_slice %arg2[%mul3A_5, %dma_wait3A_40] : memref<64x32768xi32, #tpu.memory_space<hbm>> -> memref<1x16384xi32, #tpu.memory_space<hbm>>
    %dma_wait3A_42 = tpu.memref_squeeze %dma_wait3A_41 : memref<1x16384xi32, #tpu.memory_space<hbm>> -> memref<16384xi32, #tpu.memory_space<hbm>>
    %dma_wait3A_43 = arith.constant 0 : i32
    %dma_wait3A_44 = tpu.memref_slice %arg4[%dma_wait3A_43] : memref<32768xi32, #tpu.memory_space<vmem>> -> memref<16384xi32, #tpu.memory_space<vmem>>
    %dma_wait3A_45 = arith.constant 0 : i32
    %dma_wait3A_46 = tpu.memref_slice %arg2[%mul3A_5, %dma_wait3A_45] : memref<64x32768xi32, #tpu.memory_space<hbm>> -> memref<1x16384xi32, #tpu.memory_space<hbm>>
    %dma_wait3A_47 = tpu.memref_squeeze %dma_wait3A_46 : memref<1x16384xi32, #tpu.memory_space<hbm>> -> memref<16384xi32, #tpu.memory_space<hbm>>
    tpu.wait_dma2 semaphore(%arg8 : memref<!tpu.dma_semaphore, #tpu.memory_space<semaphore_mem>>) src(%dma_wait3A_47 : memref<16384xi32, #tpu.memory_space<hbm>>) dst(%dma_wait3A_44 : memref<16384xi32, #tpu.memory_space<vmem>>)
    %parallel_loop3A_48 = arith.constant 0 : i32
    %parallel_loop3A_49 = arith.constant 1024 : i32
    %parallel_loop3A_50 = arith.constant 1 : i32
    %parallel_loop3A_51 = scf.for %parallel_loop3A_384 = %parallel_loop3A_48 to %parallel_loop3A_49 step %parallel_loop3A_50 iter_args(%parallel_loop3A_385 = %broadcast_in_dim3A_3) -> (vector<16xi32>)  : i32 {
      %parallel_loop3A_386 = arith.constant 16 : i32
      %parallel_loop3A_387 = arith.muli %parallel_loop3A_384, %parallel_loop3A_386 : i32
      %parallel_loop3A_388 = arith.index_cast %parallel_loop3A_387 : i32 to index
      %parallel_loop3A_389 = tpu.vector_load %arg4[%parallel_loop3A_388] {strides = array<i32>} : memref<32768xi32, #tpu.memory_space<vmem>>, vector<16xi32>,
      %parallel_loop3A_390 = arith.constant 21 : i32
      %parallel_loop3A_391 = vector.broadcast %parallel_loop3A_390 : i32 to vector<16xi32>
      %parallel_loop3A_392 = arith.shrui %parallel_loop3A_389, %parallel_loop3A_391 : vector<16xi32>
      tpu.vector_store_idx %arg6[%parallel_loop3A_392], %broadcast_in_dim3A_1 {add = true} : memref<2048xi32, #tpu.memory_space<vmem>>[vector<16xi32>], vector<16xi32>,
      %parallel_loop3A_393 = arith.constant 31 : i32
      %parallel_loop3A_394 = vector.broadcast %parallel_loop3A_393 : i32 to vector<16xi32>
      %parallel_loop3A_395 = arith.shrui %parallel_loop3A_389, %parallel_loop3A_394 : vector<16xi32>
      %parallel_loop3A_396 = arith.addi %parallel_loop3A_385, %parallel_loop3A_395 : vector<16xi32>
      scf.yield %parallel_loop3A_396 : vector<16xi32>
    } {sc.loop_unroll_factor = 8 : i64, sc.parallel_access}
    %dma_wait3A_52 = arith.constant 16384 : i32
    %dma_wait3A_53 = tpu.memref_slice %arg4[%dma_wait3A_52] : memref<32768xi32, #tpu.memory_space<vmem>> -> memref<16384xi32, #tpu.memory_space<vmem>>
    %dma_wait3A_54 = arith.constant 16384 : i32
    %dma_wait3A_55 = tpu.memref_slice %arg2[%mul3A_16, %dma_wait3A_54] : memref<64x32768xi32, #tpu.memory_space<hbm>> -> memref<1x16384xi32, #tpu.memory_space<hbm>>
    %dma_wait3A_56 = tpu.memref_squeeze %dma_wait3A_55 : memref<1x16384xi32, #tpu.memory_space<hbm>> -> memref<16384xi32, #tpu.memory_space<hbm>>
    %dma_wait3A_57 = arith.constant 16384 : i32
    %dma_wait3A_58 = tpu.memref_slice %arg4[%dma_wait3A_57] : memref<32768xi32, #tpu.memory_space<vmem>> -> memref<16384xi32, #tpu.memory_space<vmem>>
    %dma_wait3A_59 = arith.constant 16384 : i32
    %dma_wait3A_60 = tpu.memref_slice %arg2[%mul3A_16, %dma_wait3A_59] : memref<64x32768xi32, #tpu.memory_space<hbm>> -> memref<1x16384xi32, #tpu.memory_space<hbm>>
    %dma_wait3A_61 = tpu.memref_squeeze %dma_wait3A_60 : memref<1x16384xi32, #tpu.memory_space<hbm>> -> memref<16384xi32, #tpu.memory_space<hbm>>
    tpu.wait_dma2 semaphore(%arg9 : memref<!tpu.dma_semaphore, #tpu.memory_space<semaphore_mem>>) src(%dma_wait3A_61 : memref<16384xi32, #tpu.memory_space<hbm>>) dst(%dma_wait3A_58 : memref<16384xi32, #tpu.memory_space<vmem>>)
    %parallel_loop3A_62 = arith.constant 1024 : i32
    %parallel_loop3A_63 = arith.constant 2048 : i32
    %parallel_loop3A_64 = arith.constant 1 : i32
    %parallel_loop3A_65 = scf.for %parallel_loop3A_384 = %parallel_loop3A_62 to %parallel_loop3A_63 step %parallel_loop3A_64 iter_args(%parallel_loop3A_385 = %parallel_loop3A_51) -> (vector<16xi32>)  : i32 {
      %parallel_loop3A_386 = arith.constant 16 : i32
      %parallel_loop3A_387 = arith.muli %parallel_loop3A_384, %parallel_loop3A_386 : i32
      %parallel_loop3A_388 = arith.index_cast %parallel_loop3A_387 : i32 to index
      %parallel_loop3A_389 = tpu.vector_load %arg4[%parallel_loop3A_388] {strides = array<i32>} : memref<32768xi32, #tpu.memory_space<vmem>>, vector<16xi32>,
      %parallel_loop3A_390 = arith.constant 21 : i32
      %parallel_loop3A_391 = vector.broadcast %parallel_loop3A_390 : i32 to vector<16xi32>
      %parallel_loop3A_392 = arith.shrui %parallel_loop3A_389, %parallel_loop3A_391 : vector<16xi32>
      tpu.vector_store_idx %arg6[%parallel_loop3A_392], %broadcast_in_dim3A_1 {add = true} : memref<2048xi32, #tpu.memory_space<vmem>>[vector<16xi32>], vector<16xi32>,
      %parallel_loop3A_393 = arith.constant 31 : i32
      %parallel_loop3A_394 = vector.broadcast %parallel_loop3A_393 : i32 to vector<16xi32>
      %parallel_loop3A_395 = arith.shrui %parallel_loop3A_389, %parallel_loop3A_394 : vector<16xi32>
      %parallel_loop3A_396 = arith.addi %parallel_loop3A_385, %parallel_loop3A_395 : vector<16xi32>
      scf.yield %parallel_loop3A_396 : vector<16xi32>
    } {sc.loop_unroll_factor = 8 : i64, sc.parallel_access}
    %reduce_sum3A = arith.constant true
    %reduce_sum3A_66 = vector.broadcast %reduce_sum3A : i1 to vector<16xi1>
    %reduce_sum3A_67 = tpu.scan <sum>, %parallel_loop3A_65 masked %reduce_sum3A_66 : vector<16xi32>, vector<16xi1> -> vector<16xi32>
    %reduce_sum3A_68 = vector.extract %reduce_sum3A_67[15] : i32 from vector<16xi32>
    %sub3A = arith.constant 32768 : i32
    %sub3A_69 = arith.subi %sub3A, %reduce_sum3A_68 : i32
    %sub3A_70 = arith.constant 256 : i32
    %sub3A_71 = arith.subi %sub3A_69, %sub3A_70 : i32
    %iota3A = tpu.iota {dimensions = array<i32: 0>} : vector<16xi32>
    %scan3A = arith.constant 0 : i32
    %scan3A_72 = arith.constant 0 : i32
    %scan3A_73 = arith.constant 0 : i32
    %scan3A_74 = arith.constant 0 : i32
    %scan3A_75 = arith.constant 0 : i32
    %scan3A_76 = arith.constant 0 : i32
    %scan3A_77 = arith.constant 64 : i32
    %scan3A_78 = arith.addi %scan3A_76, %scan3A_77 : i32
    %scan3A_79 = arith.constant 1 : i32
    %scan3A_80:5 = scf.for %scan3A_384 = %scan3A_76 to %scan3A_78 step %scan3A_79 iter_args(%scan3A_385 = %scan3A, %scan3A_386 = %scan3A_72, %scan3A_387 = %scan3A_73, %scan3A_388 = %scan3A_74, %scan3A_389 = %scan3A_75) -> (i32, i32, i32, i32, i32)  : i32 {
      %mul3A_390 = arith.constant 16 : i32
      %mul3A_391 = arith.muli %scan3A_384, %mul3A_390 : i32
      %get3A = arith.index_cast %mul3A_391 : i32 to index
      %get3A_392 = tpu.vector_load %arg6[%get3A] {strides = array<i32>} : memref<2048xi32, #tpu.memory_space<vmem>>, vector<16xi32>,
      %broadcast_in_dim3A_393 = arith.constant true
      %broadcast_in_dim3A_394 = vector.broadcast %broadcast_in_dim3A_393 : i1 to vector<16xi1>
      %masked_cumsum3A = tpu.scan <sum>, %get3A_392 masked %broadcast_in_dim3A_394 : vector<16xi32>, vector<16xi1> -> vector<16xi32>
      %add3A_395 = vector.broadcast %scan3A_385 : i32 to vector<16xi32>
      %add3A_396 = arith.addi %masked_cumsum3A, %add3A_395 : vector<16xi32>
      %gt3A = vector.broadcast %sub3A_71 : i32 to vector<16xi32>
      %gt3A_397 = arith.cmpi sgt, %add3A_396, %gt3A : vector<16xi32>
      %convert_element_type3A = arith.extui %gt3A_397 : vector<16xi1> to vector<16xi32>
      %reduce_sum3A_398 = arith.constant true
      %reduce_sum3A_399 = vector.broadcast %reduce_sum3A_398 : i1 to vector<16xi1>
      %reduce_sum3A_400 = tpu.scan <sum>, %convert_element_type3A masked %reduce_sum3A_399 : vector<16xi32>, vector<16xi1> -> vector<16xi32>
      %reduce_sum3A_401 = vector.extract %reduce_sum3A_400[15] : i32 from vector<16xi32>
      %sub3A_402 = arith.constant 16 : i32
      %sub3A_403 = arith.subi %sub3A_402, %reduce_sum3A_401 : i32
      %eq3A = vector.broadcast %sub3A_403 : i32 to vector<16xi32>
      %eq3A_404 = arith.cmpi eq, %iota3A, %eq3A : vector<16xi32>
      %convert_element_type3A_405 = arith.extui %eq3A_404 : vector<16xi1> to vector<16xi32>
      %mul3A_406 = arith.muli %convert_element_type3A_405, %get3A_392 : vector<16xi32>
      %reduce_sum3A_407 = arith.constant true
      %reduce_sum3A_408 = vector.broadcast %reduce_sum3A_407 : i1 to vector<16xi1>
      %reduce_sum3A_409 = tpu.scan <sum>, %mul3A_406 masked %reduce_sum3A_408 : vector<16xi32>, vector<16xi1> -> vector<16xi32>
      %reduce_sum3A_410 = vector.extract %reduce_sum3A_409[15] : i32 from vector<16xi32>
      %mul3A_411 = arith.muli %convert_element_type3A_405, %add3A_396 : vector<16xi32>
      %reduce_sum3A_412 = arith.constant true
      %reduce_sum3A_413 = vector.broadcast %reduce_sum3A_412 : i1 to vector<16xi1>
      %reduce_sum3A_414 = tpu.scan <sum>, %mul3A_411 masked %reduce_sum3A_413 : vector<16xi32>, vector<16xi1> -> vector<16xi32>
      %reduce_sum3A_415 = vector.extract %reduce_sum3A_414[15] : i32 from vector<16xi32>
      %eq3A_416 = arith.constant 0 : i32
      %eq3A_417 = arith.cmpi eq, %scan3A_386, %eq3A_416 : i32
      %gt3A_418 = arith.constant 0 : i32
      %gt3A_419 = arith.cmpi sgt, %reduce_sum3A_401, %gt3A_418 : i32
      %and3A = arith.andi %eq3A_417, %gt3A_419 : i1
      %convert_element_type3A_420 = arith.extui %and3A : i1 to i32
      %eq3A_421 = arith.constant 1 : i32
      %eq3A_422 = arith.cmpi eq, %convert_element_type3A_420, %eq3A_421 : i32
      %mul3A_423 = arith.constant 16 : i32
      %mul3A_424 = arith.muli %scan3A_384, %mul3A_423 : i32
      %add3A_425 = arith.addi %mul3A_424, %sub3A_403 : i32
      %select_n3A = arith.select %eq3A_422, %add3A_425, %scan3A_387 : i32
      %eq3A_426 = arith.constant 1 : i32
      %eq3A_427 = arith.cmpi eq, %convert_element_type3A_420, %eq3A_426 : i32
      %select_n3A_428 = arith.select %eq3A_427, %reduce_sum3A_410, %scan3A_388 : i32
      %eq3A_429 = arith.constant 1 : i32
      %eq3A_430 = arith.cmpi eq, %convert_element_type3A_420, %eq3A_429 : i32
      %select_n3A_431 = arith.select %eq3A_430, %reduce_sum3A_415, %scan3A_389 : i32
      %gt3A_432 = arith.constant 0 : i32
      %gt3A_433 = arith.cmpi sgt, %reduce_sum3A_401, %gt3A_432 : i32
      %convert_element_type3A_434 = arith.extui %gt3A_433 : i1 to i32
      %max3A = arith.maxsi %scan3A_386, %convert_element_type3A_434 : i32
      %reduce_sum3A_435 = arith.constant true
      %reduce_sum3A_436 = vector.broadcast %reduce_sum3A_435 : i1 to vector<16xi1>
      %reduce_sum3A_437 = tpu.scan <sum>, %get3A_392 masked %reduce_sum3A_436 : vector<16xi32>, vector<16xi1> -> vector<16xi32>
      %reduce_sum3A_438 = vector.extract %reduce_sum3A_437[15] : i32 from vector<16xi32>
      %add3A_439 = arith.addi %scan3A_385, %reduce_sum3A_438 : i32
      scf.yield %add3A_439, %max3A, %select_n3A, %select_n3A_428, %select_n3A_431 : i32, i32, i32, i32, i32
    }
    %scan3A_81 = arith.constant 64 : i32
    %sub3A_82 = arith.subi %sub3A_69, %scan3A_80#4 : i32
    %sub3A_83 = arith.constant 256 : i32
    %sub3A_84 = arith.subi %sub3A_83, %sub3A_82 : i32
    %parallel_loop3A_85 = arith.constant 0 : i32
    %parallel_loop3A_86 = arith.constant 2048 : i32
    %parallel_loop3A_87 = arith.constant 1 : i32
    %parallel_loop3A_88 = arith.constant 0 : i32
    %parallel_loop3A_89 = scf.for %parallel_loop3A_384 = %parallel_loop3A_85 to %parallel_loop3A_86 step %parallel_loop3A_87 iter_args(%parallel_loop3A_385 = %parallel_loop3A_88) -> (i32)  : i32 {
      %parallel_loop3A_386 = arith.constant 16 : i32
      %parallel_loop3A_387 = arith.muli %parallel_loop3A_384, %parallel_loop3A_386 : i32
      %parallel_loop3A_388 = arith.index_cast %parallel_loop3A_387 : i32 to index
      %parallel_loop3A_389 = tpu.vector_load %arg4[%parallel_loop3A_388] {strides = array<i32>} : memref<32768xi32, #tpu.memory_space<vmem>>, vector<16xi32>,
      %parallel_loop3A_390 = arith.constant 21 : i32
      %parallel_loop3A_391 = vector.broadcast %parallel_loop3A_390 : i32 to vector<16xi32>
      %parallel_loop3A_392 = arith.shrui %parallel_loop3A_389, %parallel_loop3A_391 : vector<16xi32>
      %parallel_loop3A_393 = vector.broadcast %scan3A_80#2 : i32 to vector<16xi32>
      %parallel_loop3A_394 = arith.cmpi eq, %parallel_loop3A_392, %parallel_loop3A_393 : vector<16xi32>
      %parallel_loop3A_395 = arith.index_cast %parallel_loop3A_385 : i32 to index
      %parallel_loop3A_396 = tpu.vector_load %arg7[%parallel_loop3A_395] masked %parallel_loop3A_394 {strides = array<i32>} : memref<32784xi32, #tpu.memory_space<vmem>>, vector<16xi32>, vector<16xi1>
      tpu.vector_store %arg7[%parallel_loop3A_395], %parallel_loop3A_389 masked %parallel_loop3A_394 {strides = array<i32>} : memref<32784xi32, #tpu.memory_space<vmem>>, vector<16xi32>, vector<16xi1>
      %parallel_loop3A_397 = arith.extui %parallel_loop3A_394 : vector<16xi1> to vector<16xi32>
      %parallel_loop3A_398 = arith.constant true
      %parallel_loop3A_399 = vector.broadcast %parallel_loop3A_398 : i1 to vector<16xi1>
      %parallel_loop3A_400 = tpu.scan <sum>, %parallel_loop3A_397 masked %parallel_loop3A_399 : vector<16xi32>, vector<16xi1> -> vector<16xi32>
      %parallel_loop3A_401 = vector.extract %parallel_loop3A_400[15] : i32 from vector<16xi32>
      %parallel_loop3A_402 = arith.addi %parallel_loop3A_385, %parallel_loop3A_401 : i32
      scf.yield %parallel_loop3A_402 : i32
    } {sc.loop_unroll_factor = 8 : i64, sc.parallel_access}
    %add3A_90 = arith.constant 15 : i32
    %add3A_91 = arith.addi %scan3A_80#3, %add3A_90 : i32
    %div3A = arith.constant 16 : i32
    %div3A_92 = arith.divsi %add3A_91, %div3A : i32
    %iota3A_93 = tpu.iota {dimensions = array<i32: 0>} : vector<16xi32>
    %parallel_loop3A_94 = arith.constant 0 : i32
    %parallel_loop3A_95 = arith.constant 16 : i32
    %parallel_loop3A_96 = arith.constant 1 : i32
    scf.for %parallel_loop3A_384 = %parallel_loop3A_94 to %parallel_loop3A_95 step %parallel_loop3A_96  : i32 {
      %parallel_loop3A_385 = arith.constant 16 : i32
      %parallel_loop3A_386 = arith.muli %parallel_loop3A_384, %parallel_loop3A_385 : i32
      %parallel_loop3A_387 = arith.index_cast %parallel_loop3A_386 : i32 to index
      %parallel_loop3A_388 = tpu.vector_load %arg6[%parallel_loop3A_387] {strides = array<i32>} : memref<2048xi32, #tpu.memory_space<vmem>>, vector<16xi32>,
      tpu.vector_store %arg6[%parallel_loop3A_387], %broadcast_in_dim3A_3 {strides = array<i32>} : memref<2048xi32, #tpu.memory_space<vmem>>, vector<16xi32>,
    } {sc.loop_unroll_factor = 8 : i64, sc.parallel_access}
    %while3A = arith.constant 0 : i32
    %while3A_97 = arith.constant 0 : i32
    %while3A_98 = arith.subi %div3A_92, %while3A : i32
    %while3A_99 = arith.addi %while3A, %while3A_98 : i32
    %while3A_100 = arith.constant 1 : i32
    %while3A_101 = arith.divsi %while3A_98, %while3A_100 : i32
    %while3A_102 = arith.muli %while3A_101, %while3A_100 : i32
    %while3A_103 = arith.addi %while3A, %while3A_102 : i32
    %while3A_104 = arith.constant 1 : i32
    %while3A_105 = scf.for %while3A_384 = %while3A to %while3A_103 step %while3A_104 iter_args(%while3A_385 = %while3A_97) -> (i32)  : i32 {
      %mul3A_386 = arith.constant 16 : i32
      %mul3A_387 = arith.muli %while3A_384, %mul3A_386 : i32
      %get3A = arith.index_cast %mul3A_387 : i32 to index
      %get3A_388 = tpu.vector_load %arg7[%get3A] {strides = array<i32>} : memref<32784xi32, #tpu.memory_space<vmem>>, vector<16xi32>,
      %mul3A_389 = arith.constant 16 : i32
      %mul3A_390 = arith.muli %while3A_384, %mul3A_389 : i32
      %add3A_391 = vector.broadcast %mul3A_390 : i32 to vector<16xi32>
      %add3A_392 = arith.addi %add3A_391, %iota3A_93 : vector<16xi32>
      %lt3A = vector.broadcast %scan3A_80#3 : i32 to vector<16xi32>
      %lt3A_393 = arith.cmpi slt, %add3A_392, %lt3A : vector<16xi32>
      %shift_right_logical3A = arith.constant 13 : i32
      %shift_right_logical3A_394 = vector.broadcast %shift_right_logical3A : i32 to vector<16xi32>
      %shift_right_logical3A_395 = arith.shrui %get3A_388, %shift_right_logical3A_394 : vector<16xi32>
      %and3A = arith.constant 255 : i32
      %and3A_396 = vector.broadcast %and3A : i32 to vector<16xi32>
      %and3A_397 = arith.andi %shift_right_logical3A_395, %and3A_396 : vector<16xi32>
      tpu.vector_store_idx %arg6[%and3A_397], %broadcast_in_dim3A_1 masked %lt3A_393 {add = true} : memref<2048xi32, #tpu.memory_space<vmem>>[vector<16xi32>], vector<16xi32>, vector<16xi1>
      %while3A_398 = arith.constant 0 : i32
      scf.yield %while3A_398 : i32
    }
    %while3A_106 = arith.constant 1 : i32
    %while3A_107 = scf.for %while3A_384 = %while3A_103 to %while3A_99 step %while3A_106 iter_args(%while3A_385 = %while3A_105) -> (i32)  : i32 {
      %mul3A_386 = arith.constant 16 : i32
      %mul3A_387 = arith.muli %while3A_384, %mul3A_386 : i32
      %get3A = arith.index_cast %mul3A_387 : i32 to index
      %get3A_388 = tpu.vector_load %arg7[%get3A] {strides = array<i32>} : memref<32784xi32, #tpu.memory_space<vmem>>, vector<16xi32>,
      %mul3A_389 = arith.constant 16 : i32
      %mul3A_390 = arith.muli %while3A_384, %mul3A_389 : i32
      %add3A_391 = vector.broadcast %mul3A_390 : i32 to vector<16xi32>
      %add3A_392 = arith.addi %add3A_391, %iota3A_93 : vector<16xi32>
      %lt3A = vector.broadcast %scan3A_80#3 : i32 to vector<16xi32>
      %lt3A_393 = arith.cmpi slt, %add3A_392, %lt3A : vector<16xi32>
      %shift_right_logical3A = arith.constant 13 : i32
      %shift_right_logical3A_394 = vector.broadcast %shift_right_logical3A : i32 to vector<16xi32>
      %shift_right_logical3A_395 = arith.shrui %get3A_388, %shift_right_logical3A_394 : vector<16xi32>
      %and3A = arith.constant 255 : i32
      %and3A_396 = vector.broadcast %and3A : i32 to vector<16xi32>
      %and3A_397 = arith.andi %shift_right_logical3A_395, %and3A_396 : vector<16xi32>
      tpu.vector_store_idx %arg6[%and3A_397], %broadcast_in_dim3A_1 masked %lt3A_393 {add = true} : memref<2048xi32, #tpu.memory_space<vmem>>[vector<16xi32>], vector<16xi32>, vector<16xi1>
      %while3A_398 = arith.constant 0 : i32
      scf.yield %while3A_398 : i32
    }
    %sub3A_108 = arith.subi %scan3A_80#3, %sub3A_84 : i32
    %iota3A_109 = tpu.iota {dimensions = array<i32: 0>} : vector<16xi32>
    %scan3A_110 = arith.constant 0 : i32
    %scan3A_111 = arith.constant 0 : i32
    %scan3A_112 = arith.constant 0 : i32
    %scan3A_113 = arith.constant 0 : i32
    %scan3A_114 = arith.constant 0 : i32
    %scan3A_115 = arith.constant 0 : i32
    %scan3A_116 = arith.constant 16 : i32
    %scan3A_117 = arith.addi %scan3A_115, %scan3A_116 : i32
    %scan3A_118 = arith.constant 1 : i32
    %scan3A_119:5 = scf.for %scan3A_384 = %scan3A_115 to %scan3A_117 step %scan3A_118 iter_args(%scan3A_385 = %scan3A_110, %scan3A_386 = %scan3A_111, %scan3A_387 = %scan3A_112, %scan3A_388 = %scan3A_113, %scan3A_389 = %scan3A_114) -> (i32, i32, i32, i32, i32)  : i32 {
      %mul3A_390 = arith.constant 16 : i32
      %mul3A_391 = arith.muli %scan3A_384, %mul3A_390 : i32
      %get3A = arith.index_cast %mul3A_391 : i32 to index
      %get3A_392 = tpu.vector_load %arg6[%get3A] {strides = array<i32>} : memref<2048xi32, #tpu.memory_space<vmem>>, vector<16xi32>,
      %broadcast_in_dim3A_393 = arith.constant true
      %broadcast_in_dim3A_394 = vector.broadcast %broadcast_in_dim3A_393 : i1 to vector<16xi1>
      %masked_cumsum3A = tpu.scan <sum>, %get3A_392 masked %broadcast_in_dim3A_394 : vector<16xi32>, vector<16xi1> -> vector<16xi32>
      %add3A_395 = vector.broadcast %scan3A_385 : i32 to vector<16xi32>
      %add3A_396 = arith.addi %masked_cumsum3A, %add3A_395 : vector<16xi32>
      %gt3A = vector.broadcast %sub3A_108 : i32 to vector<16xi32>
      %gt3A_397 = arith.cmpi sgt, %add3A_396, %gt3A : vector<16xi32>
      %convert_element_type3A = arith.extui %gt3A_397 : vector<16xi1> to vector<16xi32>
      %reduce_sum3A_398 = arith.constant true
      %reduce_sum3A_399 = vector.broadcast %reduce_sum3A_398 : i1 to vector<16xi1>
      %reduce_sum3A_400 = tpu.scan <sum>, %convert_element_type3A masked %reduce_sum3A_399 : vector<16xi32>, vector<16xi1> -> vector<16xi32>
      %reduce_sum3A_401 = vector.extract %reduce_sum3A_400[15] : i32 from vector<16xi32>
      %sub3A_402 = arith.constant 16 : i32
      %sub3A_403 = arith.subi %sub3A_402, %reduce_sum3A_401 : i32
      %eq3A = vector.broadcast %sub3A_403 : i32 to vector<16xi32>
      %eq3A_404 = arith.cmpi eq, %iota3A_109, %eq3A : vector<16xi32>
      %convert_element_type3A_405 = arith.extui %eq3A_404 : vector<16xi1> to vector<16xi32>
      %mul3A_406 = arith.muli %convert_element_type3A_405, %get3A_392 : vector<16xi32>
      %reduce_sum3A_407 = arith.constant true
      %reduce_sum3A_408 = vector.broadcast %reduce_sum3A_407 : i1 to vector<16xi1>
      %reduce_sum3A_409 = tpu.scan <sum>, %mul3A_406 masked %reduce_sum3A_408 : vector<16xi32>, vector<16xi1> -> vector<16xi32>
      %reduce_sum3A_410 = vector.extract %reduce_sum3A_409[15] : i32 from vector<16xi32>
      %mul3A_411 = arith.muli %convert_element_type3A_405, %add3A_396 : vector<16xi32>
      %reduce_sum3A_412 = arith.constant true
      %reduce_sum3A_413 = vector.broadcast %reduce_sum3A_412 : i1 to vector<16xi1>
      %reduce_sum3A_414 = tpu.scan <sum>, %mul3A_411 masked %reduce_sum3A_413 : vector<16xi32>, vector<16xi1> -> vector<16xi32>
      %reduce_sum3A_415 = vector.extract %reduce_sum3A_414[15] : i32 from vector<16xi32>
      %eq3A_416 = arith.constant 0 : i32
      %eq3A_417 = arith.cmpi eq, %scan3A_386, %eq3A_416 : i32
      %gt3A_418 = arith.constant 0 : i32
      %gt3A_419 = arith.cmpi sgt, %reduce_sum3A_401, %gt3A_418 : i32
      %and3A = arith.andi %eq3A_417, %gt3A_419 : i1
      %convert_element_type3A_420 = arith.extui %and3A : i1 to i32
      %eq3A_421 = arith.constant 1 : i32
      %eq3A_422 = arith.cmpi eq, %convert_element_type3A_420, %eq3A_421 : i32
      %mul3A_423 = arith.constant 16 : i32
      %mul3A_424 = arith.muli %scan3A_384, %mul3A_423 : i32
      %add3A_425 = arith.addi %mul3A_424, %sub3A_403 : i32
      %select_n3A = arith.select %eq3A_422, %add3A_425, %scan3A_387 : i32
      %eq3A_426 = arith.constant 1 : i32
      %eq3A_427 = arith.cmpi eq, %convert_element_type3A_420, %eq3A_426 : i32
      %select_n3A_428 = arith.select %eq3A_427, %reduce_sum3A_410, %scan3A_388 : i32
      %eq3A_429 = arith.constant 1 : i32
      %eq3A_430 = arith.cmpi eq, %convert_element_type3A_420, %eq3A_429 : i32
      %select_n3A_431 = arith.select %eq3A_430, %reduce_sum3A_415, %scan3A_389 : i32
      %gt3A_432 = arith.constant 0 : i32
      %gt3A_433 = arith.cmpi sgt, %reduce_sum3A_401, %gt3A_432 : i32
      %convert_element_type3A_434 = arith.extui %gt3A_433 : i1 to i32
      %max3A = arith.maxsi %scan3A_386, %convert_element_type3A_434 : i32
      %reduce_sum3A_435 = arith.constant true
      %reduce_sum3A_436 = vector.broadcast %reduce_sum3A_435 : i1 to vector<16xi1>
      %reduce_sum3A_437 = tpu.scan <sum>, %get3A_392 masked %reduce_sum3A_436 : vector<16xi32>, vector<16xi1> -> vector<16xi32>
      %reduce_sum3A_438 = vector.extract %reduce_sum3A_437[15] : i32 from vector<16xi32>
      %add3A_439 = arith.addi %scan3A_385, %reduce_sum3A_438 : i32
      scf.yield %add3A_439, %max3A, %select_n3A, %select_n3A_428, %select_n3A_431 : i32, i32, i32, i32, i32
    }
    %scan3A_120 = arith.constant 16 : i32
    %sub3A_121 = arith.subi %scan3A_80#3, %scan3A_119#4 : i32
    %sub3A_122 = arith.subi %sub3A_84, %sub3A_121 : i32
    %parallel_loop3A_123 = arith.constant 0 : i32
    %parallel_loop3A_124 = arith.constant 16 : i32
    %parallel_loop3A_125 = arith.constant 1 : i32
    scf.for %parallel_loop3A_384 = %parallel_loop3A_123 to %parallel_loop3A_124 step %parallel_loop3A_125  : i32 {
      %parallel_loop3A_385 = arith.constant 16 : i32
      %parallel_loop3A_386 = arith.muli %parallel_loop3A_384, %parallel_loop3A_385 : i32
      %parallel_loop3A_387 = arith.index_cast %parallel_loop3A_386 : i32 to index
      %parallel_loop3A_388 = tpu.vector_load %arg6[%parallel_loop3A_387] {strides = array<i32>} : memref<2048xi32, #tpu.memory_space<vmem>>, vector<16xi32>,
      tpu.vector_store %arg6[%parallel_loop3A_387], %broadcast_in_dim3A_3 {strides = array<i32>} : memref<2048xi32, #tpu.memory_space<vmem>>, vector<16xi32>,
    } {sc.loop_unroll_factor = 8 : i64, sc.parallel_access}
    %while3A_126 = arith.constant 0 : i32
    %while3A_127 = arith.constant 0 : i32
    %while3A_128 = arith.subi %div3A_92, %while3A_126 : i32
    %while3A_129 = arith.addi %while3A_126, %while3A_128 : i32
    %while3A_130 = arith.constant 1 : i32
    %while3A_131 = arith.divsi %while3A_128, %while3A_130 : i32
    %while3A_132 = arith.muli %while3A_131, %while3A_130 : i32
    %while3A_133 = arith.addi %while3A_126, %while3A_132 : i32
    %while3A_134 = arith.constant 1 : i32
    %while3A_135 = scf.for %while3A_384 = %while3A_126 to %while3A_133 step %while3A_134 iter_args(%while3A_385 = %while3A_127) -> (i32)  : i32 {
      %mul3A_386 = arith.constant 16 : i32
      %mul3A_387 = arith.muli %while3A_384, %mul3A_386 : i32
      %get3A = arith.index_cast %mul3A_387 : i32 to index
      %get3A_388 = tpu.vector_load %arg7[%get3A] {strides = array<i32>} : memref<32784xi32, #tpu.memory_space<vmem>>, vector<16xi32>,
      %mul3A_389 = arith.constant 16 : i32
      %mul3A_390 = arith.muli %while3A_384, %mul3A_389 : i32
      %add3A_391 = vector.broadcast %mul3A_390 : i32 to vector<16xi32>
      %add3A_392 = arith.addi %add3A_391, %iota3A_93 : vector<16xi32>
      %lt3A = vector.broadcast %scan3A_80#3 : i32 to vector<16xi32>
      %lt3A_393 = arith.cmpi slt, %add3A_392, %lt3A : vector<16xi32>
      %shift_right_logical3A = arith.constant 13 : i32
      %shift_right_logical3A_394 = vector.broadcast %shift_right_logical3A : i32 to vector<16xi32>
      %shift_right_logical3A_395 = arith.shrui %get3A_388, %shift_right_logical3A_394 : vector<16xi32>
      %and3A = arith.constant 255 : i32
      %and3A_396 = vector.broadcast %and3A : i32 to vector<16xi32>
      %and3A_397 = arith.andi %shift_right_logical3A_395, %and3A_396 : vector<16xi32>
      %eq3A = vector.broadcast %scan3A_119#2 : i32 to vector<16xi32>
      %eq3A_398 = arith.cmpi eq, %and3A_397, %eq3A : vector<16xi32>
      %and3A_399 = arith.andi %lt3A_393, %eq3A_398 : vector<16xi1>
      %shift_right_logical3A_400 = arith.constant 5 : i32
      %shift_right_logical3A_401 = vector.broadcast %shift_right_logical3A_400 : i32 to vector<16xi32>
      %shift_right_logical3A_402 = arith.shrui %get3A_388, %shift_right_logical3A_401 : vector<16xi32>
      %and3A_403 = arith.constant 255 : i32
      %and3A_404 = vector.broadcast %and3A_403 : i32 to vector<16xi32>
      %and3A_405 = arith.andi %shift_right_logical3A_402, %and3A_404 : vector<16xi32>
      tpu.vector_store_idx %arg6[%and3A_405], %broadcast_in_dim3A_1 masked %and3A_399 {add = true} : memref<2048xi32, #tpu.memory_space<vmem>>[vector<16xi32>], vector<16xi32>, vector<16xi1>
      %while3A_406 = arith.constant 0 : i32
      scf.yield %while3A_406 : i32
    }
    %while3A_136 = arith.constant 1 : i32
    %while3A_137 = scf.for %while3A_384 = %while3A_133 to %while3A_129 step %while3A_136 iter_args(%while3A_385 = %while3A_135) -> (i32)  : i32 {
      %mul3A_386 = arith.constant 16 : i32
      %mul3A_387 = arith.muli %while3A_384, %mul3A_386 : i32
      %get3A = arith.index_cast %mul3A_387 : i32 to index
      %get3A_388 = tpu.vector_load %arg7[%get3A] {strides = array<i32>} : memref<32784xi32, #tpu.memory_space<vmem>>, vector<16xi32>,
      %mul3A_389 = arith.constant 16 : i32
      %mul3A_390 = arith.muli %while3A_384, %mul3A_389 : i32
      %add3A_391 = vector.broadcast %mul3A_390 : i32 to vector<16xi32>
      %add3A_392 = arith.addi %add3A_391, %iota3A_93 : vector<16xi32>
      %lt3A = vector.broadcast %scan3A_80#3 : i32 to vector<16xi32>
      %lt3A_393 = arith.cmpi slt, %add3A_392, %lt3A : vector<16xi32>
      %shift_right_logical3A = arith.constant 13 : i32
      %shift_right_logical3A_394 = vector.broadcast %shift_right_logical3A : i32 to vector<16xi32>
      %shift_right_logical3A_395 = arith.shrui %get3A_388, %shift_right_logical3A_394 : vector<16xi32>
      %and3A = arith.constant 255 : i32
      %and3A_396 = vector.broadcast %and3A : i32 to vector<16xi32>
      %and3A_397 = arith.andi %shift_right_logical3A_395, %and3A_396 : vector<16xi32>
      %eq3A = vector.broadcast %scan3A_119#2 : i32 to vector<16xi32>
      %eq3A_398 = arith.cmpi eq, %and3A_397, %eq3A : vector<16xi32>
      %and3A_399 = arith.andi %lt3A_393, %eq3A_398 : vector<16xi1>
      %shift_right_logical3A_400 = arith.constant 5 : i32
      %shift_right_logical3A_401 = vector.broadcast %shift_right_logical3A_400 : i32 to vector<16xi32>
      %shift_right_logical3A_402 = arith.shrui %get3A_388, %shift_right_logical3A_401 : vector<16xi32>
      %and3A_403 = arith.constant 255 : i32
      %and3A_404 = vector.broadcast %and3A_403 : i32 to vector<16xi32>
      %and3A_405 = arith.andi %shift_right_logical3A_402, %and3A_404 : vector<16xi32>
      tpu.vector_store_idx %arg6[%and3A_405], %broadcast_in_dim3A_1 masked %and3A_399 {add = true} : memref<2048xi32, #tpu.memory_space<vmem>>[vector<16xi32>], vector<16xi32>, vector<16xi1>
      %while3A_406 = arith.constant 0 : i32
      scf.yield %while3A_406 : i32
    }
    %sub3A_138 = arith.subi %scan3A_119#3, %sub3A_122 : i32
    %iota3A_139 = tpu.iota {dimensions = array<i32: 0>} : vector<16xi32>
    %scan3A_140 = arith.constant 0 : i32
    %scan3A_141 = arith.constant 0 : i32
    %scan3A_142 = arith.constant 0 : i32
    %scan3A_143 = arith.constant 0 : i32
    %scan3A_144 = arith.constant 0 : i32
    %scan3A_145 = arith.constant 0 : i32
    %scan3A_146 = arith.constant 16 : i32
    %scan3A_147 = arith.addi %scan3A_145, %scan3A_146 : i32
    %scan3A_148 = arith.constant 1 : i32
    %scan3A_149:5 = scf.for %scan3A_384 = %scan3A_145 to %scan3A_147 step %scan3A_148 iter_args(%scan3A_385 = %scan3A_140, %scan3A_386 = %scan3A_141, %scan3A_387 = %scan3A_142, %scan3A_388 = %scan3A_143, %scan3A_389 = %scan3A_144) -> (i32, i32, i32, i32, i32)  : i32 {
      %mul3A_390 = arith.constant 16 : i32
      %mul3A_391 = arith.muli %scan3A_384, %mul3A_390 : i32
      %get3A = arith.index_cast %mul3A_391 : i32 to index
      %get3A_392 = tpu.vector_load %arg6[%get3A] {strides = array<i32>} : memref<2048xi32, #tpu.memory_space<vmem>>, vector<16xi32>,
      %broadcast_in_dim3A_393 = arith.constant true
      %broadcast_in_dim3A_394 = vector.broadcast %broadcast_in_dim3A_393 : i1 to vector<16xi1>
      %masked_cumsum3A = tpu.scan <sum>, %get3A_392 masked %broadcast_in_dim3A_394 : vector<16xi32>, vector<16xi1> -> vector<16xi32>
      %add3A_395 = vector.broadcast %scan3A_385 : i32 to vector<16xi32>
      %add3A_396 = arith.addi %masked_cumsum3A, %add3A_395 : vector<16xi32>
      %gt3A = vector.broadcast %sub3A_138 : i32 to vector<16xi32>
      %gt3A_397 = arith.cmpi sgt, %add3A_396, %gt3A : vector<16xi32>
      %convert_element_type3A = arith.extui %gt3A_397 : vector<16xi1> to vector<16xi32>
      %reduce_sum3A_398 = arith.constant true
      %reduce_sum3A_399 = vector.broadcast %reduce_sum3A_398 : i1 to vector<16xi1>
      %reduce_sum3A_400 = tpu.scan <sum>, %convert_element_type3A masked %reduce_sum3A_399 : vector<16xi32>, vector<16xi1> -> vector<16xi32>
      %reduce_sum3A_401 = vector.extract %reduce_sum3A_400[15] : i32 from vector<16xi32>
      %sub3A_402 = arith.constant 16 : i32
      %sub3A_403 = arith.subi %sub3A_402, %reduce_sum3A_401 : i32
      %eq3A = vector.broadcast %sub3A_403 : i32 to vector<16xi32>
      %eq3A_404 = arith.cmpi eq, %iota3A_139, %eq3A : vector<16xi32>
      %convert_element_type3A_405 = arith.extui %eq3A_404 : vector<16xi1> to vector<16xi32>
      %mul3A_406 = arith.muli %convert_element_type3A_405, %get3A_392 : vector<16xi32>
      %reduce_sum3A_407 = arith.constant true
      %reduce_sum3A_408 = vector.broadcast %reduce_sum3A_407 : i1 to vector<16xi1>
      %reduce_sum3A_409 = tpu.scan <sum>, %mul3A_406 masked %reduce_sum3A_408 : vector<16xi32>, vector<16xi1> -> vector<16xi32>
      %reduce_sum3A_410 = vector.extract %reduce_sum3A_409[15] : i32 from vector<16xi32>
      %mul3A_411 = arith.muli %convert_element_type3A_405, %add3A_396 : vector<16xi32>
      %reduce_sum3A_412 = arith.constant true
      %reduce_sum3A_413 = vector.broadcast %reduce_sum3A_412 : i1 to vector<16xi1>
      %reduce_sum3A_414 = tpu.scan <sum>, %mul3A_411 masked %reduce_sum3A_413 : vector<16xi32>, vector<16xi1> -> vector<16xi32>
      %reduce_sum3A_415 = vector.extract %reduce_sum3A_414[15] : i32 from vector<16xi32>
      %eq3A_416 = arith.constant 0 : i32
      %eq3A_417 = arith.cmpi eq, %scan3A_386, %eq3A_416 : i32
      %gt3A_418 = arith.constant 0 : i32
      %gt3A_419 = arith.cmpi sgt, %reduce_sum3A_401, %gt3A_418 : i32
      %and3A = arith.andi %eq3A_417, %gt3A_419 : i1
      %convert_element_type3A_420 = arith.extui %and3A : i1 to i32
      %eq3A_421 = arith.constant 1 : i32
      %eq3A_422 = arith.cmpi eq, %convert_element_type3A_420, %eq3A_421 : i32
      %mul3A_423 = arith.constant 16 : i32
      %mul3A_424 = arith.muli %scan3A_384, %mul3A_423 : i32
      %add3A_425 = arith.addi %mul3A_424, %sub3A_403 : i32
      %select_n3A = arith.select %eq3A_422, %add3A_425, %scan3A_387 : i32
      %eq3A_426 = arith.constant 1 : i32
      %eq3A_427 = arith.cmpi eq, %convert_element_type3A_420, %eq3A_426 : i32
      %select_n3A_428 = arith.select %eq3A_427, %reduce_sum3A_410, %scan3A_388 : i32
      %eq3A_429 = arith.constant 1 : i32
      %eq3A_430 = arith.cmpi eq, %convert_element_type3A_420, %eq3A_429 : i32
      %select_n3A_431 = arith.select %eq3A_430, %reduce_sum3A_415, %scan3A_389 : i32
      %gt3A_432 = arith.constant 0 : i32
      %gt3A_433 = arith.cmpi sgt, %reduce_sum3A_401, %gt3A_432 : i32
      %convert_element_type3A_434 = arith.extui %gt3A_433 : i1 to i32
      %max3A = arith.maxsi %scan3A_386, %convert_element_type3A_434 : i32
      %reduce_sum3A_435 = arith.constant true
      %reduce_sum3A_436 = vector.broadcast %reduce_sum3A_435 : i1 to vector<16xi1>
      %reduce_sum3A_437 = tpu.scan <sum>, %get3A_392 masked %reduce_sum3A_436 : vector<16xi32>, vector<16xi1> -> vector<16xi32>
      %reduce_sum3A_438 = vector.extract %reduce_sum3A_437[15] : i32 from vector<16xi32>
      %add3A_439 = arith.addi %scan3A_385, %reduce_sum3A_438 : i32
      scf.yield %add3A_439, %max3A, %select_n3A, %select_n3A_428, %select_n3A_431 : i32, i32, i32, i32, i32
    }
    %scan3A_150 = arith.constant 16 : i32
    %sub3A_151 = arith.subi %scan3A_119#3, %scan3A_149#4 : i32
    %sub3A_152 = arith.subi %sub3A_122, %sub3A_151 : i32
    %shift_left3A = arith.constant 8 : i32
    %shift_left3A_153 = arith.shli %scan3A_119#2, %shift_left3A : i32
    %or3A = arith.ori %shift_left3A_153, %scan3A_149#2 : i32
    %swap3A = arith.constant 0 : index
    %swap3A_154 = tpu.vector_load %arg6[%swap3A] {strides = array<i32>} : memref<2048xi32, #tpu.memory_space<vmem>>, vector<16xi32>,
    tpu.vector_store %arg6[%swap3A], %broadcast_in_dim3A_3 {strides = array<i32>} : memref<2048xi32, #tpu.memory_space<vmem>>, vector<16xi32>,
    %swap3A_155 = arith.constant 16 : index
    %swap3A_156 = tpu.vector_load %arg6[%swap3A_155] {strides = array<i32>} : memref<2048xi32, #tpu.memory_space<vmem>>, vector<16xi32>,
    tpu.vector_store %arg6[%swap3A_155], %broadcast_in_dim3A_3 {strides = array<i32>} : memref<2048xi32, #tpu.memory_space<vmem>>, vector<16xi32>,
    %while3A_157 = arith.constant 0 : i32
    %while3A_158 = arith.constant 0 : i32
    %while3A_159 = arith.subi %div3A_92, %while3A_157 : i32
    %while3A_160 = arith.addi %while3A_157, %while3A_159 : i32
    %while3A_161 = arith.constant 1 : i32
    %while3A_162 = arith.divsi %while3A_159, %while3A_161 : i32
    %while3A_163 = arith.muli %while3A_162, %while3A_161 : i32
    %while3A_164 = arith.addi %while3A_157, %while3A_163 : i32
    %while3A_165 = arith.constant 1 : i32
    %while3A_166 = scf.for %while3A_384 = %while3A_157 to %while3A_164 step %while3A_165 iter_args(%while3A_385 = %while3A_158) -> (i32)  : i32 {
      %mul3A_386 = arith.constant 16 : i32
      %mul3A_387 = arith.muli %while3A_384, %mul3A_386 : i32
      %get3A = arith.index_cast %mul3A_387 : i32 to index
      %get3A_388 = tpu.vector_load %arg7[%get3A] {strides = array<i32>} : memref<32784xi32, #tpu.memory_space<vmem>>, vector<16xi32>,
      %mul3A_389 = arith.constant 16 : i32
      %mul3A_390 = arith.muli %while3A_384, %mul3A_389 : i32
      %add3A_391 = vector.broadcast %mul3A_390 : i32 to vector<16xi32>
      %add3A_392 = arith.addi %add3A_391, %iota3A_93 : vector<16xi32>
      %lt3A = vector.broadcast %scan3A_80#3 : i32 to vector<16xi32>
      %lt3A_393 = arith.cmpi slt, %add3A_392, %lt3A : vector<16xi32>
      %shift_right_logical3A = arith.constant 5 : i32
      %shift_right_logical3A_394 = vector.broadcast %shift_right_logical3A : i32 to vector<16xi32>
      %shift_right_logical3A_395 = arith.shrui %get3A_388, %shift_right_logical3A_394 : vector<16xi32>
      %and3A = arith.constant 65535 : i32
      %and3A_396 = vector.broadcast %and3A : i32 to vector<16xi32>
      %and3A_397 = arith.andi %shift_right_logical3A_395, %and3A_396 : vector<16xi32>
      %eq3A = vector.broadcast %or3A : i32 to vector<16xi32>
      %eq3A_398 = arith.cmpi eq, %and3A_397, %eq3A : vector<16xi32>
      %and3A_399 = arith.andi %lt3A_393, %eq3A_398 : vector<16xi1>
      %and3A_400 = arith.constant 31 : i32
      %and3A_401 = vector.broadcast %and3A_400 : i32 to vector<16xi32>
      %and3A_402 = arith.andi %get3A_388, %and3A_401 : vector<16xi32>
      tpu.vector_store_idx %arg6[%and3A_402], %broadcast_in_dim3A_1 masked %and3A_399 {add = true} : memref<2048xi32, #tpu.memory_space<vmem>>[vector<16xi32>], vector<16xi32>, vector<16xi1>
      %while3A_403 = arith.constant 0 : i32
      scf.yield %while3A_403 : i32
    }
    %while3A_167 = arith.constant 1 : i32
    %while3A_168 = scf.for %while3A_384 = %while3A_164 to %while3A_160 step %while3A_167 iter_args(%while3A_385 = %while3A_166) -> (i32)  : i32 {
      %mul3A_386 = arith.constant 16 : i32
      %mul3A_387 = arith.muli %while3A_384, %mul3A_386 : i32
      %get3A = arith.index_cast %mul3A_387 : i32 to index
      %get3A_388 = tpu.vector_load %arg7[%get3A] {strides = array<i32>} : memref<32784xi32, #tpu.memory_space<vmem>>, vector<16xi32>,
      %mul3A_389 = arith.constant 16 : i32
      %mul3A_390 = arith.muli %while3A_384, %mul3A_389 : i32
      %add3A_391 = vector.broadcast %mul3A_390 : i32 to vector<16xi32>
      %add3A_392 = arith.addi %add3A_391, %iota3A_93 : vector<16xi32>
      %lt3A = vector.broadcast %scan3A_80#3 : i32 to vector<16xi32>
      %lt3A_393 = arith.cmpi slt, %add3A_392, %lt3A : vector<16xi32>
      %shift_right_logical3A = arith.constant 5 : i32
      %shift_right_logical3A_394 = vector.broadcast %shift_right_logical3A : i32 to vector<16xi32>
      %shift_right_logical3A_395 = arith.shrui %get3A_388, %shift_right_logical3A_394 : vector<16xi32>
      %and3A = arith.constant 65535 : i32
      %and3A_396 = vector.broadcast %and3A : i32 to vector<16xi32>
      %and3A_397 = arith.andi %shift_right_logical3A_395, %and3A_396 : vector<16xi32>
      %eq3A = vector.broadcast %or3A : i32 to vector<16xi32>
      %eq3A_398 = arith.cmpi eq, %and3A_397, %eq3A : vector<16xi32>
      %and3A_399 = arith.andi %lt3A_393, %eq3A_398 : vector<16xi1>
      %and3A_400 = arith.constant 31 : i32
      %and3A_401 = vector.broadcast %and3A_400 : i32 to vector<16xi32>
      %and3A_402 = arith.andi %get3A_388, %and3A_401 : vector<16xi32>
      tpu.vector_store_idx %arg6[%and3A_402], %broadcast_in_dim3A_1 masked %and3A_399 {add = true} : memref<2048xi32, #tpu.memory_space<vmem>>[vector<16xi32>], vector<16xi32>, vector<16xi1>
      %while3A_403 = arith.constant 0 : i32
      scf.yield %while3A_403 : i32
    }
    %sub3A_169 = arith.subi %scan3A_149#3, %sub3A_152 : i32
    %iota3A_170 = tpu.iota {dimensions = array<i32: 0>} : vector<16xi32>
    %scan3A_171 = arith.constant 0 : i32
    %scan3A_172 = arith.constant 0 : i32
    %scan3A_173 = arith.constant 0 : i32
    %scan3A_174 = arith.constant 0 : i32
    %scan3A_175 = arith.constant 0 : i32
    %scan3A_176 = arith.constant 0 : i32
    %scan3A_177 = arith.constant 2 : i32
    %scan3A_178 = arith.addi %scan3A_176, %scan3A_177 : i32
    %scan3A_179 = arith.constant 1 : i32
    %scan3A_180:5 = scf.for %scan3A_384 = %scan3A_176 to %scan3A_178 step %scan3A_179 iter_args(%scan3A_385 = %scan3A_171, %scan3A_386 = %scan3A_172, %scan3A_387 = %scan3A_173, %scan3A_388 = %scan3A_174, %scan3A_389 = %scan3A_175) -> (i32, i32, i32, i32, i32)  : i32 {
      %mul3A_390 = arith.constant 16 : i32
      %mul3A_391 = arith.muli %scan3A_384, %mul3A_390 : i32
      %get3A = arith.index_cast %mul3A_391 : i32 to index
      %get3A_392 = tpu.vector_load %arg6[%get3A] {strides = array<i32>} : memref<2048xi32, #tpu.memory_space<vmem>>, vector<16xi32>,
      %broadcast_in_dim3A_393 = arith.constant true
      %broadcast_in_dim3A_394 = vector.broadcast %broadcast_in_dim3A_393 : i1 to vector<16xi1>
      %masked_cumsum3A = tpu.scan <sum>, %get3A_392 masked %broadcast_in_dim3A_394 : vector<16xi32>, vector<16xi1> -> vector<16xi32>
      %add3A_395 = vector.broadcast %scan3A_385 : i32 to vector<16xi32>
      %add3A_396 = arith.addi %masked_cumsum3A, %add3A_395 : vector<16xi32>
      %gt3A = vector.broadcast %sub3A_169 : i32 to vector<16xi32>
      %gt3A_397 = arith.cmpi sgt, %add3A_396, %gt3A : vector<16xi32>
      %convert_element_type3A = arith.extui %gt3A_397 : vector<16xi1> to vector<16xi32>
      %reduce_sum3A_398 = arith.constant true
      %reduce_sum3A_399 = vector.broadcast %reduce_sum3A_398 : i1 to vector<16xi1>
      %reduce_sum3A_400 = tpu.scan <sum>, %convert_element_type3A masked %reduce_sum3A_399 : vector<16xi32>, vector<16xi1> -> vector<16xi32>
      %reduce_sum3A_401 = vector.extract %reduce_sum3A_400[15] : i32 from vector<16xi32>
      %sub3A_402 = arith.constant 16 : i32
      %sub3A_403 = arith.subi %sub3A_402, %reduce_sum3A_401 : i32
      %eq3A = vector.broadcast %sub3A_403 : i32 to vector<16xi32>
      %eq3A_404 = arith.cmpi eq, %iota3A_170, %eq3A : vector<16xi32>
      %convert_element_type3A_405 = arith.extui %eq3A_404 : vector<16xi1> to vector<16xi32>
      %mul3A_406 = arith.muli %convert_element_type3A_405, %get3A_392 : vector<16xi32>
      %reduce_sum3A_407 = arith.constant true
      %reduce_sum3A_408 = vector.broadcast %reduce_sum3A_407 : i1 to vector<16xi1>
      %reduce_sum3A_409 = tpu.scan <sum>, %mul3A_406 masked %reduce_sum3A_408 : vector<16xi32>, vector<16xi1> -> vector<16xi32>
      %reduce_sum3A_410 = vector.extract %reduce_sum3A_409[15] : i32 from vector<16xi32>
      %mul3A_411 = arith.muli %convert_element_type3A_405, %add3A_396 : vector<16xi32>
      %reduce_sum3A_412 = arith.constant true
      %reduce_sum3A_413 = vector.broadcast %reduce_sum3A_412 : i1 to vector<16xi1>
      %reduce_sum3A_414 = tpu.scan <sum>, %mul3A_411 masked %reduce_sum3A_413 : vector<16xi32>, vector<16xi1> -> vector<16xi32>
      %reduce_sum3A_415 = vector.extract %reduce_sum3A_414[15] : i32 from vector<16xi32>
      %eq3A_416 = arith.constant 0 : i32
      %eq3A_417 = arith.cmpi eq, %scan3A_386, %eq3A_416 : i32
      %gt3A_418 = arith.constant 0 : i32
      %gt3A_419 = arith.cmpi sgt, %reduce_sum3A_401, %gt3A_418 : i32
      %and3A = arith.andi %eq3A_417, %gt3A_419 : i1
      %convert_element_type3A_420 = arith.extui %and3A : i1 to i32
      %eq3A_421 = arith.constant 1 : i32
      %eq3A_422 = arith.cmpi eq, %convert_element_type3A_420, %eq3A_421 : i32
      %mul3A_423 = arith.constant 16 : i32
      %mul3A_424 = arith.muli %scan3A_384, %mul3A_423 : i32
      %add3A_425 = arith.addi %mul3A_424, %sub3A_403 : i32
      %select_n3A = arith.select %eq3A_422, %add3A_425, %scan3A_387 : i32
      %eq3A_426 = arith.constant 1 : i32
      %eq3A_427 = arith.cmpi eq, %convert_element_type3A_420, %eq3A_426 : i32
      %select_n3A_428 = arith.select %eq3A_427, %reduce_sum3A_410, %scan3A_388 : i32
      %eq3A_429 = arith.constant 1 : i32
      %eq3A_430 = arith.cmpi eq, %convert_element_type3A_420, %eq3A_429 : i32
      %select_n3A_431 = arith.select %eq3A_430, %reduce_sum3A_415, %scan3A_389 : i32
      %gt3A_432 = arith.constant 0 : i32
      %gt3A_433 = arith.cmpi sgt, %reduce_sum3A_401, %gt3A_432 : i32
      %convert_element_type3A_434 = arith.extui %gt3A_433 : i1 to i32
      %max3A = arith.maxsi %scan3A_386, %convert_element_type3A_434 : i32
      %reduce_sum3A_435 = arith.constant true
      %reduce_sum3A_436 = vector.broadcast %reduce_sum3A_435 : i1 to vector<16xi1>
      %reduce_sum3A_437 = tpu.scan <sum>, %get3A_392 masked %reduce_sum3A_436 : vector<16xi32>, vector<16xi1> -> vector<16xi32>
      %reduce_sum3A_438 = vector.extract %reduce_sum3A_437[15] : i32 from vector<16xi32>
      %add3A_439 = arith.addi %scan3A_385, %reduce_sum3A_438 : i32
      scf.yield %add3A_439, %max3A, %select_n3A, %select_n3A_428, %select_n3A_431 : i32, i32, i32, i32, i32
    }
    %scan3A_181 = arith.constant 2 : i32
    %sub3A_182 = arith.subi %scan3A_149#3, %scan3A_180#4 : i32
    %sub3A_183 = arith.subi %sub3A_152, %sub3A_182 : i32
    %shift_left3A_184 = arith.constant 21 : i32
    %shift_left3A_185 = arith.shli %scan3A_80#2, %shift_left3A_184 : i32
    %shift_left3A_186 = arith.constant 13 : i32
    %shift_left3A_187 = arith.shli %scan3A_119#2, %shift_left3A_186 : i32
    %shift_left3A_188 = arith.constant 5 : i32
    %shift_left3A_189 = arith.shli %scan3A_149#2, %shift_left3A_188 : i32
    %or3A_190 = arith.ori %shift_left3A_189, %scan3A_180#2 : i32
    %or3A_191 = arith.ori %shift_left3A_187, %or3A_190 : i32
    %or3A_192 = arith.ori %shift_left3A_185, %or3A_191 : i32
    %parallel_loop3A_193 = arith.constant 0 : i32
    %parallel_loop3A_194 = arith.constant 2048 : i32
    %parallel_loop3A_195 = arith.constant 1 : i32
    scf.for %parallel_loop3A_384 = %parallel_loop3A_193 to %parallel_loop3A_194 step %parallel_loop3A_195  : i32 {
      %parallel_loop3A_385 = arith.constant 16 : i32
      %parallel_loop3A_386 = arith.muli %parallel_loop3A_384, %parallel_loop3A_385 : i32
      %parallel_loop3A_387 = arith.index_cast %parallel_loop3A_386 : i32 to index
      %parallel_loop3A_388 = tpu.vector_load %arg4[%parallel_loop3A_387] {strides = array<i32>} : memref<32768xi32, #tpu.memory_space<vmem>>, vector<16xi32>,
      %parallel_loop3A_389 = vector.broadcast %or3A_192 : i32 to vector<16xi32>
      %parallel_loop3A_390 = arith.cmpi sge, %parallel_loop3A_388, %parallel_loop3A_389 : vector<16xi32>
      %parallel_loop3A_391 = arith.constant 0 : i32
      %parallel_loop3A_392 = vector.broadcast %parallel_loop3A_391 : i32 to vector<16xi32>
      %parallel_loop3A_393 = arith.select %parallel_loop3A_390, %parallel_loop3A_388, %parallel_loop3A_392 : vector<16xi1>, vector<16xi32>
      %parallel_loop3A_394 = arith.index_cast %parallel_loop3A_386 : i32 to index
      %parallel_loop3A_395 = tpu.vector_load %arg4[%parallel_loop3A_394] {strides = array<i32>} : memref<32768xi32, #tpu.memory_space<vmem>>, vector<16xi32>,
      tpu.vector_store %arg4[%parallel_loop3A_394], %parallel_loop3A_393 {strides = array<i32>} : memref<32768xi32, #tpu.memory_space<vmem>>, vector<16xi32>,
    } {sc.loop_unroll_factor = 8 : i64, sc.parallel_access}
    %mul3A_196 = arith.constant 2 : i32
    %mul3A_197 = arith.muli %add3A, %mul3A_196 : i32
    %add3A_198 = arith.constant 0 : i32
    %add3A_199 = arith.addi %mul3A_197, %add3A_198 : i32
    %dma_start3A_200 = arith.constant 0 : i32
    %dma_start3A_201 = tpu.memref_slice %arg3[%add3A_199, %dma_start3A_200] : memref<64x32768xi32, #tpu.memory_space<hbm>> -> memref<1x32768xi32, #tpu.memory_space<hbm>>
    %dma_start3A_202 = tpu.memref_squeeze %dma_start3A_201 : memref<1x32768xi32, #tpu.memory_space<hbm>> -> memref<32768xi32, #tpu.memory_space<hbm>>
    %dma_start3A_203 = arith.constant 0 : i32
    %dma_start3A_204 = tpu.memref_slice %arg3[%add3A_199, %dma_start3A_203] : memref<64x32768xi32, #tpu.memory_space<hbm>> -> memref<1x32768xi32, #tpu.memory_space<hbm>>
    %dma_start3A_205 = tpu.memref_squeeze %dma_start3A_204 : memref<1x32768xi32, #tpu.memory_space<hbm>> -> memref<32768xi32, #tpu.memory_space<hbm>>
    tpu.enqueue_dma source(%arg4 : memref<32768xi32, #tpu.memory_space<vmem>>) target(%dma_start3A_205 : memref<32768xi32, #tpu.memory_space<hbm>>) target_semaphore(%arg10 : memref<!tpu.dma_semaphore, #tpu.memory_space<semaphore_mem>>)
    %parallel_loop3A_206 = arith.constant 0 : i32
    %parallel_loop3A_207 = arith.constant 64 : i32
    %parallel_loop3A_208 = arith.constant 1 : i32
    scf.for %parallel_loop3A_384 = %parallel_loop3A_206 to %parallel_loop3A_207 step %parallel_loop3A_208  : i32 {
      %parallel_loop3A_385 = arith.constant 16 : i32
      %parallel_loop3A_386 = arith.muli %parallel_loop3A_384, %parallel_loop3A_385 : i32
      %parallel_loop3A_387 = arith.index_cast %parallel_loop3A_386 : i32 to index
      %parallel_loop3A_388 = tpu.vector_load %arg6[%parallel_loop3A_387] {strides = array<i32>} : memref<2048xi32, #tpu.memory_space<vmem>>, vector<16xi32>,
      tpu.vector_store %arg6[%parallel_loop3A_387], %broadcast_in_dim3A_3 {strides = array<i32>} : memref<2048xi32, #tpu.memory_space<vmem>>, vector<16xi32>,
    } {sc.loop_unroll_factor = 8 : i64, sc.parallel_access}
    %dma_wait3A_209 = arith.constant 0 : i32
    %dma_wait3A_210 = tpu.memref_slice %arg2[%add3A_30, %dma_wait3A_209] : memref<64x32768xi32, #tpu.memory_space<hbm>> -> memref<1x32768xi32, #tpu.memory_space<hbm>>
    %dma_wait3A_211 = tpu.memref_squeeze %dma_wait3A_210 : memref<1x32768xi32, #tpu.memory_space<hbm>> -> memref<32768xi32, #tpu.memory_space<hbm>>
    %dma_wait3A_212 = arith.constant 0 : i32
    %dma_wait3A_213 = tpu.memref_slice %arg2[%add3A_30, %dma_wait3A_212] : memref<64x32768xi32, #tpu.memory_space<hbm>> -> memref<1x32768xi32, #tpu.memory_space<hbm>>
    %dma_wait3A_214 = tpu.memref_squeeze %dma_wait3A_213 : memref<1x32768xi32, #tpu.memory_space<hbm>> -> memref<32768xi32, #tpu.memory_space<hbm>>
    tpu.wait_dma2 semaphore(%arg8 : memref<!tpu.dma_semaphore, #tpu.memory_space<semaphore_mem>>) src(%dma_wait3A_214 : memref<32768xi32, #tpu.memory_space<hbm>>) dst(%arg5 : memref<32768xi32, #tpu.memory_space<vmem>>)
    %parallel_loop3A_215 = arith.constant 0 : i32
    %parallel_loop3A_216 = arith.constant 1024 : i32
    %parallel_loop3A_217 = arith.constant 1 : i32
    %parallel_loop3A_218 = scf.for %parallel_loop3A_384 = %parallel_loop3A_215 to %parallel_loop3A_216 step %parallel_loop3A_217 iter_args(%parallel_loop3A_385 = %broadcast_in_dim3A_3) -> (vector<16xi32>)  : i32 {
      %parallel_loop3A_386 = arith.constant 16 : i32
      %parallel_loop3A_387 = arith.muli %parallel_loop3A_384, %parallel_loop3A_386 : i32
      %parallel_loop3A_388 = arith.index_cast %parallel_loop3A_387 : i32 to index
      %parallel_loop3A_389 = tpu.vector_load %arg5[%parallel_loop3A_388] {strides = array<i32>} : memref<32768xi32, #tpu.memory_space<vmem>>, vector<16xi32>,
      %parallel_loop3A_390 = arith.constant 21 : i32
      %parallel_loop3A_391 = vector.broadcast %parallel_loop3A_390 : i32 to vector<16xi32>
      %parallel_loop3A_392 = arith.shrui %parallel_loop3A_389, %parallel_loop3A_391 : vector<16xi32>
      tpu.vector_store_idx %arg6[%parallel_loop3A_392], %broadcast_in_dim3A_1 {add = true} : memref<2048xi32, #tpu.memory_space<vmem>>[vector<16xi32>], vector<16xi32>,
      %parallel_loop3A_393 = arith.constant 31 : i32
      %parallel_loop3A_394 = vector.broadcast %parallel_loop3A_393 : i32 to vector<16xi32>
      %parallel_loop3A_395 = arith.shrui %parallel_loop3A_389, %parallel_loop3A_394 : vector<16xi32>
      %parallel_loop3A_396 = arith.addi %parallel_loop3A_385, %parallel_loop3A_395 : vector<16xi32>
      scf.yield %parallel_loop3A_396 : vector<16xi32>
    } {sc.loop_unroll_factor = 8 : i64, sc.parallel_access}
    %parallel_loop3A_219 = arith.constant 1024 : i32
    %parallel_loop3A_220 = arith.constant 2048 : i32
    %parallel_loop3A_221 = arith.constant 1 : i32
    %parallel_loop3A_222 = scf.for %parallel_loop3A_384 = %parallel_loop3A_219 to %parallel_loop3A_220 step %parallel_loop3A_221 iter_args(%parallel_loop3A_385 = %parallel_loop3A_218) -> (vector<16xi32>)  : i32 {
      %parallel_loop3A_386 = arith.constant 16 : i32
      %parallel_loop3A_387 = arith.muli %parallel_loop3A_384, %parallel_loop3A_386 : i32
      %parallel_loop3A_388 = arith.index_cast %parallel_loop3A_387 : i32 to index
      %parallel_loop3A_389 = tpu.vector_load %arg5[%parallel_loop3A_388] {strides = array<i32>} : memref<32768xi32, #tpu.memory_space<vmem>>, vector<16xi32>,
      %parallel_loop3A_390 = arith.constant 21 : i32
      %parallel_loop3A_391 = vector.broadcast %parallel_loop3A_390 : i32 to vector<16xi32>
      %parallel_loop3A_392 = arith.shrui %parallel_loop3A_389, %parallel_loop3A_391 : vector<16xi32>
      tpu.vector_store_idx %arg6[%parallel_loop3A_392], %broadcast_in_dim3A_1 {add = true} : memref<2048xi32, #tpu.memory_space<vmem>>[vector<16xi32>], vector<16xi32>,
      %parallel_loop3A_393 = arith.constant 31 : i32
      %parallel_loop3A_394 = vector.broadcast %parallel_loop3A_393 : i32 to vector<16xi32>
      %parallel_loop3A_395 = arith.shrui %parallel_loop3A_389, %parallel_loop3A_394 : vector<16xi32>
      %parallel_loop3A_396 = arith.addi %parallel_loop3A_385, %parallel_loop3A_395 : vector<16xi32>
      scf.yield %parallel_loop3A_396 : vector<16xi32>
    } {sc.loop_unroll_factor = 8 : i64, sc.parallel_access}
    %reduce_sum3A_223 = arith.constant true
    %reduce_sum3A_224 = vector.broadcast %reduce_sum3A_223 : i1 to vector<16xi1>
    %reduce_sum3A_225 = tpu.scan <sum>, %parallel_loop3A_222 masked %reduce_sum3A_224 : vector<16xi32>, vector<16xi1> -> vector<16xi32>
    %reduce_sum3A_226 = vector.extract %reduce_sum3A_225[15] : i32 from vector<16xi32>
    %sub3A_227 = arith.constant 32768 : i32
    %sub3A_228 = arith.subi %sub3A_227, %reduce_sum3A_226 : i32
    %sub3A_229 = arith.constant 256 : i32
    %sub3A_230 = arith.subi %sub3A_228, %sub3A_229 : i32
    %iota3A_231 = tpu.iota {dimensions = array<i32: 0>} : vector<16xi32>
    %scan3A_232 = arith.constant 0 : i32
    %scan3A_233 = arith.constant 0 : i32
    %scan3A_234 = arith.constant 0 : i32
    %scan3A_235 = arith.constant 0 : i32
    %scan3A_236 = arith.constant 0 : i32
    %scan3A_237 = arith.constant 0 : i32
    %scan3A_238 = arith.constant 64 : i32
    %scan3A_239 = arith.addi %scan3A_237, %scan3A_238 : i32
    %scan3A_240 = arith.constant 1 : i32
    %scan3A_241:5 = scf.for %scan3A_384 = %scan3A_237 to %scan3A_239 step %scan3A_240 iter_args(%scan3A_385 = %scan3A_232, %scan3A_386 = %scan3A_233, %scan3A_387 = %scan3A_234, %scan3A_388 = %scan3A_235, %scan3A_389 = %scan3A_236) -> (i32, i32, i32, i32, i32)  : i32 {
      %mul3A_390 = arith.constant 16 : i32
      %mul3A_391 = arith.muli %scan3A_384, %mul3A_390 : i32
      %get3A = arith.index_cast %mul3A_391 : i32 to index
      %get3A_392 = tpu.vector_load %arg6[%get3A] {strides = array<i32>} : memref<2048xi32, #tpu.memory_space<vmem>>, vector<16xi32>,
      %broadcast_in_dim3A_393 = arith.constant true
      %broadcast_in_dim3A_394 = vector.broadcast %broadcast_in_dim3A_393 : i1 to vector<16xi1>
      %masked_cumsum3A = tpu.scan <sum>, %get3A_392 masked %broadcast_in_dim3A_394 : vector<16xi32>, vector<16xi1> -> vector<16xi32>
      %add3A_395 = vector.broadcast %scan3A_385 : i32 to vector<16xi32>
      %add3A_396 = arith.addi %masked_cumsum3A, %add3A_395 : vector<16xi32>
      %gt3A = vector.broadcast %sub3A_230 : i32 to vector<16xi32>
      %gt3A_397 = arith.cmpi sgt, %add3A_396, %gt3A : vector<16xi32>
      %convert_element_type3A = arith.extui %gt3A_397 : vector<16xi1> to vector<16xi32>
      %reduce_sum3A_398 = arith.constant true
      %reduce_sum3A_399 = vector.broadcast %reduce_sum3A_398 : i1 to vector<16xi1>
      %reduce_sum3A_400 = tpu.scan <sum>, %convert_element_type3A masked %reduce_sum3A_399 : vector<16xi32>, vector<16xi1> -> vector<16xi32>
      %reduce_sum3A_401 = vector.extract %reduce_sum3A_400[15] : i32 from vector<16xi32>
      %sub3A_402 = arith.constant 16 : i32
      %sub3A_403 = arith.subi %sub3A_402, %reduce_sum3A_401 : i32
      %eq3A = vector.broadcast %sub3A_403 : i32 to vector<16xi32>
      %eq3A_404 = arith.cmpi eq, %iota3A_231, %eq3A : vector<16xi32>
      %convert_element_type3A_405 = arith.extui %eq3A_404 : vector<16xi1> to vector<16xi32>
      %mul3A_406 = arith.muli %convert_element_type3A_405, %get3A_392 : vector<16xi32>
      %reduce_sum3A_407 = arith.constant true
      %reduce_sum3A_408 = vector.broadcast %reduce_sum3A_407 : i1 to vector<16xi1>
      %reduce_sum3A_409 = tpu.scan <sum>, %mul3A_406 masked %reduce_sum3A_408 : vector<16xi32>, vector<16xi1> -> vector<16xi32>
      %reduce_sum3A_410 = vector.extract %reduce_sum3A_409[15] : i32 from vector<16xi32>
      %mul3A_411 = arith.muli %convert_element_type3A_405, %add3A_396 : vector<16xi32>
      %reduce_sum3A_412 = arith.constant true
      %reduce_sum3A_413 = vector.broadcast %reduce_sum3A_412 : i1 to vector<16xi1>
      %reduce_sum3A_414 = tpu.scan <sum>, %mul3A_411 masked %reduce_sum3A_413 : vector<16xi32>, vector<16xi1> -> vector<16xi32>
      %reduce_sum3A_415 = vector.extract %reduce_sum3A_414[15] : i32 from vector<16xi32>
      %eq3A_416 = arith.constant 0 : i32
      %eq3A_417 = arith.cmpi eq, %scan3A_386, %eq3A_416 : i32
      %gt3A_418 = arith.constant 0 : i32
      %gt3A_419 = arith.cmpi sgt, %reduce_sum3A_401, %gt3A_418 : i32
      %and3A = arith.andi %eq3A_417, %gt3A_419 : i1
      %convert_element_type3A_420 = arith.extui %and3A : i1 to i32
      %eq3A_421 = arith.constant 1 : i32
      %eq3A_422 = arith.cmpi eq, %convert_element_type3A_420, %eq3A_421 : i32
      %mul3A_423 = arith.constant 16 : i32
      %mul3A_424 = arith.muli %scan3A_384, %mul3A_423 : i32
      %add3A_425 = arith.addi %mul3A_424, %sub3A_403 : i32
      %select_n3A = arith.select %eq3A_422, %add3A_425, %scan3A_387 : i32
      %eq3A_426 = arith.constant 1 : i32
      %eq3A_427 = arith.cmpi eq, %convert_element_type3A_420, %eq3A_426 : i32
      %select_n3A_428 = arith.select %eq3A_427, %reduce_sum3A_410, %scan3A_388 : i32
      %eq3A_429 = arith.constant 1 : i32
      %eq3A_430 = arith.cmpi eq, %convert_element_type3A_420, %eq3A_429 : i32
      %select_n3A_431 = arith.select %eq3A_430, %reduce_sum3A_415, %scan3A_389 : i32
      %gt3A_432 = arith.constant 0 : i32
      %gt3A_433 = arith.cmpi sgt, %reduce_sum3A_401, %gt3A_432 : i32
      %convert_element_type3A_434 = arith.extui %gt3A_433 : i1 to i32
      %max3A = arith.maxsi %scan3A_386, %convert_element_type3A_434 : i32
      %reduce_sum3A_435 = arith.constant true
      %reduce_sum3A_436 = vector.broadcast %reduce_sum3A_435 : i1 to vector<16xi1>
      %reduce_sum3A_437 = tpu.scan <sum>, %get3A_392 masked %reduce_sum3A_436 : vector<16xi32>, vector<16xi1> -> vector<16xi32>
      %reduce_sum3A_438 = vector.extract %reduce_sum3A_437[15] : i32 from vector<16xi32>
      %add3A_439 = arith.addi %scan3A_385, %reduce_sum3A_438 : i32
      scf.yield %add3A_439, %max3A, %select_n3A, %select_n3A_428, %select_n3A_431 : i32, i32, i32, i32, i32
    }
    %scan3A_242 = arith.constant 64 : i32
    %sub3A_243 = arith.subi %sub3A_228, %scan3A_241#4 : i32
    %sub3A_244 = arith.constant 256 : i32
    %sub3A_245 = arith.subi %sub3A_244, %sub3A_243 : i32
    %parallel_loop3A_246 = arith.constant 0 : i32
    %parallel_loop3A_247 = arith.constant 2048 : i32
    %parallel_loop3A_248 = arith.constant 1 : i32
    %parallel_loop3A_249 = arith.constant 0 : i32
    %parallel_loop3A_250 = scf.for %parallel_loop3A_384 = %parallel_loop3A_246 to %parallel_loop3A_247 step %parallel_loop3A_248 iter_args(%parallel_loop3A_385 = %parallel_loop3A_249) -> (i32)  : i32 {
      %parallel_loop3A_386 = arith.constant 16 : i32
      %parallel_loop3A_387 = arith.muli %parallel_loop3A_384, %parallel_loop3A_386 : i32
      %parallel_loop3A_388 = arith.index_cast %parallel_loop3A_387 : i32 to index
      %parallel_loop3A_389 = tpu.vector_load %arg5[%parallel_loop3A_388] {strides = array<i32>} : memref<32768xi32, #tpu.memory_space<vmem>>, vector<16xi32>,
      %parallel_loop3A_390 = arith.constant 21 : i32
      %parallel_loop3A_391 = vector.broadcast %parallel_loop3A_390 : i32 to vector<16xi32>
      %parallel_loop3A_392 = arith.shrui %parallel_loop3A_389, %parallel_loop3A_391 : vector<16xi32>
      %parallel_loop3A_393 = vector.broadcast %scan3A_241#2 : i32 to vector<16xi32>
      %parallel_loop3A_394 = arith.cmpi eq, %parallel_loop3A_392, %parallel_loop3A_393 : vector<16xi32>
      %parallel_loop3A_395 = arith.index_cast %parallel_loop3A_385 : i32 to index
      %parallel_loop3A_396 = tpu.vector_load %arg7[%parallel_loop3A_395] masked %parallel_loop3A_394 {strides = array<i32>} : memref<32784xi32, #tpu.memory_space<vmem>>, vector<16xi32>, vector<16xi1>
      tpu.vector_store %arg7[%parallel_loop3A_395], %parallel_loop3A_389 masked %parallel_loop3A_394 {strides = array<i32>} : memref<32784xi32, #tpu.memory_space<vmem>>, vector<16xi32>, vector<16xi1>
      %parallel_loop3A_397 = arith.extui %parallel_loop3A_394 : vector<16xi1> to vector<16xi32>
      %parallel_loop3A_398 = arith.constant true
      %parallel_loop3A_399 = vector.broadcast %parallel_loop3A_398 : i1 to vector<16xi1>
      %parallel_loop3A_400 = tpu.scan <sum>, %parallel_loop3A_397 masked %parallel_loop3A_399 : vector<16xi32>, vector<16xi1> -> vector<16xi32>
      %parallel_loop3A_401 = vector.extract %parallel_loop3A_400[15] : i32 from vector<16xi32>
      %parallel_loop3A_402 = arith.addi %parallel_loop3A_385, %parallel_loop3A_401 : i32
      scf.yield %parallel_loop3A_402 : i32
    } {sc.loop_unroll_factor = 8 : i64, sc.parallel_access}
    %add3A_251 = arith.constant 15 : i32
    %add3A_252 = arith.addi %scan3A_241#3, %add3A_251 : i32
    %div3A_253 = arith.constant 16 : i32
    %div3A_254 = arith.divsi %add3A_252, %div3A_253 : i32
    %iota3A_255 = tpu.iota {dimensions = array<i32: 0>} : vector<16xi32>
    %parallel_loop3A_256 = arith.constant 0 : i32
    %parallel_loop3A_257 = arith.constant 16 : i32
    %parallel_loop3A_258 = arith.constant 1 : i32
    scf.for %parallel_loop3A_384 = %parallel_loop3A_256 to %parallel_loop3A_257 step %parallel_loop3A_258  : i32 {
      %parallel_loop3A_385 = arith.constant 16 : i32
      %parallel_loop3A_386 = arith.muli %parallel_loop3A_384, %parallel_loop3A_385 : i32
      %parallel_loop3A_387 = arith.index_cast %parallel_loop3A_386 : i32 to index
      %parallel_loop3A_388 = tpu.vector_load %arg6[%parallel_loop3A_387] {strides = array<i32>} : memref<2048xi32, #tpu.memory_space<vmem>>, vector<16xi32>,
      tpu.vector_store %arg6[%parallel_loop3A_387], %broadcast_in_dim3A_3 {strides = array<i32>} : memref<2048xi32, #tpu.memory_space<vmem>>, vector<16xi32>,
    } {sc.loop_unroll_factor = 8 : i64, sc.parallel_access}
    %while3A_259 = arith.constant 0 : i32
    %while3A_260 = arith.constant 0 : i32
    %while3A_261 = arith.subi %div3A_254, %while3A_259 : i32
    %while3A_262 = arith.addi %while3A_259, %while3A_261 : i32
    %while3A_263 = arith.constant 1 : i32
    %while3A_264 = arith.divsi %while3A_261, %while3A_263 : i32
    %while3A_265 = arith.muli %while3A_264, %while3A_263 : i32
    %while3A_266 = arith.addi %while3A_259, %while3A_265 : i32
    %while3A_267 = arith.constant 1 : i32
    %while3A_268 = scf.for %while3A_384 = %while3A_259 to %while3A_266 step %while3A_267 iter_args(%while3A_385 = %while3A_260) -> (i32)  : i32 {
      %mul3A_386 = arith.constant 16 : i32
      %mul3A_387 = arith.muli %while3A_384, %mul3A_386 : i32
      %get3A = arith.index_cast %mul3A_387 : i32 to index
      %get3A_388 = tpu.vector_load %arg7[%get3A] {strides = array<i32>} : memref<32784xi32, #tpu.memory_space<vmem>>, vector<16xi32>,
      %mul3A_389 = arith.constant 16 : i32
      %mul3A_390 = arith.muli %while3A_384, %mul3A_389 : i32
      %add3A_391 = vector.broadcast %mul3A_390 : i32 to vector<16xi32>
      %add3A_392 = arith.addi %add3A_391, %iota3A_255 : vector<16xi32>
      %lt3A = vector.broadcast %scan3A_241#3 : i32 to vector<16xi32>
      %lt3A_393 = arith.cmpi slt, %add3A_392, %lt3A : vector<16xi32>
      %shift_right_logical3A = arith.constant 13 : i32
      %shift_right_logical3A_394 = vector.broadcast %shift_right_logical3A : i32 to vector<16xi32>
      %shift_right_logical3A_395 = arith.shrui %get3A_388, %shift_right_logical3A_394 : vector<16xi32>
      %and3A = arith.constant 255 : i32
      %and3A_396 = vector.broadcast %and3A : i32 to vector<16xi32>
      %and3A_397 = arith.andi %shift_right_logical3A_395, %and3A_396 : vector<16xi32>
      tpu.vector_store_idx %arg6[%and3A_397], %broadcast_in_dim3A_1 masked %lt3A_393 {add = true} : memref<2048xi32, #tpu.memory_space<vmem>>[vector<16xi32>], vector<16xi32>, vector<16xi1>
      %while3A_398 = arith.constant 0 : i32
      scf.yield %while3A_398 : i32
    }
    %while3A_269 = arith.constant 1 : i32
    %while3A_270 = scf.for %while3A_384 = %while3A_266 to %while3A_262 step %while3A_269 iter_args(%while3A_385 = %while3A_268) -> (i32)  : i32 {
      %mul3A_386 = arith.constant 16 : i32
      %mul3A_387 = arith.muli %while3A_384, %mul3A_386 : i32
      %get3A = arith.index_cast %mul3A_387 : i32 to index
      %get3A_388 = tpu.vector_load %arg7[%get3A] {strides = array<i32>} : memref<32784xi32, #tpu.memory_space<vmem>>, vector<16xi32>,
      %mul3A_389 = arith.constant 16 : i32
      %mul3A_390 = arith.muli %while3A_384, %mul3A_389 : i32
      %add3A_391 = vector.broadcast %mul3A_390 : i32 to vector<16xi32>
      %add3A_392 = arith.addi %add3A_391, %iota3A_255 : vector<16xi32>
      %lt3A = vector.broadcast %scan3A_241#3 : i32 to vector<16xi32>
      %lt3A_393 = arith.cmpi slt, %add3A_392, %lt3A : vector<16xi32>
      %shift_right_logical3A = arith.constant 13 : i32
      %shift_right_logical3A_394 = vector.broadcast %shift_right_logical3A : i32 to vector<16xi32>
      %shift_right_logical3A_395 = arith.shrui %get3A_388, %shift_right_logical3A_394 : vector<16xi32>
      %and3A = arith.constant 255 : i32
      %and3A_396 = vector.broadcast %and3A : i32 to vector<16xi32>
      %and3A_397 = arith.andi %shift_right_logical3A_395, %and3A_396 : vector<16xi32>
      tpu.vector_store_idx %arg6[%and3A_397], %broadcast_in_dim3A_1 masked %lt3A_393 {add = true} : memref<2048xi32, #tpu.memory_space<vmem>>[vector<16xi32>], vector<16xi32>, vector<16xi1>
      %while3A_398 = arith.constant 0 : i32
      scf.yield %while3A_398 : i32
    }
    %sub3A_271 = arith.subi %scan3A_241#3, %sub3A_245 : i32
    %iota3A_272 = tpu.iota {dimensions = array<i32: 0>} : vector<16xi32>
    %scan3A_273 = arith.constant 0 : i32
    %scan3A_274 = arith.constant 0 : i32
    %scan3A_275 = arith.constant 0 : i32
    %scan3A_276 = arith.constant 0 : i32
    %scan3A_277 = arith.constant 0 : i32
    %scan3A_278 = arith.constant 0 : i32
    %scan3A_279 = arith.constant 16 : i32
    %scan3A_280 = arith.addi %scan3A_278, %scan3A_279 : i32
    %scan3A_281 = arith.constant 1 : i32
    %scan3A_282:5 = scf.for %scan3A_384 = %scan3A_278 to %scan3A_280 step %scan3A_281 iter_args(%scan3A_385 = %scan3A_273, %scan3A_386 = %scan3A_274, %scan3A_387 = %scan3A_275, %scan3A_388 = %scan3A_276, %scan3A_389 = %scan3A_277) -> (i32, i32, i32, i32, i32)  : i32 {
      %mul3A_390 = arith.constant 16 : i32
      %mul3A_391 = arith.muli %scan3A_384, %mul3A_390 : i32
      %get3A = arith.index_cast %mul3A_391 : i32 to index
      %get3A_392 = tpu.vector_load %arg6[%get3A] {strides = array<i32>} : memref<2048xi32, #tpu.memory_space<vmem>>, vector<16xi32>,
      %broadcast_in_dim3A_393 = arith.constant true
      %broadcast_in_dim3A_394 = vector.broadcast %broadcast_in_dim3A_393 : i1 to vector<16xi1>
      %masked_cumsum3A = tpu.scan <sum>, %get3A_392 masked %broadcast_in_dim3A_394 : vector<16xi32>, vector<16xi1> -> vector<16xi32>
      %add3A_395 = vector.broadcast %scan3A_385 : i32 to vector<16xi32>
      %add3A_396 = arith.addi %masked_cumsum3A, %add3A_395 : vector<16xi32>
      %gt3A = vector.broadcast %sub3A_271 : i32 to vector<16xi32>
      %gt3A_397 = arith.cmpi sgt, %add3A_396, %gt3A : vector<16xi32>
      %convert_element_type3A = arith.extui %gt3A_397 : vector<16xi1> to vector<16xi32>
      %reduce_sum3A_398 = arith.constant true
      %reduce_sum3A_399 = vector.broadcast %reduce_sum3A_398 : i1 to vector<16xi1>
      %reduce_sum3A_400 = tpu.scan <sum>, %convert_element_type3A masked %reduce_sum3A_399 : vector<16xi32>, vector<16xi1> -> vector<16xi32>
      %reduce_sum3A_401 = vector.extract %reduce_sum3A_400[15] : i32 from vector<16xi32>
      %sub3A_402 = arith.constant 16 : i32
      %sub3A_403 = arith.subi %sub3A_402, %reduce_sum3A_401 : i32
      %eq3A = vector.broadcast %sub3A_403 : i32 to vector<16xi32>
      %eq3A_404 = arith.cmpi eq, %iota3A_272, %eq3A : vector<16xi32>
      %convert_element_type3A_405 = arith.extui %eq3A_404 : vector<16xi1> to vector<16xi32>
      %mul3A_406 = arith.muli %convert_element_type3A_405, %get3A_392 : vector<16xi32>
      %reduce_sum3A_407 = arith.constant true
      %reduce_sum3A_408 = vector.broadcast %reduce_sum3A_407 : i1 to vector<16xi1>
      %reduce_sum3A_409 = tpu.scan <sum>, %mul3A_406 masked %reduce_sum3A_408 : vector<16xi32>, vector<16xi1> -> vector<16xi32>
      %reduce_sum3A_410 = vector.extract %reduce_sum3A_409[15] : i32 from vector<16xi32>
      %mul3A_411 = arith.muli %convert_element_type3A_405, %add3A_396 : vector<16xi32>
      %reduce_sum3A_412 = arith.constant true
      %reduce_sum3A_413 = vector.broadcast %reduce_sum3A_412 : i1 to vector<16xi1>
      %reduce_sum3A_414 = tpu.scan <sum>, %mul3A_411 masked %reduce_sum3A_413 : vector<16xi32>, vector<16xi1> -> vector<16xi32>
      %reduce_sum3A_415 = vector.extract %reduce_sum3A_414[15] : i32 from vector<16xi32>
      %eq3A_416 = arith.constant 0 : i32
      %eq3A_417 = arith.cmpi eq, %scan3A_386, %eq3A_416 : i32
      %gt3A_418 = arith.constant 0 : i32
      %gt3A_419 = arith.cmpi sgt, %reduce_sum3A_401, %gt3A_418 : i32
      %and3A = arith.andi %eq3A_417, %gt3A_419 : i1
      %convert_element_type3A_420 = arith.extui %and3A : i1 to i32
      %eq3A_421 = arith.constant 1 : i32
      %eq3A_422 = arith.cmpi eq, %convert_element_type3A_420, %eq3A_421 : i32
      %mul3A_423 = arith.constant 16 : i32
      %mul3A_424 = arith.muli %scan3A_384, %mul3A_423 : i32
      %add3A_425 = arith.addi %mul3A_424, %sub3A_403 : i32
      %select_n3A = arith.select %eq3A_422, %add3A_425, %scan3A_387 : i32
      %eq3A_426 = arith.constant 1 : i32
      %eq3A_427 = arith.cmpi eq, %convert_element_type3A_420, %eq3A_426 : i32
      %select_n3A_428 = arith.select %eq3A_427, %reduce_sum3A_410, %scan3A_388 : i32
      %eq3A_429 = arith.constant 1 : i32
      %eq3A_430 = arith.cmpi eq, %convert_element_type3A_420, %eq3A_429 : i32
      %select_n3A_431 = arith.select %eq3A_430, %reduce_sum3A_415, %scan3A_389 : i32
      %gt3A_432 = arith.constant 0 : i32
      %gt3A_433 = arith.cmpi sgt, %reduce_sum3A_401, %gt3A_432 : i32
      %convert_element_type3A_434 = arith.extui %gt3A_433 : i1 to i32
      %max3A = arith.maxsi %scan3A_386, %convert_element_type3A_434 : i32
      %reduce_sum3A_435 = arith.constant true
      %reduce_sum3A_436 = vector.broadcast %reduce_sum3A_435 : i1 to vector<16xi1>
      %reduce_sum3A_437 = tpu.scan <sum>, %get3A_392 masked %reduce_sum3A_436 : vector<16xi32>, vector<16xi1> -> vector<16xi32>
      %reduce_sum3A_438 = vector.extract %reduce_sum3A_437[15] : i32 from vector<16xi32>
      %add3A_439 = arith.addi %scan3A_385, %reduce_sum3A_438 : i32
      scf.yield %add3A_439, %max3A, %select_n3A, %select_n3A_428, %select_n3A_431 : i32, i32, i32, i32, i32
    }
    %scan3A_283 = arith.constant 16 : i32
    %sub3A_284 = arith.subi %scan3A_241#3, %scan3A_282#4 : i32
    %sub3A_285 = arith.subi %sub3A_245, %sub3A_284 : i32
    %parallel_loop3A_286 = arith.constant 0 : i32
    %parallel_loop3A_287 = arith.constant 16 : i32
    %parallel_loop3A_288 = arith.constant 1 : i32
    scf.for %parallel_loop3A_384 = %parallel_loop3A_286 to %parallel_loop3A_287 step %parallel_loop3A_288  : i32 {
      %parallel_loop3A_385 = arith.constant 16 : i32
      %parallel_loop3A_386 = arith.muli %parallel_loop3A_384, %parallel_loop3A_385 : i32
      %parallel_loop3A_387 = arith.index_cast %parallel_loop3A_386 : i32 to index
      %parallel_loop3A_388 = tpu.vector_load %arg6[%parallel_loop3A_387] {strides = array<i32>} : memref<2048xi32, #tpu.memory_space<vmem>>, vector<16xi32>,
      tpu.vector_store %arg6[%parallel_loop3A_387], %broadcast_in_dim3A_3 {strides = array<i32>} : memref<2048xi32, #tpu.memory_space<vmem>>, vector<16xi32>,
    } {sc.loop_unroll_factor = 8 : i64, sc.parallel_access}
    %while3A_289 = arith.constant 0 : i32
    %while3A_290 = arith.constant 0 : i32
    %while3A_291 = arith.subi %div3A_254, %while3A_289 : i32
    %while3A_292 = arith.addi %while3A_289, %while3A_291 : i32
    %while3A_293 = arith.constant 1 : i32
    %while3A_294 = arith.divsi %while3A_291, %while3A_293 : i32
    %while3A_295 = arith.muli %while3A_294, %while3A_293 : i32
    %while3A_296 = arith.addi %while3A_289, %while3A_295 : i32
    %while3A_297 = arith.constant 1 : i32
    %while3A_298 = scf.for %while3A_384 = %while3A_289 to %while3A_296 step %while3A_297 iter_args(%while3A_385 = %while3A_290) -> (i32)  : i32 {
      %mul3A_386 = arith.constant 16 : i32
      %mul3A_387 = arith.muli %while3A_384, %mul3A_386 : i32
      %get3A = arith.index_cast %mul3A_387 : i32 to index
      %get3A_388 = tpu.vector_load %arg7[%get3A] {strides = array<i32>} : memref<32784xi32, #tpu.memory_space<vmem>>, vector<16xi32>,
      %mul3A_389 = arith.constant 16 : i32
      %mul3A_390 = arith.muli %while3A_384, %mul3A_389 : i32
      %add3A_391 = vector.broadcast %mul3A_390 : i32 to vector<16xi32>
      %add3A_392 = arith.addi %add3A_391, %iota3A_255 : vector<16xi32>
      %lt3A = vector.broadcast %scan3A_241#3 : i32 to vector<16xi32>
      %lt3A_393 = arith.cmpi slt, %add3A_392, %lt3A : vector<16xi32>
      %shift_right_logical3A = arith.constant 13 : i32
      %shift_right_logical3A_394 = vector.broadcast %shift_right_logical3A : i32 to vector<16xi32>
      %shift_right_logical3A_395 = arith.shrui %get3A_388, %shift_right_logical3A_394 : vector<16xi32>
      %and3A = arith.constant 255 : i32
      %and3A_396 = vector.broadcast %and3A : i32 to vector<16xi32>
      %and3A_397 = arith.andi %shift_right_logical3A_395, %and3A_396 : vector<16xi32>
      %eq3A = vector.broadcast %scan3A_282#2 : i32 to vector<16xi32>
      %eq3A_398 = arith.cmpi eq, %and3A_397, %eq3A : vector<16xi32>
      %and3A_399 = arith.andi %lt3A_393, %eq3A_398 : vector<16xi1>
      %shift_right_logical3A_400 = arith.constant 5 : i32
      %shift_right_logical3A_401 = vector.broadcast %shift_right_logical3A_400 : i32 to vector<16xi32>
      %shift_right_logical3A_402 = arith.shrui %get3A_388, %shift_right_logical3A_401 : vector<16xi32>
      %and3A_403 = arith.constant 255 : i32
      %and3A_404 = vector.broadcast %and3A_403 : i32 to vector<16xi32>
      %and3A_405 = arith.andi %shift_right_logical3A_402, %and3A_404 : vector<16xi32>
      tpu.vector_store_idx %arg6[%and3A_405], %broadcast_in_dim3A_1 masked %and3A_399 {add = true} : memref<2048xi32, #tpu.memory_space<vmem>>[vector<16xi32>], vector<16xi32>, vector<16xi1>
      %while3A_406 = arith.constant 0 : i32
      scf.yield %while3A_406 : i32
    }
    %while3A_299 = arith.constant 1 : i32
    %while3A_300 = scf.for %while3A_384 = %while3A_296 to %while3A_292 step %while3A_299 iter_args(%while3A_385 = %while3A_298) -> (i32)  : i32 {
      %mul3A_386 = arith.constant 16 : i32
      %mul3A_387 = arith.muli %while3A_384, %mul3A_386 : i32
      %get3A = arith.index_cast %mul3A_387 : i32 to index
      %get3A_388 = tpu.vector_load %arg7[%get3A] {strides = array<i32>} : memref<32784xi32, #tpu.memory_space<vmem>>, vector<16xi32>,
      %mul3A_389 = arith.constant 16 : i32
      %mul3A_390 = arith.muli %while3A_384, %mul3A_389 : i32
      %add3A_391 = vector.broadcast %mul3A_390 : i32 to vector<16xi32>
      %add3A_392 = arith.addi %add3A_391, %iota3A_255 : vector<16xi32>
      %lt3A = vector.broadcast %scan3A_241#3 : i32 to vector<16xi32>
      %lt3A_393 = arith.cmpi slt, %add3A_392, %lt3A : vector<16xi32>
      %shift_right_logical3A = arith.constant 13 : i32
      %shift_right_logical3A_394 = vector.broadcast %shift_right_logical3A : i32 to vector<16xi32>
      %shift_right_logical3A_395 = arith.shrui %get3A_388, %shift_right_logical3A_394 : vector<16xi32>
      %and3A = arith.constant 255 : i32
      %and3A_396 = vector.broadcast %and3A : i32 to vector<16xi32>
      %and3A_397 = arith.andi %shift_right_logical3A_395, %and3A_396 : vector<16xi32>
      %eq3A = vector.broadcast %scan3A_282#2 : i32 to vector<16xi32>
      %eq3A_398 = arith.cmpi eq, %and3A_397, %eq3A : vector<16xi32>
      %and3A_399 = arith.andi %lt3A_393, %eq3A_398 : vector<16xi1>
      %shift_right_logical3A_400 = arith.constant 5 : i32
      %shift_right_logical3A_401 = vector.broadcast %shift_right_logical3A_400 : i32 to vector<16xi32>
      %shift_right_logical3A_402 = arith.shrui %get3A_388, %shift_right_logical3A_401 : vector<16xi32>
      %and3A_403 = arith.constant 255 : i32
      %and3A_404 = vector.broadcast %and3A_403 : i32 to vector<16xi32>
      %and3A_405 = arith.andi %shift_right_logical3A_402, %and3A_404 : vector<16xi32>
      tpu.vector_store_idx %arg6[%and3A_405], %broadcast_in_dim3A_1 masked %and3A_399 {add = true} : memref<2048xi32, #tpu.memory_space<vmem>>[vector<16xi32>], vector<16xi32>, vector<16xi1>
      %while3A_406 = arith.constant 0 : i32
      scf.yield %while3A_406 : i32
    }
    %sub3A_301 = arith.subi %scan3A_282#3, %sub3A_285 : i32
    %iota3A_302 = tpu.iota {dimensions = array<i32: 0>} : vector<16xi32>
    %scan3A_303 = arith.constant 0 : i32
    %scan3A_304 = arith.constant 0 : i32
    %scan3A_305 = arith.constant 0 : i32
    %scan3A_306 = arith.constant 0 : i32
    %scan3A_307 = arith.constant 0 : i32
    %scan3A_308 = arith.constant 0 : i32
    %scan3A_309 = arith.constant 16 : i32
    %scan3A_310 = arith.addi %scan3A_308, %scan3A_309 : i32
    %scan3A_311 = arith.constant 1 : i32
    %scan3A_312:5 = scf.for %scan3A_384 = %scan3A_308 to %scan3A_310 step %scan3A_311 iter_args(%scan3A_385 = %scan3A_303, %scan3A_386 = %scan3A_304, %scan3A_387 = %scan3A_305, %scan3A_388 = %scan3A_306, %scan3A_389 = %scan3A_307) -> (i32, i32, i32, i32, i32)  : i32 {
      %mul3A_390 = arith.constant 16 : i32
      %mul3A_391 = arith.muli %scan3A_384, %mul3A_390 : i32
      %get3A = arith.index_cast %mul3A_391 : i32 to index
      %get3A_392 = tpu.vector_load %arg6[%get3A] {strides = array<i32>} : memref<2048xi32, #tpu.memory_space<vmem>>, vector<16xi32>,
      %broadcast_in_dim3A_393 = arith.constant true
      %broadcast_in_dim3A_394 = vector.broadcast %broadcast_in_dim3A_393 : i1 to vector<16xi1>
      %masked_cumsum3A = tpu.scan <sum>, %get3A_392 masked %broadcast_in_dim3A_394 : vector<16xi32>, vector<16xi1> -> vector<16xi32>
      %add3A_395 = vector.broadcast %scan3A_385 : i32 to vector<16xi32>
      %add3A_396 = arith.addi %masked_cumsum3A, %add3A_395 : vector<16xi32>
      %gt3A = vector.broadcast %sub3A_301 : i32 to vector<16xi32>
      %gt3A_397 = arith.cmpi sgt, %add3A_396, %gt3A : vector<16xi32>
      %convert_element_type3A = arith.extui %gt3A_397 : vector<16xi1> to vector<16xi32>
      %reduce_sum3A_398 = arith.constant true
      %reduce_sum3A_399 = vector.broadcast %reduce_sum3A_398 : i1 to vector<16xi1>
      %reduce_sum3A_400 = tpu.scan <sum>, %convert_element_type3A masked %reduce_sum3A_399 : vector<16xi32>, vector<16xi1> -> vector<16xi32>
      %reduce_sum3A_401 = vector.extract %reduce_sum3A_400[15] : i32 from vector<16xi32>
      %sub3A_402 = arith.constant 16 : i32
      %sub3A_403 = arith.subi %sub3A_402, %reduce_sum3A_401 : i32
      %eq3A = vector.broadcast %sub3A_403 : i32 to vector<16xi32>
      %eq3A_404 = arith.cmpi eq, %iota3A_302, %eq3A : vector<16xi32>
      %convert_element_type3A_405 = arith.extui %eq3A_404 : vector<16xi1> to vector<16xi32>
      %mul3A_406 = arith.muli %convert_element_type3A_405, %get3A_392 : vector<16xi32>
      %reduce_sum3A_407 = arith.constant true
      %reduce_sum3A_408 = vector.broadcast %reduce_sum3A_407 : i1 to vector<16xi1>
      %reduce_sum3A_409 = tpu.scan <sum>, %mul3A_406 masked %reduce_sum3A_408 : vector<16xi32>, vector<16xi1> -> vector<16xi32>
      %reduce_sum3A_410 = vector.extract %reduce_sum3A_409[15] : i32 from vector<16xi32>
      %mul3A_411 = arith.muli %convert_element_type3A_405, %add3A_396 : vector<16xi32>
      %reduce_sum3A_412 = arith.constant true
      %reduce_sum3A_413 = vector.broadcast %reduce_sum3A_412 : i1 to vector<16xi1>
      %reduce_sum3A_414 = tpu.scan <sum>, %mul3A_411 masked %reduce_sum3A_413 : vector<16xi32>, vector<16xi1> -> vector<16xi32>
      %reduce_sum3A_415 = vector.extract %reduce_sum3A_414[15] : i32 from vector<16xi32>
      %eq3A_416 = arith.constant 0 : i32
      %eq3A_417 = arith.cmpi eq, %scan3A_386, %eq3A_416 : i32
      %gt3A_418 = arith.constant 0 : i32
      %gt3A_419 = arith.cmpi sgt, %reduce_sum3A_401, %gt3A_418 : i32
      %and3A = arith.andi %eq3A_417, %gt3A_419 : i1
      %convert_element_type3A_420 = arith.extui %and3A : i1 to i32
      %eq3A_421 = arith.constant 1 : i32
      %eq3A_422 = arith.cmpi eq, %convert_element_type3A_420, %eq3A_421 : i32
      %mul3A_423 = arith.constant 16 : i32
      %mul3A_424 = arith.muli %scan3A_384, %mul3A_423 : i32
      %add3A_425 = arith.addi %mul3A_424, %sub3A_403 : i32
      %select_n3A = arith.select %eq3A_422, %add3A_425, %scan3A_387 : i32
      %eq3A_426 = arith.constant 1 : i32
      %eq3A_427 = arith.cmpi eq, %convert_element_type3A_420, %eq3A_426 : i32
      %select_n3A_428 = arith.select %eq3A_427, %reduce_sum3A_410, %scan3A_388 : i32
      %eq3A_429 = arith.constant 1 : i32
      %eq3A_430 = arith.cmpi eq, %convert_element_type3A_420, %eq3A_429 : i32
      %select_n3A_431 = arith.select %eq3A_430, %reduce_sum3A_415, %scan3A_389 : i32
      %gt3A_432 = arith.constant 0 : i32
      %gt3A_433 = arith.cmpi sgt, %reduce_sum3A_401, %gt3A_432 : i32
      %convert_element_type3A_434 = arith.extui %gt3A_433 : i1 to i32
      %max3A = arith.maxsi %scan3A_386, %convert_element_type3A_434 : i32
      %reduce_sum3A_435 = arith.constant true
      %reduce_sum3A_436 = vector.broadcast %reduce_sum3A_435 : i1 to vector<16xi1>
      %reduce_sum3A_437 = tpu.scan <sum>, %get3A_392 masked %reduce_sum3A_436 : vector<16xi32>, vector<16xi1> -> vector<16xi32>
      %reduce_sum3A_438 = vector.extract %reduce_sum3A_437[15] : i32 from vector<16xi32>
      %add3A_439 = arith.addi %scan3A_385, %reduce_sum3A_438 : i32
      scf.yield %add3A_439, %max3A, %select_n3A, %select_n3A_428, %select_n3A_431 : i32, i32, i32, i32, i32
    }
    %scan3A_313 = arith.constant 16 : i32
    %sub3A_314 = arith.subi %scan3A_282#3, %scan3A_312#4 : i32
    %sub3A_315 = arith.subi %sub3A_285, %sub3A_314 : i32
    %shift_left3A_316 = arith.constant 8 : i32
    %shift_left3A_317 = arith.shli %scan3A_282#2, %shift_left3A_316 : i32
    %or3A_318 = arith.ori %shift_left3A_317, %scan3A_312#2 : i32
    %swap3A_319 = arith.constant 0 : index
    %swap3A_320 = tpu.vector_load %arg6[%swap3A_319] {strides = array<i32>} : memref<2048xi32, #tpu.memory_space<vmem>>, vector<16xi32>,
    tpu.vector_store %arg6[%swap3A_319], %broadcast_in_dim3A_3 {strides = array<i32>} : memref<2048xi32, #tpu.memory_space<vmem>>, vector<16xi32>,
    %swap3A_321 = arith.constant 16 : index
    %swap3A_322 = tpu.vector_load %arg6[%swap3A_321] {strides = array<i32>} : memref<2048xi32, #tpu.memory_space<vmem>>, vector<16xi32>,
    tpu.vector_store %arg6[%swap3A_321], %broadcast_in_dim3A_3 {strides = array<i32>} : memref<2048xi32, #tpu.memory_space<vmem>>, vector<16xi32>,
    %while3A_323 = arith.constant 0 : i32
    %while3A_324 = arith.constant 0 : i32
    %while3A_325 = arith.subi %div3A_254, %while3A_323 : i32
    %while3A_326 = arith.addi %while3A_323, %while3A_325 : i32
    %while3A_327 = arith.constant 1 : i32
    %while3A_328 = arith.divsi %while3A_325, %while3A_327 : i32
    %while3A_329 = arith.muli %while3A_328, %while3A_327 : i32
    %while3A_330 = arith.addi %while3A_323, %while3A_329 : i32
    %while3A_331 = arith.constant 1 : i32
    %while3A_332 = scf.for %while3A_384 = %while3A_323 to %while3A_330 step %while3A_331 iter_args(%while3A_385 = %while3A_324) -> (i32)  : i32 {
      %mul3A_386 = arith.constant 16 : i32
      %mul3A_387 = arith.muli %while3A_384, %mul3A_386 : i32
      %get3A = arith.index_cast %mul3A_387 : i32 to index
      %get3A_388 = tpu.vector_load %arg7[%get3A] {strides = array<i32>} : memref<32784xi32, #tpu.memory_space<vmem>>, vector<16xi32>,
      %mul3A_389 = arith.constant 16 : i32
      %mul3A_390 = arith.muli %while3A_384, %mul3A_389 : i32
      %add3A_391 = vector.broadcast %mul3A_390 : i32 to vector<16xi32>
      %add3A_392 = arith.addi %add3A_391, %iota3A_255 : vector<16xi32>
      %lt3A = vector.broadcast %scan3A_241#3 : i32 to vector<16xi32>
      %lt3A_393 = arith.cmpi slt, %add3A_392, %lt3A : vector<16xi32>
      %shift_right_logical3A = arith.constant 5 : i32
      %shift_right_logical3A_394 = vector.broadcast %shift_right_logical3A : i32 to vector<16xi32>
      %shift_right_logical3A_395 = arith.shrui %get3A_388, %shift_right_logical3A_394 : vector<16xi32>
      %and3A = arith.constant 65535 : i32
      %and3A_396 = vector.broadcast %and3A : i32 to vector<16xi32>
      %and3A_397 = arith.andi %shift_right_logical3A_395, %and3A_396 : vector<16xi32>
      %eq3A = vector.broadcast %or3A_318 : i32 to vector<16xi32>
      %eq3A_398 = arith.cmpi eq, %and3A_397, %eq3A : vector<16xi32>
      %and3A_399 = arith.andi %lt3A_393, %eq3A_398 : vector<16xi1>
      %and3A_400 = arith.constant 31 : i32
      %and3A_401 = vector.broadcast %and3A_400 : i32 to vector<16xi32>
      %and3A_402 = arith.andi %get3A_388, %and3A_401 : vector<16xi32>
      tpu.vector_store_idx %arg6[%and3A_402], %broadcast_in_dim3A_1 masked %and3A_399 {add = true} : memref<2048xi32, #tpu.memory_space<vmem>>[vector<16xi32>], vector<16xi32>, vector<16xi1>
      %while3A_403 = arith.constant 0 : i32
      scf.yield %while3A_403 : i32
    }
    %while3A_333 = arith.constant 1 : i32
    %while3A_334 = scf.for %while3A_384 = %while3A_330 to %while3A_326 step %while3A_333 iter_args(%while3A_385 = %while3A_332) -> (i32)  : i32 {
      %mul3A_386 = arith.constant 16 : i32
      %mul3A_387 = arith.muli %while3A_384, %mul3A_386 : i32
      %get3A = arith.index_cast %mul3A_387 : i32 to index
      %get3A_388 = tpu.vector_load %arg7[%get3A] {strides = array<i32>} : memref<32784xi32, #tpu.memory_space<vmem>>, vector<16xi32>,
      %mul3A_389 = arith.constant 16 : i32
      %mul3A_390 = arith.muli %while3A_384, %mul3A_389 : i32
      %add3A_391 = vector.broadcast %mul3A_390 : i32 to vector<16xi32>
      %add3A_392 = arith.addi %add3A_391, %iota3A_255 : vector<16xi32>
      %lt3A = vector.broadcast %scan3A_241#3 : i32 to vector<16xi32>
      %lt3A_393 = arith.cmpi slt, %add3A_392, %lt3A : vector<16xi32>
      %shift_right_logical3A = arith.constant 5 : i32
      %shift_right_logical3A_394 = vector.broadcast %shift_right_logical3A : i32 to vector<16xi32>
      %shift_right_logical3A_395 = arith.shrui %get3A_388, %shift_right_logical3A_394 : vector<16xi32>
      %and3A = arith.constant 65535 : i32
      %and3A_396 = vector.broadcast %and3A : i32 to vector<16xi32>
      %and3A_397 = arith.andi %shift_right_logical3A_395, %and3A_396 : vector<16xi32>
      %eq3A = vector.broadcast %or3A_318 : i32 to vector<16xi32>
      %eq3A_398 = arith.cmpi eq, %and3A_397, %eq3A : vector<16xi32>
      %and3A_399 = arith.andi %lt3A_393, %eq3A_398 : vector<16xi1>
      %and3A_400 = arith.constant 31 : i32
      %and3A_401 = vector.broadcast %and3A_400 : i32 to vector<16xi32>
      %and3A_402 = arith.andi %get3A_388, %and3A_401 : vector<16xi32>
      tpu.vector_store_idx %arg6[%and3A_402], %broadcast_in_dim3A_1 masked %and3A_399 {add = true} : memref<2048xi32, #tpu.memory_space<vmem>>[vector<16xi32>], vector<16xi32>, vector<16xi1>
      %while3A_403 = arith.constant 0 : i32
      scf.yield %while3A_403 : i32
    }
    %sub3A_335 = arith.subi %scan3A_312#3, %sub3A_315 : i32
    %iota3A_336 = tpu.iota {dimensions = array<i32: 0>} : vector<16xi32>
    %scan3A_337 = arith.constant 0 : i32
    %scan3A_338 = arith.constant 0 : i32
    %scan3A_339 = arith.constant 0 : i32
    %scan3A_340 = arith.constant 0 : i32
    %scan3A_341 = arith.constant 0 : i32
    %scan3A_342 = arith.constant 0 : i32
    %scan3A_343 = arith.constant 2 : i32
    %scan3A_344 = arith.addi %scan3A_342, %scan3A_343 : i32
    %scan3A_345 = arith.constant 1 : i32
    %scan3A_346:5 = scf.for %scan3A_384 = %scan3A_342 to %scan3A_344 step %scan3A_345 iter_args(%scan3A_385 = %scan3A_337, %scan3A_386 = %scan3A_338, %scan3A_387 = %scan3A_339, %scan3A_388 = %scan3A_340, %scan3A_389 = %scan3A_341) -> (i32, i32, i32, i32, i32)  : i32 {
      %mul3A_390 = arith.constant 16 : i32
      %mul3A_391 = arith.muli %scan3A_384, %mul3A_390 : i32
      %get3A = arith.index_cast %mul3A_391 : i32 to index
      %get3A_392 = tpu.vector_load %arg6[%get3A] {strides = array<i32>} : memref<2048xi32, #tpu.memory_space<vmem>>, vector<16xi32>,
      %broadcast_in_dim3A_393 = arith.constant true
      %broadcast_in_dim3A_394 = vector.broadcast %broadcast_in_dim3A_393 : i1 to vector<16xi1>
      %masked_cumsum3A = tpu.scan <sum>, %get3A_392 masked %broadcast_in_dim3A_394 : vector<16xi32>, vector<16xi1> -> vector<16xi32>
      %add3A_395 = vector.broadcast %scan3A_385 : i32 to vector<16xi32>
      %add3A_396 = arith.addi %masked_cumsum3A, %add3A_395 : vector<16xi32>
      %gt3A = vector.broadcast %sub3A_335 : i32 to vector<16xi32>
      %gt3A_397 = arith.cmpi sgt, %add3A_396, %gt3A : vector<16xi32>
      %convert_element_type3A = arith.extui %gt3A_397 : vector<16xi1> to vector<16xi32>
      %reduce_sum3A_398 = arith.constant true
      %reduce_sum3A_399 = vector.broadcast %reduce_sum3A_398 : i1 to vector<16xi1>
      %reduce_sum3A_400 = tpu.scan <sum>, %convert_element_type3A masked %reduce_sum3A_399 : vector<16xi32>, vector<16xi1> -> vector<16xi32>
      %reduce_sum3A_401 = vector.extract %reduce_sum3A_400[15] : i32 from vector<16xi32>
      %sub3A_402 = arith.constant 16 : i32
      %sub3A_403 = arith.subi %sub3A_402, %reduce_sum3A_401 : i32
      %eq3A = vector.broadcast %sub3A_403 : i32 to vector<16xi32>
      %eq3A_404 = arith.cmpi eq, %iota3A_336, %eq3A : vector<16xi32>
      %convert_element_type3A_405 = arith.extui %eq3A_404 : vector<16xi1> to vector<16xi32>
      %mul3A_406 = arith.muli %convert_element_type3A_405, %get3A_392 : vector<16xi32>
      %reduce_sum3A_407 = arith.constant true
      %reduce_sum3A_408 = vector.broadcast %reduce_sum3A_407 : i1 to vector<16xi1>
      %reduce_sum3A_409 = tpu.scan <sum>, %mul3A_406 masked %reduce_sum3A_408 : vector<16xi32>, vector<16xi1> -> vector<16xi32>
      %reduce_sum3A_410 = vector.extract %reduce_sum3A_409[15] : i32 from vector<16xi32>
      %mul3A_411 = arith.muli %convert_element_type3A_405, %add3A_396 : vector<16xi32>
      %reduce_sum3A_412 = arith.constant true
      %reduce_sum3A_413 = vector.broadcast %reduce_sum3A_412 : i1 to vector<16xi1>
      %reduce_sum3A_414 = tpu.scan <sum>, %mul3A_411 masked %reduce_sum3A_413 : vector<16xi32>, vector<16xi1> -> vector<16xi32>
      %reduce_sum3A_415 = vector.extract %reduce_sum3A_414[15] : i32 from vector<16xi32>
      %eq3A_416 = arith.constant 0 : i32
      %eq3A_417 = arith.cmpi eq, %scan3A_386, %eq3A_416 : i32
      %gt3A_418 = arith.constant 0 : i32
      %gt3A_419 = arith.cmpi sgt, %reduce_sum3A_401, %gt3A_418 : i32
      %and3A = arith.andi %eq3A_417, %gt3A_419 : i1
      %convert_element_type3A_420 = arith.extui %and3A : i1 to i32
      %eq3A_421 = arith.constant 1 : i32
      %eq3A_422 = arith.cmpi eq, %convert_element_type3A_420, %eq3A_421 : i32
      %mul3A_423 = arith.constant 16 : i32
      %mul3A_424 = arith.muli %scan3A_384, %mul3A_423 : i32
      %add3A_425 = arith.addi %mul3A_424, %sub3A_403 : i32
      %select_n3A = arith.select %eq3A_422, %add3A_425, %scan3A_387 : i32
      %eq3A_426 = arith.constant 1 : i32
      %eq3A_427 = arith.cmpi eq, %convert_element_type3A_420, %eq3A_426 : i32
      %select_n3A_428 = arith.select %eq3A_427, %reduce_sum3A_410, %scan3A_388 : i32
      %eq3A_429 = arith.constant 1 : i32
      %eq3A_430 = arith.cmpi eq, %convert_element_type3A_420, %eq3A_429 : i32
      %select_n3A_431 = arith.select %eq3A_430, %reduce_sum3A_415, %scan3A_389 : i32
      %gt3A_432 = arith.constant 0 : i32
      %gt3A_433 = arith.cmpi sgt, %reduce_sum3A_401, %gt3A_432 : i32
      %convert_element_type3A_434 = arith.extui %gt3A_433 : i1 to i32
      %max3A = arith.maxsi %scan3A_386, %convert_element_type3A_434 : i32
      %reduce_sum3A_435 = arith.constant true
      %reduce_sum3A_436 = vector.broadcast %reduce_sum3A_435 : i1 to vector<16xi1>
      %reduce_sum3A_437 = tpu.scan <sum>, %get3A_392 masked %reduce_sum3A_436 : vector<16xi32>, vector<16xi1> -> vector<16xi32>
      %reduce_sum3A_438 = vector.extract %reduce_sum3A_437[15] : i32 from vector<16xi32>
      %add3A_439 = arith.addi %scan3A_385, %reduce_sum3A_438 : i32
      scf.yield %add3A_439, %max3A, %select_n3A, %select_n3A_428, %select_n3A_431 : i32, i32, i32, i32, i32
    }
    %scan3A_347 = arith.constant 2 : i32
    %sub3A_348 = arith.subi %scan3A_312#3, %scan3A_346#4 : i32
    %sub3A_349 = arith.subi %sub3A_315, %sub3A_348 : i32
    %shift_left3A_350 = arith.constant 21 : i32
    %shift_left3A_351 = arith.shli %scan3A_241#2, %shift_left3A_350 : i32
    %shift_left3A_352 = arith.constant 13 : i32
    %shift_left3A_353 = arith.shli %scan3A_282#2, %shift_left3A_352 : i32
    %shift_left3A_354 = arith.constant 5 : i32
    %shift_left3A_355 = arith.shli %scan3A_312#2, %shift_left3A_354 : i32
    %or3A_356 = arith.ori %shift_left3A_355, %scan3A_346#2 : i32
    %or3A_357 = arith.ori %shift_left3A_353, %or3A_356 : i32
    %or3A_358 = arith.ori %shift_left3A_351, %or3A_357 : i32
    %parallel_loop3A_359 = arith.constant 0 : i32
    %parallel_loop3A_360 = arith.constant 2048 : i32
    %parallel_loop3A_361 = arith.constant 1 : i32
    scf.for %parallel_loop3A_384 = %parallel_loop3A_359 to %parallel_loop3A_360 step %parallel_loop3A_361  : i32 {
      %parallel_loop3A_385 = arith.constant 16 : i32
      %parallel_loop3A_386 = arith.muli %parallel_loop3A_384, %parallel_loop3A_385 : i32
      %parallel_loop3A_387 = arith.index_cast %parallel_loop3A_386 : i32 to index
      %parallel_loop3A_388 = tpu.vector_load %arg5[%parallel_loop3A_387] {strides = array<i32>} : memref<32768xi32, #tpu.memory_space<vmem>>, vector<16xi32>,
      %parallel_loop3A_389 = vector.broadcast %or3A_358 : i32 to vector<16xi32>
      %parallel_loop3A_390 = arith.cmpi sge, %parallel_loop3A_388, %parallel_loop3A_389 : vector<16xi32>
      %parallel_loop3A_391 = arith.constant 0 : i32
      %parallel_loop3A_392 = vector.broadcast %parallel_loop3A_391 : i32 to vector<16xi32>
      %parallel_loop3A_393 = arith.select %parallel_loop3A_390, %parallel_loop3A_388, %parallel_loop3A_392 : vector<16xi1>, vector<16xi32>
      %parallel_loop3A_394 = arith.index_cast %parallel_loop3A_386 : i32 to index
      %parallel_loop3A_395 = tpu.vector_load %arg5[%parallel_loop3A_394] {strides = array<i32>} : memref<32768xi32, #tpu.memory_space<vmem>>, vector<16xi32>,
      tpu.vector_store %arg5[%parallel_loop3A_394], %parallel_loop3A_393 {strides = array<i32>} : memref<32768xi32, #tpu.memory_space<vmem>>, vector<16xi32>,
    } {sc.loop_unroll_factor = 8 : i64, sc.parallel_access}
    %mul3A_362 = arith.constant 2 : i32
    %mul3A_363 = arith.muli %add3A, %mul3A_362 : i32
    %add3A_364 = arith.constant 1 : i32
    %add3A_365 = arith.addi %mul3A_363, %add3A_364 : i32
    %dma_start3A_366 = arith.constant 0 : i32
    %dma_start3A_367 = tpu.memref_slice %arg3[%add3A_365, %dma_start3A_366] : memref<64x32768xi32, #tpu.memory_space<hbm>> -> memref<1x32768xi32, #tpu.memory_space<hbm>>
    %dma_start3A_368 = tpu.memref_squeeze %dma_start3A_367 : memref<1x32768xi32, #tpu.memory_space<hbm>> -> memref<32768xi32, #tpu.memory_space<hbm>>
    %dma_start3A_369 = arith.constant 0 : i32
    %dma_start3A_370 = tpu.memref_slice %arg3[%add3A_365, %dma_start3A_369] : memref<64x32768xi32, #tpu.memory_space<hbm>> -> memref<1x32768xi32, #tpu.memory_space<hbm>>
    %dma_start3A_371 = tpu.memref_squeeze %dma_start3A_370 : memref<1x32768xi32, #tpu.memory_space<hbm>> -> memref<32768xi32, #tpu.memory_space<hbm>>
    tpu.enqueue_dma source(%arg5 : memref<32768xi32, #tpu.memory_space<vmem>>) target(%dma_start3A_371 : memref<32768xi32, #tpu.memory_space<hbm>>) target_semaphore(%arg10 : memref<!tpu.dma_semaphore, #tpu.memory_space<semaphore_mem>>)
    %dma_wait3A_372 = arith.constant 0 : i32
    %dma_wait3A_373 = tpu.memref_slice %arg3[%add3A_199, %dma_wait3A_372] : memref<64x32768xi32, #tpu.memory_space<hbm>> -> memref<1x32768xi32, #tpu.memory_space<hbm>>
    %dma_wait3A_374 = tpu.memref_squeeze %dma_wait3A_373 : memref<1x32768xi32, #tpu.memory_space<hbm>> -> memref<32768xi32, #tpu.memory_space<hbm>>
    %dma_wait3A_375 = arith.constant 0 : i32
    %dma_wait3A_376 = tpu.memref_slice %arg3[%add3A_199, %dma_wait3A_375] : memref<64x32768xi32, #tpu.memory_space<hbm>> -> memref<1x32768xi32, #tpu.memory_space<hbm>>
    %dma_wait3A_377 = tpu.memref_squeeze %dma_wait3A_376 : memref<1x32768xi32, #tpu.memory_space<hbm>> -> memref<32768xi32, #tpu.memory_space<hbm>>
    tpu.wait_dma2 semaphore(%arg10 : memref<!tpu.dma_semaphore, #tpu.memory_space<semaphore_mem>>) src(%arg4 : memref<32768xi32, #tpu.memory_space<vmem>>) dst(%dma_wait3A_377 : memref<32768xi32, #tpu.memory_space<hbm>>)
    %dma_wait3A_378 = arith.constant 0 : i32
    %dma_wait3A_379 = tpu.memref_slice %arg3[%add3A_365, %dma_wait3A_378] : memref<64x32768xi32, #tpu.memory_space<hbm>> -> memref<1x32768xi32, #tpu.memory_space<hbm>>
    %dma_wait3A_380 = tpu.memref_squeeze %dma_wait3A_379 : memref<1x32768xi32, #tpu.memory_space<hbm>> -> memref<32768xi32, #tpu.memory_space<hbm>>
    %dma_wait3A_381 = arith.constant 0 : i32
    %dma_wait3A_382 = tpu.memref_slice %arg3[%add3A_365, %dma_wait3A_381] : memref<64x32768xi32, #tpu.memory_space<hbm>> -> memref<1x32768xi32, #tpu.memory_space<hbm>>
    %dma_wait3A_383 = tpu.memref_squeeze %dma_wait3A_382 : memref<1x32768xi32, #tpu.memory_space<hbm>> -> memref<32768xi32, #tpu.memory_space<hbm>>
    tpu.wait_dma2 semaphore(%arg10 : memref<!tpu.dma_semaphore, #tpu.memory_space<semaphore_mem>>) src(%arg5 : memref<32768xi32, #tpu.memory_space<vmem>>) dst(%dma_wait3A_383 : memref<32768xi32, #tpu.memory_space<hbm>>)
    return
  }
}

</mosaic_0001>

<sc_bundles>
// kernel: kernel.3.cloned.1.call-start
scs
__scs_entry_jumppad:
0x0: {  	(pc) =	sbr.rel $0x88, $3  }
0x1: {  	(tag) =	ssettag $0x0;
	lr =	simm.s32 $0x1  }
0x2: {  	[smem:$0x3FA0] =	sst lr;
	_ =	strace $0xD0000000  }
0x3: {  	_ = 	snop  }
0x4: {  	_ = 	snop  }
0x5: {  	_ = 	snop  }
0x6: {  	_ = 	snop  }
0x7: {  	_ = 	snop  }
__scs_overlays_trampoline_lowered:
0x8: {  	[smem:$0x3FAF] =	sst s0  }
0x9: {  	[smem:$0x3FB0] =	sst s1  }
0xa: {  	[smem:$0x3FB1] =	sst s2  }
0xb: {  	[smem:$0x3FB2] =	sst s3  }
0xc: {  	[smem:$0x3FB3] =	sst s4  }
0xd: {  	[smem:$0x3FB4] =	sst s5  }
0xe: {  	[smem:$0x3FB5] =	sst s6  }
0xf: {  	[smem:$0x3FB6] =	sst s7  }
0x10: {  	[smem:$0x3FB7] =	sst s8  }
0x11: {  	[smem:$0x3FB8] =	sst s9;
	s0 =	simm.s32 @!p0 $0x0  }
0x12: {  	s1 =	sld [smem:$0x3F9E];
	s0 =	simm.s32 @p0 $0x1  }
0x13: {  	[smem:$0x3FB9] =	sst s0;
	s0 =	simm.s32 @!p1 $0x0  }
0x14: {  	s2 =	sld [smem:$0x3F9D];
	s0 =	simm.s32 @p1 $0x1  }
0x15: {  	[smem:$0x3FBA] =	sst s0;
	s0 =	simm.s32 @!p2 $0x0  }
0x16: {  	s3 =	sld [smem:$0x3FDB];
	s0 =	simm.s32 @p2 $0x1  }
0x17: {  	s4 =	simm.s32 $0x1BF5;
	[smem:$0x3FBC] =	sst s0  }
0x18: {  	s0 =	sld [smem:$0x3F9F];
	_ =	swait.ge [sflag:s4], $0x0  }
0x19: {  	s7 =	sld [smem:$0x3FA0]  }
0x1a: {  	s8 =	sadd.s32 $0xFFFFE003, lr  }
0x1b: {  	s9 =	sadd.s32 $0xFFFFFEF7, lr;
	s5 =	simm.s32 $0xFFFFFFFF;
	p2 =	slt.u32 s8, $0xFFFFF086  }
0x1c: {  	p1 =	slt.u32 s9, $0xF7A;
	s5 =	simm.s32 @!p2 $0x0  }
0x1d: {  	s5 =	simm.s32 @p1 $0x1;
	p0 =	seq.s32 s7, s2  }
0x1e: {  	s7 =	smul.u32 @!p0 $0xF7A, s2;
	p2 =	seq.s32 @!p0 s5, $0x0  }
0x1f: {  	s9 =	smul.u32 $0xF7A, s1;
	s8 =	simm.s32 @!p0 $0x1BF5;
	p2 =	por !p2, p0  }
0x20: {  	[sflag:s8] =	ssyncset.s32 @!p0 $0xFFFFF086;
	s6 =	sadd.s32 @!p0 s3, s7;
	s7 =	simm.s32 @!p0 $0x108  }
0x21: {  	s3 =	sadd.s32 s3, s9;
	s6 =	sadd.s32 @!p0 $0x88, s6;
	s7 =	simm.s32 @p2 $0x1082  }
0x22: {  	[simem:s7], [sflag:s8] =	dma.local @!p0 [hbm:s6], $0xF7A  }
0x23: {  	s9 =	sor.u32 $0xD0000000, s2;
	s6 =	simm.s32 $0x108;
	_ =	swait.ge @!p0 [sflag:s8], $0x0  }
0x24: {  	s3 =	sadd.s32 $0x88, s3;
	s6 =	simm.s32 @!p1 $0x1082;
	[sflag:s4] =	ssyncset.s32 $0xFFFFF086  }
0x25: {  	[simem:s6], [sflag:s4] =	dma.local [hbm:s3], $0xF7A  }
0x26: {  	[smem:$0x3FA0] =	sst s1;
	(tag) =	ssettag s2;
	_ =	strace s9  }
0x27: {  	s1 =	sld [smem:$0x3FB0]  }
0x28: {  	s2 =	sld [smem:$0x3FB1]  }
0x29: {  	s4 =	sld [smem:$0x3FB3]  }
0x2a: {  	p0 =	seq.s32 s5, $0x0;
	s5 =	sld [smem:$0x3FB4]  }
0x2b: {  	s6 =	sld [smem:$0x3FB5]  }
0x2c: {  	s7 =	sld [smem:$0x3FB6]  }
0x2d: {  	s3 =	simm.s32 $0x108;
	s8 =	sld [smem:$0x3FB7]  }
0x2e: {  	s3 =	simm.s32 @!p0 $0x1082;
	s9 =	sld [smem:$0x3FB8]  }
0x2f: {  	lr =	sadd.s32 s0, s3;
	s0 =	sld [smem:$0x3FAF]  }
0x30: {  	s3 =	sld [smem:$0x3FB2]  }
0x31: {  	[smem:$0x3FBB] =	sst s10  }
0x32: {  	s10 =	sld [smem:$0x3FB9];
	_ =	sdelay $0x3  }
0x33: {  	p0 =	seq.s32 s10, $0x1;
	s10 =	sld [smem:$0x3FBB];
	_ =	sdelay $0x3  }
0x34: {  	[smem:$0x3FBB] =	sst s10  }
0x35: {  	s10 =	sld [smem:$0x3FBA];
	_ =	sdelay $0x3  }
0x36: {  	p1 =	seq.s32 s10, $0x1;
	s10 =	sld [smem:$0x3FBB];
	_ =	sdelay $0x3  }
0x37: {  	[smem:$0x3FBB] =	sst s10  }
0x38: {  	s10 =	sld [smem:$0x3FBC]  }
0x39: {  	_ = 	snop;
	(pc) =	sbr.ind lr, $3  }
0x3a: {  	_ = 	snop  }
0x3b: {  	_ = 	snop  }
0x3c: {  	p2 =	seq.s32 s10, $0x1;
	s10 =	sld [smem:$0x3FBB]  }
0x3d: {  	_ =	shalt  }
0x3e: {  	_ =	shalt  }
0x3f: {  	_ =	shalt  }
0x40: {  	_ =	shalt  }
0x41: {  	_ =	shalt  }
0x42: {  	_ =	shalt  }
0x43: {  	_ =	shalt  }
0x44: {  	_ =	shalt  }
0x45: {  	_ =	shalt  }
0x46: {  	_ =	shalt  }
0x47: {  	_ =	shalt  }
0x48: {  	_ =	shalt  }
0x49: {  	_ =	shalt  }
0x4a: {  	_ =	shalt  }
0x4b: {  	_ =	shalt  }
0x4c: {  	_ =	shalt  }
0x4d: {  	_ =	shalt  }
0x4e: {  	_ =	shalt  }
0x4f: {  	_ =	shalt  }
0x50: {  	_ =	shalt  }
0x51: {  	_ =	shalt  }
0x52: {  	_ =	shalt  }
0x53: {  	_ =	shalt  }
0x54: {  	_ =	shalt  }
0x55: {  	_ =	shalt  }
0x56: {  	_ =	shalt  }
0x57: {  	_ =	shalt  }
0x58: {  	_ =	shalt  }
0x59: {  	_ =	shalt  }
0x5a: {  	_ =	shalt  }
0x5b: {  	_ =	shalt  }
0x5c: {  	_ =	shalt  }
0x5d: {  	_ =	shalt  }
0x5e: {  	_ =	shalt  }
0x5f: {  	_ =	shalt  }
0x60: {  	_ =	shalt  }
0x61: {  	_ =	shalt  }
0x62: {  	_ =	shalt  }
0x63: {  	_ =	shalt  }
0x64: {  	_ =	shalt  }
0x65: {  	_ =	shalt  }
0x66: {  	_ =	shalt  }
0x67: {  	_ =	shalt  }
0x68: {  	_ =	shalt  }
0x69: {  	_ =	shalt  }
0x6a: {  	_ =	shalt  }
0x6b: {  	_ =	shalt  }
0x6c: {  	_ =	shalt  }
0x6d: {  	_ =	shalt  }
0x6e: {  	_ =	shalt  }
0x6f: {  	_ =	shalt  }
0x70: {  	_ =	shalt  }
0x71: {  	_ =	shalt  }
0x72: {  	_ =	shalt  }
0x73: {  	_ =	shalt  }
0x74: {  	_ =	shalt  }
0x75: {  	_ =	shalt  }
0x76: {  	_ =	shalt  }
0x77: {  	_ =	shalt  }
0x78: {  	_ =	shalt  }
0x79: {  	_ =	shalt  }
0x7a: {  	_ =	shalt  }
0x7b: {  	_ =	shalt  }
0x7c: {  	_ =	shalt  }
0x7d: {  	_ =	shalt  }
0x7e: {  	_ =	shalt  }
0x7f: {  	_ =	shalt  }
0x80: {  	_ =	shalt  }
0x81: {  	_ =	shalt  }
0x82: {  	_ =	shalt  }
0x83: {  	_ =	shalt  }
0x84: {  	_ =	shalt  }
0x85: {  	_ =	shalt  }
0x86: {  	_ =	shalt  }
0x87: {  	_ =	shalt  }
.Lfunc_end0:
.L_simem_size_0:
called_computation_lowered:
.L_overlay_start_0:
0x88: {  	s2 =	sld [smem:$0x3FD9]  }
0x89: {  	s3 =	sld [smem:$0x3FFE];
	_ =	sdelay $0x1  }
0x8a: {  	s1 =	srdreg.scid  }
0x8b: {  	s0 =	sand.u32 $0x1, s1  }
0x8c: {  	s17 =	sshll.u32 s0, $0xA;
	s2 =	sadd.s32 s3, s2  }
0x8d: {  	s2 =	sadd.s32 s2, s17  }
0x8e: {  	[smem:$0x3FC7] =	sst s2  }
0x8f: {  	_ = 	snop  }
0x90: {  	s2 =	sld [smem:$0x3FD0];
	(tm) =	ssettm $0x1  }
0x91: {  	s18 =	sld [smem:$0x3FFB];
	_ =	sdelay $0x3  }
0x92: {  	_ =	strace s18  }
0x93: {  	s3 =	sld [smem:$0x3FFC];
	_ =	sdelay $0x3  }
0x94: {  	_ =	strace s3  }
0x95: {  	s3 =	sld [smem:$0x3FFD];
	_ =	sdelay $0x3  }
0x96: {  	_ =	strace s3  }
0x97: {  	_ =	strace $0x8FFFFFFF  }
0x98: {  	s19 =	sld [smem:$0x3FDB];
	_ =	sdelay $0x1  }
0x99: {  	s4 =	simm.s32 $_scs_section_size  }
0x9a: {  	s5 =	simm.s32 $_size__tile_overlayer_lowered;
	s6 =	simm.s32 $_tile_overlayer_lowered  }
0x9b: {  	s22 =	simm.s32 $0x1BFF;
	s21 =	sshll.u32 s6, $0x1;
	s3 =	sadd.s32 s4, s19  }
0x9c: {  	s7 =	simm.s32 $0x0;
	s20 =	sshll.u32 s5, $0x1;
	s5 =	sadd.s32 s21, s3  }
0x9d: {  	[timem:s7], [sflag:s22] =	dma.local [hbm:s5], s20  }
0x9e: {  	_ =	swait.ge [sflag:s22], s20  }
0x9f: {  	s4 =	ssub.s32 $0x0, s20;
	[sflag:s22] =	ssyncset.done $0x0  }
0xa0: {  	[sflag:s22] =	ssyncadd.s32 s4;
	_ =	sdelay $0x1  }
0xa1: {  	s23 =	simm.s32 $0x1B8B  }
0xa2: {  	_ =	swait.ge [sflag:s23], $0x1  }
0xa3: {  	[sflag:s23] =	ssyncset.done $0x0  }
0xa4: {  	s25 =	simm.s32 $0x1B8E;
	s24 =	sld [smem:$0x3FFE];
	[sflag:s23] =	ssyncadd.s32 $0xFFFFFFFF  }
0xa5: {  	s26 =	simm.s32 $execute0_lowered;
	[smem:$0x3FD2] =	sst s25  }
0xa6: {  	s5 =	sshll.u32 s26, $0x1;
	_ =	strace $0x80000046;
	[dreg:$0x1] =	wrdreg $0xFFFFFFFF  }
0xa7: {  	s28 =	simm.s32 $_size_execute0_lowered;
	s3 =	sadd.s32 s3, s5;
	[dreg:$0x0] =	wrdreg $0x0  }
0xa8: {  	s5 =	sshll.u32 s28, $0x1;
	[dreg:$0x2] =	wrdreg s3  }
0xa9: {  	[dreg:$0x3] =	wrdreg s5  }
0xaa: {  	[dreg:$0x4] =	wrdreg $0xC0  }
0xab: {  	_ =	task [dreg:s7], $0x5FFFF  }
0xac: {  	[dreg:$0x1] =	wrdreg $0xFFFFFFFF  }
0xad: {  	[dreg:$0x0] =	wrdreg $0x60  }
0xae: {  	[dreg:$0x2] =	wrdreg s2  }
0xaf: {  	[dreg:$0x3] =	wrdreg s24  }
0xb0: {  	[dreg:$0x4] =	wrdreg $0x9  }
0xb1: {  	_ =	task.clear_ibuf [dreg:s7], $0x5FFFF;
	_ =	strace $0x90000046  }
0xb2: {  	s29 =	simm.s32 $0x9;
	_ =	strace $0x80000048  }
0xb3: {  	_ =	swait.ge [sflag:s29], $0x1  }
0xb4: {  	[sflag:s29] =	ssyncadd.s32 $0xFFFFFFFF  }
0xb5: {  	_ =	strace $0x90000048  }
0xb6: {  	_ =	sfence  }
0xb7: {  	s30 =	sld [smem:$0x0];
	_ =	sdelay $0x2  }
0xb8: {  	s31 =	sshll.u32 s1, $0xD;
	s1 =	sshrl.u32 s1, $0x2  }
0xb9: {  	s3 =	sand.u32 $0x4000, s31;
	s1 =	sadd.s32 s1, s30  }
0xba: {  	s0 =	sor.u32 s3, s0;
	s1 =	sshll.u32 s1, $0x11  }
0xbb: {  	s0 =	sor.u32 s1, s0  }
0xbc: {  	s0 =	sadd.s32 $0x8F2B, s0  }
0xbd: {  	[sflag:s0] =	ssyncadd.remote.s32 $0x1  }
0xbe: {  	_ =	sfence.sel $0xFFFF  }
0xbf: {  	[dreg:$0x0] =	wrdreg $0xFFFFFFFF;
	(pc) =	sbr.abs _section_cstart, $3  }
0xc0: {  	[dreg:$0x1] =	wrdreg $0xFFFFFFFF  }
0xc1: {  	_ =	task.clear_ibuf [dreg:s7], $0x2FFFF;
	_ =	strace $0x9FFFFFFF  }
0xc2: {  	(tm) =	ssettm $0x7FFFFFFF  }
0xc3: {  	_ =	shalt  }
tec
execute0_lowered:
.L_overlay_start_1:
0x0: {  	(tag) =	ssettag $0x1  }
0x1: {  	s0 =	rddreg [dreg:$0x0]  }
0x2: {  	s3 =	simm.s32 $0x0;
	s2 =	srdreg.scid;
	s5 =	stileid.u32  }
0x3: {  	[smem:$0x7FF] =	sst s3;
	s2 =	sand.u32 $0x1, s2;
	s25 =	sshll.u32 s5, $0x6  }
0x4: {  	s5 =	sshll.u32 s5, $0xE;
	s4 =	sshll.u32 s2, $0x5;
	s3 =	sand.u32 $0x40, s25  }
0x5: {  	s1 =	rddreg [dreg:$0x1];
	s5 =	sand.u32 $0x38000, s5;
	s3 =	sor.u32 s4, s3  }
0x6: {  	s1 =	sadd.s32 $0x400, s1;
	s2 =	ssub.s32 $0x2, s2;
	s3 =	sor.u32 s5, s3  }
0x7: {  	_ =	strace $0x80000047;
	s26 =	sshrl.u32 s2, $0x1;
	s6 =	sadd.s32 s0, s3  }
0x8: {  	s2 =	ssub.s32 s2, s26;
	s29 =	sadd.s32 s1, s3;
	[dreg:$0x3] =	wrdreg s6  }
0x9: {  	s14 =	simm.s32 $0x10000;
	s31 =	smax.u32 s2, $0x1;
	[dreg:$0x6] =	wrdreg s29  }
0xa: {  	s5 =	sor.u32 $0x10, s3;
	s28 =	sadd.s32 $0x4000, s6;
	[dreg:$0x8] =	wrdreg s31  }
0xb: {  	s4 =	simm.s32 $0x8000;
	s0 =	sadd.s32 s0, s5;
	[dreg:$0x4] =	wrdreg s28  }
0xc: {  	s2 =	simm.s32 $0x80;
	s30 =	sadd.s32 s1, s5;
	[dreg:$0x5] =	wrdreg s0  }
0xd: {  	v0 =	vimm.s32 $0x0;
	v1 =	vimm.s32 $0x1;
	v2 =	vlaneseq.u32;
	s3 =	simm.s32 $0x400;
	s5 =	simm.s32 $0x0;
	[dreg:$0x7] =	wrdreg s30  }
.LBB2_1:
0xe: {  	s0 =	simm.s32 $0x0;
	s1 =	rddreg [dreg:$0x3]  }
0xf: {  	[tilespmem:s0], [sflag:$0x1] =	stream.strided.gather [hbm4b:s1+s2], $0x4000, s3, s2, $0x38;
	[tilespmem:$0x18880] =	vst v63  }
0x10: {  	s29 =	rddreg [dreg:$0x4];
	s30 =	simm.s32 $0x4000  }
0x11: {  	[tilespmem:s30], [sflag:$0x2] =	stream.strided.gather [hbm4b:s29+s2], $0x4000, s3, s2, $0x38;
	[tilespmem:$0x18880] =	vst v63  }
0x12: {  	s31 =	rddreg [dreg:$0x5];
	s0 =	simm.s32 $0x10040  }
0x13: {  	[tilespmem:s4], [sflag:$0x1] =	stream.strided.gather [hbm4b:s31+s2], $0x8000, s3, s2, $0x38;
	[tilespmem:$0x18880] =	vst v63  }
0x14: {  	[tilespmem:s0+$0xFFFFFFC0] =	vst v0  }
0x15: {  	[tilespmem:s0+$0x30] =	vst v0  }
0x16: {  	[tilespmem:s0+$0x20] =	vst v0  }
0x17: {  	[tilespmem:s0+$0x10] =	vst v0  }
0x18: {  	[tilespmem:s0+$0x0] =	vst v0  }
0x19: {  	[tilespmem:s0+$0xFFFFFFF0] =	vst v0  }
0x1a: {  	s1 =	simm.s32 $0x0;
	[tilespmem:s0+$0xFFFFFFE0] =	vst v0  }
.LBB2_2:
0x1b: {  	s1 =	sadd.s32 $0x8, s1;
	[tilespmem:s0+$0xFFFFFFD0] =	vst v0;
	s0 =	sadd.s32 $0x80, s0  }
0x1c: {  	[tilespmem:s0+$0xFFFFFFC0] =	vst v0;
	p0 =	slt.u32 s1, $0x38  }
0x1d: {  	[tilespmem:s0+$0x30] =	vst v0  }
.Ltmp0:
0x1e: {  	[tilespmem:s0+$0x20] =	vst v0;
	(pc) =	sbr.rel @p0 .LBB2_2-.Ltmp0, $4  }
0x1f: {  	[tilespmem:s0+$0x10] =	vst v0  }
0x20: {  	[tilespmem:s0+$0x0] =	vst v0  }
0x21: {  	[tilespmem:s0+$0xFFFFFFF0] =	vst v0  }
0x22: {  	[tilespmem:s0+$0xFFFFFFE0] =	vst v0  }
0x23: {  	[tilespmem:s0+$0xFFFFFFD0] =	vst v0;
	s30 =	simm.s32 $0x1  }
0x24: {  	_ =	swait.ge [sflag:s30], $0x4000  }
0x25: {  	[sflag:s30] =	ssyncset.done $0x0  }
0x26: {  	s31 =	simm.s32 $0x40;
	[sflag:s30] =	ssyncadd.s32 $0xFFFFC000  }
0x27: {  	v3 =	vld [tilespmem:s31+$0xFFFFFFC0]  }
0x28: {  	v4 =	vld [tilespmem:s31+$0xFFFFFFD0]  }
0x29: {  	v5 =	vld [tilespmem:s31+$0xFFFFFFE0]  }
0x2a: {  	v6 =	vld [tilespmem:s31+$0xFFFFFFF0]  }
0x2b: {  	v7 =	vld [tilespmem:s31+$0x0]  }
0x2c: {  	v9 =	vld [tilespmem:s31+$0x10];
	v8 =	vshrl.u32 v3, $0x15  }
0x2d: {  	v10 =	vshrl.u32 v4, $0x15  }
0x2e: {  	v11 =	vimm.s32 $0x0;
	v3 =	vshrl.u32 v3, $0x1F;
	v12 =	vshrl.u32 v5, $0x15  }
0x2f: {  	v62 =	vld [tilespmem:s31+$0x20];
	v4 =	vshrl.u32 v4, $0x1F;
	v13 =	vshrl.u32 v6, $0x15;
	v3 =	vadd.s32 v11, v3  }
0x30: {  	v14 =	vshrl.u32 v7, $0x15;
	v3 =	vadd.s32 v4, v3;
	v4 =	vshrl.u32 v5, $0x1F;
	v5 =	vld [tilespmem:s31+$0x30]  }
0x31: {  	v3 =	vadd.s32 v4, v3;
	v4 =	vshrl.u32 v6, $0x1F;
	v6 =	vshrl.u32 v9, $0x15;
	[tilespmem:v8+s14+$0x0] =	vst.idx.add.s32.msk $0xffff, v1  }
0x32: {  	v3 =	vadd.s32 v4, v3;
	v4 =	vshrl.u32 v7, $0x1F;
	[tilespmem:v10+s14+$0x0] =	vst.idx.add.s32.msk $0xffff, v1  }
0x33: {  	v3 =	vadd.s32 v4, v3;
	v4 =	vshrl.u32 v9, $0x1F;
	[tilespmem:v12+s14+$0x0] =	vst.idx.add.s32.msk $0xffff, v1  }
0x34: {  	[tilespmem:v13+s14+$0x0] =	vst.idx.add.s32.msk $0xffff, v1;
	v3 =	vadd.s32 v4, v3;
	v4 =	vshrl.u32 v62, $0x1F  }
0x35: {  	[tilespmem:v14+s14+$0x0] =	vst.idx.add.s32.msk $0xffff, v1;
	v7 =	vadd.s32 v4, v3;
	v63 =	vshrl.u32 v5, $0x1F  }
0x36: {  	s0 =	simm.s32 $0x0;
	s1 =	simm.s32 $0xC0;
	v3 =	vshrl.u32 v62, $0x15;
	v4 =	vshrl.u32 v5, $0x15;
	v5 =	vadd.s32 v63, v7;
	[tilespmem:v6+s14+$0x0] =	vst.idx.add.s32.msk $0xffff, v1  }
.LBB2_4:
0x37: {  	v6 =	vld [tilespmem:s1+$0xFFFFFFC0];
	s0 =	sadd.s32 $0x8, s0  }
0x38: {  	v7 =	vld [tilespmem:s1+$0xFFFFFFD0];
	p0 =	slt.u32 s0, $0x3F8  }
0x39: {  	v8 =	vld [tilespmem:s1+$0xFFFFFFE0]  }
0x3a: {  	v9 =	vld [tilespmem:s1+$0xFFFFFFF0]  }
0x3b: {  	v10 =	vld [tilespmem:s1+$0x0]  }
0x3c: {  	v11 =	vshrl.u32 v6, $0x15;
	v6 =	vshrl.u32 v6, $0x1F;
	v12 =	vld [tilespmem:s1+$0x10]  }
0x3d: {  	v5 =	vadd.s32 v5, v6;
	v6 =	vshrl.u32 v7, $0x15;
	v7 =	vshrl.u32 v7, $0x1F;
	v13 =	vld [tilespmem:s1+$0x20]  }
0x3e: {  	v5 =	vadd.s32 v7, v5;
	v7 =	vshrl.u32 v8, $0x15;
	v8 =	vshrl.u32 v8, $0x1F;
	v14 =	vld [tilespmem:s1+$0x30]  }
0x3f: {  	v5 =	vadd.s32 v8, v5;
	v8 =	vshrl.u32 v9, $0x15;
	v9 =	vshrl.u32 v9, $0x1F;
	[tilespmem:v3+s14+$0x0] =	vst.idx.add.s32.msk $0xffff, v1  }
0x40: {  	v3 =	vadd.s32 v9, v5;
	v9 =	vshrl.u32 v10, $0x15;
	v5 =	vshrl.u32 v10, $0x1F;
	[tilespmem:v4+s14+$0x0] =	vst.idx.add.s32.msk $0xffff, v1  }
0x41: {  	[tilespmem:v11+s14+$0x0] =	vst.idx.add.s32.msk $0xffff, v1;
	v3 =	vadd.s32 v5, v3;
	v10 =	vshrl.u32 v12, $0x15;
	v4 =	vshrl.u32 v12, $0x1F  }
.Ltmp1:
0x42: {  	[tilespmem:v6+s14+$0x0] =	vst.idx.add.s32.msk $0xffff, v1;
	v4 =	vadd.s32 v4, v3;
	v3 =	vshrl.u32 v13, $0x15;
	v5 =	vshrl.u32 v13, $0x1F;
	(pc) =	sbr.rel @p0 .LBB2_4-.Ltmp1, $4  }
0x43: {  	[tilespmem:v7+s14+$0x0] =	vst.idx.add.s32.msk $0xffff, v1;
	v5 =	vadd.s32 v5, v4;
	v4 =	vshrl.u32 v14, $0x15;
	v6 =	vshrl.u32 v14, $0x1F  }
0x44: {  	[tilespmem:v8+s14+$0x0] =	vst.idx.add.s32.msk $0xffff, v1;
	v5 =	vadd.s32 v6, v5  }
0x45: {  	[tilespmem:v9+s14+$0x0] =	vst.idx.add.s32.msk $0xffff, v1  }
0x46: {  	s1 =	sadd.s32 $0x80, s1;
	[tilespmem:v10+s14+$0x0] =	vst.idx.add.s32.msk $0xffff, v1  }
0x47: {  	_ =	sdelay $0x2  }
0x48: {  	[dreg:$0x9] =	wrdreg s5  }
0x49: {  	[tilespmem:v3+s14+$0x0] =	vst.idx.add.s32.msk $0xffff, v1  }
0x4a: {  	s0 =	simm.s32 $0x2;
	[tilespmem:v4+s14+$0x0] =	vst.idx.add.s32.msk $0xffff, v1  }
0x4b: {  	_ =	swait.ge [sflag:s0], $0x4000  }
0x4c: {  	[sflag:s0] =	ssyncset.done $0x0  }
0x4d: {  	s31 =	simm.s32 $0x4070;
	[sflag:s0] =	ssyncadd.s32 $0xFFFFC000  }
0x4e: {  	v3 =	vld [tilespmem:s31+$0xFFFFFF90]  }
0x4f: {  	v4 =	vld [tilespmem:s31+$0xFFFFFFA0]  }
0x50: {  	v6 =	vld [tilespmem:s31+$0xFFFFFFB0]  }
0x51: {  	v7 =	vld [tilespmem:s31+$0xFFFFFFC0]  }
0x52: {  	v8 =	vld [tilespmem:s31+$0xFFFFFFD0]  }
0x53: {  	v10 =	vld [tilespmem:s31+$0xFFFFFFE0];
	v9 =	vshrl.u32 v3, $0x15  }
0x54: {  	v11 =	vshrl.u32 v4, $0x15  }
0x55: {  	v3 =	vshrl.u32 v3, $0x1F;
	v12 =	vshrl.u32 v6, $0x15  }
0x56: {  	v4 =	vshrl.u32 v4, $0x1F;
	v13 =	vshrl.u32 v7, $0x15;
	v3 =	vadd.s32 v5, v3;
	v5 =	vld [tilespmem:s31+$0xFFFFFFF0]  }
0x57: {  	v14 =	vshrl.u32 v8, $0x15;
	v3 =	vadd.s32 v4, v3;
	v4 =	vshrl.u32 v6, $0x1F;
	v6 =	vld [tilespmem:s31+$0x0]  }
0x58: {  	v3 =	vadd.s32 v4, v3;
	v4 =	vshrl.u32 v7, $0x1F;
	v7 =	vshrl.u32 v10, $0x15;
	[tilespmem:v9+s14+$0x0] =	vst.idx.add.s32.msk $0xffff, v1  }
0x59: {  	v3 =	vadd.s32 v4, v3;
	v4 =	vshrl.u32 v8, $0x1F;
	[tilespmem:v11+s14+$0x0] =	vst.idx.add.s32.msk $0xffff, v1  }
0x5a: {  	v3 =	vadd.s32 v4, v3;
	v4 =	vshrl.u32 v10, $0x1F;
	[tilespmem:v12+s14+$0x0] =	vst.idx.add.s32.msk $0xffff, v1  }
0x5b: {  	[tilespmem:v13+s14+$0x0] =	vst.idx.add.s32.msk $0xffff, v1;
	v3 =	vadd.s32 v4, v3;
	v4 =	vshrl.u32 v5, $0x1F  }
0x5c: {  	[tilespmem:v14+s14+$0x0] =	vst.idx.add.s32.msk $0xffff, v1;
	v62 =	vadd.s32 v4, v3;
	v63 =	vshrl.u32 v6, $0x1F  }
0x5d: {  	s1 =	simm.s32 $0x40F0;
	s0 =	simm.s32 $0x400;
	v3 =	vshrl.u32 v5, $0x15;
	v4 =	vshrl.u32 v6, $0x15;
	v5 =	vadd.s32 v63, v62;
	[tilespmem:v7+s14+$0x0] =	vst.idx.add.s32.msk $0xffff, v1  }
.LBB2_6:
0x5e: {  	v6 =	vld [tilespmem:s1+$0xFFFFFF90];
	s0 =	sadd.s32 $0x8, s0  }
0x5f: {  	v7 =	vld [tilespmem:s1+$0xFFFFFFA0];
	p0 =	slt.u32 s0, $0x7F8  }
0x60: {  	v8 =	vld [tilespmem:s1+$0xFFFFFFB0]  }
0x61: {  	v9 =	vld [tilespmem:s1+$0xFFFFFFC0]  }
0x62: {  	v10 =	vld [tilespmem:s1+$0xFFFFFFD0]  }
0x63: {  	v11 =	vshrl.u32 v6, $0x15;
	v6 =	vshrl.u32 v6, $0x1F;
	v12 =	vld [tilespmem:s1+$0xFFFFFFE0]  }
0x64: {  	v5 =	vadd.s32 v5, v6;
	v6 =	vshrl.u32 v7, $0x15;
	v7 =	vshrl.u32 v7, $0x1F;
	v13 =	vld [tilespmem:s1+$0xFFFFFFF0]  }
0x65: {  	v5 =	vadd.s32 v7, v5;
	v7 =	vshrl.u32 v8, $0x15;
	v8 =	vshrl.u32 v8, $0x1F;
	v14 =	vld [tilespmem:s1+$0x0]  }
0x66: {  	v5 =	vadd.s32 v8, v5;
	v8 =	vshrl.u32 v9, $0x15;
	v9 =	vshrl.u32 v9, $0x1F;
	[tilespmem:v3+s14+$0x0] =	vst.idx.add.s32.msk $0xffff, v1  }
0x67: {  	v3 =	vadd.s32 v9, v5;
	v9 =	vshrl.u32 v10, $0x15;
	v5 =	vshrl.u32 v10, $0x1F;
	[tilespmem:v4+s14+$0x0] =	vst.idx.add.s32.msk $0xffff, v1  }
0x68: {  	[tilespmem:v11+s14+$0x0] =	vst.idx.add.s32.msk $0xffff, v1;
	v3 =	vadd.s32 v5, v3;
	v10 =	vshrl.u32 v12, $0x15;
	v4 =	vshrl.u32 v12, $0x1F  }
.Ltmp2:
0x69: {  	[tilespmem:v6+s14+$0x0] =	vst.idx.add.s32.msk $0xffff, v1;
	v4 =	vadd.s32 v4, v3;
	v3 =	vshrl.u32 v13, $0x15;
	v5 =	vshrl.u32 v13, $0x1F;
	(pc) =	sbr.rel @p0 .LBB2_6-.Ltmp2, $4  }
0x6a: {  	[tilespmem:v7+s14+$0x0] =	vst.idx.add.s32.msk $0xffff, v1;
	v5 =	vadd.s32 v5, v4;
	v4 =	vshrl.u32 v14, $0x15;
	v6 =	vshrl.u32 v14, $0x1F  }
0x6b: {  	[tilespmem:v8+s14+$0x0] =	vst.idx.add.s32.msk $0xffff, v1;
	v5 =	vadd.s32 v6, v5  }
0x6c: {  	[tilespmem:v9+s14+$0x0] =	vst.idx.add.s32.msk $0xffff, v1  }
0x6d: {  	s1 =	sadd.s32 $0x80, s1;
	[tilespmem:v10+s14+$0x0] =	vst.idx.add.s32.msk $0xffff, v1  }
0x6e: {  	(xrf0) =	vadd.scan.msk.s32 $0xffff, v5;
	_ =	sdelay $0x5  }
0x6f: {  	[tilespmem:v3+s14+$0x0] =	vst.idx.add.s32.msk $0xffff, v1;
	v3, _, _ =	vpop (xrf0)  }
0x70: {  	[tilespmem:v4+s14+$0x0] =	vst.idx.add.s32.msk $0xffff, v1;
	s0 =	simm.s32 $0x10000;
	(v2sf) =	vpush v3, $0xF  }
0x71: {  	v4 =	vld [tilespmem:s0+$0x0];
	_ =	sdelay $0x4  }
0x72: {  	(xrf0) =	vadd.scan.msk.s32 $0xffff, v4  }
0x73: {  	s13 =	simm.s32 $0x10010  }
0x74: {  	v10 =	vld [tilespmem:s13+$0x0];
	_ =	sdelay $0x3  }
0x75: {  	v5, _, _ =	vpop (xrf0)  }
0x76: {  	s15 =	simm.s32 $0x10020;
	(xrf0) =	vadd.scan.msk.s32 $0xffff, v10;
	(v2sf) =	vpush v5, $0xF  }
0x77: {  	v8 =	vld [tilespmem:s15+$0x0]  }
0x78: {  	s16 =	spop (v2sf)  }
0x79: {  	s19 =	simm.s32 $0x0;
	s1 =	ssub.s32 $0x7F00, s16  }
0x7a: {  	v11 =	vadd.s32 s19, v5;
	v3 =	vmov s1  }
0x7b: {  	vm0 =	vgt.s32 v11, v3  }
0x7c: {  	(xrf0) =	vadd.scan.msk.s32 $0xffff, v8;
	v6, _, _ =	vpop (xrf0);
	v5 =	vsel vm0, $0x1, v0  }
0x7d: {  	(v2sf) =	vpush v6, $0xF;
	(xrf0) =	vadd.scan.msk.s32 $0xffff, v5;
	_ =	sdelay $0x4  }
0x7e: {  	v5, _, _ =	vpop (xrf0)  }
0x7f: {  	s17 =	simm.s32 $0x10030;
	(v2sf) =	vpush v5, $0xF;
	v7, _, _ =	vpop (xrf0)  }
0x80: {  	v9 =	vld [tilespmem:s17+$0x0];
	(v2sf) =	vpush v7, $0xF  }
0x81: {  	s18 =	spop (v2sf)  }
0x82: {  	s1 =	sadd.s32 $0x0, s18  }
0x83: {  	s2 =	simm.s32 $0x10040;
	v13 =	vadd.s32 s1, v6  }
0x84: {  	v6 =	vld [tilespmem:s2+$0x0];
	vm9 =	vgt.s32 v13, v3  }
0x85: {  	(xrf0) =	vadd.scan.msk.s32 $0xffff, v9;
	v7 =	vsel vm9, $0x1, v0  }
0x86: {  	(xrf0) =	vadd.scan.msk.s32 $0xffff, v7;
	_ =	sdelay $0x1  }
0x87: {  	s20 =	spop (v2sf)  }
0x88: {  	s1 =	sadd.s32 s1, s20;
	(xrf0) =	vadd.scan.msk.s32 $0xffff, v6  }
0x89: {  	v14 =	vadd.s32 s1, v5  }
0x8a: {  	vm10 =	vgt.s32 v14, v3;
	v7, _, _ =	vpop (xrf0)  }
0x8b: {  	s21 =	simm.s32 $0x10050;
	v5 =	vsel vm10, $0x1, v0;
	(v2sf) =	vpush v7, $0xF;
	v12, _, _ =	vpop (xrf0)  }
0x8c: {  	(xrf0) =	vadd.scan.msk.s32 $0xffff, v5;
	v5 =	vld [tilespmem:s21+$0x0];
	(v2sf) =	vpush v12, $0xF  }
0x8d: {  	s22 =	spop (v2sf)  }
0x8e: {  	v15, _, _ =	vpop (xrf0);
	s1 =	sadd.s32 s1, s22;
	s5 =	spop (v2sf)  }
0x8f: {  	(v2sf) =	vpush v15, $0xF;
	v12 =	vadd.s32 s1, v7;
	s23 =	ssub.s32 $0x10, s5  }
0x90: {  	vm11 =	vgt.s32 v12, v3;
	v17 =	vmov s23  }
0x91: {  	(xrf0) =	vadd.scan.msk.s32 $0xffff, v5;
	v7 =	vsel vm11, $0x1, v0;
	vm12 =	veq.s32 v17, v2  }
0x92: {  	(xrf0) =	vadd.scan.msk.s32 $0xffff, v7;
	v4 =	vnsel vm12, $0x0, v4  }
0x93: {  	(xrf0) =	vadd.scan.msk.s32 $0xffff, v4;
	_ =	sdelay $0x2  }
0x94: {  	v16, _, _ =	vpop (xrf0)  }
0x95: {  	(v2sf) =	vpush v16, $0xF;
	v16, _, _ =	vpop (xrf0)  }
0x96: {  	s10 =	simm.s32 $0x10060;
	(v2sf) =	vpush v16, $0xF;
	v4, _, _ =	vpop (xrf0)  }
0x97: {  	s9 =	simm.s32 $0x40;
	v7 =	vld [tilespmem:s10+$0x0];
	(v2sf) =	vpush v4, $0xF;
	v4, _, _ =	vpop (xrf0)  }
0x98: {  	s8 =	simm.s32 $0x50;
	s7 =	simm.s32 $0x60;
	s24 =	spop (v2sf);
	(v2sf) =	vpush v4, $0xF;
	v4 =	vnsel vm12, $0x0, v11  }
0x99: {  	s4 =	simm.s32 $0x70;
	s1 =	sadd.s32 s1, s24;
	s11 =	spop (v2sf);
	(xrf0) =	vadd.scan.msk.s32 $0xffff, v4  }
0x9a: {  	s3 =	simm.s32 $0x80;
	s6 =	simm.s32 $0x1;
	s25 =	ssub.s32 $0x10, s11;
	v11 =	vadd.s32 s1, v15  }
0x9b: {  	p1 =	por $0x1, $0x1;
	s12 =	simm.s32 $0x1;
	s13 =	simm.s32 $0x10070;
	v15 =	vmov s25;
	vm13 =	vgt.s32 v11, v3  }
0x9c: {  	[dreg:$0x1a] =	wrdreg s16;
	p0 =	sgt.s32 s5, $0x0;
	s26 =	spop (v2sf);
	vm1 =	veq.s32 v15, v2;
	(xrf0) =	vadd.scan.msk.s32 $0xffff, v7;
	v15 =	vsel vm13, $0x1, v0  }
0x9d: {  	s6 =	simm.s32 @!p0 $0x0;
	p0 =	por !p1, !p0;
	s1 =	sadd.s32 s1, s26;
	v4 =	vld [tilespmem:s13+$0x0];
	v10 =	vnsel vm1, $0x0, v10;
	(xrf0) =	vadd.scan.msk.s32 $0xffff, v15  }
0x9e: {  	s18 =	simm.s32 $0x0;
	s5 =	ssub.s32 $0x10, s5;
	p0 =	por !p0, !p0;
	(xrf0) =	vadd.scan.msk.s32 $0xffff, v10;
	v10 =	vadd.s32 s1, v16  }
0x9f: {  	s2 =	simm.s32 $0x90;
	s18 =	smov.u32 @p0 s5;
	p0 =	por p0, p0;
	v13 =	vnsel vm1, $0x0, v13;
	vm14 =	vgt.s32 v10, v3;
	v15, _, _ =	vpop (xrf0)  }
0xa0: {  	s21 =	simm.s32 $0x1;
	p2 =	slt.s32 s6, $0x0;
	p0 =	por p0, p0;
	(xrf0) =	vadd.scan.msk.s32 $0xffff, v13;
	v13 =	vsel vm14, $0x1, v0;
	(v2sf) =	vpush v15, $0xF  }
0xa1: {  	s23 =	simm.s32 $0x1;
	s6 =	smov.u32 @p2 s19;
	s0 =	simm.s32 @!p0 $0x0  }
0xa2: {  	s5 =	simm.s32 $0xA0;
	s0 =	simm.s32 @p0 $0x1;
	p2 =	sgt.s32 s11, $0x0;
	(xrf0) =	vadd.scan.msk.s32 $0xffff, v4  }
0xa3: {  	p4 =	seq.s32 s6, $0x0;
	[smem:$0x7FD] =	sst s0;
	s12 =	simm.s32 @!p2 $0x0;
	(xrf0) =	vadd.scan.msk.s32 $0xffff, v13;
	v13, _, _ =	vpop (xrf0)  }
0xa4: {  	p1 =	por !p4, !p2;
	p3 =	sgt.s32 s6, s12;
	s28 =	spop (v2sf);
	(v2sf) =	vpush v13, $0xF  }
0xa5: {  	p1 =	por !p1, !p1;
	s12 =	smov.u32 @p3 s6;
	s6 =	ssub.s32 $0x20, s11  }
0xa6: {  	p3 =	sgt.s32 s28, $0x0;
	s29 =	ssub.s32 $0x10, s28;
	s10 =	ssub.s32 $0x30, s28  }
0xa7: {  	s11 =	simm.s32 $0x10080;
	p5 =	seq.s32 s12, $0x0;
	s18 =	smov.u32 @p1 s6  }
0xa8: {  	s21 =	simm.s32 @!p3 $0x0;
	s6 =	simm.s32 $0xB0;
	p1 =	por p1, p1;
	v16 =	vmov s29  }
0xa9: {  	s13 =	simm.s32 $0xC0;
	p4 =	sgt.s32 s12, s21;
	p6 =	por !p5, !p3;
	v15, _, _ =	vpop (xrf0)  }
0xaa: {  	s21 =	smov.u32 @p4 s12;
	p2 =	por !p6, !p6;
	s30 =	spop (v2sf);
	vm15 =	veq.s32 v16, v2;
	(v2sf) =	vpush v15, $0xF;
	v15, _, _ =	vpop (xrf0)  }
0xab: {  	p3 =	seq.s32 s21, $0x0;
	s18 =	smov.u32 @p2 s10;
	v8 =	vnsel vm15, $0x0, v8;
	s22 =	spop (v2sf);
	v16, _, _ =	vpop (xrf0);
	(v2sf) =	vpush v15, $0xF  }
0xac: {  	s12 =	sadd.s32 s1, s30;
	v14 =	vnsel vm15, $0x0, v14;
	(xrf0) =	vadd.scan.msk.s32 $0xffff, v8;
	s31 =	ssub.s32 $0x10, s22;
	p5 =	sgt.s32 s22, $0x0;
	(v2sf) =	vpush v16, $0xF;
	v15, _, _ =	vpop (xrf0)  }
0xad: {  	s1 =	simm.s32 $0x0;
	v8 =	vld [tilespmem:s11+$0x0];
	(xrf0) =	vadd.scan.msk.s32 $0xffff, v14;
	v14 =	vadd.s32 s12, v13;
	v17 =	vmov s31;
	s23 =	simm.s32 @!p5 $0x0;
	(v2sf) =	vpush v15, $0xF;
	v16, _, _ =	vpop (xrf0);
	s10 =	spop (v2sf)  }
.LBB2_8:
0xae: {  	s15 =	smov.u32 s21  }
0xaf: {  	p0 =	sne.s32 s13, $0x400;
	s16 =	spop (v2sf);
	s17 =	smov.u32 s5  }
0xb0: {  	s5 =	smov.u32 s6;
	s6 =	smov.u32 s13;
	p4 =	por p3, p3  }
0xb1: {  	p3 =	por p2, p2;
	p2 =	por p1, p1;
	s28 =	sld [smem:$0x7FD]  }
0xb2: {  	s9 =	ssub.s32 s9, s22;
	s11 =	sadd.s32 $0x10, s11;
	s13 =	sadd.s32 $0x10, s13  }
0xb3: {  	s0 =	simm.s32 @!p0 $0x0;
	p5 =	por !p4, !p5;
	s29 =	spop (v2sf)  }
0xb4: {  	s0 =	simm.s32 @p0 $0x1;
	p0 =	sgt.s32 s21, s23;
	s21 =	smov.u32 s23  }
0xb5: {  	s12 =	sadd.s32 s12, s29;
	s23 =	simm.s32 $0x1;
	[smem:$0x7FC] =	sst s0  }
0xb6: {  	vm0 =	vgt.s32 v14, v3;
	(v2sf) =	vpush v16, $0xF;
	p1 =	seq.s32 s28, $0x1;
	s21 =	smov.u32 @p0 s15;
	s31 =	sld [smem:$0x7FC]  }
0xb7: {  	vm1 =	veq.s32 v17, v2;
	v16 =	vmov v15;
	v15 =	vsel vm0, $0x1, v0;
	v13, _, _ =	vpop (xrf0);
	p6 =	por p1, p1;
	p1 =	por p2, p2;
	(xrf0) =	vadd.scan.msk.s32 $0xffff, v8;
	p2 =	por !p5, !p5  }
0xb8: {  	v18 =	vnsel vm1, $0x0, v12;
	s0 =	simm.s32 @!p1 $0x0;
	v12, _, _ =	vpop (xrf0);
	(xrf0) =	vadd.scan.msk.s32 $0xffff, v15;
	s19 =	smov.u32 @p6 s10;
	s18 =	smov.u32 @p2 s9  }
0xb9: {  	s1 =	smov.u32 @p6 s16;
	s9 =	smov.u32 s8;
	p0 =	seq.s32 s31, $0x1  }
.Ltmp3:
0xba: {  	s8 =	smov.u32 s7;
	s7 =	smov.u32 s4;
	(pc) =	sbr.rel @p0 .LBB2_8-.Ltmp3, $4  }
0xbb: {  	v17 =	vnsel vm1, $0x0, v9;
	v9 =	vmov v6;
	(v2sf) =	vpush v13, $0xF;
	s4 =	smov.u32 s3;
	s3 =	smov.u32 s2;
	s2 =	smov.u32 s17  }
0xbc: {  	v6 =	vmovc v5;
	v5 =	vmovc v7;
	v7 =	vmov v4;
	v4 =	vmov v8;
	s0 =	simm.s32 @p1 $0x1;
	p1 =	por p3, p3;
	(v2sf) =	vpush v12, $0xF;
	s22 =	spop (v2sf)  }
0xbd: {  	p3 =	seq.s32 s21, $0x0;
	(xrf0) =	vadd.scan.msk.s32 $0xffff, v17;
	v12 =	vmov v11;
	v11 =	vmov v10;
	v10 =	vmov v14;
	s30 =	ssub.s32 $0x10, s22;
	p5 =	sgt.s32 s22, $0x0;
	v15, _, _ =	vpop (xrf0)  }
0xbe: {  	v8 =	vld [tilespmem:s11+$0x0];
	v14 =	vadd.s32 s12, v16;
	[smem:$0x7FD] =	sst s0;
	(xrf0) =	vadd.scan.msk.s32 $0xffff, v18;
	v17 =	vmov s30;
	s23 =	simm.s32 @!p5 $0x0;
	(v2sf) =	vpush v15, $0xF;
	v16, _, _ =	vpop (xrf0);
	s10 =	spop (v2sf)  }
0xbf: {  	_ =	sdelay $0x1  }
0xc0: {  	s13 =	sadd.s32 $0x10, s11  }
0xc1: {  	vm0 =	vgt.s32 v14, v3;
	v13 =	vld [tilespmem:s13+$0x0]  }
0xc2: {  	vm1 =	veq.s32 v17, v2;
	v17 =	vsel vm0, $0x1, v0;
	(xrf0) =	vadd.scan.msk.s32 $0xffff, v8  }
0xc3: {  	v9 =	vnsel vm1, $0x0, v9;
	(xrf0) =	vadd.scan.msk.s32 $0xffff, v17  }
0xc4: {  	v12 =	vnsel vm1, $0x0, v12;
	(xrf0) =	vadd.scan.msk.s32 $0xffff, v9  }
0xc5: {  	(xrf0) =	vadd.scan.msk.s32 $0xffff, v12  }
0xc6: {  	(v2sf) =	vpush v16, $0xF;
	v9, _, _ =	vpop (xrf0);
	(xrf0) =	vadd.scan.msk.s32 $0xffff, v13  }
0xc7: {  	v12, _, _ =	vpop (xrf0);
	(v2sf) =	vpush v9, $0xF  }
0xc8: {  	(v2sf) =	vpush v12, $0xF;
	v16, _, _ =	vpop (xrf0)  }
0xc9: {  	(v2sf) =	vpush v16, $0xF;
	v9, _, _ =	vpop (xrf0)  }
0xca: {  	(v2sf) =	vpush v9, $0xF;
	v9, _, _ =	vpop (xrf0)  }
0xcb: {  	v12, _, _ =	vpop (xrf0);
	(v2sf) =	vpush v9, $0xF  }
0xcc: {  	s0 =	spop (v2sf);
	(v2sf) =	vpush v12, $0xF;
	v17, _, _ =	vpop (xrf0)  }
0xcd: {  	s15 =	spop (v2sf);
	(v2sf) =	vpush v17, $0xF  }
0xce: {  	s12 =	sadd.s32 s12, s15;
	s25 =	spop (v2sf)  }
0xcf: {  	s13 =	sadd.s32 $0x10, s13;
	s30 =	ssub.s32 $0x10, s25;
	s15 =	spop (v2sf);
	v12 =	vadd.s32 s12, v15  }
0xd0: {  	v9 =	vld [tilespmem:s13+$0x0];
	s13 =	spop (v2sf);
	v15 =	vmov s30;
	vm0 =	vgt.s32 v12, v3  }
0xd1: {  	s16 =	spop (v2sf);
	vm1 =	veq.s32 v15, v2;
	v15 =	vsel vm0, $0x1, v0  }
0xd2: {  	s17 =	sadd.s32 s12, s16;
	v6 =	vnsel vm1, $0x0, v6;
	(xrf0) =	vadd.scan.msk.s32 $0xffff, v15  }
0xd3: {  	(xrf0) =	vadd.scan.msk.s32 $0xffff, v6;
	v6 =	vadd.s32 s17, v16  }
0xd4: {  	v11 =	vnsel vm1, $0x0, v11;
	vm0 =	vgt.s32 v6, v3  }
0xd5: {  	s26 =	spop (v2sf);
	(xrf0) =	vadd.scan.msk.s32 $0xffff, v11;
	v11 =	vsel vm0, $0x1, v0  }
0xd6: {  	s16 =	spop (v2sf)  }
0xd7: {  	s20 =	ssub.s32 $0x10, s26;
	(xrf0) =	vadd.scan.msk.s32 $0xffff, v9;
	s31 =	spop (v2sf)  }
0xd8: {  	v15 =	vmov s20;
	(xrf0) =	vadd.scan.msk.s32 $0xffff, v11;
	v11, _, _ =	vpop (xrf0);
	s28 =	spop (v2sf)  }
0xd9: {  	vm0 =	veq.s32 v15, v2;
	(v2sf) =	vpush v11, $0xF;
	s24 =	spop (v2sf)  }
0xda: {  	v10 =	vnsel vm0, $0x0, v10;
	v11, _, _ =	vpop (xrf0);
	s28 =	sadd.s32 s17, s28;
	s20 =	spop (v2sf)  }
0xdb: {  	v5 =	vnsel vm0, $0x0, v5;
	v16, _, _ =	vpop (xrf0);
	(v2sf) =	vpush v11, $0xF;
	s29 =	ssub.s32 $0x10, s24;
	v15 =	vadd.s32 s28, v17;
	s17 =	spop (v2sf)  }
0xdc: {  	(xrf0) =	vadd.scan.msk.s32 $0xffff, v5;
	(v2sf) =	vpush v16, $0xF;
	v5 =	vmov s29;
	vm0 =	vgt.s32 v15, v3;
	s11 =	spop (v2sf)  }
0xdd: {  	p3 =	por !p3, !p5;
	(xrf0) =	vadd.scan.msk.s32 $0xffff, v10;
	v10, _, _ =	vpop (xrf0);
	vm1 =	veq.s32 v5, v2;
	v5 =	vsel vm0, $0x1, v0;
	s28 =	sadd.s32 s28, s11  }
0xde: {  	p0 =	sgt.s32 s21, s23;
	s9 =	ssub.s32 s9, s22;
	p3 =	por !p3, !p3;
	(v2sf) =	vpush v10, $0xF;
	(xrf0) =	vadd.scan.msk.s32 $0xffff, v5;
	v5 =	vadd.s32 s28, v10;
	v10, _, _ =	vpop (xrf0)  }
0xdf: {  	[smem:$0x7F4] =	sst s0;
	s23 =	smov.u32 @p0 s21;
	s18 =	smov.u32 @p3 s9;
	v7 =	vnsel vm1, $0x0, v7;
	vm0 =	vgt.s32 v5, v3;
	(v2sf) =	vpush v10, $0xF  }
0xe0: {  	p4 =	sgt.s32 s25, $0x0;
	s9 =	ssub.s32 s8, s25;
	p6 =	sgt.s32 s26, $0x0;
	v11 =	vnsel vm1, $0x0, v14;
	(xrf0) =	vadd.scan.msk.s32 $0xffff, v7;
	v3 =	vsel vm0, $0x1, v0  }
0xe1: {  	s8 =	simm.s32 $0x1;
	s0 =	simm.s32 @!p6 $0x0;
	s29 =	simm.s32 $0x1;
	(xrf0) =	vadd.scan.msk.s32 $0xffff, v11  }
0xe2: {  	s30 =	simm.s32 $0x1;
	s0 =	simm.s32 @p6 $0x1;
	s29 =	simm.s32 @!p4 $0x0;
	(xrf0) =	vadd.scan.msk.s32 $0xffff, v3  }
0xe3: {  	s30 =	simm.s32 @!p6 $0x0;
	[smem:$0x7EA] =	sst s0;
	p0 =	sgt.s32 s23, s29;
	v3, _, _ =	vpop (xrf0)  }
0xe4: {  	[smem:$0x7F7] =	sst s31;
	p6 =	sgt.s32 s24, $0x0;
	s29 =	smov.u32 @p0 s23;
	v7, _, _ =	vpop (xrf0);
	(v2sf) =	vpush v3, $0xF  }
0xe5: {  	s31 =	simm.s32 $0x1;
	s0 =	simm.s32 @!p6 $0x0;
	p0 =	sgt.s32 s29, s30;
	(v2sf) =	vpush v7, $0xF;
	v3, _, _ =	vpop (xrf0)  }
0xe6: {  	s31 =	simm.s32 @!p6 $0x0;
	s0 =	simm.s32 @p6 $0x1;
	s30 =	smov.u32 @p0 s29;
	(v2sf) =	vpush v3, $0xF;
	v3, _, _ =	vpop (xrf0)  }
0xe7: {  	p6 =	seq.s32 s23, $0x0;
	[smem:$0x7EB] =	sst s0;
	p0 =	sgt.s32 s30, s31;
	v7, _, _ =	vpop (xrf0);
	(v2sf) =	vpush v3, $0xF  }
0xe8: {  	s31 =	smov.u32 @p0 s30;
	p0 =	por !p6, !p4;
	s28 =	spop (v2sf);
	(v2sf) =	vpush v7, $0xF;
	v3, _, _ =	vpop (xrf0)  }
0xe9: {  	s11 =	simm.s32 $0x1;
	p0 =	por !p0, !p0;
	p5 =	sgt.s32 s28, $0x0;
	(v2sf) =	vpush v3, $0xF  }
0xea: {  	s18 =	smov.u32 @p0 s9;
	s23 =	spop (v2sf);
	s0 =	simm.s32 @!p5 $0x0  }
0xeb: {  	s11 =	simm.s32 @!p5 $0x0;
	s22 =	spop (v2sf);
	s0 =	simm.s32 @p5 $0x1  }
0xec: {  	p4 =	sgt.s32 s31, s11;
	[smem:$0x7ED] =	sst s0;
	s0 =	simm.s32 @!p3 $0x0  }
0xed: {  	s12 =	spop (v2sf);
	s11 =	smov.u32 @p4 s31;
	s0 =	simm.s32 @p3 $0x1  }
0xee: {  	[smem:$0x7F5] =	sst s0;
	s0 =	simm.s32 @!p0 $0x0;
	s25 =	spop (v2sf)  }
0xef: {  	s12 =	ssub.s32 s7, s26;
	s0 =	simm.s32 @p0 $0x1;
	p3 =	sgt.s32 s25, $0x0  }
0xf0: {  	p4 =	seq.s32 s29, $0x0;
	[smem:$0x7F6] =	sst s0;
	s0 =	simm.s32 @!p3 $0x0  }
0xf1: {  	s7 =	ssub.s32 $0x10, s25;
	s8 =	simm.s32 @!p3 $0x0;
	s0 =	simm.s32 @p3 $0x1  }
0xf2: {  	p0 =	sgt.s32 s11, s8;
	[smem:$0x7EF] =	sst s0;
	s0 =	ssub.s32 $0x10, s28  }
0xf3: {  	s8 =	smov.u32 @p0 s11;
	p0 =	seq.s32 s30, $0x0;
	s21 =	spop (v2sf)  }
0xf4: {  	p3 =	seq.s32 s11, $0x0;
	v3 =	vmov s0;
	s0 =	simm.s32 @!p0 $0x0;
	s9 =	spop (v2sf)  }
0xf5: {  	s0 =	simm.s32 @p0 $0x1;
	p0 =	seq.s32 s31, $0x0;
	s26 =	spop (v2sf)  }
0xf6: {  	vm0 =	veq.s32 v3, v2;
	[smem:$0x7EC] =	sst s0;
	s0 =	simm.s32 $0x1;
	s30 =	spop (v2sf)  }
0xf7: {  	v3 =	vmov s7;
	v4 =	vnsel vm0, $0x0, v4;
	s31 =	simm.s32 @!p0 $0x0;
	s7 =	ssub.s32 $0x10, s26;
	s29 =	spop (v2sf)  }
0xf8: {  	v7 =	vnsel vm0, $0x0, v12;
	vm0 =	veq.s32 v3, v2;
	s31 =	simm.s32 @p0 $0x1;
	p0 =	seq.s32 s8, $0x0;
	v3 =	vmov s7;
	s7 =	spop (v2sf)  }
0xf9: {  	(xrf0) =	vadd.scan.msk.s32 $0xffff, v4;
	v4 =	vnsel vm0, $0x0, v8;
	[smem:$0x7EE] =	sst s31;
	s31 =	simm.s32 @!p0 $0x0;
	s11 =	ssub.s32 $0x10, s7  }
0xfa: {  	p6 =	sgt.s32 s26, $0x0;
	v6 =	vnsel vm0, $0x0, v6;
	vm0 =	veq.s32 v3, v2;
	s31 =	simm.s32 @p0 $0x1;
	v3 =	vmov s11;
	s11 =	sld [smem:$0x7EA]  }
0xfb: {  	s0 =	simm.s32 @!p6 $0x0;
	[smem:$0x7F0] =	sst s31  }
0xfc: {  	p5 =	sgt.s32 s8, s0;
	s31 =	sld [smem:$0x7EB]  }
0xfd: {  	s0 =	smov.u32 @p5 s8;
	p5 =	seq.s32 s11, $0x1;
	s11 =	sld [smem:$0x7EC]  }
0xfe: {  	_ = 	snop  }
0xff: {  	p0 =	por !p4, !p5  }
0x100: {  	p4 =	seq.s32 s31, $0x1;
	s31 =	sld [smem:$0x7ED];
	p5 =	seq.s32 s11, $0x1  }
0x101: {  	s11 =	sld [smem:$0x7EE];
	p4 =	por !p5, !p4  }
0x102: {  	s8 =	simm.s32 @!p4 $0x0  }
0x103: {  	s8 =	simm.s32 @p4 $0x1;
	p4 =	seq.s32 s31, $0x1;
	s31 =	sld [smem:$0x7EF]  }
0x104: {  	p5 =	seq.s32 s11, $0x1  }
0x105: {  	p4 =	por !p5, !p4  }
0x106: {  	[smem:$0x7F1] =	sst s8;
	s8 =	simm.s32 @!p4 $0x0;
	p5 =	seq.s32 s31, $0x1  }
0x107: {  	s8 =	simm.s32 @p4 $0x1;
	p3 =	por !p3, !p5  }
0x108: {  	[smem:$0x7F2] =	sst s8;
	s8 =	simm.s32 @!p3 $0x0  }
0x109: {  	p0 =	por !p0, !p0;
	s11 =	sld [smem:$0x7F0];
	s8 =	simm.s32 @p3 $0x1  }
0x10a: {  	(xrf0) =	vadd.scan.msk.s32 $0xffff, v7;
	p4 =	seq.s32 s0, $0x0;
	[smem:$0x7F3] =	sst s8;
	s8 =	simm.s32 @!p0 $0x0  }
0x10b: {  	(xrf0) =	vadd.scan.msk.s32 $0xffff, v4;
	s0 =	ssub.s32 s4, s24;
	s24 =	sld [smem:$0x7F1];
	s8 =	simm.s32 @p0 $0x1  }
0x10c: {  	(xrf0) =	vadd.scan.msk.s32 $0xffff, v6;
	v4 =	vnsel vm0, $0x0, v13;
	v6 =	vnsel vm0, $0x0, v15;
	vm0 =	veq.s32 v3, v2;
	[smem:$0x7F8] =	sst s8  }
0x10d: {  	v3 =	vnsel vm0, $0x0, v9;
	p5 =	seq.s32 s11, $0x1;
	s8 =	sld [smem:$0x7F2]  }
0x10e: {  	(xrf0) =	vadd.scan.msk.s32 $0xffff, v4;
	s18 =	smov.u32 @p0 s12;
	p6 =	por !p5, !p6;
	p5 =	seq.s32 s24, $0x1  }
0x10f: {  	(xrf0) =	vadd.scan.msk.s32 $0xffff, v6;
	v4, _, _ =	vpop (xrf0);
	p3 =	sgt.s32 s7, $0x0;
	p0 =	por !p5, !p5;
	s11 =	sld [smem:$0x7F3]  }
0x110: {  	(xrf0) =	vadd.scan.msk.s32 $0xffff, v3;
	(v2sf) =	vpush v4, $0xF;
	v3, _, _ =	vpop (xrf0);
	p4 =	por !p4, !p3;
	s4 =	simm.s32 @!p0 $0x0;
	p3 =	seq.s32 s8, $0x1  }
0x111: {  	v5 =	vnsel vm0, $0x0, v5;
	(v2sf) =	vpush v3, $0xF;
	v3, _, _ =	vpop (xrf0);
	s18 =	smov.u32 @p0 s0;
	s4 =	simm.s32 @p0 $0x1;
	p0 =	por !p3, !p3  }
0x112: {  	(xrf0) =	vadd.scan.msk.s32 $0xffff, v5;
	(v2sf) =	vpush v3, $0xF;
	s0 =	ssub.s32 s3, s28;
	p5 =	seq.s32 s11, $0x1;
	s3 =	simm.s32 @!p0 $0x0  }
0x113: {  	v4, _, _ =	vpop (xrf0);
	s18 =	smov.u32 @p0 s0;
	s3 =	simm.s32 @p0 $0x1;
	p0 =	por !p5, !p5  }
0x114: {  	(v2sf) =	vpush v4, $0xF;
	[smem:$0x7F9] =	sst s4;
	s0 =	ssub.s32 s2, s25;
	s2 =	simm.s32 @!p0 $0x0  }
0x115: {  	v5, _, _ =	vpop (xrf0);
	s31 =	simm.s32 $0x40;
	[smem:$0x7FA] =	sst s3;
	s2 =	simm.s32 @p0 $0x1  }
0x116: {  	v6, _, _ =	vpop (xrf0);
	(v2sf) =	vpush v5, $0xF;
	v19 =	vld [tilespmem:s31+$0xFFFFFFC0];
	[smem:$0x7FB] =	sst s2  }
0x117: {  	s12 =	sld [smem:$0x7FD];
	(v2sf) =	vpush v6, $0xF;
	v7, _, _ =	vpop (xrf0);
	v3 =	vld [tilespmem:s31+$0xFFFFFFD0]  }
0x118: {  	v8, _, _ =	vpop (xrf0);
	(v2sf) =	vpush v7, $0xF;
	p5 =	por !p6, !p6;
	s18 =	smov.u32 @p0 s0;
	s0 =	ssub.s32 s5, s26;
	v4 =	vld [tilespmem:s31+$0xFFFFFFE0]  }
0x119: {  	(v2sf) =	vpush v8, $0xF;
	p3 =	por !p4, !p4;
	s18 =	smov.u32 @p5 s0;
	s0 =	ssub.s32 s6, s7;
	v5 =	vld [tilespmem:s31+$0xFFFFFFF0]  }
0x11a: {  	s18 =	smov.u32 @p3 s0;
	s0 =	sld [smem:$0x7F4];
	v6 =	vld [tilespmem:s31+$0x0]  }
0x11b: {  	p6 =	seq.s32 s12, $0x1;
	v10 =	vmov s18;
	v7 =	vld [tilespmem:s31+$0x10];
	v9 =	vshrl.u32 v19, $0x15  }
0x11c: {  	p1 =	por p1, p1;
	p0 =	por p6, p6;
	vm1 =	veq.s32 v9, v10  }
0x11d: {  	p1 =	por p1, p1;
	s24 =	sld [smem:$0x7F8];
	v8 =	vld [tilespmem:s31+$0x20];
	s1 =	smov.u32 @p0 s0;
	v9 =	vshrl.u32 v3, $0x15;
	v11 =	vsel vm1, $0x1, v0;
	v12 =	vshrl.u32 v4, $0x15  }
0x11e: {  	p2 =	por p2, p2;
	s1 =	smov.u32 @p1 s13;
	s13 =	sld [smem:$0x7F5];
	vm0 =	veq.s32 v9, v10;
	v9 =	vld [tilespmem:s31+$0x30];
	vm3 =	veq.s32 v12, v10;
	v12 =	vshrl.u32 v5, $0x15  }
0x11f: {  	p2 =	por p2, p2;
	s25 =	sld [smem:$0x7F9];
	s5 =	spop (v2sf);
	(xrf0) =	vadd.scan.msk.s32 $0xffff, v11;
	v13 =	vsel vm0, $0x1, v0;
	vm2 =	veq.s32 v12, v10;
	v12 =	vshrl.u32 v6, $0x15  }
0x120: {  	s6 =	spop (v2sf);
	s26 =	sld [smem:$0x7FA];
	s19 =	smov.u32 @p0 s10;
	v11 =	vsel vm3, $0x1, v0;
	(xrf0) =	vadd.scan.msk.s32 $0xffff, v13;
	vm4 =	veq.s32 v12, v10;
	v12 =	vshrl.u32 v7, $0x15  }
0x121: {  	s4 =	spop (v2sf);
	s0 =	sld [smem:$0x7F7];
	p4 =	seq.s32 s13, $0x1;
	v13 =	vsel vm2, $0x1, v0;
	(xrf0) =	vadd.scan.msk.s32 $0xffff, v11;
	vm7 =	veq.s32 v12, v10  }
0x122: {  	s19 =	smov.u32 @p1 s15;
	s15 =	sld [smem:$0x7F6];
	p1 =	por p4, p4;
	v11 =	vsel vm4, $0x1, v0;
	v12 =	vshrl.u32 v8, $0x15;
	(xrf0) =	vadd.scan.msk.s32 $0xffff, v13;
	v13 =	vsel vm7, $0x1, v0  }
0x123: {  	s3 =	spop (v2sf);
	p0 =	por p2, p2;
	p1 =	por p1, p1;
	vm5 =	veq.s32 v12, v10;
	v12 =	vshrl.u32 v9, $0x15;
	(xrf0) =	vadd.scan.msk.s32 $0xffff, v11  }
0x124: {  	s19 =	smov.u32 @p0 s16;
	s1 =	smov.u32 @p0 s0;
	p0 =	por p1, p1;
	v11 =	vsel vm5, $0x1, v0;
	vm6 =	veq.s32 v12, v10;
	(xrf0) =	vadd.scan.msk.s32 $0xffff, v13  }
0x125: {  	s10 =	spop (v2sf);
	s19 =	smov.u32 @p0 s20;
	s20 =	simm.s32 $0xC0;
	v12 =	vsel vm6, $0x1, v0;
	v13, _, _ =	vpop (xrf0);
	(xrf0) =	vadd.scan.msk.s32 $0xffff, v11  }
0x126: {  	s2 =	simm.s32 $0x0;
	s11 =	spop (v2sf);
	p6 =	seq.s32 s15, $0x1;
	v11 =	vld [tilespmem:s20+$0xFFFFFFC0];
	(v2sf) =	vpush v13, $0xF;
	v13, _, _ =	vpop (xrf0);
	(xrf0) =	vadd.scan.msk.s32 $0xffff, v12  }
0x127: {  	s28 =	sld [smem:$0x7FB];
	s7 =	spop (v2sf);
	p2 =	por p6, p6;
	v12 =	vld [tilespmem:s20+$0xFFFFFFD0];
	(v2sf) =	vpush v13, $0xF;
	v13, _, _ =	vpop (xrf0)  }
0x128: {  	p6 =	seq.s32 s24, $0x1;
	s8 =	spop (v2sf);
	vm8 =	vmmov vm1;
	p4 =	por p2, p2;
	(v2sf) =	vpush v13, $0xF;
	v14, _, _ =	vpop (xrf0);
	v13 =	vld [tilespmem:s20+$0xFFFFFFE0]  }
0x129: {  	vm1 =	vmmov vm0;
	vm0 =	vmmov vm3;
	p1 =	por p6, p6;
	p6 =	seq.s32 s26, $0x1;
	s1 =	smov.u32 @p0 s17;
	(v2sf) =	vpush v14, $0xF;
	v15, _, _ =	vpop (xrf0);
	v14 =	vld [tilespmem:s20+$0xFFFFFFF0]  }
0x12a: {  	vm3 =	vmmov vm2;
	vm2 =	vmmov vm4;
	p0 =	por p4, p4;
	p2 =	por p1, p1;
	p4 =	seq.s32 s25, $0x1;
	(v2sf) =	vpush v15, $0xF;
	v16, _, _ =	vpop (xrf0);
	v15 =	vld [tilespmem:s20+$0x0]  }
0x12b: {  	vm4 =	vmmov vm7;
	s19 =	smov.u32 @p0 s23;
	s1 =	smov.u32 @p0 s22;
	p1 =	por p4, p4;
	v18 =	vshrl.u32 v11, $0x15;
	(v2sf) =	vpush v16, $0xF;
	v17, _, _ =	vpop (xrf0);
	v16 =	vld [tilespmem:s20+$0x10]  }
0x12c: {  	vm5 =	vmmov vm5;
	p0 =	por p2, p2;
	p2 =	por p6, p6;
	p6 =	seq.s32 s28, $0x1;
	vm12 =	veq.s32 v18, v10;
	(v2sf) =	vpush v17, $0xF;
	v20, _, _ =	vpop (xrf0)  }
0x12d: {  	p1 =	por p1, p1;
	s19 =	smov.u32 @p0 s21;
	s1 =	smov.u32 @p0 s9;
	v18 =	vshrl.u32 v12, $0x15;
	v17 =	vld [tilespmem:s20+$0x20];
	(v2sf) =	vpush v20, $0xF;
	v21 =	vshrl.u32 v13, $0x15  }
0x12e: {  	[tilespmem:s2+$0x10800] =	vst.msk vm8, v19;
	p4 =	por p2, p2;
	p2 =	por p6, p6;
	p0 =	por p1, p1;
	vm9 =	veq.s32 v18, v10;
	v18 =	vld [tilespmem:s20+$0x30];
	v20 =	vsel vm12, $0x1, v0;
	vm11 =	veq.s32 v21, v10  }
0x12f: {  	p6 =	por p3, p3;
	p2 =	por p2, p2;
	s19 =	smov.u32 @p0 s30;
	v19 =	vsel vm9, $0x1, v0;
	v59 =	vshrl.u32 v14, $0x15;
	(xrf0) =	vadd.scan.msk.s32 $0xffff, v20;
	v20 =	vsel vm11, $0x1, v0  }
0x130: {  	s1 =	smov.u32 @p0 s29;
	p0 =	por p4, p4;
	p4 =	por p5, p5;
	vm10 =	veq.s32 v59, v10;
	v60 =	vshrl.u32 v15, $0x15;
	(xrf0) =	vadd.scan.msk.s32 $0xffff, v19;
	v61 =	vshrl.u32 v16, $0x15  }
0x131: {  	s19 =	smov.u32 @p0 s5;
	s1 =	smov.u32 @p0 s6;
	p0 =	por p2, p2;
	v19 =	vsel vm10, $0x1, v0;
	vm8 =	veq.s32 v60, v10;
	(xrf0) =	vadd.scan.msk.s32 $0xffff, v20;
	vm7 =	veq.s32 v61, v10  }
0x132: {  	p5 =	por p4, p4;
	p2 =	por p6, p6;
	s19 =	smov.u32 @p0 s4;
	v20 =	vsel vm8, $0x1, v0;
	v62 =	vshrl.u32 v17, $0x15;
	(xrf0) =	vadd.scan.msk.s32 $0xffff, v19;
	v19 =	vsel vm7, $0x1, v0  }
0x133: {  	vm13 =	vmmov vm5;
	p1 =	por p5, p5;
	s1 =	smov.u32 @p0 s3;
	p0 =	por p2, p2;
	v63 =	vshrl.u32 v18, $0x15;
	vm14 =	veq.s32 v62, v10;
	(xrf0) =	vadd.scan.msk.s32 $0xffff, v20  }
0x134: {  	vm6 =	vmmov vm6;
	s3 =	simm.s32 $0x8;
	s4 =	simm.s32 $0x140;
	s19 =	smov.u32 @p1 s10;
	vm15 =	veq.s32 v63, v10;
	v20 =	vsel vm14, $0x1, v0;
	(xrf0) =	vadd.scan.msk.s32 $0xffff, v19  }
0x135: {  	s1 =	smov.u32 @p1 s11;
	s19 =	smov.u32 @p0 s7;
	vm12 =	vmmov vm12;
	v21 =	vsel vm15, $0x1, v0;
	vm5 =	vmmov vm14;
	v19, _, _ =	vpop (xrf0);
	(xrf0) =	vadd.scan.msk.s32 $0xffff, v20;
	s31 =	spop (v2sf)  }
0x136: {  	s1 =	smov.u32 @p0 s8;
	vm14 =	vmmov vm6;
	vm6 =	vmmov vm15;
	(v2sf) =	vpush v19, $0xF;
	v19, _, _ =	vpop (xrf0);
	(xrf0) =	vadd.scan.msk.s32 $0xffff, v21;
	s5 =	sadd.s32 $0x0, s31;
	s6 =	spop (v2sf)  }
.LBB2_10:
0x137: {  	v20 =	vld [tilespmem:s4+$0xFFFFFFC0];
	s3 =	sadd.s32 $0x8, s3;
	(v2sf) =	vpush v19, $0xF;
	v19, _, _ =	vpop (xrf0);
	[tilespmem:s5+$0x10800] =	vst.msk vm1, v3;
	s0 =	sadd.s32 s5, s6;
	s5 =	spop (v2sf);
	v3 =	vmov v12;
	vm1 =	vmmov vm9  }
0x138: {  	v12 =	vld [tilespmem:s4+$0xFFFFFFD0];
	p1 =	slt.u32 s3, $0x7F8;
	(v2sf) =	vpush v19, $0xF;
	v19, _, _ =	vpop (xrf0);
	[tilespmem:s0+$0x10800] =	vst.msk vm0, v4;
	s0 =	sadd.s32 s0, s5;
	s5 =	spop (v2sf);
	v4 =	vmov v13;
	vm0 =	vmmov vm11  }
0x139: {  	v13 =	vld [tilespmem:s4+$0xFFFFFFE0];
	(v2sf) =	vpush v19, $0xF;
	v19, _, _ =	vpop (xrf0);
	[tilespmem:s0+$0x10800] =	vst.msk vm3, v5;
	s0 =	sadd.s32 s0, s5;
	s5 =	spop (v2sf);
	v5 =	vmov v14;
	vm3 =	vmmov vm10  }
0x13a: {  	v14 =	vld [tilespmem:s4+$0xFFFFFFF0];
	(v2sf) =	vpush v19, $0xF;
	v19, _, _ =	vpop (xrf0);
	[tilespmem:s0+$0x10800] =	vst.msk vm2, v6;
	s0 =	sadd.s32 s0, s5;
	s5 =	spop (v2sf);
	v6 =	vmov v15;
	vm2 =	vmmov vm8  }
0x13b: {  	v15 =	vld [tilespmem:s4+$0x0];
	(v2sf) =	vpush v19, $0xF;
	v19, _, _ =	vpop (xrf0);
	[tilespmem:s0+$0x10800] =	vst.msk vm4, v7;
	s0 =	sadd.s32 s0, s5;
	s5 =	spop (v2sf);
	v7 =	vmov v16;
	vm4 =	vmmov vm7  }
0x13c: {  	v21 =	vshrl.u32 v20, $0x15;
	v16 =	vld [tilespmem:s4+$0x10];
	(v2sf) =	vpush v19, $0xF;
	v19, _, _ =	vpop (xrf0);
	[tilespmem:s0+$0x10800] =	vst.msk vm13, v8;
	s0 =	sadd.s32 s0, s5;
	s5 =	spop (v2sf);
	v8 =	vmov v17  }
0x13d: {  	p0 =	por $0x1, $0x1;
	vm13 =	veq.s32 v21, v10;
	v21 =	vshrl.u32 v12, $0x15;
	v17 =	vld [tilespmem:s4+$0x20];
	(v2sf) =	vpush v19, $0xF;
	[tilespmem:s0+$0x10800] =	vst.msk vm14, v9;
	s0 =	sadd.s32 s0, s5;
	v9 =	vmovc v18  }
0x13e: {  	v19 =	vsel vm13, $0x1, v0;
	vm9 =	veq.s32 v21, v10;
	v21 =	vshrl.u32 v13, $0x15;
	v18 =	vld [tilespmem:s4+$0x30];
	[tilespmem:s0+$0x10800] =	vst.msk vm12, v11;
	v11 =	vmovc v20  }
0x13f: {  	v20 =	vsel vm9, $0x1, v0;
	vm11 =	veq.s32 v21, v10;
	v21 =	vshrl.u32 v14, $0x15;
	(xrf0) =	vadd.scan.msk.s32 $0xffff, v19  }
0x140: {  	v19 =	vsel vm11, $0x1, v0;
	vm10 =	veq.s32 v21, v10;
	v21 =	vshrl.u32 v15, $0x15;
	(xrf0) =	vadd.scan.msk.s32 $0xffff, v20  }
0x141: {  	v20 =	vsel vm10, $0x1, v0;
	vm8 =	veq.s32 v21, v10;
	v21 =	vshrl.u32 v16, $0x15;
	(xrf0) =	vadd.scan.msk.s32 $0xffff, v19  }
.Ltmp4:
0x142: {  	v19 =	vsel vm8, $0x1, v0;
	vm7 =	veq.s32 v21, v10;
	v21 =	vshrl.u32 v17, $0x15;
	(xrf0) =	vadd.scan.msk.s32 $0xffff, v20;
	(pc) =	sbr.rel @p1 .LBB2_10-.Ltmp4, $4  }
0x143: {  	v20 =	vsel vm7, $0x1, v0;
	vm14 =	veq.s32 v21, v10;
	v22 =	vshrl.u32 v18, $0x15;
	(xrf0) =	vadd.scan.msk.s32 $0xffff, v19  }
0x144: {  	vm12 =	vmmov vm13;
	v23 =	vsel vm14, $0x1, v0;
	vm15 =	veq.s32 v22, v10;
	(xrf0) =	vadd.scan.msk.s32 $0xffff, v20  }
0x145: {  	vm13 =	vmmov vm5;
	vm5 =	vmmov vm14;
	v20 =	vsel vm15, $0x1, v0;
	v21, _, _ =	vpop (xrf0);
	(xrf0) =	vadd.scan.msk.s32 $0xffff, v23;
	s5 =	spop (v2sf)  }
0x146: {  	s4 =	sadd.s32 $0x80, s4;
	vm14 =	vmmov vm6;
	vm6 =	vmmov vm15;
	(v2sf) =	vpush v21, $0xF;
	v19, _, _ =	vpop (xrf0);
	(xrf0) =	vadd.scan.msk.s32 $0xffff, v20;
	s5 =	sadd.s32 s0, s5;
	s6 =	spop (v2sf)  }
0x147: {  	(v2sf) =	vpush v19, $0xF;
	v10, _, _ =	vpop (xrf0)  }
0x148: {  	(v2sf) =	vpush v10, $0xF;
	v59, _, _ =	vpop (xrf0)  }
0x149: {  	(v2sf) =	vpush v59, $0xF;
	v60, _, _ =	vpop (xrf0)  }
0x14a: {  	(v2sf) =	vpush v60, $0xF;
	v61, _, _ =	vpop (xrf0)  }
0x14b: {  	(v2sf) =	vpush v61, $0xF;
	v62, _, _ =	vpop (xrf0)  }
0x14c: {  	(v2sf) =	vpush v62, $0xF  }
0x14d: {  	v63, _, _ =	vpop (xrf0)  }
0x14e: {  	(v2sf) =	vpush v63, $0xF  }
0x14f: {  	[tilespmem:s5+$0x10800] =	vst.msk vm1, v3;
	s0 =	sadd.s32 s5, s6;
	s3 =	spop (v2sf)  }
0x150: {  	[tilespmem:s0+$0x10800] =	vst.msk vm0, v4;
	s0 =	sadd.s32 s0, s3;
	s16 =	spop (v2sf)  }
0x151: {  	[tilespmem:s0+$0x10800] =	vst.msk vm3, v5;
	s0 =	sadd.s32 s0, s16;
	s17 =	spop (v2sf)  }
0x152: {  	[tilespmem:s0+$0x10800] =	vst.msk vm2, v6;
	s0 =	sadd.s32 s0, s17;
	s20 =	spop (v2sf)  }
0x153: {  	[tilespmem:s0+$0x10800] =	vst.msk vm4, v7;
	s0 =	sadd.s32 s0, s20;
	s21 =	spop (v2sf)  }
0x154: {  	[tilespmem:s0+$0x10800] =	vst.msk vm13, v8;
	s0 =	sadd.s32 s0, s21;
	s22 =	spop (v2sf)  }
0x155: {  	[tilespmem:s0+$0x10800] =	vst.msk vm14, v9;
	s0 =	sadd.s32 s0, s22;
	s23 =	spop (v2sf)  }
0x156: {  	vm4 =	vmmov vm9;
	[tilespmem:s0+$0x10800] =	vst.msk vm12, v11;
	s0 =	sadd.s32 s0, s23;
	s24 =	spop (v2sf)  }
0x157: {  	vm9 =	vmmov vm11;
	[tilespmem:s0+$0x10800] =	vst.msk vm4, v12;
	s0 =	sadd.s32 s0, s24;
	s25 =	spop (v2sf)  }
0x158: {  	vm11 =	vmmov vm10;
	[tilespmem:s0+$0x10800] =	vst.msk vm9, v13;
	s0 =	sadd.s32 s0, s25;
	s26 =	spop (v2sf)  }
0x159: {  	vm12 =	vmmov vm8;
	[tilespmem:s0+$0x10800] =	vst.msk vm11, v14;
	s0 =	sadd.s32 s0, s26;
	s28 =	spop (v2sf)  }
0x15a: {  	vm13 =	vmmov vm7;
	[tilespmem:s0+$0x10800] =	vst.msk vm12, v15;
	s0 =	sadd.s32 s0, s28;
	s29 =	spop (v2sf)  }
0x15b: {  	vm14 =	vmmov vm5;
	[tilespmem:s0+$0x10800] =	vst.msk vm13, v16;
	s0 =	sadd.s32 s0, s29;
	s30 =	spop (v2sf)  }
0x15c: {  	vm15 =	vmmov vm6;
	[tilespmem:s0+$0x10800] =	vst.msk vm14, v17;
	s0 =	sadd.s32 s0, s30  }
0x15d: {  	s31 =	spop (v2sf);
	[tilespmem:s0+$0x10800] =	vst.msk vm15, v18  }
.LBB2_12:
0x15e: {  	s0 =	sshra.s32 s2, $0x2  }
0x15f: {  	[tilespmem:s0+$0x10000] =	vst v0  }
0x160: {  	[tilespmem:s0+$0x10010] =	vst v0  }
0x161: {  	p1 =	por p0, p0;
	[tilespmem:s0+$0x10020] =	vst v0  }
.Ltmp5:
0x162: {  	[tilespmem:s0+$0x10030] =	vst v0;
	(pc) =	sbr.rel @p1 .LBB2_12-.Ltmp5, $4  }
0x163: {  	[tilespmem:s0+$0x10040] =	vst v0  }
0x164: {  	[tilespmem:s0+$0x10050] =	vst v0  }
0x165: {  	[tilespmem:s0+$0x10060] =	vst v0  }
0x166: {  	s2 =	simm.s32 $0x200;
	p0 =	por $0x0, $0x0;
	[tilespmem:s0+$0x10070] =	vst v0  }
0x167: {  	s0 =	sadd.s32 $0xF, s19  }
0x168: {  	p0 =	slt.s32 s0, $0x10  }
.Ltmp6:
0x169: {  	s2 =	sshra.s32 s0, $0x1F;
	(pc) =	sbr.rel @p0 .LBB2_20-.Ltmp6, $4  }
0x16a: {  	s2 =	sshrl.u32 s2, $0x1C  }
0x16b: {  	s2 =	sadd.s32 s2, s0;
	s0 =	simm.s32 @!p0 $0x0  }
0x16c: {  	s0 =	simm.s32 @p0 $0x1  }
0x16d: {  	v3 =	vmov s19;
	s6 =	sshra.s32 s2, $0x4;
	[smem:$0x7E9] =	sst s0  }
0x16e: {  	p1 =	sne.s32 s6, $0x1  }
.Ltmp7:
0x16f: {  	_ = 	snop;
	(pc) =	sbr.rel @!p1 .LBB2_15-.Ltmp7, $3  }
0x170: {  	_ =	sdelay $0x1  }
0x171: {  	s3 =	simm.s32 $0x10800  }
0x172: {  	s2 =	simm.s32 $0x0;
	p0 =	por $0x0, $0x0;
	v4 =	vld [tilespmem:s3+$0x0];
	s3 =	sadd.s32 $0xFFFFFFFF, s6  }
0x173: {  	_ =	sdelay $0x2  }
0x174: {  	v5 =	vor.u32 s2, v2  }
0x175: {  	vm0 =	vlt.s32 v5, v3;
	v4 =	vshrl.u32 v4, $0xD  }
0x176: {  	v4 =	vand.u32 $0xFF, v4  }
0x177: {  	p1 =	sne.s32 s3, $0x1  }
.Ltmp8:
0x178: {  	_ = 	snop;
	(pc) =	sbr.rel @!p1 .LBB2_17-.Ltmp8, $3  }
0x179: {  	_ =	sdelay $0x1  }
0x17a: {  	s4 =	simm.s32 $0x10810;
	[tilespmem:v4+s14+$0x0] =	vst.idx.add.s32.msk vm0, v1  }
0x17b: {  	s5 =	sadd.s32 $0xFFFFFFFF, s3;
	p0 =	por $0x1, $0x1;
	s3 =	simm.s32 $0x0;
	v4 =	vld [tilespmem:s4+$0x0]  }
.LBB2_18:
0x17c: {  	p1 =	sne.s32 s5, $0x1;
	_ =	sdelay $0x1  }
0x17d: {  	s3 =	sadd.s32 $0x10, s3  }
0x17e: {  	v5 =	vor.u32 s3, v2  }
0x17f: {  	vm0 =	vlt.s32 v5, v3;
	v4 =	vshrl.u32 v4, $0xD  }
0x180: {  	v4 =	vand.u32 $0xFF, v4;
	_ =	sdelay $0x1  }
.Ltmp9:
0x181: {  	(pc) =	sbr.rel @p1 .LBB2_18-.Ltmp9, $3  }
0x182: {  	_ =	sdelay $0x1  }
0x183: {  	s4 =	sadd.s32 $0x10, s4;
	[tilespmem:v4+s14+$0x0] =	vst.idx.add.s32.msk vm0, v1  }
0x184: {  	s5 =	sadd.s32 $0xFFFFFFFF, s5;
	v4 =	vld [tilespmem:s4+$0x0]  }
.LBB2_19:
0x185: {  	_ = 	snop  }
0x186: {  	s0 =	sadd.s32 @p0 $0x10, s3  }
0x187: {  	s2 =	smov.u32 @p0 s0  }
0x188: {  	v5 =	vor.u32 s2, v2  }
0x189: {  	vm0 =	vlt.s32 v5, v3;
	v4 =	vshrl.u32 v4, $0xD  }
0x18a: {  	v4 =	vand.u32 $0xFF, v4;
	_ =	sdelay $0x4  }
0x18b: {  	[tilespmem:v4+s14+$0x0] =	vst.idx.add.s32.msk vm0, v1  }
.LBB2_20:
0x18c: {  	p0 =	por $0x0, $0x0  }
.Ltmp10:
0x18d: {  	s0 =	rddreg [dreg:$0x1a];
	(pc) =	sbr.rel @p0 .LBB2_21-.Ltmp10, $4  }
0x18e: {  	s0 =	sadd.s32 s1, s0  }
0x18f: {  	s21 =	sadd.s32 $0xFFFF8100, s0  }
0x190: {  	s0 =	ssub.s32 s19, s21  }
0x191: {  	s22 =	simm.s32 $0x0;
	s28 =	simm.s32 $0x10000;
	[dreg:$0xa] =	wrdreg s6;
	v4 =	vmov s0  }
0x192: {  	p0 =	por $0x0, $0x0  }
.Ltmp11:
0x193: {  	_ = 	snop;
	(pc) =	sbr.rel @p0 .LBB2_23-.Ltmp11, $1  }
0x194: {  	_ =	sdelay $0x3  }
0x195: {  	p0 =	por $0x0, $0x0  }
.Ltmp12:
0x196: {  	_ = 	snop;
	(pc) =	sbr.rel @p0 .LBB2_25-.Ltmp12, $2  }
0x197: {  	_ =	sdelay $0x2  }
0x198: {  	v11 =	vld [tilespmem:s28+$0x0]  }
0x199: {  	_ =	sdelay $0x3  }
0x19a: {  	(xrf0) =	vadd.scan.msk.s32 $0xffff, v11;
	_ =	sdelay $0x1  }
0x19b: {  	p0 =	por $0x0, $0x0  }
.Ltmp13:
0x19c: {  	_ = 	snop;
	(pc) =	sbr.rel @p0 .LBB2_27-.Ltmp13, $3  }
0x19d: {  	_ =	sdelay $0x1  }
0x19e: {  	s0 =	simm.s32 $0x10010;
	v7, _, _ =	vpop (xrf0)  }
0x19f: {  	v6 =	vld [tilespmem:s0+$0x0];
	(v2sf) =	vpush v7, $0xF  }
0x1a0: {  	_ =	sdelay $0x3  }
0x1a1: {  	(xrf0) =	vadd.scan.msk.s32 $0xffff, v6;
	_ =	sdelay $0x1  }
0x1a2: {  	p0 =	por $0x0, $0x0  }
.Ltmp14:
0x1a3: {  	_ = 	snop;
	(pc) =	sbr.rel @p0 .LBB2_29-.Ltmp14, $3  }
0x1a4: {  	_ =	sdelay $0x1  }
0x1a5: {  	s0 =	simm.s32 $0x10020;
	v21, _, _ =	vpop (xrf0)  }
0x1a6: {  	v13 =	vadd.s32 s22, v7;
	v5 =	vld [tilespmem:s0+$0x0];
	(v2sf) =	vpush v21, $0xF  }
0x1a7: {  	_ =	sdelay $0x2  }
0x1a8: {  	vm0 =	vgt.s32 v13, v4  }
0x1a9: {  	v7 =	vsel vm0, $0x1, v0;
	(xrf0) =	vadd.scan.msk.s32 $0xffff, v5  }
0x1aa: {  	(xrf0) =	vadd.scan.msk.s32 $0xffff, v7  }
0x1ab: {  	p0 =	por $0x0, $0x0  }
.Ltmp15:
0x1ac: {  	_ = 	snop;
	(pc) =	sbr.rel @p0 .LBB2_31-.Ltmp15, $4  }
0x1ad: {  	_ = 	snop  }
0x1ae: {  	s1 =	spop (v2sf)  }
0x1af: {  	s0 =	simm.s32 $0x10030;
	s4 =	sadd.s32 $0x0, s1;
	v10, _, _ =	vpop (xrf0)  }
0x1b0: {  	v9 =	vadd.s32 s4, v21;
	v7 =	vld [tilespmem:s0+$0x0];
	(v2sf) =	vpush v10, $0xF;
	v28, _, _ =	vpop (xrf0)  }
0x1b1: {  	_ =	sdelay $0x2  }
0x1b2: {  	vm0 =	vgt.s32 v9, v4  }
0x1b3: {  	v8 =	vsel vm0, $0x1, v0;
	(xrf0) =	vadd.scan.msk.s32 $0xffff, v7  }
0x1b4: {  	(xrf0) =	vadd.scan.msk.s32 $0xffff, v8  }
0x1b5: {  	p0 =	por $0x0, $0x0  }
.Ltmp16:
0x1b6: {  	_ = 	snop;
	(pc) =	sbr.rel @p0 .LBB2_33-.Ltmp16, $4  }
0x1b7: {  	_ = 	snop  }
0x1b8: {  	s1 =	spop (v2sf)  }
0x1b9: {  	s0 =	simm.s32 $0x10040;
	(v2sf) =	vpush v28, $0xF;
	s4 =	sadd.s32 s4, s1;
	v21, _, _ =	vpop (xrf0)  }
0x1ba: {  	v16 =	vld [tilespmem:s0+$0x0];
	v10 =	vadd.s32 s4, v10;
	(v2sf) =	vpush v21, $0xF;
	v19, _, _ =	vpop (xrf0)  }
0x1bb: {  	_ =	sdelay $0x8  }
0x1bc: {  	vm0 =	vgt.s32 v10, v4  }
0x1bd: {  	v8 =	vsel vm0, $0x1, v0;
	(xrf0) =	vadd.scan.msk.s32 $0xffff, v16  }
0x1be: {  	s1 =	spop (v2sf);
	(xrf0) =	vadd.scan.msk.s32 $0xffff, v8  }
0x1bf: {  	p0 =	por $0x0, $0x0;
	p2 =	por $0x1, $0x1;
	s4 =	sadd.s32 s4, s1  }
.Ltmp17:
0x1c0: {  	s1 =	simm.s32 @!p2 $0x0;
	s17 =	spop (v2sf);
	(pc) =	sbr.rel @p0 .LBB2_35-.Ltmp17, $4  }
0x1c1: {  	s0 =	simm.s32 $0x10050;
	s1 =	simm.s32 @p2 $0x1;
	p3 =	sgt.s32 s17, $0x0  }
0x1c2: {  	s29 =	simm.s32 $0x1;
	[smem:$0x7DC] =	sst s1;
	s1 =	simm.s32 @!p3 $0x0  }
0x1c3: {  	v18, _, _ =	vpop (xrf0);
	(v2sf) =	vpush v19, $0xF;
	s31 =	ssub.s32 $0x10, s17;
	[smem:$0x7DB] =	sst s17;
	s1 =	simm.s32 @p3 $0x1  }
0x1c4: {  	s30 =	simm.s32 $0x90;
	v14 =	vld [tilespmem:s0+$0x0];
	v17 =	vadd.s32 s4, v21;
	v29, _, _ =	vpop (xrf0);
	(v2sf) =	vpush v18, $0xF;
	v22 =	vmov s31;
	s29 =	simm.s32 @!p3 $0x0;
	[smem:$0x7DD] =	sst s1  }
0x1c5: {  	_ =	sdelay $0x5  }
0x1c6: {  	p1 =	slt.s32 s29, $0x0;
	s20 =	smov.u32 s29  }
0x1c7: {  	s1 =	spop (v2sf);
	s20 =	smov.u32 @p1 s22;
	p1 =	por $0x1, $0x1  }
0x1c8: {  	p2 =	por !p2, !p3;
	s4 =	sadd.s32 s4, s1;
	s1 =	simm.s32 @!p1 $0x0  }
0x1c9: {  	vm0 =	vgt.s32 v17, v4;
	p4 =	por !p2, !p2;
	s1 =	simm.s32 @p1 $0x1  }
0x1ca: {  	v8 =	vsel vm0, $0x1, v0;
	(xrf0) =	vadd.scan.msk.s32 $0xffff, v14;
	[smem:$0x7E0] =	sst s1;
	s1 =	simm.s32 @!p4 $0x0  }
0x1cb: {  	p0 =	por $0x0, $0x0;
	s0 =	ssub.s32 $0x10, s17;
	(xrf0) =	vadd.scan.msk.s32 $0xffff, v8;
	s1 =	simm.s32 @p4 $0x1  }
0x1cc: {  	s2 =	simm.s32 $0x0;
	p6 =	seq.s32 s20, $0x0;
	[smem:$0x7D8] =	sst s1  }
.Ltmp18:
0x1cd: {  	s1 =	simm.s32 @!p6 $0x0;
	s11 =	spop (v2sf);
	(pc) =	sbr.rel @p0 .LBB2_37-.Ltmp18, $4  }
0x1ce: {  	vm15 =	veq.s32 v22, v2;
	s31 =	simm.s32 $0x1;
	s1 =	simm.s32 @p6 $0x1;
	p2 =	sgt.s32 s11, $0x0  }
0x1cf: {  	s2 =	smov.u32 @p4 s0;
	v8 =	vnsel vm15, $0x0, v11;
	[smem:$0x7D9] =	sst s1;
	s1 =	simm.s32 @!p2 $0x0  }
0x1d0: {  	v12 =	vnsel vm15, $0x0, v13;
	s0 =	simm.s32 $0x10060;
	(xrf0) =	vadd.scan.msk.s32 $0xffff, v8;
	v34, _, _ =	vpop (xrf0);
	(v2sf) =	vpush v29, $0xF;
	s26 =	ssub.s32 $0x10, s11;
	s1 =	simm.s32 @p2 $0x1  }
0x1d1: {  	v24 =	vadd.s32 s4, v18;
	v20 =	vld [tilespmem:s0+$0x0];
	(xrf0) =	vadd.scan.msk.s32 $0xffff, v12;
	v40, _, _ =	vpop (xrf0);
	(v2sf) =	vpush v34, $0xF;
	v32 =	vmov s26;
	s26 =	simm.s32 $0xA0;
	s31 =	simm.s32 @!p2 $0x0;
	[smem:$0x7DA] =	sst s1  }
0x1d2: {  	s0 =	simm.s32 $0x70  }
0x1d3: {  	s12 =	simm.s32 $0x80;
	[dreg:$0x1e] =	wrdreg s0  }
0x1d4: {  	s13 =	simm.s32 $0x50;
	s15 =	simm.s32 $0x10;
	[dreg:$0x1c] =	wrdreg s12  }
0x1d5: {  	s16 =	simm.s32 $0x60;
	s17 =	simm.s32 $0x30;
	[dreg:$0x18] =	wrdreg s13  }
0x1d6: {  	s23 =	simm.s32 $0x20;
	s24 =	simm.s32 $0x40;
	[dreg:$0x16] =	wrdreg s15  }
0x1d7: {  	p0 =	por $0x1, $0x1;
	p1 =	sgt.s32 s20, s31;
	[dreg:$0x14] =	wrdreg s16  }
0x1d8: {  	p5 =	por p4, p4;
	p2 =	por !p6, !p2;
	[dreg:$0x12] =	wrdreg s17  }
0x1d9: {  	vm0 =	vgt.s32 v24, v4;
	s3 =	smov.u32 s31;
	s7 =	smov.u32 s2;
	[dreg:$0x10] =	wrdreg s23  }
0x1da: {  	s5 =	spop (v2sf);
	[dreg:$0xe] =	wrdreg s24;
	s0 =	simm.s32 @!p0 $0x0;
	v8 =	vsel vm0, $0x1, v0  }
0x1db: {  	s3 =	smov.u32 @p1 s20;
	p3 =	por !p2, !p2;
	p1 =	por $0x1, $0x1  }
0x1dc: {  	s0 =	simm.s32 @p0 $0x1;
	p0 =	por $0x1, $0x1;
	s1 =	simm.s32 @!p1 $0x0;
	(xrf0) =	vadd.scan.msk.s32 $0xffff, v20  }
0x1dd: {  	(v2sf) =	vpush v40, $0xF;
	[smem:$0x7E1] =	sst s0;
	s0 =	simm.s32 @!p0 $0x0;
	s1 =	simm.s32 @p1 $0x1;
	(xrf0) =	vadd.scan.msk.s32 $0xffff, v8;
	v8, _, _ =	vpop (xrf0)  }
0x1de: {  	s0 =	simm.s32 @p0 $0x1;
	p0 =	por $0x1, $0x1;
	[smem:$0x7DF] =	sst s1;
	v15, _, _ =	vpop (xrf0);
	(v2sf) =	vpush v8, $0xF  }
0x1df: {  	s1 =	simm.s32 @!p3 $0x0;
	[smem:$0x7E2] =	sst s0;
	s0 =	simm.s32 @!p0 $0x0;
	(v2sf) =	vpush v15, $0xF  }
0x1e0: {  	s4 =	sadd.s32 s4, s5;
	s1 =	simm.s32 @p3 $0x1;
	s0 =	simm.s32 @p0 $0x1  }
0x1e1: {  	p0 =	por $0x1, $0x1;
	[smem:$0x7D3] =	sst s1;
	s1 =	simm.s32 @!p5 $0x0  }
0x1e2: {  	[smem:$0x7E3] =	sst s0;
	s0 =	simm.s32 @!p0 $0x0;
	s1 =	simm.s32 @p5 $0x1  }
0x1e3: {  	s0 =	simm.s32 @p0 $0x1;
	p0 =	por $0x1, $0x1;
	[smem:$0x7D4] =	sst s1  }
0x1e4: {  	p6 =	seq.s32 s3, $0x0;
	[smem:$0x7E4] =	sst s0;
	s0 =	simm.s32 @!p0 $0x0  }
0x1e5: {  	s1 =	simm.s32 @!p6 $0x0;
	s0 =	simm.s32 @p0 $0x1;
	p0 =	por $0x1, $0x1  }
0x1e6: {  	s1 =	simm.s32 @p6 $0x1;
	v35, _, _ =	vpop (xrf0);
	[smem:$0x7E5] =	sst s0;
	s0 =	simm.s32 @!p0 $0x0  }
0x1e7: {  	[smem:$0x7D5] =	sst s1;
	(v2sf) =	vpush v35, $0xF;
	s0 =	simm.s32 @p0 $0x1;
	p0 =	por $0x0, $0x0  }
.Ltmp19:
0x1e8: {  	s24 =	simm.s32 $0x1;
	s8 =	spop (v2sf);
	(pc) =	sbr.rel @p0 .LBB2_39-.Ltmp19, $4  }
0x1e9: {  	vm15 =	veq.s32 v32, v2;
	[smem:$0x7E6] =	sst s0;
	s0 =	ssub.s32 $0x20, s11;
	p4 =	sgt.s32 s8, $0x0  }
0x1ea: {  	v12 =	vnsel vm15, $0x0, v6;
	s7 =	smov.u32 @p3 s0;
	s0 =	simm.s32 $0x10070;
	s1 =	simm.s32 @!p4 $0x0  }
0x1eb: {  	v8 =	vnsel vm15, $0x0, v9;
	(xrf0) =	vadd.scan.msk.s32 $0xffff, v12;
	s25 =	ssub.s32 $0x10, s8;
	[smem:$0x7E8] =	sst s7;
	s1 =	simm.s32 @p4 $0x1  }
0x1ec: {  	s23 =	simm.s32 $0xB0;
	v37 =	vadd.s32 s4, v34;
	(xrf0) =	vadd.scan.msk.s32 $0xffff, v8;
	v38, _, _ =	vpop (xrf0);
	v39 =	vld [tilespmem:s0+$0x0];
	v33 =	vmov s25;
	s24 =	simm.s32 @!p4 $0x0;
	[smem:$0x7D6] =	sst s1  }
0x1ed: {  	_ = 	snop  }
0x1ee: {  	[dreg:$0xc] =	wrdreg s21;
	p0 =	sgt.s32 s3, s24  }
0x1ef: {  	p2 =	por p5, p5;
	p1 =	por p4, p4;
	p4 =	por p3, p3  }
0x1f0: {  	s20 =	smov.u32 s24;
	s0 =	ssub.s32 $0x30, s8;
	s16 =	spop (v2sf)  }
0x1f1: {  	vm0 =	vgt.s32 v37, v4;
	s12 =	simm.s32 $0x1;
	s28 =	simm.s32 $0xC0;
	p1 =	por !p6, !p1;
	(xrf0) =	vadd.scan.msk.s32 $0xffff, v39  }
0x1f2: {  	v8 =	vsel vm0, $0x1, v0;
	s20 =	smov.u32 @p0 s3;
	p0 =	por !p1, !p1;
	p1 =	por $0x1, $0x1  }
0x1f3: {  	s13 =	simm.s32 $0x40;
	s5 =	simm.s32 $0x0;
	s1 =	simm.s32 @!p1 $0x0;
	(xrf0) =	vadd.scan.msk.s32 $0xffff, v8  }
0x1f4: {  	(v2sf) =	vpush v38, $0xF;
	s6 =	simm.s32 $0x0;
	s1 =	simm.s32 @p1 $0x1;
	p1 =	por $0x0, $0x0  }
.Ltmp20:
0x1f5: {  	vm15 =	veq.s32 v33, v2;
	s10 =	simm.s32 $0x50;
	v27 =	vmov v7;
	v31 =	vmov v17;
	s15 =	simm.s32 $0x70;
	v8, _, _ =	vpop (xrf0);
	(pc) =	sbr.rel @p1 .LBB2_41-.Ltmp20, $4  }
0x1f6: {  	v30 =	vmov v16;
	v23 =	vmov v14;
	s17 =	spop (v2sf);
	s4 =	sadd.s32 s4, s16;
	s16 =	simm.s32 $0x60;
	v15, _, _ =	vpop (xrf0);
	(v2sf) =	vpush v8, $0xF  }
0x1f7: {  	v18 =	vmov v20;
	v12 =	vnsel vm15, $0x0, v5;
	s3 =	simm.s32 $0x80;
	p6 =	seq.s32 s20, $0x0;
	p3 =	sgt.s32 s17, $0x0;
	(v2sf) =	vpush v15, $0xF;
	v21, _, _ =	vpop (xrf0)  }
0x1f8: {  	v36 =	vmovc v24;
	v25 =	vmov v37;
	s21 =	ssub.s32 $0x10, s17;
	s7 =	smov.u32 @p0 s0;
	s0 =	simm.s32 $0x10080;
	v8 =	vnsel vm15, $0x0, v10;
	(xrf0) =	vadd.scan.msk.s32 $0xffff, v12;
	(v2sf) =	vpush v21, $0xF  }
0x1f9: {  	s25 =	spop (v2sf);
	s12 =	simm.s32 @!p3 $0x0;
	v26 =	vmov s21;
	[smem:$0x7DE] =	sst s1;
	v12 =	vadd.s32 s4, v35;
	(xrf0) =	vadd.scan.msk.s32 $0xffff, v8;
	v8 =	vld [tilespmem:s0+$0x0];
	v15 =	vmov v39;
	v28, _, _ =	vpop (xrf0)  }
.LBB2_42:
0x1fa: {  	s9 =	smov.u32 s20;
	p1 =	seq.s32 s28, $0x100  }
0x1fb: {  	p5 =	sgt.s32 s20, s12;
	s21 =	spop (v2sf);
	p3 =	por !p6, !p3  }
0x1fc: {  	s13 =	ssub.s32 s13, s17;
	s20 =	smov.u32 s12;
	s1 =	simm.s32 @!p1 $0x0  }
0x1fd: {  	s0 =	sadd.s32 $0x10, s0;
	s20 =	smov.u32 @p5 s9;
	s1 =	simm.s32 @p1 $0x1  }
0x1fe: {  	p1 =	por p2, p2;
	p2 =	por p4, p4;
	[smem:$0x7D1] =	sst s1  }
0x1ff: {  	vm0 =	vgt.s32 v12, v4;
	(v2sf) =	vpush v28, $0xF;
	p4 =	por p0, p0;
	s6 =	smov.u32 @p1 s21;
	s21 =	sld [smem:$0x7D1]  }
0x200: {  	vm1 =	veq.s32 v26, v2;
	v28 =	vmov v21;
	v21 =	vsel vm0, $0x1, v0;
	p6 =	seq.s32 s20, $0x0;
	p0 =	por !p3, !p3;
	s1 =	smov.u32 s26;
	v26, _, _ =	vpop (xrf0);
	(xrf0) =	vadd.scan.msk.s32 $0xffff, v8  }
0x201: {  	v42 =	vnsel vm1, $0x0, v31;
	s26 =	smov.u32 s23;
	s23 =	smov.u32 s28;
	s5 =	smov.u32 @p1 s25;
	v31, _, _ =	vpop (xrf0);
	(xrf0) =	vadd.scan.msk.s32 $0xffff, v21  }
0x202: {  	s7 =	smov.u32 @p0 s13;
	s13 =	smov.u32 s10;
	p1 =	seq.s32 s21, $0x1  }
.Ltmp21:
0x203: {  	s10 =	smov.u32 s16;
	s25 =	spop (v2sf);
	(pc) =	sbr.rel @!p1 .LBB2_42-.Ltmp21, $4  }
0x204: {  	v41 =	vnsel vm1, $0x0, v27;
	v27 =	vmov v30;
	s16 =	smov.u32 s15;
	s15 =	smov.u32 s3;
	(v2sf) =	vpush v26, $0xF;
	s17 =	spop (v2sf)  }
0x205: {  	v30 =	vmovc v23;
	v23 =	vmovc v18;
	v18 =	vmov v15;
	s3 =	smov.u32 s30;
	s28 =	sadd.s32 $0x10, s28;
	v15 =	vmov v8;
	(v2sf) =	vpush v31, $0xF;
	s12 =	ssub.s32 $0x10, s17  }
0x206: {  	s4 =	sadd.s32 s4, s25;
	(xrf0) =	vadd.scan.msk.s32 $0xffff, v41;
	v31 =	vmov v36;
	v36 =	vmov v25;
	p3 =	sgt.s32 s17, $0x0;
	v26 =	vmov s12;
	s12 =	simm.s32 $0x1;
	v21, _, _ =	vpop (xrf0)  }
0x207: {  	v8 =	vld [tilespmem:s0+$0x0];
	s30 =	smov.u32 s1;
	v25 =	vmov v12;
	v12 =	vadd.s32 s4, v28;
	(xrf0) =	vadd.scan.msk.s32 $0xffff, v42;
	s12 =	simm.s32 @!p3 $0x0;
	(v2sf) =	vpush v21, $0xF;
	v28, _, _ =	vpop (xrf0);
	s25 =	spop (v2sf)  }
0x208: {  	s1 =	simm.s32 @!p0 $0x0  }
0x209: {  	s1 =	simm.s32 @p0 $0x1  }
0x20a: {  	[smem:$0x7D7] =	sst s1;
	s1 =	simm.s32 @!p4 $0x0  }
0x20b: {  	s21 =	smov.u32 s26;
	p1 =	por $0x1, $0x1;
	s1 =	simm.s32 @p4 $0x1  }
0x20c: {  	s26 =	smov.u32 s23;
	[smem:$0x7D2] =	sst s1;
	s1 =	simm.s32 @!p1 $0x0  }
0x20d: {  	s23 =	smov.u32 s21;
	s21 =	rddreg [dreg:$0xc];
	s1 =	simm.s32 @p1 $0x1  }
0x20e: {  	s28 =	simm.s32 $0x10000;
	[smem:$0x7E7] =	sst s1  }
.LBB2_44:
0x20f: {  	s1 =	sld [smem:$0x7E1];
	_ =	sdelay $0x2  }
0x210: {  	p0 =	seq.s32 s1, $0x1  }
0x211: {  	s9 =	sld [smem:$0x7DE];
	p1 =	sgt.s32 @p0 s20, s12  }
0x212: {  	s1 =	ssub.s32 @p0 s13, s17;
	s13 =	sld [smem:$0x7E4];
	p1 =	por !p1, !p0  }
0x213: {  	s17 =	sld [smem:$0x7E2];
	s20 =	smov.u32 @p1 s12;
	s12 =	simm.s32 $0x0  }
0x214: {  	p1 =	por @p0 !p6, !p3;
	p3 =	seq.s32 s9, $0x1;
	s12 =	smov.u32 @p0 s20  }
0x215: {  	p2 =	por @p3 p2, p2;
	p5 =	por @p0 !p1, !p1;
	s20 =	sld [smem:$0x7E3]  }
0x216: {  	s9 =	simm.s32 @!p5 $0x0;
	p1 =	por !p2, !p3;
	p2 =	por !p5, !p0  }
0x217: {  	s9 =	simm.s32 @p5 $0x1;
	s25 =	smov.u32 @p1 s5;
	p5 =	seq.s32 s13, $0x1  }
0x218: {  	s1 =	smov.u32 @p2 s7;
	[smem:$0x7C4] =	sst s9;
	s9 =	simm.s32 @!p0 $0x0  }
0x219: {  	p6 =	seq.s32 s20, $0x1;
	s20 =	sld [smem:$0x7E6];
	s9 =	simm.s32 @p0 $0x1  }
0x21a: {  	s5 =	simm.s32 @!p5 $0x0;
	[smem:$0x7E1] =	sst s9;
	s9 =	spop @p3 (v2sf)  }
0x21b: {  	s5 =	simm.s32 @p5 $0x1;
	p0 =	seq.s32 s17, $0x1;
	s13 =	spop @p5 (v2sf)  }
0x21c: {  	s7 =	simm.s32 $0x1;
	[smem:$0x7E4] =	sst s5;
	s5 =	spop @p0 (v2sf)  }
0x21d: {  	s17 =	rddreg [dreg:$0xe];
	s9 =	smov.u32 @p1 s6;
	p1 =	sgt.s32 @p0 s5, $0x0  }
0x21e: {  	p2 =	seq.s32 s20, $0x1;
	s20 =	sld [smem:$0x7E8];
	s6 =	simm.s32 @!p1 $0x0  }
0x21f: {  	s0 =	sadd.s32 @p2 $0x10, s0;
	p4 =	por !p1, !p0;
	s6 =	simm.s32 @p1 $0x1  }
0x220: {  	s7 =	simm.s32 @p4 $0x0;
	[smem:$0x7BE] =	sst s6;
	s6 =	simm.s32 $0x10000  }
0x221: {  	s24 =	smov.u32 @p0 s7;
	s7 =	simm.s32 $0x0;
	s6 =	smov.u32 @p2 s0  }
0x222: {  	s0 =	simm.s32 @!p2 $0x0;
	s7 =	smov.u32 @p3 s25;
	p1 =	sgt.s32 @p0 s12, s24  }
0x223: {  	(xrf0) =	vadd.scan.msk.s32 @p2 $0xffff, v8;
	s25 =	sld [smem:$0x7E1];
	s0 =	simm.s32 @p2 $0x1;
	p2 =	seq.s32 @p0 s12, $0x0  }
0x224: {  	[smem:$0x7E6] =	sst s0;
	s0 =	sadd.s32 @p5 s4, s13;
	s13 =	simm.s32 $0x0  }
0x225: {  	s4 =	simm.s32 $0x0;
	s13 =	smov.u32 @p3 s9;
	p3 =	por !p1, !p0  }
0x226: {  	s4 =	smov.u32 @p5 s0;
	s12 =	smov.u32 @p3 s24;
	s24 =	rddreg [dreg:$0x12]  }
0x227: {  	s0 =	smov.u32 @p0 s10;
	p1 =	seq.s32 s25, $0x1;
	s9 =	smov.u32 s24  }
0x228: {  	s8 =	smov.u32 @p0 s5;
	s20 =	smov.u32 @p1 s1;
	s9 =	smov.u32 @p0 s0  }
0x229: {  	s0 =	simm.s32 @!p6 $0x0;
	s1 =	ssub.s32 @p0 s9, s8;
	s9 =	sld [smem:$0x7E0]  }
0x22a: {  	s0 =	simm.s32 @p6 $0x1;
	s8 =	sld [smem:$0x7BE]  }
0x22b: {  	[smem:$0x7E3] =	sst s0  }
0x22c: {  	vm0 =	vgt.s32 @p5 v12, v4;
	s10 =	smov.u32 s17;
	s0 =	smov.u32 @p6 s16;
	s16 =	sld [smem:$0x7D5]  }
0x22d: {  	(v2sf) =	vpush @p6 v28, $0xF;
	v28 =	vsel @p5 vm0, $0x1, v0;
	s25 =	sld [smem:$0x7D6];
	s10 =	smov.u32 @p6 s0  }
0x22e: {  	(xrf0) =	vadd.scan.msk.s32 @p5 $0xffff, v28;
	p6 =	por p0, p0;
	p5 =	seq.s32 s9, $0x1;
	s9 =	sld [smem:$0x7DF]  }
0x22f: {  	p4 =	seq.s32 s8, $0x1;
	p0 =	seq.s32 s16, $0x1;
	s16 =	sld [smem:$0x7D2]  }
0x230: {  	s8 =	sld [smem:$0x7E6];
	p2 =	por @!p6 p0, p0;
	p0 =	seq.s32 s25, $0x1  }
0x231: {  	s25 =	sld [smem:$0x7E4];
	p4 =	por @!p6 p0, p0  }
0x232: {  	p1 =	seq.s32 s9, $0x1;
	p3 =	seq.s32 s16, $0x1;
	p2 =	por @p6 !p2, !p4  }
0x233: {  	v28, _, _ =	vpop @p5 (xrf0);
	s0 =	spop @p1 (v2sf);
	p3 =	por @p1 p3, p3;
	p4 =	por @p6 !p2, !p2  }
0x234: {  	(v2sf) =	vpush @p5 v28, $0xF;
	v28, _, _ =	vpop @p5 (xrf0);
	p3 =	por @!p1 p0, p0;
	p0 =	seq.s32 s8, $0x1;
	s8 =	smov.u32 @p1 s0  }
0x235: {  	(v2sf) =	vpush @p5 v28, $0xF;
	s0 =	simm.s32 @!p4 $0x0;
	v28, _, _ =	vpop @p0 (xrf0);
	p0 =	por @p1 p3, p3;
	p3 =	seq.s32 s25, $0x1  }
0x236: {  	s0 =	simm.s32 @p4 $0x1;
	s25 =	sld [smem:$0x7E6];
	p0 =	por !p0, !p1  }
0x237: {  	[smem:$0x7C8] =	sst s0;
	s0 =	simm.s32 @!p0 $0x0  }
0x238: {  	s9 =	sld [smem:$0x7E5];
	s0 =	simm.s32 @p0 $0x1  }
0x239: {  	[smem:$0x7BF] =	sst s0  }
0x23a: {  	s8 =	smov.u32 @p0 s7;
	p0 =	seq.s32 s25, $0x1;
	s25 =	sld [smem:$0x7BF]  }
0x23b: {  	s16 =	spop @p1 (v2sf);
	p2 =	por p6, p6  }
0x23c: {  	p6 =	seq.s32 s9, $0x1;
	p4 =	por !p4, !p2;
	s7 =	sld [smem:$0x7E3]  }
0x23d: {  	s9 =	spop @p6 (v2sf);
	s1 =	smov.u32 @p4 s20;
	p4 =	seq.s32 s25, $0x1  }
0x23e: {  	s20 =	rddreg [dreg:$0x10];
	s16 =	smov.u32 @p4 s13;
	s13 =	simm.s32 $0x0  }
0x23f: {  	v41, _, _ =	vpop @p3 (xrf0);
	(v2sf) =	vpush @p0 v28, $0xF;
	p0 =	seq.s32 s7, $0x1;
	s13 =	smov.u32 @p2 s12;
	s12 =	simm.s32 @!p2 $0x0  }
0x240: {  	v38 =	vpsel p3, v41, v38;
	s2 =	smov.u32 @p2 s1;
	s0 =	spop @p0 (v2sf);
	s12 =	simm.s32 @p2 $0x1  }
0x241: {  	(v2sf) =	vpush @p3 v38, $0xF;
	p3 =	sgt.s32 @p0 s0, $0x0;
	[smem:$0x7E2] =	sst s12;
	s12 =	smov.u32 s20  }
0x242: {  	s7 =	simm.s32 @!p3 $0x0;
	s12 =	smov.u32 @p0 s10;
	s10 =	sld [smem:$0x7E7]  }
0x243: {  	s1 =	simm.s32 $0x0;
	s25 =	sld [smem:$0x7E1];
	s7 =	simm.s32 @p3 $0x1  }
0x244: {  	p3 =	por !p3, !p0;
	[smem:$0x7C0] =	sst s7;
	s7 =	simm.s32 $0x1  }
0x245: {  	s7 =	simm.s32 @p3 $0x0;
	p3 =	seq.s32 s10, $0x1;
	s10 =	simm.s32 $0x0  }
0x246: {  	p4 =	por p0, p0;
	s10 =	smov.u32 @p1 s8;
	s8 =	sld [smem:$0x7D7]  }
0x247: {  	s1 =	smov.u32 @p1 s16;
	s11 =	smov.u32 @p4 s0;
	s16 =	sld [smem:$0x7D4]  }
0x248: {  	p2 =	seq.s32 s25, $0x1;
	s25 =	sld [smem:$0x7D9];
	s31 =	smov.u32 @p0 s7  }
0x249: {  	s7 =	ssub.s32 @p4 s12, s11;
	s11 =	sld [smem:$0x7DA];
	p0 =	seq.s32 s8, $0x1  }
0x24a: {  	vm0 =	veq.s32 @p2 v26, v2;
	s12 =	sld [smem:$0x7C0];
	p1 =	seq.s32 s16, $0x1;
	p0 =	por @p5 p0, p0  }
0x24b: {  	v26 =	vnsel @p2 vm0, $0x0, v27;
	p2 =	seq.s32 s25, $0x1;
	p0 =	por @!p5 p1, p1;
	p1 =	seq.s32 @p4 s13, $0x0  }
0x24c: {  	s16 =	sld [smem:$0x7E1];
	s8 =	simm.s32 @!p0 $0x0;
	p1 =	por @!p4 p2, p2  }
0x24d: {  	p2 =	seq.s32 s11, $0x1;
	s8 =	simm.s32 @p0 $0x1;
	p0 =	seq.s32 s12, $0x1  }
0x24e: {  	[smem:$0x7C1] =	sst s8;
	p0 =	por @!p4 p2, p2  }
0x24f: {  	p2 =	seq.s32 s16, $0x1;
	s16 =	sld [smem:$0x7D3];
	s8 =	simm.s32 @!p0 $0x0  }
0x250: {  	s11 =	sld [smem:$0x7C1];
	s8 =	simm.s32 @p0 $0x1;
	p0 =	sgt.s32 @p4 s13, s31  }
0x251: {  	[smem:$0x7C0] =	sst s8;
	s8 =	simm.s32 @!p0 $0x0  }
0x252: {  	s8 =	simm.s32 @p0 $0x1;
	s25 =	sld [smem:$0x7C0]  }
0x253: {  	[smem:$0x7C2] =	sst s8  }
0x254: {  	s12 =	sld [smem:$0x7C2]  }
0x255: {  	p0 =	seq.s32 s25, $0x1;
	s25 =	sld [smem:$0x7E1]  }
0x256: {  	v31 =	vnsel @p2 vm0, $0x0, v31;
	(xrf0) =	vadd.scan.msk.s32 @p2 $0xffff, v26;
	p1 =	por @p4 !p1, !p0;
	p0 =	seq.s32 s11, $0x1;
	s11 =	sld [smem:$0x7E6]  }
0x257: {  	(xrf0) =	vadd.scan.msk.s32 @p2 $0xffff, v31;
	p0 =	por @p5 p0, p0;
	p2 =	seq.s32 s12, $0x1;
	p1 =	por @p4 !p1, !p1  }
0x258: {  	s12 =	sld [smem:$0x7E3];
	p2 =	por !p2, !p4;
	p0 =	por @!p5 p0, p0  }
0x259: {  	s8 =	simm.s32 @!p1 $0x0;
	s13 =	smov.u32 @p2 s31;
	s31 =	sld [smem:$0x7C4]  }
0x25a: {  	v38 =	vld @p3 [tilespmem:s6+$0x0];
	s8 =	simm.s32 @p1 $0x1;
	p0 =	por @p5 p0, p0;
	p1 =	por !p1, !p4  }
0x25b: {  	v21 =	vadd.s32 @p6 s4, v21;
	p2 =	seq.s32 s25, $0x1;
	s25 =	sld [smem:$0x7D8];
	s7 =	smov.u32 @p1 s2  }
0x25c: {  	v27 =	vpsel p6, v21, v37;
	p4 =	por !p0, !p5;
	p1 =	seq.s32 s16, $0x1;
	p0 =	seq.s32 s31, $0x1  }
0x25d: {  	vm0 =	vgt.s32 @p6 v27, v4;
	[smem:$0x7CA] =	sst s8;
	s8 =	spop @p5 (v2sf);
	p0 =	por @!p2 p1, p1  }
0x25e: {  	v21 =	vsel @p6 vm0, $0x1, v0;
	s16 =	sld [smem:$0x7E4];
	s2 =	smov.u32 @p5 s8;
	s8 =	simm.s32 @!p0 $0x0  }
0x25f: {  	v26 =	vpsel p3, v38, v39;
	s2 =	smov.u32 @p4 s10;
	s31 =	sld [smem:$0x7C8];
	s8 =	simm.s32 @p0 $0x1  }
0x260: {  	(xrf0) =	vadd.scan.msk.s32 @p3 $0xffff, v26;
	s10 =	spop @p5 (v2sf);
	p0 =	seq.s32 s11, $0x1;
	[smem:$0x7C4] =	sst s8  }
0x261: {  	(xrf0) =	vadd.scan.msk.s32 @p6 $0xffff, v21;
	v21, _, _ =	vpop @p2 (xrf0);
	s8 =	spop @p0 (v2sf);
	p0 =	seq.s32 s12, $0x1;
	s12 =	sld [smem:$0x7E2]  }
0x262: {  	v31, _, _ =	vpop @p2 (xrf0);
	(v2sf) =	vpush @p2 v21, $0xF;
	s10 =	smov.u32 @p4 s1;
	s1 =	sadd.s32 @p3 $0x10, s6;
	s6 =	simm.s32 $0x0  }
0x263: {  	s28 =	smov.u32 @p3 s1;
	p1 =	seq.s32 s31, $0x1;
	(v2sf) =	vpush @p2 v31, $0xF;
	p2 =	seq.s32 s16, $0x1  }
0x264: {  	s6 =	smov.u32 @p0 s13;
	p0 =	seq.s32 s25, $0x1;
	p4 =	seq.s32 s12, $0x1  }
0x265: {  	s31 =	sld [smem:$0x7DD];
	s1 =	spop @p2 (v2sf);
	p1 =	por @!p4 p0, p0  }
0x266: {  	s5 =	ssub.s32 @p4 $0x10, s5;
	p4 =	sgt.s32 @p2 s1, $0x0;
	s11 =	simm.s32 @!p1 $0x0  }
0x267: {  	v58 =	vld [tilespmem:s28+$0x0];
	s28 =	sld [smem:$0x7E1];
	s11 =	simm.s32 @p1 $0x1;
	p1 =	por !p4, !p2  }
0x268: {  	[smem:$0x7C8] =	sst s11;
	s11 =	simm.s32 @!p1 $0x0  }
0x269: {  	s13 =	sld [smem:$0x7E2];
	s11 =	simm.s32 @p1 $0x1  }
0x26a: {  	[smem:$0x7C3] =	sst s11  }
0x26b: {  	s16 =	sld [smem:$0x7C3]  }
0x26c: {  	s4 =	sadd.s32 @p6 s4, s9;
	s25 =	sld [smem:$0x7DC]  }
0x26d: {  	s12 =	sld [smem:$0x7E2];
	p0 =	seq.s32 @p2 s6, $0x0;
	p1 =	seq.s32 s13, $0x1  }
0x26e: {  	s13 =	sld [smem:$0x7E6];
	s11 =	simm.s32 $0x1;
	v37 =	vmov @p1 s5;
	p1 =	seq.s32 s16, $0x1  }
0x26f: {  	s16 =	sld [smem:$0x7E1];
	s11 =	simm.s32 @p1 $0x0;
	p1 =	seq.s32 s25, $0x1  }
0x270: {  	s9 =	simm.s32 $0x0;
	s25 =	rddreg [dreg:$0x18];
	p0 =	por @!p2 p1, p1  }
0x271: {  	p1 =	seq.s32 s31, $0x1;
	s29 =	smov.u32 @p2 s11;
	s5 =	simm.s32 @!p0 $0x0  }
0x272: {  	s11 =	sld [smem:$0x7DB];
	p4 =	por @!p2 p1, p1;
	s5 =	simm.s32 @p0 $0x1  }
0x273: {  	s9 =	smov.u32 @p5 s10;
	[smem:$0x7C5] =	sst s5;
	s5 =	simm.s32 @!p4 $0x0  }
0x274: {  	p1 =	seq.s32 s12, $0x1;
	p0 =	seq.s32 s16, $0x1;
	s5 =	simm.s32 @p4 $0x1  }
0x275: {  	v33 =	vpsel p1, v37, v33;
	p4 =	seq.s32 s13, $0x1;
	[smem:$0x7C6] =	sst s5;
	s5 =	simm.s32 $0x0  }
0x276: {  	v30 =	vpsel p1, v30, v5;
	s16 =	rddreg [dreg:$0x16];
	vm0 =	veq.s32 @p1 v33, v2;
	v28 =	vpsel p4, v28, v35;
	v35 =	vmovc @p1 v36;
	s5 =	smov.u32 @p6 s4;
	s4 =	simm.s32 $0x0  }
0x277: {  	v30 =	vnsel @p1 vm0, $0x0, v30;
	v33 =	vpsel p1, v35, v10;
	s4 =	smov.u32 @p5 s2;
	s2 =	smov.u32 @p2 s15;
	s15 =	sld [smem:$0x7C4]  }
0x278: {  	s10 =	smov.u32 s25;
	s13 =	sld [smem:$0x7E2];
	(xrf0) =	vadd.scan.msk.s32 @p1 $0xffff, v30;
	v33 =	vnsel @p1 vm0, $0x0, v33;
	p5 =	por p1, p1  }
0x279: {  	s31 =	sld [smem:$0x7C6];
	s10 =	smov.u32 @p2 s2;
	(xrf0) =	vadd.scan.msk.s32 @p5 $0xffff, v33;
	p5 =	sgt.s32 @p2 s6, s29  }
0x27a: {  	s2 =	smov.u32 @p2 s10;
	s10 =	smov.u32 s24;
	p1 =	seq.s32 s15, $0x1  }
0x27b: {  	p5 =	por !p5, !p2;
	s10 =	smov.u32 @p2 s2;
	p1 =	por @p0 p1, p1  }
0x27c: {  	v31, _, _ =	vpop @p3 (xrf0);
	v28 =	vadd.s32 @p4 s5, v28;
	p1 =	por @!p0 p0, p0;
	p0 =	por p2, p2;
	p2 =	seq.s32 s28, $0x1  }
0x27d: {  	v21, _, _ =	vpop @p6 (xrf0);
	v28 =	vpsel p4, v28, v24;
	s6 =	smov.u32 @p5 s29;
	s29 =	sld [smem:$0x7C5];
	p1 =	por @p2 p1, p1  }
0x27e: {  	(v2sf) =	vpush @p3 v31, $0xF;
	v21 =	vpsel p6, v21, v40;
	vm0 =	vgt.s32 @p4 v28, v4;
	s15 =	sld [smem:$0x7E3];
	s2 =	simm.s32 @!p1 $0x0  }
0x27f: {  	(v2sf) =	vpush @p6 v21, $0xF;
	(xrf0) =	vadd.scan.msk.s32 $0xffff, v58;
	v30 =	vsel @p4 vm0, $0x1, v0;
	s28 =	sld [smem:$0x7E1];
	s2 =	simm.s32 @p1 $0x1  }
0x280: {  	(xrf0) =	vadd.scan.msk.s32 @p4 $0xffff, v30;
	p4 =	seq.s32 s13, $0x1;
	p5 =	por p0, p0;
	[smem:$0x7C7] =	sst s2  }
0x281: {  	s11 =	smov.u32 @p5 s1;
	p1 =	seq.s32 s31, $0x1;
	s12 =	sld [smem:$0x7C7]  }
0x282: {  	s31 =	sld [smem:$0x7E3];
	s2 =	smov.u32 @p0 s10;
	p0 =	seq.s32 s29, $0x1  }
0x283: {  	s10 =	smov.u32 s16;
	s29 =	sld [smem:$0x7E6];
	p0 =	por @p5 !p0, !p1  }
0x284: {  	s10 =	smov.u32 @p5 s2;
	s2 =	simm.s32 $0x0;
	p1 =	seq.s32 s12, $0x1  }
0x285: {  	s10 =	ssub.s32 @p5 s10, s11;
	p1 =	por @!p2 p0, p0;
	p0 =	por @p5 !p0, !p0  }
0x286: {  	p2 =	seq.s32 s15, $0x1;
	s15 =	rddreg [dreg:$0x14];
	s12 =	simm.s32 @!p0 $0x0  }
0x287: {  	s2 =	smov.u32 @p2 s7;
	p2 =	por !p0, !p5;
	s7 =	simm.s32 $0x0  }
0x288: {  	s13 =	smov.u32 s15;
	s12 =	simm.s32 @p0 $0x1;
	s10 =	smov.u32 @p2 s2  }
0x289: {  	p0 =	seq.s32 s28, $0x1;
	s13 =	smov.u32 @p6 s3;
	s28 =	sld [smem:$0x7E4]  }
0x28a: {  	v30, _, _ =	vpop @p4 (xrf0);
	[smem:$0x7CC] =	sst s12;
	s2 =	spop @p0 (v2sf);
	p1 =	por @p0 p1, p1  }
0x28b: {  	v33, _, _ =	vpop @p4 (xrf0);
	(v2sf) =	vpush @p4 v30, $0xF;
	s3 =	smov.u32 @p6 s13;
	s13 =	sld [smem:$0x7E2];
	s11 =	smov.u32 @p0 s2  }
0x28c: {  	s12 =	spop @p0 (v2sf);
	p1 =	por !p1, !p0;
	(v2sf) =	vpush @p4 v33, $0xF;
	p4 =	seq.s32 s29, $0x1  }
0x28d: {  	s11 =	smov.u32 @p1 s4;
	s12 =	smov.u32 @p1 s9;
	s4 =	spop @p3 (v2sf)  }
0x28e: {  	s9 =	simm.s32 $0x0;
	s2 =	spop @p6 (v2sf);
	s7 =	smov.u32 @p0 s11  }
0x28f: {  	v59, _, _ =	vpop (xrf0);
	s9 =	smov.u32 @p0 s12;
	s11 =	smov.u32 s17;
	s12 =	simm.s32 $0x1  }
0x290: {  	v33, _, _ =	vpop @p4 (xrf0);
	p0 =	seq.s32 s31, $0x1;
	s31 =	sld [smem:$0x7E6];
	p2 =	sgt.s32 @p6 s2, $0x0  }
0x291: {  	(v2sf) =	vpush v59, $0xF;
	v29 =	vpsel p4, v33, v29;
	s11 =	smov.u32 @p6 s3;
	s0 =	ssub.s32 @p0 $0x10, s0;
	s3 =	sadd.s32 @p4 s5, s8  }
0x292: {  	(v2sf) =	vpush @p4 v29, $0xF;
	s5 =	simm.s32 $0x0;
	p1 =	por !p2, !p6;
	s8 =	smov.u32 @p6 s11  }
0x293: {  	s5 =	smov.u32 @p5 s6;
	s6 =	simm.s32 $0x0;
	p5 =	por p0, p0  }
0x294: {  	p2 =	por @!p6 p0, p0;
	s12 =	simm.s32 @p1 $0x0;
	s6 =	smov.u32 @p4 s3  }
0x295: {  	v29 =	vmov @p0 s0;
	p1 =	seq.s32 @p6 s5, $0x0;
	s0 =	smov.u32 @p6 s12;
	s12 =	sld [smem:$0x7C8]  }
0x296: {  	v23 =	vpsel p0, v23, v7;
	v25 =	vpsel p0, v25, v17;
	v29 =	vpsel p0, v29, v32;
	s3 =	smov.u32 s20;
	p1 =	por @!p6 p0, p0;
	p0 =	sgt.s32 @p6 s5, s0  }
0x297: {  	s3 =	smov.u32 @p6 s8;
	p1 =	por @p6 !p1, !p2;
	p2 =	por !p0, !p6  }
0x298: {  	s5 =	smov.u32 @p2 s0;
	p0 =	seq.s32 s12, $0x1;
	p2 =	seq.s32 s13, $0x1  }
0x299: {  	v31 =	vpsel p3, v31, v34;
	s8 =	simm.s32 $0x0;
	s4 =	sadd.s32 @p3 s6, s4;
	p4 =	por @p2 p0, p0  }
0x29a: {  	vm0 =	veq.s32 @p5 v29, v2;
	v29 =	vadd.s32 @p3 s6, v31;
	s6 =	simm.s32 $0x0;
	p4 =	por @!p2 p0, p0;
	p0 =	seq.s32 s28, $0x1  }
0x29b: {  	v23 =	vpsel p5, v23, v6;
	s0 =	smov.u32 @p6 s3;
	s8 =	smov.u32 @p0 s10;
	p0 =	por @p6 !p1, !p1  }
0x29c: {  	v25 =	vpsel p5, v25, v9;
	v31 =	vnsel @p5 vm0, $0x0, v23;
	v23 =	vpsel p3, v29, v17;
	s3 =	smov.u32 @p6 s2;
	s0 =	smov.u32 @p6 s0;
	s10 =	simm.s32 @!p0 $0x0  }
0x29d: {  	v25 =	vnsel @p5 vm0, $0x0, v25;
	(xrf0) =	vadd.scan.msk.s32 @p5 $0xffff, v31;
	vm0 =	vgt.s32 @p3 v23, v4;
	s3 =	ssub.s32 @p6 s0, s3;
	s0 =	sld [smem:$0x7E4];
	s10 =	simm.s32 @p0 $0x1  }
0x29e: {  	(xrf0) =	vadd.scan.msk.s32 @p5 $0xffff, v25;
	v25 =	vsel @p3 vm0, $0x1, v0;
	p1 =	por !p0, !p6;
	[smem:$0x7CE] =	sst s10;
	s10 =	spop @p2 (v2sf)  }
0x29f: {  	(xrf0) =	vadd.scan.msk.s32 @p3 $0xffff, v25;
	s3 =	smov.u32 @p1 s8;
	p1 =	por @p2 p4, p4;
	s8 =	spop @p2 (v2sf)  }
0x2a0: {  	p4 =	seq.s32 s31, $0x1;
	p1 =	por @!p2 p0, p0;
	s29 =	spop (v2sf)  }
0x2a1: {  	p0 =	seq.s32 s0, $0x1;
	p1 =	por @p2 p1, p1;
	s0 =	spop @p4 (v2sf)  }
0x2a2: {  	s10 =	smov.u32 @p2 s10;
	p1 =	por !p1, !p2;
	p2 =	sgt.s32 @p4 s0, $0x0  }
0x2a3: {  	s6 =	smov.u32 @p3 s4;
	v25, _, _ =	vpop @p5 (xrf0);
	s1 =	ssub.s32 @p0 $0x10, s1;
	s11 =	simm.s32 @!p2 $0x0  }
0x2a4: {  	v29, _, _ =	vpop @p5 (xrf0);
	s8 =	smov.u32 @p1 s9;
	s9 =	rddreg [dreg:$0x1e];
	s11 =	simm.s32 @p2 $0x1  }
0x2a5: {  	s4 =	simm.s32 $0x0;
	(v2sf) =	vpush @p5 v25, $0xF;
	v60 =	vpsel p0, v12, v24;
	v24, _, _ =	vpop @p3 (xrf0);
	v25 =	vmov @p0 s1;
	s1 =	smov.u32 @p4 s30;
	[smem:$0x7C9] =	sst s11  }
0x2a6: {  	v18 =	vpsel p0, v18, v16;
	v19 =	vpsel p3, v24, v19;
	s10 =	smov.u32 @p1 s7;
	s7 =	simm.s32 $0x1;
	s11 =	sld [smem:$0x7E2]  }
0x2a7: {  	v18 =	vpsel p0, v18, v5;
	s9 =	smov.u32 @p4 s1;
	s1 =	simm.s32 $0x0;
	p2 =	por !p2, !p4  }
0x2a8: {  	(v2sf) =	vpush @p5 v29, $0xF;
	v12 =	vpsel p0, v60, v10;
	v22 =	vpsel p0, v25, v22;
	s1 =	smov.u32 @p6 s5;
	s5 =	simm.s32 $0x0;
	s7 =	simm.s32 @p2 $0x0  }
0x2a9: {  	(v2sf) =	vpush @p3 v19, $0xF;
	v18 =	vpsel p0, v18, v11;
	vm0 =	veq.s32 @p0 v22, v2;
	v19 =	vmovc @p0 v12;
	s7 =	smov.u32 @p4 s7;
	s12 =	sld [smem:$0x7C9];
	p1 =	seq.s32 s11, $0x1  }
0x2aa: {  	v18 =	vnsel @p0 vm0, $0x0, v18;
	v19 =	vpsel p0, v19, v13;
	s4 =	smov.u32 @p1 s10;
	s5 =	smov.u32 @p1 s8;
	p1 =	sgt.s32 @p4 s1, s7  }
0x2ab: {  	(xrf0) =	vadd.scan.msk.s32 @p0 $0xffff, v18;
	v18 =	vnsel @p0 vm0, $0x0, v19;
	p2 =	por p0, p0;
	p0 =	seq.s32 @p4 s1, $0x0;
	p1 =	por !p1, !p4  }
0x2ac: {  	p0 =	por @!p4 p0, p0;
	s1 =	smov.u32 @p1 s7;
	p1 =	seq.s32 s12, $0x1  }
0x2ad: {  	s13 =	sld [smem:$0x7CA];
	p1 =	por @!p4 p0, p0  }
0x2ae: {  	p0 =	por @p4 !p0, !p1  }
0x2af: {  	s25 =	smov.u32 @p4 s9;
	s7 =	simm.s32 @!p0 $0x0  }
0x2b0: {  	v61 =	vadd.s32 s6, v59;
	s6 =	smov.u32 @p4 s25;
	s7 =	simm.s32 @p0 $0x1;
	p0 =	seq.s32 s13, $0x1  }
0x2b1: {  	s24 =	smov.u32 @p4 s6;
	[smem:$0x7CB] =	sst s7;
	p0 =	por @!p5 p0, p0  }
0x2b2: {  	s6 =	smov.u32 @p4 s24;
	p1 =	por @p5 p0, p0;
	s24 =	sld [smem:$0x7CB]  }
0x2b3: {  	p1 =	por @!p5 p0, p0  }
0x2b4: {  	vm14 =	vgt.s32 v61, v4;
	s2 =	ssub.s32 @p6 $0x10, s2;
	p1 =	por @p5 p1, p1  }
0x2b5: {  	v4 =	vsel vm14, $0x1, v0;
	s28 =	sld [smem:$0x7E4];
	v62 =	vpsel p4, v8, v20;
	(xrf0) =	vadd.scan.msk.s32 @p2 $0xffff, v18;
	p1 =	por @!p5 p0, p0;
	p0 =	seq.s32 s24, $0x1  }
0x2b6: {  	v8 =	vpsel p4, v62, v16;
	(xrf0) =	vadd.scan.msk.s32 $0xffff, v4;
	v4 =	vpsel p6, v15, v14;
	s16 =	smov.u32 @p4 s6;
	v15 =	vmov @p6 v27;
	s7 =	simm.s32 $0x0;
	p0 =	por @p4 !p0, !p0  }
0x2b7: {  	v18 =	vmov @p6 s2;
	s6 =	smov.u32 @p4 s16;
	v4 =	vpsel p6, v4, v7;
	v15 =	vpsel p6, v15, v17;
	v17, _, _ =	vpop @p2 (xrf0);
	s7 =	smov.u32 @p6 s3;
	s3 =	simm.s32 @!p0 $0x0  }
0x2b8: {  	s2 =	smov.u32 @p4 s0;
	s6 =	smov.u32 @p4 s6;
	v4 =	vpsel p6, v4, v6;
	(v2sf) =	vpush @p2 v17, $0xF;
	v17 =	vpsel p6, v18, v0;
	s3 =	simm.s32 @p0 $0x1  }
0x2b9: {  	v15 =	vpsel p6, v15, v9;
	v4 =	vpsel p6, v4, v0;
	vm0 =	veq.s32 @p6 v17, v2;
	p1 =	por @p5 p1, p1;
	[smem:$0x7CF] =	sst s3;
	s3 =	spop @p5 (v2sf)  }
0x2ba: {  	v5 =	vpsel p4, v8, v5;
	s2 =	ssub.s32 @p4 s6, s2;
	v8 =	vpsel p6, v15, v0;
	v4 =	vnsel @p6 vm0, $0x0, v4;
	p1 =	por !p1, !p5;
	s6 =	smov.u32 @p5 s3  }
0x2bb: {  	s0 =	ssub.s32 @p4 $0x10, s0;
	v16, _, _ =	vpop @p2 (xrf0);
	v8 =	vnsel @p6 vm0, $0x0, v8;
	(xrf0) =	vadd.scan.msk.s32 @p6 $0xffff, v4;
	s6 =	smov.u32 @p1 s4;
	s4 =	spop @p5 (v2sf)  }
0x2bc: {  	s9 =	simm.s32 $0x0;
	s25 =	sld [smem:$0x7CC];
	(v2sf) =	vpush @p2 v16, $0xF;
	v63, _, _ =	vpop (xrf0);
	(xrf0) =	vadd.scan.msk.s32 @p6 $0xffff, v8;
	v8 =	vmov @p4 s0;
	s3 =	spop @p3 (v2sf)  }
0x2bd: {  	v16 =	vmov @p4 v28;
	(v2sf) =	vpush v63, $0xF;
	s0 =	simm.s32 $0x0;
	v8 =	vpsel p4, v8, v0;
	p2 =	por !p0, !p4;
	p0 =	sgt.s32 @p3 s3, $0x0  }
0x2be: {  	v5 =	vpsel p4, v5, v11;
	v4 =	vpsel p4, v16, v10;
	v10 =	vmov @p3 v26;
	s0 =	smov.u32 @p4 s1;
	s2 =	smov.u32 @p2 s7;
	s7 =	simm.s32 @!p0 $0x0  }
0x2bf: {  	v5 =	vpsel p4, v5, v0;
	v10 =	vpsel p3, v10, v14;
	s1 =	simm.s32 $0x0;
	vm0 =	veq.s32 @p4 v8, v2;
	s30 =	sld [smem:$0x7CF];
	s7 =	simm.s32 @p0 $0x1  }
0x2c0: {  	v5 =	vnsel @p4 vm0, $0x0, v5;
	v8 =	vmov @p3 v10;
	p2 =	seq.s32 @p3 s0, $0x0;
	s9 =	smov.u32 @p4 s2;
	[smem:$0x7CD] =	sst s7  }
0x2c1: {  	s4 =	smov.u32 @p1 s5;
	s5 =	smov.u32 @p3 s23;
	s7 =	rddreg [dreg:$0x1c]  }
0x2c2: {  	v7 =	vpsel p3, v8, v7;
	p1 =	por !p0, !p3;
	s7 =	smov.u32 @p3 s5;
	s5 =	simm.s32 $0x1  }
0x2c3: {  	v4 =	vpsel p4, v4, v13;
	(xrf0) =	vadd.scan.msk.s32 @p4 $0xffff, v5;
	v5 =	vmov @p3 v7;
	v8, _, _ =	vpop @p6 (xrf0);
	s1 =	smov.u32 @p5 s6;
	p0 =	seq.s32 s25, $0x1;
	s5 =	simm.s32 @p1 $0x0  }
0x2c4: {  	v4 =	vpsel p4, v4, v0;
	(v2sf) =	vpush @p6 v8, $0xF;
	s15 =	smov.u32 @p3 s7;
	s7 =	smov.u32 @p3 s5;
	s5 =	simm.s32 $0x0  }
0x2c5: {  	v4 =	vnsel @p4 vm0, $0x0, v4;
	s5 =	smov.u32 @p5 s4;
	s4 =	smov.u32 @p3 s15;
	p1 =	sgt.s32 @p3 s0, s7  }
0x2c6: {  	(xrf0) =	vadd.scan.msk.s32 @p4 $0xffff, v4;
	v4 =	vpsel p3, v5, v6;
	v5, _, _ =	vpop @p6 (xrf0);
	s17 =	smov.u32 @p3 s4;
	p5 =	por !p1, !p3;
	p1 =	seq.s32 s28, $0x1  }
0x2c7: {  	(v2sf) =	vpush @p6 v5, $0xF;
	s0 =	smov.u32 @p5 s7;
	s4 =	smov.u32 @p3 s17;
	p0 =	por @!p1 p0, p0  }
0x2c8: {  	s6 =	spop @p1 (v2sf);
	s7 =	sld [smem:$0x7CD];
	s20 =	smov.u32 @p3 s4  }
0x2c9: {  	v6 =	vmov @p3 v23;
	p5 =	por @p1 p0, p0;
	s4 =	ssub.s32 @p3 $0x10, s3;
	p0 =	por p1, p1  }
0x2ca: {  	v5 =	vpsel p3, v6, v9;
	s3 =	smov.u32 @p3 s3;
	p5 =	por @!p1 p0, p0;
	v6 =	vmov @p3 s4;
	s4 =	smov.u32 @p3 s20  }
0x2cb: {  	v4 =	vpsel p3, v4, v0;
	p2 =	por @!p3 p0, p0;
	s8 =	spop @p0 (v2sf);
	v6 =	vpsel p3, v6, v0;
	p1 =	seq.s32 s7, $0x1  }
0x2cc: {  	v4 =	vpsel p3, v4, v0;
	s7 =	smov.u32 @p3 s4;
	s29 =	spop (v2sf);
	p1 =	por @!p3 p0, p0;
	vm0 =	veq.s32 @p3 v6, v2  }
0x2cd: {  	s2 =	ssub.s32 $0x10, s29;
	p2 =	por @p3 !p2, !p1;
	p1 =	por @p0 p5, p5;
	v4 =	vnsel @p3 vm0, $0x0, v4  }
0x2ce: {  	v5 =	vpsel p3, v5, v0;
	p5 =	por p0, p0;
	(xrf0) =	vadd.scan.msk.s32 @p3 $0xffff, v4;
	v4 =	vmov s2;
	s2 =	smov.u32 @p3 s7;
	p0 =	por @p3 !p2, !p2  }
0x2cf: {  	v5 =	vpsel p3, v5, v0;
	v6, _, _ =	vpop @p4 (xrf0);
	s7 =	simm.s32 @!p0 $0x0;
	s2 =	ssub.s32 @p3 s2, s3;
	s3 =	sld [smem:$0x7CE]  }
0x2d0: {  	v5 =	vnsel @p3 vm0, $0x0, v5;
	v7, _, _ =	vpop @p4 (xrf0);
	(v2sf) =	vpush @p4 v6, $0xF;
	p1 =	por @!p5 p0, p0;
	p2 =	por !p0, !p3;
	s7 =	simm.s32 @p0 $0x1  }
0x2d1: {  	(xrf0) =	vadd.scan.msk.s32 @p3 $0xffff, v5;
	vm15 =	veq.s32 v4, v2;
	(v2sf) =	vpush @p4 v7, $0xF;
	s2 =	smov.u32 @p2 s9;
	p1 =	por @p5 p1, p1;
	[smem:$0x7D0] =	sst s7  }
0x2d2: {  	v4 =	vnsel vm15, $0x0, v58;
	p1 =	por !p1, !p5;
	p0 =	seq.s32 s3, $0x1;
	s3 =	smov.u32 @p5 s6  }
0x2d3: {  	v5 =	vnsel vm15, $0x0, v61;
	(xrf0) =	vadd.scan.msk.s32 $0xffff, v4;
	s8 =	smov.u32 @p1 s5;
	s5 =	spop @p6 (v2sf);
	p0 =	por @!p6 p0, p0  }
0x2d4: {  	(xrf0) =	vadd.scan.msk.s32 $0xffff, v5;
	s31 =	sld [smem:$0x7D0];
	s3 =	smov.u32 @p1 s1;
	p2 =	por @p6 p0, p0  }
0x2d5: {  	s1 =	simm.s32 $0x0;
	s5 =	smov.u32 @p6 s5;
	p2 =	por @!p6 p0, p0  }
0x2d6: {  	s6 =	spop @p6 (v2sf);
	v4, _, _ =	vpop @p3 (xrf0);
	s1 =	smov.u32 @p5 s3;
	p1 =	por @p6 p2, p2  }
0x2d7: {  	s3 =	simm.s32 $0x0;
	(v2sf) =	vpush @p3 v4, $0xF;
	v4, _, _ =	vpop @p3 (xrf0);
	p1 =	por @!p6 p0, p0;
	p0 =	seq.s32 s30, $0x1  }
0x2d8: {  	s3 =	smov.u32 @p5 s8;
	(v2sf) =	vpush @p3 v4, $0xF;
	p1 =	por @p6 p1, p1;
	p0 =	por @!p4 p0, p0  }
0x2d9: {  	p5 =	sgt.s32 s29, $0x0;
	v4, _, _ =	vpop (xrf0);
	p1 =	por !p1, !p6;
	p2 =	por @p4 p0, p0  }
0x2da: {  	v5, _, _ =	vpop (xrf0);
	(v2sf) =	vpush v4, $0xF;
	s5 =	smov.u32 @p1 s1;
	s6 =	smov.u32 @p1 s3;
	p2 =	por @!p4 p0, p0  }
0x2db: {  	(v2sf) =	vpush v5, $0xF;
	s1 =	simm.s32 $0x0;
	s3 =	simm.s32 $0x0;
	p1 =	por @p4 p2, p2  }
0x2dc: {  	s1 =	smov.u32 @p6 s5;
	s3 =	smov.u32 @p6 s6;
	s5 =	simm.s32 $0x0  }
0x2dd: {  	p1 =	por @!p4 p0, p0;
	s5 =	smov.u32 @p3 s0;
	p0 =	seq.s32 s31, $0x1  }
0x2de: {  	p1 =	por @p4 p1, p1;
	p2 =	seq.s32 s5, $0x0;
	p0 =	por @!p3 p0, p0  }
0x2df: {  	s0 =	spop @p4 (v2sf);
	p1 =	por !p1, !p4;
	p0 =	por @p3 p0, p0  }
0x2e0: {  	s6 =	smov.u32 @p4 s0;
	s7 =	spop @p4 (v2sf);
	s0 =	simm.s32 $0x0  }
0x2e1: {  	p0 =	por @!p3 p0, p0;
	s6 =	smov.u32 @p1 s1;
	s7 =	smov.u32 @p1 s3  }
0x2e2: {  	s0 =	smov.u32 @p3 s2;
	s1 =	simm.s32 $0x0;
	s2 =	simm.s32 $0x0  }
0x2e3: {  	p0 =	por @p3 p0, p0;
	p1 =	por !p2, !p5;
	s3 =	ssub.s32 s26, s29  }
0x2e4: {  	s1 =	smov.u32 @p4 s6;
	p0 =	por @!p3 p0, p0;
	p1 =	por !p1, !p1  }
0x2e5: {  	s2 =	smov.u32 @p4 s7;
	p0 =	por @p3 p0, p0;
	s0 =	smov.u32 @p1 s3  }
0x2e6: {  	p1 =	por p1, p1;
	p0 =	por !p0, !p3;
	s4 =	spop @p3 (v2sf)  }
0x2e7: {  	p6 =	por p1, p1;
	s3 =	smov.u32 @p3 s4;
	s4 =	spop @p3 (v2sf)  }
0x2e8: {  	s3 =	smov.u32 @p0 s1;
	s4 =	smov.u32 @p0 s2;
	s1 =	simm.s32 $0x0  }
0x2e9: {  	s2 =	simm.s32 $0x0;
	p0 =	por p6, p6;
	s5 =	spop (v2sf)  }
0x2ea: {  	s1 =	smov.u32 @p3 s3;
	s2 =	smov.u32 @p3 s4;
	s3 =	spop (v2sf)  }
0x2eb: {  	s1 =	smov.u32 @p0 s5;
	s2 =	smov.u32 @p0 s3;
	p0 =	por $0x1, $0x1  }
.LBB2_45:
0x2ec: {  	s3 =	sshra.s32 s22, $0x2  }
0x2ed: {  	[tilespmem:s3+$0x10000] =	vst v0  }
0x2ee: {  	[tilespmem:s3+$0x10010] =	vst v0  }
0x2ef: {  	p1 =	por p0, p0;
	[tilespmem:s3+$0x10020] =	vst v0  }
.Ltmp22:
0x2f0: {  	[tilespmem:s3+$0x10030] =	vst v0;
	(pc) =	sbr.rel @p1 .LBB2_45-.Ltmp22, $4  }
0x2f1: {  	[tilespmem:s3+$0x10040] =	vst v0  }
0x2f2: {  	[tilespmem:s3+$0x10050] =	vst v0  }
0x2f3: {  	[tilespmem:s3+$0x10060] =	vst v0  }
0x2f4: {  	s22 =	simm.s32 $0x200;
	p0 =	por $0x0, $0x0;
	[tilespmem:s3+$0x10070] =	vst v0  }
0x2f5: {  	s3 =	sld [smem:$0x7E9];
	_ =	sdelay $0x2  }
0x2f6: {  	p0 =	seq.s32 s3, $0x1  }
.Ltmp23:
0x2f7: {  	_ = 	snop;
	(pc) =	sbr.rel @p0 .LBB2_53-.Ltmp23, $1  }
0x2f8: {  	_ =	sdelay $0x3  }
0x2f9: {  	s7 =	rddreg [dreg:$0xa]  }
0x2fa: {  	p1 =	sne.s32 s7, $0x1  }
.Ltmp24:
0x2fb: {  	_ = 	snop;
	(pc) =	sbr.rel @!p1 .LBB2_48-.Ltmp24, $3  }
0x2fc: {  	_ =	sdelay $0x1  }
0x2fd: {  	s4 =	simm.s32 $0x10800  }
0x2fe: {  	v4 =	vmov s0;
	s3 =	simm.s32 $0x0;
	p0 =	por $0x0, $0x0;
	v5 =	vld [tilespmem:s4+$0x0];
	s4 =	sadd.s32 $0xFFFFFFFF, s7  }
0x2ff: {  	_ =	sdelay $0x3  }
0x300: {  	v6 =	vshrl.u32 v5, $0xD  }
0x301: {  	v7 =	vor.u32 s3, v2;
	v6 =	vand.u32 $0xFF, v6  }
0x302: {  	vm0 =	vlt.s32 v7, v3;
	vm1 =	veq.s32 v6, v4  }
0x303: {  	v5 =	vshrl.u32 v5, $0x5;
	vm0 =	vmand vm0, vm1  }
0x304: {  	v5 =	vand.u32 $0xFF, v5  }
0x305: {  	p1 =	sne.s32 s4, $0x1  }
.Ltmp25:
0x306: {  	_ = 	snop;
	(pc) =	sbr.rel @!p1 .LBB2_50-.Ltmp25, $3  }
0x307: {  	_ =	sdelay $0x1  }
0x308: {  	s5 =	simm.s32 $0x10810;
	[tilespmem:v5+s14+$0x0] =	vst.idx.add.s32.msk vm0, v1  }
0x309: {  	s6 =	sadd.s32 $0xFFFFFFFF, s4;
	p0 =	por $0x1, $0x1;
	s4 =	simm.s32 $0x0;
	v5 =	vld [tilespmem:s5+$0x0]  }
.LBB2_51:
0x30a: {  	p1 =	sne.s32 s6, $0x1;
	_ =	sdelay $0x3  }
0x30b: {  	s4 =	sadd.s32 $0x10, s4;
	v6 =	vshrl.u32 v5, $0xD  }
0x30c: {  	v7 =	vor.u32 s4, v2;
	v6 =	vand.u32 $0xFF, v6  }
0x30d: {  	vm0 =	vlt.s32 v7, v3;
	vm1 =	veq.s32 v6, v4  }
0x30e: {  	v5 =	vshrl.u32 v5, $0x5;
	vm0 =	vmand vm0, vm1  }
0x30f: {  	v5 =	vand.u32 $0xFF, v5;
	_ =	sdelay $0x1  }
.Ltmp26:
0x310: {  	(pc) =	sbr.rel @p1 .LBB2_51-.Ltmp26, $3  }
0x311: {  	_ =	sdelay $0x1  }
0x312: {  	s5 =	sadd.s32 $0x10, s5;
	[tilespmem:v5+s14+$0x0] =	vst.idx.add.s32.msk vm0, v1  }
0x313: {  	s6 =	sadd.s32 $0xFFFFFFFF, s6;
	v5 =	vld [tilespmem:s5+$0x0]  }
.LBB2_52:
0x314: {  	_ =	sdelay $0x2  }
0x315: {  	s4 =	sadd.s32 @p0 $0x10, s4  }
0x316: {  	s3 =	smov.u32 @p0 s4;
	v6 =	vshrl.u32 v5, $0xD  }
0x317: {  	v7 =	vor.u32 s3, v2;
	v6 =	vand.u32 $0xFF, v6  }
0x318: {  	vm0 =	vlt.s32 v7, v3;
	vm1 =	veq.s32 v6, v4  }
0x319: {  	v4 =	vshrl.u32 v5, $0x5;
	vm0 =	vmand vm0, vm1  }
0x31a: {  	v4 =	vand.u32 $0xFF, v4;
	_ =	sdelay $0x4  }
0x31b: {  	[tilespmem:v4+s14+$0x0] =	vst.idx.add.s32.msk vm0, v1  }
.LBB2_53:
0x31c: {  	s3 =	simm.s32 $0x10000  }
0x31d: {  	v5 =	vld [tilespmem:s3+$0x0];
	_ =	sdelay $0x4  }
0x31e: {  	(xrf0) =	vadd.scan.msk.s32 $0xffff, v5  }
0x31f: {  	s16 =	simm.s32 $0x10010  }
0x320: {  	v11 =	vld [tilespmem:s16+$0x0];
	_ =	sdelay $0x3  }
0x321: {  	v6, _, _ =	vpop (xrf0)  }
0x322: {  	s17 =	simm.s32 $0x10020;
	(xrf0) =	vadd.scan.msk.s32 $0xffff, v11;
	(v2sf) =	vpush v6, $0xF  }
0x323: {  	s2 =	ssub.s32 s2, s19;
	v8 =	vld [tilespmem:s17+$0x0]  }
0x324: {  	s2 =	sadd.s32 s21, s2  }
0x325: {  	s3 =	simm.s32 $0x0;
	s4 =	ssub.s32 s1, s2  }
0x326: {  	v4 =	vmov s4;
	v12 =	vadd.s32 s3, v6  }
0x327: {  	vm0 =	vgt.s32 v12, v4  }
0x328: {  	(xrf0) =	vadd.scan.msk.s32 $0xffff, v8;
	v7, _, _ =	vpop (xrf0);
	v6 =	vsel vm0, $0x1, v0  }
0x329: {  	(v2sf) =	vpush v7, $0xF;
	(xrf0) =	vadd.scan.msk.s32 $0xffff, v6;
	_ =	sdelay $0x4  }
0x32a: {  	v6, _, _ =	vpop (xrf0)  }
0x32b: {  	s19 =	simm.s32 $0x10030;
	(v2sf) =	vpush v6, $0xF;
	v9, _, _ =	vpop (xrf0)  }
0x32c: {  	v10 =	vld [tilespmem:s19+$0x0];
	(v2sf) =	vpush v9, $0xF  }
0x32d: {  	s20 =	spop (v2sf)  }
0x32e: {  	s4 =	sadd.s32 $0x0, s20  }
0x32f: {  	s5 =	simm.s32 $0x10040;
	v14 =	vadd.s32 s4, v7  }
0x330: {  	v7 =	vld [tilespmem:s5+$0x0];
	vm9 =	vgt.s32 v14, v4  }
0x331: {  	(xrf0) =	vadd.scan.msk.s32 $0xffff, v10;
	v9 =	vsel vm9, $0x1, v0  }
0x332: {  	(xrf0) =	vadd.scan.msk.s32 $0xffff, v9;
	_ =	sdelay $0x1  }
0x333: {  	s21 =	spop (v2sf)  }
0x334: {  	s4 =	sadd.s32 s4, s21;
	(xrf0) =	vadd.scan.msk.s32 $0xffff, v7  }
0x335: {  	v15 =	vadd.s32 s4, v6  }
0x336: {  	vm10 =	vgt.s32 v15, v4;
	v9, _, _ =	vpop (xrf0)  }
0x337: {  	s22 =	simm.s32 $0x10050;
	v6 =	vsel vm10, $0x1, v0;
	(v2sf) =	vpush v9, $0xF;
	v13, _, _ =	vpop (xrf0)  }
0x338: {  	(xrf0) =	vadd.scan.msk.s32 $0xffff, v6;
	v6 =	vld [tilespmem:s22+$0x0];
	(v2sf) =	vpush v13, $0xF  }
0x339: {  	s23 =	spop (v2sf)  }
0x33a: {  	s5 =	sadd.s32 s4, s23;
	s24 =	spop (v2sf);
	v16, _, _ =	vpop (xrf0)  }
0x33b: {  	s6 =	ssub.s32 $0x10, s24;
	v13 =	vadd.s32 s5, v9;
	(v2sf) =	vpush v16, $0xF  }
0x33c: {  	v18 =	vmov s6;
	vm11 =	vgt.s32 v13, v4  }
0x33d: {  	(xrf0) =	vadd.scan.msk.s32 $0xffff, v6;
	vm12 =	veq.s32 v18, v2;
	v9 =	vsel vm11, $0x1, v0  }
0x33e: {  	v5 =	vnsel vm12, $0x0, v5;
	(xrf0) =	vadd.scan.msk.s32 $0xffff, v9  }
0x33f: {  	(xrf0) =	vadd.scan.msk.s32 $0xffff, v5;
	_ =	sdelay $0x1  }
0x340: {  	v17, _, _ =	vpop (xrf0)  }
0x341: {  	(v2sf) =	vpush v17, $0xF  }
0x342: {  	v17, _, _ =	vpop (xrf0)  }
0x343: {  	s7 =	simm.s32 $0x10060;
	(v2sf) =	vpush v17, $0xF;
	v5, _, _ =	vpop (xrf0)  }
0x344: {  	s13 =	simm.s32 $0x40;
	v9 =	vld [tilespmem:s7+$0x0];
	(v2sf) =	vpush v5, $0xF;
	v5, _, _ =	vpop (xrf0)  }
0x345: {  	s12 =	simm.s32 $0x50;
	s11 =	simm.s32 $0x60;
	s25 =	spop (v2sf);
	(v2sf) =	vpush v5, $0xF;
	v5 =	vnsel vm12, $0x0, v12  }
0x346: {  	s10 =	simm.s32 $0x70;
	s5 =	sadd.s32 s5, s25;
	(xrf0) =	vadd.scan.msk.s32 $0xffff, v5;
	s16 =	spop (v2sf)  }
0x347: {  	s9 =	simm.s32 $0x80;
	s8 =	simm.s32 $0x1;
	v12 =	vadd.s32 s5, v16;
	s17 =	ssub.s32 $0x10, s16  }
0x348: {  	p1 =	por $0x1, $0x1;
	s19 =	simm.s32 $0x1;
	[smem:$0x7BC] =	sst s2;
	vm13 =	vgt.s32 v12, v4;
	v16 =	vmov s17  }
0x349: {  	s20 =	simm.s32 $0x10070;
	s21 =	simm.s32 $0x10080;
	(xrf0) =	vadd.scan.msk.s32 $0xffff, v9;
	s26 =	spop (v2sf);
	vm1 =	veq.s32 v16, v2;
	v16 =	vsel vm13, $0x1, v0  }
0x34a: {  	s4 =	simm.s32 $0x0;
	p0 =	sgt.s32 s24, $0x0;
	v5 =	vld [tilespmem:s20+$0x0];
	s5 =	sadd.s32 s5, s26;
	v11 =	vnsel vm1, $0x0, v11;
	(xrf0) =	vadd.scan.msk.s32 $0xffff, v16  }
0x34b: {  	s22 =	simm.s32 $0xC0;
	s8 =	simm.s32 @!p0 $0x0;
	p0 =	por !p1, !p0;
	(xrf0) =	vadd.scan.msk.s32 $0xffff, v11;
	v11 =	vadd.s32 s5, v17  }
0x34c: {  	s15 =	ssub.s32 $0x10, s24;
	p2 =	slt.s32 s8, $0x0;
	p0 =	por !p0, !p0;
	v14 =	vnsel vm1, $0x0, v14;
	vm14 =	vgt.s32 v11, v4;
	v16, _, _ =	vpop (xrf0)  }
0x34d: {  	s6 =	simm.s32 $0x90;
	s8 =	smov.u32 @p2 s3;
	s4 =	smov.u32 @p0 s15;
	(xrf0) =	vadd.scan.msk.s32 $0xffff, v14;
	v14 =	vsel vm14, $0x1, v0;
	(v2sf) =	vpush v16, $0xF  }
0x34e: {  	p0 =	por p0, p0;
	s15 =	simm.s32 $0x1;
	p2 =	sgt.s32 s16, $0x0  }
0x34f: {  	p5 =	seq.s32 s8, $0x0;
	s7 =	simm.s32 $0xA0;
	s19 =	simm.s32 @!p2 $0x0;
	(xrf0) =	vadd.scan.msk.s32 $0xffff, v5  }
0x350: {  	p2 =	por !p5, !p2;
	p3 =	sgt.s32 s8, s19;
	s28 =	spop (v2sf);
	(xrf0) =	vadd.scan.msk.s32 $0xffff, v14;
	v14, _, _ =	vpop (xrf0)  }
0x351: {  	s19 =	smov.u32 @p3 s8;
	s8 =	ssub.s32 $0x20, s16;
	p3 =	por !p2, !p2;
	(v2sf) =	vpush v14, $0xF  }
0x352: {  	p4 =	sgt.s32 s28, $0x0;
	s29 =	ssub.s32 $0x10, s28;
	p2 =	por p0, p0  }
0x353: {  	s16 =	ssub.s32 $0x30, s28;
	p6 =	seq.s32 s19, $0x0;
	s4 =	smov.u32 @p3 s8  }
0x354: {  	s15 =	simm.s32 @!p4 $0x0;
	s8 =	simm.s32 $0xB0;
	p0 =	por p3, p3  }
0x355: {  	v17 =	vmov s29;
	p5 =	sgt.s32 s19, s15;
	s2 =	simm.s32 @!p0 $0x0;
	p6 =	por !p6, !p4  }
0x356: {  	s2 =	simm.s32 @p0 $0x1;
	s15 =	smov.u32 @p5 s19;
	p1 =	por !p6, !p6;
	v16, _, _ =	vpop (xrf0)  }
0x357: {  	vm15 =	veq.s32 v17, v2;
	[smem:$0x7BD] =	sst s2;
	s30 =	spop (v2sf);
	p4 =	seq.s32 s15, $0x0;
	(v2sf) =	vpush v16, $0xF;
	v16, _, _ =	vpop (xrf0)  }
0x358: {  	v8 =	vnsel vm15, $0x0, v8;
	s4 =	smov.u32 @p1 s16;
	s16 =	simm.s32 $0x1;
	s17 =	spop (v2sf);
	v17, _, _ =	vpop (xrf0);
	(v2sf) =	vpush v16, $0xF  }
0x359: {  	v15 =	vnsel vm15, $0x0, v15;
	s20 =	sadd.s32 s5, s30;
	(xrf0) =	vadd.scan.msk.s32 $0xffff, v8;
	s31 =	ssub.s32 $0x10, s17;
	p5 =	sgt.s32 s17, $0x0;
	(v2sf) =	vpush v17, $0xF;
	v16, _, _ =	vpop (xrf0)  }
0x35a: {  	s5 =	simm.s32 $0x0;
	v8 =	vld [tilespmem:s21+$0x0];
	(xrf0) =	vadd.scan.msk.s32 $0xffff, v15;
	v15 =	vadd.s32 s20, v14;
	s19 =	spop (v2sf);
	v18 =	vmov s31;
	s16 =	simm.s32 @!p5 $0x0;
	(v2sf) =	vpush v16, $0xF;
	v17, _, _ =	vpop (xrf0)  }
.LBB2_54:
0x35b: {  	s23 =	smov.u32 s15;
	p0 =	sne.s32 s22, $0x100  }
0x35c: {  	s24 =	spop (v2sf);
	s25 =	smov.u32 s7;
	s7 =	smov.u32 s8  }
0x35d: {  	s8 =	smov.u32 s22;
	p6 =	por p2, p2;
	s28 =	sld [smem:$0x7BD]  }
0x35e: {  	p5 =	por !p4, !p5;
	s13 =	ssub.s32 s13, s17;
	s21 =	sadd.s32 $0x10, s21  }
0x35f: {  	s22 =	sadd.s32 $0x10, s22;
	s2 =	simm.s32 @!p0 $0x0;
	s3 =	smov.u32 @p6 s19  }
0x360: {  	s5 =	smov.u32 @p6 s24;
	s29 =	spop (v2sf);
	s2 =	simm.s32 @p0 $0x1  }
0x361: {  	p0 =	sgt.s32 s15, s16;
	s15 =	smov.u32 s16;
	[smem:$0x7BB] =	sst s2  }
0x362: {  	vm0 =	vgt.s32 v15, v4;
	(v2sf) =	vpush v17, $0xF;
	s20 =	sadd.s32 s20, s29;
	p2 =	seq.s32 s28, $0x1;
	s31 =	sld [smem:$0x7BB]  }
0x363: {  	vm1 =	veq.s32 v18, v2;
	v17 =	vmov v16;
	v16 =	vsel vm0, $0x1, v0;
	s16 =	simm.s32 $0x1;
	s15 =	smov.u32 @p0 s23;
	v14, _, _ =	vpop (xrf0);
	p3 =	por p2, p2;
	(xrf0) =	vadd.scan.msk.s32 $0xffff, v8  }
0x364: {  	v19 =	vnsel vm1, $0x0, v13;
	p2 =	por p1, p1;
	p4 =	seq.s32 s15, $0x0;
	p1 =	por !p5, !p5;
	v13, _, _ =	vpop (xrf0);
	(xrf0) =	vadd.scan.msk.s32 $0xffff, v16  }
0x365: {  	s2 =	simm.s32 @!p2 $0x0;
	s4 =	smov.u32 @p1 s13;
	p0 =	seq.s32 s31, $0x1  }
.Ltmp27:
0x366: {  	s13 =	smov.u32 s12;
	s12 =	smov.u32 s11;
	(pc) =	sbr.rel @p0 .LBB2_54-.Ltmp27, $4  }
0x367: {  	v18 =	vnsel vm1, $0x0, v10;
	v10 =	vmov v7;
	(v2sf) =	vpush v14, $0xF;
	s11 =	smov.u32 s10;
	s10 =	smov.u32 s9;
	s9 =	smov.u32 s6  }
0x368: {  	v7 =	vmovc v6;
	v6 =	vmovc v9;
	v9 =	vmov v5;
	v5 =	vmov v8;
	s6 =	smov.u32 s25;
	s2 =	simm.s32 @p2 $0x1;
	(v2sf) =	vpush v13, $0xF;
	s17 =	spop (v2sf)  }
0x369: {  	p2 =	por p3, p3;
	(xrf0) =	vadd.scan.msk.s32 $0xffff, v18;
	v13 =	vmov v12;
	v12 =	vmov v11;
	v11 =	vmov v15;
	s30 =	ssub.s32 $0x10, s17;
	p5 =	sgt.s32 s17, $0x0;
	v16, _, _ =	vpop (xrf0)  }
0x36a: {  	v8 =	vld [tilespmem:s21+$0x0];
	v15 =	vadd.s32 s20, v17;
	[smem:$0x7BD] =	sst s2;
	(xrf0) =	vadd.scan.msk.s32 $0xffff, v19;
	v18 =	vmov s30;
	s16 =	simm.s32 @!p5 $0x0;
	(v2sf) =	vpush v16, $0xF;
	v17, _, _ =	vpop (xrf0);
	s19 =	spop (v2sf)  }
0x36b: {  	_ =	sdelay $0x1  }
0x36c: {  	s21 =	sadd.s32 $0x10, s21  }
0x36d: {  	vm0 =	vgt.s32 v15, v4;
	v14 =	vld [tilespmem:s21+$0x0]  }
0x36e: {  	vm1 =	veq.s32 v18, v2;
	v36 =	vsel vm0, $0x1, v0;
	(xrf0) =	vadd.scan.msk.s32 $0xffff, v8  }
0x36f: {  	v10 =	vnsel vm1, $0x0, v10;
	(xrf0) =	vadd.scan.msk.s32 $0xffff, v36  }
0x370: {  	v13 =	vnsel vm1, $0x0, v13;
	(xrf0) =	vadd.scan.msk.s32 $0xffff, v10  }
0x371: {  	(xrf0) =	vadd.scan.msk.s32 $0xffff, v13  }
0x372: {  	(v2sf) =	vpush v17, $0xF;
	v37, _, _ =	vpop (xrf0);
	(xrf0) =	vadd.scan.msk.s32 $0xffff, v14  }
0x373: {  	v38, _, _ =	vpop (xrf0);
	(v2sf) =	vpush v37, $0xF  }
0x374: {  	(v2sf) =	vpush v38, $0xF;
	v39, _, _ =	vpop (xrf0)  }
0x375: {  	(v2sf) =	vpush v39, $0xF;
	v40, _, _ =	vpop (xrf0)  }
0x376: {  	(v2sf) =	vpush v40, $0xF;
	v41, _, _ =	vpop (xrf0)  }
0x377: {  	s30 =	spop (v2sf);
	v42, _, _ =	vpop (xrf0);
	(v2sf) =	vpush v41, $0xF  }
0x378: {  	s22 =	spop (v2sf);
	(v2sf) =	vpush v42, $0xF;
	v43, _, _ =	vpop (xrf0)  }
0x379: {  	s28 =	spop (v2sf);
	(v2sf) =	vpush v43, $0xF  }
0x37a: {  	s20 =	sadd.s32 s20, s22  }
0x37b: {  	v16 =	vadd.s32 s20, v16;
	s29 =	ssub.s32 $0x10, s28  }
0x37c: {  	vm5 =	vgt.s32 v16, v4;
	v44 =	vmov s29  }
0x37d: {  	s21 =	sadd.s32 $0x10, s21;
	v45 =	vsel vm5, $0x1, v0;
	vm6 =	veq.s32 v44, v2  }
0x37e: {  	v46 =	vld [tilespmem:s21+$0x0];
	v7 =	vnsel vm6, $0x0, v7;
	(xrf0) =	vadd.scan.msk.s32 $0xffff, v45;
	s29 =	spop (v2sf)  }
0x37f: {  	(xrf0) =	vadd.scan.msk.s32 $0xffff, v7;
	s25 =	spop (v2sf)  }
0x380: {  	s31 =	spop (v2sf)  }
0x381: {  	v12 =	vnsel vm6, $0x0, v12;
	s26 =	spop (v2sf)  }
0x382: {  	(xrf0) =	vadd.scan.msk.s32 $0xffff, v12;
	s24 =	spop (v2sf)  }
0x383: {  	(xrf0) =	vadd.scan.msk.s32 $0xffff, v46;
	s23 =	spop (v2sf)  }
0x384: {  	s20 =	sadd.s32 s20, s31;
	v47, _, _ =	vpop (xrf0);
	s31 =	spop (v2sf)  }
0x385: {  	s2 =	ssub.s32 $0x10, s26;
	v10 =	vadd.s32 s20, v39;
	(v2sf) =	vpush v47, $0xF;
	v48, _, _ =	vpop (xrf0);
	s22 =	spop (v2sf)  }
0x386: {  	v49 =	vmov s2;
	vm7 =	vgt.s32 v10, v4;
	(v2sf) =	vpush v48, $0xF;
	s21 =	spop (v2sf)  }
0x387: {  	vm8 =	veq.s32 v49, v2;
	v50 =	vsel vm7, $0x1, v0;
	s31 =	sadd.s32 s20, s31;
	s2 =	ssub.s32 $0x10, s22;
	s20 =	spop (v2sf)  }
0x388: {  	v51, _, _ =	vpop (xrf0);
	v6 =	vnsel vm8, $0x0, v6;
	(xrf0) =	vadd.scan.msk.s32 $0xffff, v50;
	v52 =	vadd.s32 s31, v43;
	v53 =	vmov s2;
	s2 =	spop (v2sf)  }
0x389: {  	v11 =	vnsel vm8, $0x0, v11;
	v54, _, _ =	vpop (xrf0);
	(xrf0) =	vadd.scan.msk.s32 $0xffff, v6;
	vm9 =	vgt.s32 v52, v4;
	s2 =	sadd.s32 s31, s2  }
0x38a: {  	(xrf0) =	vadd.scan.msk.s32 $0xffff, v11;
	vm10 =	veq.s32 v53, v2;
	v55 =	vsel vm9, $0x1, v0;
	v56 =	vadd.s32 s2, v54  }
0x38b: {  	v9 =	vnsel vm10, $0x0, v9;
	(xrf0) =	vadd.scan.msk.s32 $0xffff, v55;
	vm11 =	vgt.s32 v56, v4  }
0x38c: {  	v57 =	vnsel vm10, $0x0, v15;
	(xrf0) =	vadd.scan.msk.s32 $0xffff, v9;
	v4 =	vsel vm11, $0x1, v0  }
0x38d: {  	(v2sf) =	vpush v51, $0xF;
	(xrf0) =	vadd.scan.msk.s32 $0xffff, v57  }
0x38e: {  	v58, _, _ =	vpop (xrf0);
	(v2sf) =	vpush v54, $0xF;
	(xrf0) =	vadd.scan.msk.s32 $0xffff, v4  }
0x38f: {  	(v2sf) =	vpush v58, $0xF;
	v4, _, _ =	vpop (xrf0)  }
0x390: {  	v59, _, _ =	vpop (xrf0);
	(v2sf) =	vpush v4, $0xF  }
0x391: {  	p0 =	sgt.s32 s15, s16;
	(v2sf) =	vpush v59, $0xF;
	v4, _, _ =	vpop (xrf0)  }
0x392: {  	s16 =	smov.u32 @p0 s15;
	p0 =	por p2, p2;
	(v2sf) =	vpush v4, $0xF;
	v4, _, _ =	vpop (xrf0)  }
0x393: {  	s3 =	smov.u32 @p0 s19;
	s19 =	sld [smem:$0x7BD];
	v60, _, _ =	vpop (xrf0);
	(v2sf) =	vpush v4, $0xF  }
0x394: {  	p3 =	por !p4, !p5;
	s5 =	smov.u32 @p0 s30;
	s30 =	spop (v2sf);
	(v2sf) =	vpush v60, $0xF;
	v4, _, _ =	vpop (xrf0)  }
0x395: {  	p1 =	por p1, p1;
	s2 =	ssub.s32 s13, s17;
	s13 =	spop (v2sf);
	(v2sf) =	vpush v4, $0xF  }
0x396: {  	p2 =	por !p3, !p3;
	p6 =	seq.s32 s16, $0x0;
	p5 =	seq.s32 s19, $0x1  }
0x397: {  	p4 =	por p5, p5;
	p3 =	sgt.s32 s28, $0x0;
	s15 =	ssub.s32 s12, s28  }
0x398: {  	p4 =	por p4, p4;
	s28 =	simm.s32 $0x1;
	p6 =	por !p6, !p3  }
0x399: {  	s3 =	smov.u32 @p4 s29;
	s4 =	smov.u32 @p2 s2;
	s2 =	simm.s32 $0x1  }
0x39a: {  	s5 =	smov.u32 @p4 s25;
	s11 =	ssub.s32 s11, s26;
	s2 =	simm.s32 @!p3 $0x0  }
0x39b: {  	p2 =	por p2, p2;
	p3 =	sgt.s32 s26, $0x0;
	p0 =	sgt.s32 s16, s2  }
0x39c: {  	s2 =	smov.u32 @p0 s16;
	p0 =	por p1, p1;
	s12 =	spop (v2sf)  }
0x39d: {  	p1 =	por !p6, !p6;
	p6 =	por p0, p0;
	s26 =	spop (v2sf)  }
0x39e: {  	s25 =	ssub.s32 $0x10, s30;
	s3 =	smov.u32 @p6 s24;
	s24 =	spop (v2sf)  }
0x39f: {  	s9 =	ssub.s32 s9, s30;
	s4 =	smov.u32 @p1 s15;
	v4 =	vmov s25;
	s15 =	spop (v2sf)  }
0x3a0: {  	p2 =	por p2, p2;
	s28 =	simm.s32 @!p3 $0x0;
	vm12 =	veq.s32 v4, v2;
	s16 =	spop (v2sf)  }
0x3a1: {  	p5 =	seq.s32 s2, $0x0;
	p4 =	sgt.s32 s2, s28;
	v4 =	vnsel vm12, $0x0, v5;
	s31 =	spop (v2sf)  }
0x3a2: {  	p5 =	por !p5, !p3;
	v5 =	vnsel vm12, $0x0, v16;
	(xrf0) =	vadd.scan.msk.s32 $0xffff, v4;
	s29 =	ssub.s32 $0x10, s24;
	s17 =	spop (v2sf)  }
0x3a3: {  	p3 =	sgt.s32 s22, $0x0;
	s22 =	ssub.s32 s10, s22;
	(xrf0) =	vadd.scan.msk.s32 $0xffff, v5;
	v4 =	vmov s29;
	s10 =	spop (v2sf)  }
0x3a4: {  	p2 =	por p2, p2;
	s28 =	smov.u32 @p4 s2;
	vm13 =	veq.s32 v4, v2;
	s26 =	spop (v2sf)  }
0x3a5: {  	s5 =	smov.u32 @p6 s23;
	v4 =	vnsel vm13, $0x0, v8;
	s25 =	ssub.s32 $0x10, s31;
	s29 =	ssub.s32 $0x10, s26  }
0x3a6: {  	s2 =	simm.s32 $0x1;
	p6 =	por p1, p1;
	p0 =	por !p5, !p5;
	(xrf0) =	vadd.scan.msk.s32 $0xffff, v4;
	v5 =	vmov s25;
	v4 =	vmov s29  }
0x3a7: {  	p4 =	seq.s32 s28, $0x0;
	s2 =	simm.s32 @!p3 $0x0;
	s3 =	smov.u32 @p2 s21;
	v61 =	vnsel vm13, $0x0, v10;
	vm14 =	veq.s32 v5, v2  }
0x3a8: {  	s5 =	smov.u32 @p2 s20;
	s20 =	simm.s32 $0x1;
	s4 =	smov.u32 @p0 s11;
	(xrf0) =	vadd.scan.msk.s32 $0xffff, v61;
	v62, _, _ =	vpop (xrf0);
	v5 =	vnsel vm14, $0x0, v14  }
0x3a9: {  	p5 =	sgt.s32 s28, s2;
	p3 =	por !p4, !p3;
	p4 =	por p6, p6;
	(v2sf) =	vpush v62, $0xF;
	v63 =	vnsel vm14, $0x0, v52;
	(xrf0) =	vadd.scan.msk.s32 $0xffff, v5;
	vm15 =	veq.s32 v4, v2;
	v4, _, _ =	vpop (xrf0)  }
0x3aa: {  	p0 =	por p0, p0;
	s2 =	smov.u32 @p5 s28;
	p1 =	por !p3, !p3;
	(xrf0) =	vadd.scan.msk.s32 $0xffff, v63;
	v5 =	vnsel vm15, $0x0, v46;
	(v2sf) =	vpush v4, $0xF;
	v4 =	vnsel vm15, $0x0, v56  }
0x3ab: {  	p3 =	sgt.s32 s30, $0x0;
	p4 =	por p4, p4;
	p0 =	por p0, p0;
	(xrf0) =	vadd.scan.msk.s32 $0xffff, v5  }
0x3ac: {  	s4 =	smov.u32 @p1 s22;
	p5 =	seq.s32 s2, $0x0;
	s20 =	simm.s32 @!p3 $0x0;
	(xrf0) =	vadd.scan.msk.s32 $0xffff, v4  }
0x3ad: {  	p1 =	por p1, p1;
	s3 =	smov.u32 @p4 s13;
	p6 =	sgt.s32 s2, s20;
	v4, _, _ =	vpop (xrf0)  }
0x3ae: {  	p3 =	por !p5, !p3;
	s20 =	smov.u32 @p6 s2;
	s2 =	simm.s32 $0x1;
	v5, _, _ =	vpop (xrf0);
	(v2sf) =	vpush v4, $0xF  }
0x3af: {  	p6 =	por !p3, !p3;
	s5 =	smov.u32 @p4 s12;
	p3 =	por p0, p0;
	(v2sf) =	vpush v5, $0xF;
	v4, _, _ =	vpop (xrf0)  }
0x3b0: {  	p0 =	por p1, p1;
	p2 =	seq.s32 s20, $0x0;
	s4 =	smov.u32 @p6 s9;
	v5, _, _ =	vpop (xrf0);
	(v2sf) =	vpush v4, $0xF  }
0x3b1: {  	p1 =	por p6, p6;
	s9 =	simm.s32 $0x1;
	p5 =	sgt.s32 s24, $0x0;
	(v2sf) =	vpush v5, $0xF;
	v4, _, _ =	vpop (xrf0)  }
0x3b2: {  	p6 =	por p0, p0;
	s6 =	ssub.s32 s6, s24;
	p2 =	por !p2, !p5;
	v5, _, _ =	vpop (xrf0);
	(v2sf) =	vpush v4, $0xF  }
0x3b3: {  	p1 =	por p1, p1;
	s2 =	simm.s32 @!p5 $0x0;
	p2 =	por !p2, !p2;
	(v2sf) =	vpush v5, $0xF  }
0x3b4: {  	p1 =	por p1, p1;
	p4 =	sgt.s32 s20, s2;
	p0 =	por p2, p2  }
0x3b5: {  	s2 =	smov.u32 @p4 s20;
	s4 =	smov.u32 @p2 s6;
	p0 =	por p0, p0  }
0x3b6: {  	p4 =	seq.s32 s2, $0x0;
	p0 =	por p0, p0;
	s3 =	smov.u32 @p3 s15  }
0x3b7: {  	s5 =	smov.u32 @p3 s16;
	p5 =	sgt.s32 s31, $0x0;
	s6 =	ssub.s32 s7, s31  }
0x3b8: {  	s31 =	sld [smem:$0x7E9];
	s9 =	simm.s32 @!p5 $0x0;
	p4 =	por !p4, !p5  }
0x3b9: {  	s3 =	smov.u32 @p6 s17;
	p3 =	sgt.s32 s2, s9;
	p2 =	por !p4, !p4  }
0x3ba: {  	s5 =	smov.u32 @p6 s10;
	s9 =	smov.u32 @p3 s2;
	s4 =	smov.u32 @p2 s6  }
0x3bb: {  	p5 =	sgt.s32 s26, $0x0;
	p2 =	por p2, p2;
	s2 =	spop (v2sf)  }
0x3bc: {  	p3 =	seq.s32 s9, $0x0;
	p4 =	por p2, p2;
	s6 =	spop (v2sf)  }
0x3bd: {  	p3 =	por !p3, !p5;
	s3 =	smov.u32 @p1 s2;
	s2 =	spop (v2sf)  }
0x3be: {  	p3 =	por !p3, !p3;
	s5 =	smov.u32 @p1 s6;
	s6 =	spop (v2sf)  }
0x3bf: {  	p5 =	por p3, p3;
	s3 =	smov.u32 @p0 s2;
	s2 =	spop (v2sf)  }
0x3c0: {  	s5 =	smov.u32 @p0 s6;
	p0 =	por p4, p4;
	s6 =	spop (v2sf)  }
0x3c1: {  	p6 =	por p5, p5;
	s3 =	smov.u32 @p0 s2;
	s2 =	spop (v2sf)  }
0x3c2: {  	s5 =	smov.u32 @p0 s6;
	p0 =	por p6, p6;
	s6 =	spop (v2sf)  }
0x3c3: {  	s3 =	smov.u32 @p0 s2;
	s5 =	smov.u32 @p0 s6;
	p0 =	seq.s32 s31, $0x1  }
.Ltmp28:
0x3c4: {  	_ = 	snop;
	(pc) =	sbr.rel @p0 .LBB2_62-.Ltmp28, $3  }
0x3c5: {  	_ =	sdelay $0x1  }
0x3c6: {  	[tilespmem:$0x10000] =	vst v0;
	s7 =	ssub.s32 s8, s26  }
0x3c7: {  	[tilespmem:$0x10010] =	vst v0;
	s4 =	smov.u32 @p3 s7  }
0x3c8: {  	s8 =	rddreg [dreg:$0xa]  }
0x3c9: {  	p1 =	sne.s32 s8, $0x1  }
.Ltmp29:
0x3ca: {  	_ = 	snop;
	(pc) =	sbr.rel @!p1 .LBB2_57-.Ltmp29, $4  }
0x3cb: {  	_ = 	snop  }
0x3cc: {  	s2 =	sshll.u32 s0, $0x8  }
0x3cd: {  	s7 =	simm.s32 $0x10800;
	s2 =	sor.u32 s2, s4  }
0x3ce: {  	s6 =	simm.s32 $0x0;
	p0 =	por $0x0, $0x0;
	v5 =	vld [tilespmem:s7+$0x0];
	s7 =	sadd.s32 $0xFFFFFFFF, s8;
	v4 =	vmov s2  }
0x3cf: {  	_ =	sdelay $0x3  }
0x3d0: {  	v6 =	vshrl.u32 v5, $0x5  }
0x3d1: {  	v7 =	vor.u32 s6, v2;
	v6 =	vand.u32 $0xFFFF, v6  }
0x3d2: {  	vm0 =	vlt.s32 v7, v3;
	vm1 =	veq.s32 v6, v4  }
0x3d3: {  	vm0 =	vmand vm0, vm1  }
0x3d4: {  	v5 =	vand.u32 $0x1F, v5  }
0x3d5: {  	p1 =	sne.s32 s7, $0x1  }
.Ltmp30:
0x3d6: {  	_ = 	snop;
	(pc) =	sbr.rel @!p1 .LBB2_59-.Ltmp30, $3  }
0x3d7: {  	_ =	sdelay $0x1  }
0x3d8: {  	s8 =	simm.s32 $0x10810;
	[tilespmem:v5+s14+$0x0] =	vst.idx.add.s32.msk vm0, v1  }
0x3d9: {  	s9 =	sadd.s32 $0xFFFFFFFF, s7;
	p0 =	por $0x1, $0x1;
	s7 =	simm.s32 $0x0;
	v5 =	vld [tilespmem:s8+$0x0]  }
.LBB2_60:
0x3da: {  	p1 =	sne.s32 s9, $0x1;
	_ =	sdelay $0x3  }
0x3db: {  	s7 =	sadd.s32 $0x10, s7;
	v6 =	vshrl.u32 v5, $0x5  }
0x3dc: {  	v7 =	vor.u32 s7, v2;
	v6 =	vand.u32 $0xFFFF, v6  }
0x3dd: {  	vm0 =	vlt.s32 v7, v3;
	vm1 =	veq.s32 v6, v4  }
0x3de: {  	vm0 =	vmand vm0, vm1  }
0x3df: {  	v5 =	vand.u32 $0x1F, v5;
	_ =	sdelay $0x1  }
.Ltmp31:
0x3e0: {  	(pc) =	sbr.rel @p1 .LBB2_60-.Ltmp31, $3  }
0x3e1: {  	_ =	sdelay $0x1  }
0x3e2: {  	s8 =	sadd.s32 $0x10, s8;
	[tilespmem:v5+s14+$0x0] =	vst.idx.add.s32.msk vm0, v1  }
0x3e3: {  	s9 =	sadd.s32 $0xFFFFFFFF, s9;
	v5 =	vld [tilespmem:s8+$0x0]  }
.LBB2_61:
0x3e4: {  	_ =	sdelay $0x2  }
0x3e5: {  	s2 =	sadd.s32 @p0 $0x10, s7  }
0x3e6: {  	s6 =	smov.u32 @p0 s2;
	v6 =	vshrl.u32 v5, $0x5  }
0x3e7: {  	v7 =	vor.u32 s6, v2;
	v6 =	vand.u32 $0xFFFF, v6  }
0x3e8: {  	vm0 =	vlt.s32 v7, v3;
	vm1 =	veq.s32 v6, v4  }
0x3e9: {  	vm0 =	vmand vm0, vm1  }
0x3ea: {  	v3 =	vand.u32 $0x1F, v5;
	_ =	sdelay $0x4  }
0x3eb: {  	[tilespmem:v3+s14+$0x0] =	vst.idx.add.s32.msk vm0, v1  }
.LBB2_62:
0x3ec: {  	v3 =	vld [tilespmem:$0x10000];
	_ =	sdelay $0x4  }
0x3ed: {  	(xrf0) =	vadd.scan.msk.s32 $0xffff, v3;
	_ =	sdelay $0x1  }
0x3ee: {  	s2 =	sld [smem:$0x7BC];
	_ =	sdelay $0x2  }
0x3ef: {  	s1 =	sadd.s32 s3, s1;
	s2 =	sadd.s32 s5, s2;
	v3 =	vld [tilespmem:$0x10010]  }
0x3f0: {  	s1 =	ssub.s32 s1, s2;
	v4, _, _ =	vpop (xrf0)  }
0x3f1: {  	vm0 =	vgt.s32 v4, s1  }
0x3f2: {  	v5 =	vsel vm0, $0x1, v0  }
0x3f3: {  	(xrf0) =	vadd.scan.msk.s32 $0xffff, v5  }
0x3f4: {  	(xrf0) =	vadd.scan.msk.s32 $0xffff, v3;
	_ =	sdelay $0x4  }
0x3f5: {  	v4 =	vbroadcast v4, $0xF;
	v3, _, _ =	vpop (xrf0)  }
0x3f6: {  	v5, _, _ =	vpop (xrf0)  }
0x3f7: {  	v4 =	vadd.s32 v4, v5  }
0x3f8: {  	vm0 =	vgt.s32 v4, s1  }
0x3f9: {  	v4 =	vsel vm0, $0x1, v0  }
0x3fa: {  	(xrf0) =	vadd.scan.msk.s32 $0xffff, v4;
	_ =	sdelay $0x5  }
0x3fb: {  	(v2sf) =	vpush v3, $0xF;
	v3, _, _ =	vpop (xrf0)  }
0x3fc: {  	(v2sf) =	vpush v3, $0xF;
	_ =	sdelay $0xd  }
0x3fd: {  	s31 =	sshll.u32 s18, $0x15;
	s0 =	sshll.u32 s0, $0xD;
	s29 =	spop (v2sf)  }
0x3fe: {  	s4 =	sshll.u32 s4, $0x5;
	s1 =	simm.s32 $0x40;
	s30 =	spop (v2sf)  }
0x3ff: {  	s0 =	sor.u32 s31, s0;
	v7 =	vld [tilespmem:s1+$0x30];
	p1 =	sgt.s32 s30, $0x0;
	s2 =	ssub.s32 $0x20, s30  }
0x400: {  	v10 =	vld [tilespmem:s1+$0xFFFFFFD0];
	p0 =	slt.s32 s29, $0x1;
	s3 =	ssub.s32 $0x10, s29;
	s2 =	simm.s32 @!p1 $0x0  }
0x401: {  	s0 =	sor.u32 s4, s0;
	v9 =	vld [tilespmem:s1+$0xFFFFFFE0];
	s3 =	smov.u32 @p0 s2  }
0x402: {  	v8 =	vld [tilespmem:s1+$0xFFFFFFF0];
	s0 =	sor.u32 s3, s0  }
0x403: {  	v6 =	vld [tilespmem:s1+$0x0];
	v3 =	vmov s0  }
0x404: {  	v5 =	vld [tilespmem:s1+$0x10];
	vm0 =	vlt.s32 v7, v3  }
0x405: {  	v4 =	vld [tilespmem:s1+$0x20];
	vm1 =	vlt.s32 v10, v3;
	v11 =	vsel vm0, $0x0, v7  }
0x406: {  	s2 =	simm.s32 $0xC0;
	s0 =	simm.s32 $0x0;
	v7 =	vld [tilespmem:s1+$0xFFFFFFC0];
	v10 =	vsel vm1, $0x0, v10;
	vm0 =	vlt.s32 v9, v3;
	[tilespmem:s1+$0x30] =	vst v11  }
.LBB2_63:
0x407: {  	v11 =	vld [tilespmem:s2+$0x30];
	s0 =	sadd.s32 $0x8, s0;
	[tilespmem:s1+$0xFFFFFFD0] =	vst v10;
	v9 =	vsel vm0, $0x0, v9;
	vm0 =	vlt.s32 v8, v3  }
0x408: {  	v10 =	vld [tilespmem:s2+$0xFFFFFFD0];
	p0 =	slt.u32 s0, $0x7F8;
	[tilespmem:s1+$0xFFFFFFE0] =	vst v9;
	v8 =	vsel vm0, $0x0, v8;
	vm0 =	vlt.s32 v6, v3  }
0x409: {  	v9 =	vld [tilespmem:s2+$0xFFFFFFE0];
	[tilespmem:s1+$0xFFFFFFF0] =	vst v8;
	v6 =	vsel vm0, $0x0, v6;
	vm0 =	vlt.s32 v5, v3  }
.Ltmp32:
0x40a: {  	v8 =	vld [tilespmem:s2+$0xFFFFFFF0];
	[tilespmem:s1+$0x0] =	vst v6;
	v5 =	vsel vm0, $0x0, v5;
	vm0 =	vlt.s32 v4, v3;
	(pc) =	sbr.rel @p0 .LBB2_63-.Ltmp32, $4  }
0x40b: {  	v6 =	vld [tilespmem:s2+$0x0];
	vm1 =	vlt.s32 v7, v3;
	[tilespmem:s1+$0x10] =	vst v5;
	v4 =	vsel vm0, $0x0, v4  }
0x40c: {  	v5 =	vld [tilespmem:s2+$0x10];
	vm0 =	vlt.s32 v11, v3;
	v7 =	vsel vm1, $0x0, v7;
	[tilespmem:s1+$0x20] =	vst v4  }
0x40d: {  	vm1 =	vlt.s32 v10, v3;
	v4 =	vld [tilespmem:s2+$0x20];
	v11 =	vsel vm0, $0x0, v11;
	[tilespmem:s1+$0xFFFFFFC0] =	vst v7;
	s1 =	smov.u32 s2  }
0x40e: {  	s2 =	sadd.s32 $0x80, s2;
	v7 =	vld [tilespmem:s1+$0xFFFFFFC0];
	v10 =	vsel vm1, $0x0, v10;
	vm0 =	vlt.s32 v9, v3;
	[tilespmem:s1+$0x30] =	vst v11  }
0x40f: {  	[tilespmem:s1+$0xFFFFFFD0] =	vst v10;
	v9 =	vsel vm0, $0x0, v9;
	vm12 =	vlt.s32 v8, v3  }
0x410: {  	[tilespmem:s1+$0xFFFFFFE0] =	vst v9;
	v8 =	vsel vm12, $0x0, v8;
	vm13 =	vlt.s32 v6, v3  }
0x411: {  	[tilespmem:s1+$0xFFFFFFF0] =	vst v8;
	v6 =	vsel vm13, $0x0, v6;
	vm14 =	vlt.s32 v5, v3  }
0x412: {  	[tilespmem:s1+$0x0] =	vst v6;
	v5 =	vsel vm14, $0x0, v5;
	vm15 =	vlt.s32 v4, v3  }
0x413: {  	vm1 =	vlt.s32 v7, v3;
	[tilespmem:s1+$0x10] =	vst v5;
	v3 =	vsel vm15, $0x0, v4  }
0x414: {  	v63 =	vsel vm1, $0x0, v7;
	[tilespmem:s1+$0x20] =	vst v3  }
0x415: {  	s0 =	simm.s32 $0x0;
	[tilespmem:s1+$0xFFFFFFC0] =	vst v63  }
0x416: {  	s2 =	simm.s32 $0x80;
	s3 =	simm.s32 $0x400;
	s1 =	rddreg [dreg:$0x6]  }
0x417: {  	[hbm4b:s1+s2] =	stream.strided.scatter [tilespmem:s0], [sflag:$0x3], $0x8000, s3, s2, $0x38;
	[tilespmem:$0x18880] =	vst v63  }
0x418: {  	s0 =	simm.s32 $0x10040  }
0x419: {  	[tilespmem:s0+$0xFFFFFFC0] =	vst v0  }
0x41a: {  	[tilespmem:s0+$0x30] =	vst v0  }
0x41b: {  	[tilespmem:s0+$0x20] =	vst v0  }
0x41c: {  	[tilespmem:s0+$0x10] =	vst v0  }
0x41d: {  	[tilespmem:s0+$0x0] =	vst v0  }
0x41e: {  	[tilespmem:s0+$0xFFFFFFF0] =	vst v0  }
0x41f: {  	s1 =	simm.s32 $0x0;
	[tilespmem:s0+$0xFFFFFFE0] =	vst v0  }
.LBB2_65:
0x420: {  	s1 =	sadd.s32 $0x8, s1;
	[tilespmem:s0+$0xFFFFFFD0] =	vst v0;
	s0 =	sadd.s32 $0x80, s0  }
0x421: {  	[tilespmem:s0+$0xFFFFFFC0] =	vst v0;
	p0 =	slt.u32 s1, $0x38  }
0x422: {  	[tilespmem:s0+$0x30] =	vst v0  }
.Ltmp33:
0x423: {  	[tilespmem:s0+$0x20] =	vst v0;
	(pc) =	sbr.rel @p0 .LBB2_65-.Ltmp33, $4  }
0x424: {  	[tilespmem:s0+$0x10] =	vst v0  }
0x425: {  	[tilespmem:s0+$0x0] =	vst v0  }
0x426: {  	[tilespmem:s0+$0xFFFFFFF0] =	vst v0  }
0x427: {  	[tilespmem:s0+$0xFFFFFFE0] =	vst v0  }
0x428: {  	[tilespmem:s0+$0xFFFFFFD0] =	vst v0;
	s30 =	simm.s32 $0x1  }
0x429: {  	_ =	swait.ge [sflag:s30], $0x8000  }
0x42a: {  	[sflag:s30] =	ssyncset.done $0x0  }
0x42b: {  	s31 =	simm.s32 $0x8040;
	[sflag:s30] =	ssyncadd.s32 $0xFFFF8000  }
0x42c: {  	v3 =	vld [tilespmem:s31+$0xFFFFFFC0]  }
0x42d: {  	v4 =	vld [tilespmem:s31+$0xFFFFFFD0]  }
0x42e: {  	v5 =	vld [tilespmem:s31+$0xFFFFFFE0]  }
0x42f: {  	v6 =	vld [tilespmem:s31+$0xFFFFFFF0]  }
0x430: {  	v7 =	vld [tilespmem:s31+$0x0]  }
0x431: {  	v9 =	vld [tilespmem:s31+$0x10];
	v8 =	vshrl.u32 v3, $0x15  }
0x432: {  	v10 =	vshrl.u32 v4, $0x15  }
0x433: {  	v11 =	vimm.s32 $0x0;
	v3 =	vshrl.u32 v3, $0x1F;
	v12 =	vshrl.u32 v5, $0x15  }
0x434: {  	v62 =	vld [tilespmem:s31+$0x20];
	v4 =	vshrl.u32 v4, $0x1F;
	v13 =	vshrl.u32 v6, $0x15;
	v3 =	vadd.s32 v11, v3  }
0x435: {  	v14 =	vshrl.u32 v7, $0x15;
	v3 =	vadd.s32 v4, v3;
	v4 =	vshrl.u32 v5, $0x1F;
	v5 =	vld [tilespmem:s31+$0x30]  }
0x436: {  	v3 =	vadd.s32 v4, v3;
	v4 =	vshrl.u32 v6, $0x1F;
	v6 =	vshrl.u32 v9, $0x15;
	[tilespmem:v8+s14+$0x0] =	vst.idx.add.s32.msk $0xffff, v1  }
0x437: {  	v3 =	vadd.s32 v4, v3;
	v4 =	vshrl.u32 v7, $0x1F;
	[tilespmem:v10+s14+$0x0] =	vst.idx.add.s32.msk $0xffff, v1  }
0x438: {  	v3 =	vadd.s32 v4, v3;
	v4 =	vshrl.u32 v9, $0x1F;
	[tilespmem:v12+s14+$0x0] =	vst.idx.add.s32.msk $0xffff, v1  }
0x439: {  	[tilespmem:v13+s14+$0x0] =	vst.idx.add.s32.msk $0xffff, v1;
	v3 =	vadd.s32 v4, v3;
	v4 =	vshrl.u32 v62, $0x1F  }
0x43a: {  	[tilespmem:v14+s14+$0x0] =	vst.idx.add.s32.msk $0xffff, v1;
	v7 =	vadd.s32 v4, v3;
	v63 =	vshrl.u32 v5, $0x1F  }
0x43b: {  	s1 =	simm.s32 $0x0;
	s0 =	simm.s32 $0xC070;
	s2 =	simm.s32 $0x80C0;
	v3 =	vshrl.u32 v62, $0x15;
	v4 =	vshrl.u32 v5, $0x15;
	v5 =	vadd.s32 v63, v7;
	[tilespmem:v6+s14+$0x0] =	vst.idx.add.s32.msk $0xffff, v1  }
.LBB2_67:
0x43c: {  	v6 =	vld [tilespmem:s2+$0xFFFFFFC0];
	s1 =	sadd.s32 $0x8, s1  }
0x43d: {  	v7 =	vld [tilespmem:s2+$0xFFFFFFD0];
	p0 =	slt.u32 s1, $0x3F8  }
0x43e: {  	v8 =	vld [tilespmem:s2+$0xFFFFFFE0]  }
0x43f: {  	v9 =	vld [tilespmem:s2+$0xFFFFFFF0]  }
0x440: {  	v10 =	vld [tilespmem:s2+$0x0]  }
0x441: {  	v11 =	vshrl.u32 v6, $0x15;
	v6 =	vshrl.u32 v6, $0x1F;
	v12 =	vld [tilespmem:s2+$0x10]  }
0x442: {  	v5 =	vadd.s32 v5, v6;
	v6 =	vshrl.u32 v7, $0x15;
	v7 =	vshrl.u32 v7, $0x1F;
	v13 =	vld [tilespmem:s2+$0x20]  }
0x443: {  	v5 =	vadd.s32 v7, v5;
	v7 =	vshrl.u32 v8, $0x15;
	v8 =	vshrl.u32 v8, $0x1F;
	v14 =	vld [tilespmem:s2+$0x30]  }
0x444: {  	v5 =	vadd.s32 v8, v5;
	v8 =	vshrl.u32 v9, $0x15;
	v9 =	vshrl.u32 v9, $0x1F;
	[tilespmem:v3+s14+$0x0] =	vst.idx.add.s32.msk $0xffff, v1  }
0x445: {  	v3 =	vadd.s32 v9, v5;
	v9 =	vshrl.u32 v10, $0x15;
	v5 =	vshrl.u32 v10, $0x1F;
	[tilespmem:v4+s14+$0x0] =	vst.idx.add.s32.msk $0xffff, v1  }
0x446: {  	[tilespmem:v11+s14+$0x0] =	vst.idx.add.s32.msk $0xffff, v1;
	v3 =	vadd.s32 v5, v3;
	v10 =	vshrl.u32 v12, $0x15;
	v4 =	vshrl.u32 v12, $0x1F  }
.Ltmp34:
0x447: {  	[tilespmem:v6+s14+$0x0] =	vst.idx.add.s32.msk $0xffff, v1;
	v4 =	vadd.s32 v4, v3;
	v3 =	vshrl.u32 v13, $0x15;
	v5 =	vshrl.u32 v13, $0x1F;
	(pc) =	sbr.rel @p0 .LBB2_67-.Ltmp34, $4  }
0x448: {  	[tilespmem:v7+s14+$0x0] =	vst.idx.add.s32.msk $0xffff, v1;
	v5 =	vadd.s32 v5, v4;
	v4 =	vshrl.u32 v14, $0x15;
	v6 =	vshrl.u32 v14, $0x1F  }
0x449: {  	[tilespmem:v8+s14+$0x0] =	vst.idx.add.s32.msk $0xffff, v1;
	v5 =	vadd.s32 v6, v5  }
0x44a: {  	[tilespmem:v9+s14+$0x0] =	vst.idx.add.s32.msk $0xffff, v1  }
0x44b: {  	s2 =	sadd.s32 $0x80, s2;
	[tilespmem:v10+s14+$0x0] =	vst.idx.add.s32.msk $0xffff, v1  }
0x44c: {  	_ =	sdelay $0x3  }
0x44d: {  	[tilespmem:v3+s14+$0x0] =	vst.idx.add.s32.msk $0xffff, v1  }
0x44e: {  	[tilespmem:v4+s14+$0x0] =	vst.idx.add.s32.msk $0xffff, v1  }
0x44f: {  	v3 =	vld [tilespmem:s0+$0xFFFFFF90]  }
0x450: {  	v4 =	vld [tilespmem:s0+$0xFFFFFFA0]  }
0x451: {  	v6 =	vld [tilespmem:s0+$0xFFFFFFB0]  }
0x452: {  	v7 =	vld [tilespmem:s0+$0xFFFFFFC0]  }
0x453: {  	v8 =	vld [tilespmem:s0+$0xFFFFFFD0]  }
0x454: {  	v10 =	vld [tilespmem:s0+$0xFFFFFFE0];
	v9 =	vshrl.u32 v3, $0x15  }
0x455: {  	v11 =	vshrl.u32 v4, $0x15  }
0x456: {  	v3 =	vshrl.u32 v3, $0x1F;
	v12 =	vshrl.u32 v6, $0x15  }
0x457: {  	v4 =	vshrl.u32 v4, $0x1F;
	v13 =	vshrl.u32 v7, $0x15;
	v3 =	vadd.s32 v5, v3;
	v5 =	vld [tilespmem:s0+$0xFFFFFFF0]  }
0x458: {  	v14 =	vshrl.u32 v8, $0x15;
	v3 =	vadd.s32 v4, v3;
	v4 =	vshrl.u32 v6, $0x1F;
	v6 =	vld [tilespmem:s0+$0x0]  }
0x459: {  	v3 =	vadd.s32 v4, v3;
	v4 =	vshrl.u32 v7, $0x1F;
	v7 =	vshrl.u32 v10, $0x15;
	[tilespmem:v9+s14+$0x0] =	vst.idx.add.s32.msk $0xffff, v1  }
0x45a: {  	v3 =	vadd.s32 v4, v3;
	v4 =	vshrl.u32 v8, $0x1F;
	[tilespmem:v11+s14+$0x0] =	vst.idx.add.s32.msk $0xffff, v1  }
0x45b: {  	v3 =	vadd.s32 v4, v3;
	v4 =	vshrl.u32 v10, $0x1F;
	[tilespmem:v12+s14+$0x0] =	vst.idx.add.s32.msk $0xffff, v1  }
0x45c: {  	[tilespmem:v13+s14+$0x0] =	vst.idx.add.s32.msk $0xffff, v1;
	v3 =	vadd.s32 v4, v3;
	v4 =	vshrl.u32 v5, $0x1F  }
0x45d: {  	[tilespmem:v14+s14+$0x0] =	vst.idx.add.s32.msk $0xffff, v1;
	v62 =	vadd.s32 v4, v3;
	v63 =	vshrl.u32 v6, $0x1F  }
0x45e: {  	s1 =	simm.s32 $0xC0F0;
	s0 =	simm.s32 $0x400;
	v3 =	vshrl.u32 v5, $0x15;
	v4 =	vshrl.u32 v6, $0x15;
	v5 =	vadd.s32 v63, v62;
	[tilespmem:v7+s14+$0x0] =	vst.idx.add.s32.msk $0xffff, v1  }
.LBB2_69:
0x45f: {  	v6 =	vld [tilespmem:s1+$0xFFFFFF90];
	s0 =	sadd.s32 $0x8, s0  }
0x460: {  	v7 =	vld [tilespmem:s1+$0xFFFFFFA0];
	p0 =	slt.u32 s0, $0x7F8  }
0x461: {  	v8 =	vld [tilespmem:s1+$0xFFFFFFB0]  }
0x462: {  	v9 =	vld [tilespmem:s1+$0xFFFFFFC0]  }
0x463: {  	v10 =	vld [tilespmem:s1+$0xFFFFFFD0]  }
0x464: {  	v11 =	vshrl.u32 v6, $0x15;
	v6 =	vshrl.u32 v6, $0x1F;
	v12 =	vld [tilespmem:s1+$0xFFFFFFE0]  }
0x465: {  	v5 =	vadd.s32 v5, v6;
	v6 =	vshrl.u32 v7, $0x15;
	v7 =	vshrl.u32 v7, $0x1F;
	v13 =	vld [tilespmem:s1+$0xFFFFFFF0]  }
0x466: {  	v5 =	vadd.s32 v7, v5;
	v7 =	vshrl.u32 v8, $0x15;
	v8 =	vshrl.u32 v8, $0x1F;
	v14 =	vld [tilespmem:s1+$0x0]  }
0x467: {  	v5 =	vadd.s32 v8, v5;
	v8 =	vshrl.u32 v9, $0x15;
	v9 =	vshrl.u32 v9, $0x1F;
	[tilespmem:v3+s14+$0x0] =	vst.idx.add.s32.msk $0xffff, v1  }
0x468: {  	v3 =	vadd.s32 v9, v5;
	v9 =	vshrl.u32 v10, $0x15;
	v5 =	vshrl.u32 v10, $0x1F;
	[tilespmem:v4+s14+$0x0] =	vst.idx.add.s32.msk $0xffff, v1  }
0x469: {  	[tilespmem:v11+s14+$0x0] =	vst.idx.add.s32.msk $0xffff, v1;
	v3 =	vadd.s32 v5, v3;
	v10 =	vshrl.u32 v12, $0x15;
	v4 =	vshrl.u32 v12, $0x1F  }
.Ltmp35:
0x46a: {  	[tilespmem:v6+s14+$0x0] =	vst.idx.add.s32.msk $0xffff, v1;
	v4 =	vadd.s32 v4, v3;
	v3 =	vshrl.u32 v13, $0x15;
	v5 =	vshrl.u32 v13, $0x1F;
	(pc) =	sbr.rel @p0 .LBB2_69-.Ltmp35, $4  }
0x46b: {  	[tilespmem:v7+s14+$0x0] =	vst.idx.add.s32.msk $0xffff, v1;
	v5 =	vadd.s32 v5, v4;
	v4 =	vshrl.u32 v14, $0x15;
	v6 =	vshrl.u32 v14, $0x1F  }
0x46c: {  	[tilespmem:v8+s14+$0x0] =	vst.idx.add.s32.msk $0xffff, v1;
	v5 =	vadd.s32 v6, v5  }
0x46d: {  	[tilespmem:v9+s14+$0x0] =	vst.idx.add.s32.msk $0xffff, v1  }
0x46e: {  	s1 =	sadd.s32 $0x80, s1;
	[tilespmem:v10+s14+$0x0] =	vst.idx.add.s32.msk $0xffff, v1  }
0x46f: {  	(xrf0) =	vadd.scan.msk.s32 $0xffff, v5;
	_ =	sdelay $0x5  }
0x470: {  	[tilespmem:v3+s14+$0x0] =	vst.idx.add.s32.msk $0xffff, v1;
	v3, _, _ =	vpop (xrf0)  }
0x471: {  	[tilespmem:v4+s14+$0x0] =	vst.idx.add.s32.msk $0xffff, v1;
	s0 =	simm.s32 $0x10000;
	(v2sf) =	vpush v3, $0xF  }
0x472: {  	v4 =	vld [tilespmem:s0+$0x0];
	_ =	sdelay $0x4  }
0x473: {  	(xrf0) =	vadd.scan.msk.s32 $0xffff, v4  }
0x474: {  	s13 =	simm.s32 $0x10010  }
0x475: {  	v10 =	vld [tilespmem:s13+$0x0];
	_ =	sdelay $0x3  }
0x476: {  	v5, _, _ =	vpop (xrf0)  }
0x477: {  	s15 =	simm.s32 $0x10020;
	(xrf0) =	vadd.scan.msk.s32 $0xffff, v10;
	(v2sf) =	vpush v5, $0xF  }
0x478: {  	v8 =	vld [tilespmem:s15+$0x0]  }
0x479: {  	s16 =	spop (v2sf)  }
0x47a: {  	s19 =	simm.s32 $0x0;
	s1 =	ssub.s32 $0x7F00, s16  }
0x47b: {  	v11 =	vadd.s32 s19, v5;
	v3 =	vmov s1  }
0x47c: {  	vm0 =	vgt.s32 v11, v3  }
0x47d: {  	(xrf0) =	vadd.scan.msk.s32 $0xffff, v8;
	v6, _, _ =	vpop (xrf0);
	v5 =	vsel vm0, $0x1, v0  }
0x47e: {  	(v2sf) =	vpush v6, $0xF;
	(xrf0) =	vadd.scan.msk.s32 $0xffff, v5;
	_ =	sdelay $0x4  }
0x47f: {  	v5, _, _ =	vpop (xrf0)  }
0x480: {  	s17 =	simm.s32 $0x10030;
	(v2sf) =	vpush v5, $0xF;
	v7, _, _ =	vpop (xrf0)  }
0x481: {  	v9 =	vld [tilespmem:s17+$0x0];
	(v2sf) =	vpush v7, $0xF  }
0x482: {  	s18 =	spop (v2sf)  }
0x483: {  	s1 =	sadd.s32 $0x0, s18  }
0x484: {  	s2 =	simm.s32 $0x10040;
	v13 =	vadd.s32 s1, v6  }
0x485: {  	v6 =	vld [tilespmem:s2+$0x0];
	vm9 =	vgt.s32 v13, v3  }
0x486: {  	(xrf0) =	vadd.scan.msk.s32 $0xffff, v9;
	v7 =	vsel vm9, $0x1, v0  }
0x487: {  	(xrf0) =	vadd.scan.msk.s32 $0xffff, v7;
	_ =	sdelay $0x1  }
0x488: {  	s20 =	spop (v2sf)  }
0x489: {  	s1 =	sadd.s32 s1, s20;
	(xrf0) =	vadd.scan.msk.s32 $0xffff, v6  }
0x48a: {  	v14 =	vadd.s32 s1, v5  }
0x48b: {  	vm10 =	vgt.s32 v14, v3;
	v7, _, _ =	vpop (xrf0)  }
0x48c: {  	s21 =	simm.s32 $0x10050;
	v5 =	vsel vm10, $0x1, v0;
	(v2sf) =	vpush v7, $0xF;
	v12, _, _ =	vpop (xrf0)  }
0x48d: {  	(xrf0) =	vadd.scan.msk.s32 $0xffff, v5;
	v5 =	vld [tilespmem:s21+$0x0];
	(v2sf) =	vpush v12, $0xF  }
0x48e: {  	s22 =	spop (v2sf)  }
0x48f: {  	v15, _, _ =	vpop (xrf0);
	s1 =	sadd.s32 s1, s22;
	s5 =	spop (v2sf)  }
0x490: {  	(v2sf) =	vpush v15, $0xF;
	v12 =	vadd.s32 s1, v7;
	s23 =	ssub.s32 $0x10, s5  }
0x491: {  	vm11 =	vgt.s32 v12, v3;
	v17 =	vmov s23  }
0x492: {  	(xrf0) =	vadd.scan.msk.s32 $0xffff, v5;
	v7 =	vsel vm11, $0x1, v0;
	vm12 =	veq.s32 v17, v2  }
0x493: {  	(xrf0) =	vadd.scan.msk.s32 $0xffff, v7;
	v4 =	vnsel vm12, $0x0, v4  }
0x494: {  	(xrf0) =	vadd.scan.msk.s32 $0xffff, v4;
	_ =	sdelay $0x2  }
0x495: {  	v16, _, _ =	vpop (xrf0)  }
0x496: {  	(v2sf) =	vpush v16, $0xF;
	v16, _, _ =	vpop (xrf0)  }
0x497: {  	s10 =	simm.s32 $0x10060;
	(v2sf) =	vpush v16, $0xF;
	v4, _, _ =	vpop (xrf0)  }
0x498: {  	s9 =	simm.s32 $0x40;
	v7 =	vld [tilespmem:s10+$0x0];
	(v2sf) =	vpush v4, $0xF;
	v4, _, _ =	vpop (xrf0)  }
0x499: {  	s8 =	simm.s32 $0x50;
	s7 =	simm.s32 $0x60;
	s24 =	spop (v2sf);
	(v2sf) =	vpush v4, $0xF;
	v4 =	vnsel vm12, $0x0, v11  }
0x49a: {  	s4 =	simm.s32 $0x70;
	s1 =	sadd.s32 s1, s24;
	s11 =	spop (v2sf);
	(xrf0) =	vadd.scan.msk.s32 $0xffff, v4  }
0x49b: {  	s3 =	simm.s32 $0x80;
	s6 =	simm.s32 $0x1;
	s25 =	ssub.s32 $0x10, s11;
	v11 =	vadd.s32 s1, v15  }
0x49c: {  	p1 =	por $0x1, $0x1;
	s12 =	simm.s32 $0x1;
	s13 =	simm.s32 $0x10070;
	v15 =	vmov s25;
	vm13 =	vgt.s32 v11, v3  }
0x49d: {  	[dreg:$0x1b] =	wrdreg s16;
	p0 =	sgt.s32 s5, $0x0;
	s26 =	spop (v2sf);
	vm1 =	veq.s32 v15, v2;
	(xrf0) =	vadd.scan.msk.s32 $0xffff, v7;
	v15 =	vsel vm13, $0x1, v0  }
0x49e: {  	s6 =	simm.s32 @!p0 $0x0;
	p0 =	por !p1, !p0;
	s1 =	sadd.s32 s1, s26;
	v4 =	vld [tilespmem:s13+$0x0];
	v10 =	vnsel vm1, $0x0, v10;
	(xrf0) =	vadd.scan.msk.s32 $0xffff, v15  }
0x49f: {  	s18 =	simm.s32 $0x0;
	s5 =	ssub.s32 $0x10, s5;
	p0 =	por !p0, !p0;
	(xrf0) =	vadd.scan.msk.s32 $0xffff, v10;
	v10 =	vadd.s32 s1, v16  }
0x4a0: {  	s2 =	simm.s32 $0x90;
	s18 =	smov.u32 @p0 s5;
	p0 =	por p0, p0;
	v13 =	vnsel vm1, $0x0, v13;
	vm14 =	vgt.s32 v10, v3;
	v15, _, _ =	vpop (xrf0)  }
0x4a1: {  	s21 =	simm.s32 $0x1;
	p2 =	slt.s32 s6, $0x0;
	p0 =	por p0, p0;
	(xrf0) =	vadd.scan.msk.s32 $0xffff, v13;
	v13 =	vsel vm14, $0x1, v0;
	(v2sf) =	vpush v15, $0xF  }
0x4a2: {  	s23 =	simm.s32 $0x1;
	s6 =	smov.u32 @p2 s19;
	s0 =	simm.s32 @!p0 $0x0  }
0x4a3: {  	s5 =	simm.s32 $0xA0;
	s0 =	simm.s32 @p0 $0x1;
	p2 =	sgt.s32 s11, $0x0;
	(xrf0) =	vadd.scan.msk.s32 $0xffff, v4  }
0x4a4: {  	p4 =	seq.s32 s6, $0x0;
	[smem:$0x7BA] =	sst s0;
	s12 =	simm.s32 @!p2 $0x0;
	(xrf0) =	vadd.scan.msk.s32 $0xffff, v13;
	v13, _, _ =	vpop (xrf0)  }
0x4a5: {  	p1 =	por !p4, !p2;
	p3 =	sgt.s32 s6, s12;
	s28 =	spop (v2sf);
	(v2sf) =	vpush v13, $0xF  }
0x4a6: {  	p1 =	por !p1, !p1;
	s12 =	smov.u32 @p3 s6;
	s6 =	ssub.s32 $0x20, s11  }
0x4a7: {  	p3 =	sgt.s32 s28, $0x0;
	s29 =	ssub.s32 $0x10, s28;
	s10 =	ssub.s32 $0x30, s28  }
0x4a8: {  	s11 =	simm.s32 $0x10080;
	p5 =	seq.s32 s12, $0x0;
	s18 =	smov.u32 @p1 s6  }
0x4a9: {  	s21 =	simm.s32 @!p3 $0x0;
	s6 =	simm.s32 $0xB0;
	p1 =	por p1, p1;
	v16 =	vmov s29  }
0x4aa: {  	s13 =	simm.s32 $0xC0;
	p4 =	sgt.s32 s12, s21;
	p6 =	por !p5, !p3;
	v15, _, _ =	vpop (xrf0)  }
0x4ab: {  	s21 =	smov.u32 @p4 s12;
	p2 =	por !p6, !p6;
	s30 =	spop (v2sf);
	vm15 =	veq.s32 v16, v2;
	(v2sf) =	vpush v15, $0xF;
	v15, _, _ =	vpop (xrf0)  }
0x4ac: {  	p3 =	seq.s32 s21, $0x0;
	s18 =	smov.u32 @p2 s10;
	v8 =	vnsel vm15, $0x0, v8;
	s22 =	spop (v2sf);
	v16, _, _ =	vpop (xrf0);
	(v2sf) =	vpush v15, $0xF  }
0x4ad: {  	s12 =	sadd.s32 s1, s30;
	v14 =	vnsel vm15, $0x0, v14;
	(xrf0) =	vadd.scan.msk.s32 $0xffff, v8;
	s31 =	ssub.s32 $0x10, s22;
	p5 =	sgt.s32 s22, $0x0;
	(v2sf) =	vpush v16, $0xF;
	v15, _, _ =	vpop (xrf0)  }
0x4ae: {  	s1 =	simm.s32 $0x0;
	v8 =	vld [tilespmem:s11+$0x0];
	(xrf0) =	vadd.scan.msk.s32 $0xffff, v14;
	v14 =	vadd.s32 s12, v13;
	v17 =	vmov s31;
	s23 =	simm.s32 @!p5 $0x0;
	(v2sf) =	vpush v15, $0xF;
	v16, _, _ =	vpop (xrf0);
	s10 =	spop (v2sf)  }
.LBB2_71:
0x4af: {  	s15 =	smov.u32 s21  }
0x4b0: {  	p0 =	sne.s32 s13, $0x400;
	s16 =	spop (v2sf);
	s17 =	smov.u32 s5  }
0x4b1: {  	s5 =	smov.u32 s6;
	s6 =	smov.u32 s13;
	p4 =	por p3, p3  }
0x4b2: {  	p3 =	por p2, p2;
	p2 =	por p1, p1;
	s28 =	sld [smem:$0x7BA]  }
0x4b3: {  	s9 =	ssub.s32 s9, s22;
	s11 =	sadd.s32 $0x10, s11;
	s13 =	sadd.s32 $0x10, s13  }
0x4b4: {  	s0 =	simm.s32 @!p0 $0x0;
	p5 =	por !p4, !p5;
	s29 =	spop (v2sf)  }
0x4b5: {  	s0 =	simm.s32 @p0 $0x1;
	p0 =	sgt.s32 s21, s23;
	s21 =	smov.u32 s23  }
0x4b6: {  	s12 =	sadd.s32 s12, s29;
	s23 =	simm.s32 $0x1;
	[smem:$0x7B9] =	sst s0  }
0x4b7: {  	vm0 =	vgt.s32 v14, v3;
	(v2sf) =	vpush v16, $0xF;
	p1 =	seq.s32 s28, $0x1;
	s21 =	smov.u32 @p0 s15;
	s31 =	sld [smem:$0x7B9]  }
0x4b8: {  	vm1 =	veq.s32 v17, v2;
	v16 =	vmov v15;
	v15 =	vsel vm0, $0x1, v0;
	v13, _, _ =	vpop (xrf0);
	p6 =	por p1, p1;
	p1 =	por p2, p2;
	(xrf0) =	vadd.scan.msk.s32 $0xffff, v8;
	p2 =	por !p5, !p5  }
0x4b9: {  	v18 =	vnsel vm1, $0x0, v12;
	s0 =	simm.s32 @!p1 $0x0;
	v12, _, _ =	vpop (xrf0);
	(xrf0) =	vadd.scan.msk.s32 $0xffff, v15;
	s19 =	smov.u32 @p6 s10;
	s18 =	smov.u32 @p2 s9  }
0x4ba: {  	s1 =	smov.u32 @p6 s16;
	s9 =	smov.u32 s8;
	p0 =	seq.s32 s31, $0x1  }
.Ltmp36:
0x4bb: {  	s8 =	smov.u32 s7;
	s7 =	smov.u32 s4;
	(pc) =	sbr.rel @p0 .LBB2_71-.Ltmp36, $4  }
0x4bc: {  	v17 =	vnsel vm1, $0x0, v9;
	v9 =	vmov v6;
	(v2sf) =	vpush v13, $0xF;
	s4 =	smov.u32 s3;
	s3 =	smov.u32 s2;
	s2 =	smov.u32 s17  }
0x4bd: {  	v6 =	vmovc v5;
	v5 =	vmovc v7;
	v7 =	vmov v4;
	v4 =	vmov v8;
	s0 =	simm.s32 @p1 $0x1;
	p1 =	por p3, p3;
	(v2sf) =	vpush v12, $0xF;
	s22 =	spop (v2sf)  }
0x4be: {  	p3 =	seq.s32 s21, $0x0;
	(xrf0) =	vadd.scan.msk.s32 $0xffff, v17;
	v12 =	vmov v11;
	v11 =	vmov v10;
	v10 =	vmov v14;
	s30 =	ssub.s32 $0x10, s22;
	p5 =	sgt.s32 s22, $0x0;
	v15, _, _ =	vpop (xrf0)  }
0x4bf: {  	v8 =	vld [tilespmem:s11+$0x0];
	v14 =	vadd.s32 s12, v16;
	[smem:$0x7BA] =	sst s0;
	(xrf0) =	vadd.scan.msk.s32 $0xffff, v18;
	v17 =	vmov s30;
	s23 =	simm.s32 @!p5 $0x0;
	(v2sf) =	vpush v15, $0xF;
	v16, _, _ =	vpop (xrf0);
	s10 =	spop (v2sf)  }
0x4c0: {  	_ =	sdelay $0x1  }
0x4c1: {  	s13 =	sadd.s32 $0x10, s11  }
0x4c2: {  	vm0 =	vgt.s32 v14, v3;
	v13 =	vld [tilespmem:s13+$0x0]  }
0x4c3: {  	vm1 =	veq.s32 v17, v2;
	v17 =	vsel vm0, $0x1, v0;
	(xrf0) =	vadd.scan.msk.s32 $0xffff, v8  }
0x4c4: {  	v9 =	vnsel vm1, $0x0, v9;
	(xrf0) =	vadd.scan.msk.s32 $0xffff, v17  }
0x4c5: {  	v12 =	vnsel vm1, $0x0, v12;
	(xrf0) =	vadd.scan.msk.s32 $0xffff, v9  }
0x4c6: {  	(xrf0) =	vadd.scan.msk.s32 $0xffff, v12  }
0x4c7: {  	(v2sf) =	vpush v16, $0xF;
	v9, _, _ =	vpop (xrf0);
	(xrf0) =	vadd.scan.msk.s32 $0xffff, v13  }
0x4c8: {  	v12, _, _ =	vpop (xrf0);
	(v2sf) =	vpush v9, $0xF  }
0x4c9: {  	(v2sf) =	vpush v12, $0xF;
	v16, _, _ =	vpop (xrf0)  }
0x4ca: {  	(v2sf) =	vpush v16, $0xF;
	v9, _, _ =	vpop (xrf0)  }
0x4cb: {  	(v2sf) =	vpush v9, $0xF;
	v9, _, _ =	vpop (xrf0)  }
0x4cc: {  	v12, _, _ =	vpop (xrf0);
	(v2sf) =	vpush v9, $0xF  }
0x4cd: {  	s0 =	spop (v2sf);
	(v2sf) =	vpush v12, $0xF;
	v17, _, _ =	vpop (xrf0)  }
0x4ce: {  	s15 =	spop (v2sf);
	(v2sf) =	vpush v17, $0xF  }
0x4cf: {  	s12 =	sadd.s32 s12, s15;
	s25 =	spop (v2sf)  }
0x4d0: {  	s13 =	sadd.s32 $0x10, s13;
	s30 =	ssub.s32 $0x10, s25;
	s15 =	spop (v2sf);
	v12 =	vadd.s32 s12, v15  }
0x4d1: {  	v9 =	vld [tilespmem:s13+$0x0];
	s13 =	spop (v2sf);
	v15 =	vmov s30;
	vm0 =	vgt.s32 v12, v3  }
0x4d2: {  	s16 =	spop (v2sf);
	vm1 =	veq.s32 v15, v2;
	v15 =	vsel vm0, $0x1, v0  }
0x4d3: {  	s17 =	sadd.s32 s12, s16;
	v6 =	vnsel vm1, $0x0, v6;
	(xrf0) =	vadd.scan.msk.s32 $0xffff, v15  }
0x4d4: {  	(xrf0) =	vadd.scan.msk.s32 $0xffff, v6;
	v6 =	vadd.s32 s17, v16  }
0x4d5: {  	v11 =	vnsel vm1, $0x0, v11;
	vm0 =	vgt.s32 v6, v3  }
0x4d6: {  	s26 =	spop (v2sf);
	(xrf0) =	vadd.scan.msk.s32 $0xffff, v11;
	v11 =	vsel vm0, $0x1, v0  }
0x4d7: {  	s16 =	spop (v2sf)  }
0x4d8: {  	s20 =	ssub.s32 $0x10, s26;
	(xrf0) =	vadd.scan.msk.s32 $0xffff, v9;
	s31 =	spop (v2sf)  }
0x4d9: {  	v15 =	vmov s20;
	(xrf0) =	vadd.scan.msk.s32 $0xffff, v11;
	v11, _, _ =	vpop (xrf0);
	s28 =	spop (v2sf)  }
0x4da: {  	vm0 =	veq.s32 v15, v2;
	(v2sf) =	vpush v11, $0xF;
	s24 =	spop (v2sf)  }
0x4db: {  	v10 =	vnsel vm0, $0x0, v10;
	v11, _, _ =	vpop (xrf0);
	s28 =	sadd.s32 s17, s28;
	s20 =	spop (v2sf)  }
0x4dc: {  	v5 =	vnsel vm0, $0x0, v5;
	v16, _, _ =	vpop (xrf0);
	(v2sf) =	vpush v11, $0xF;
	s29 =	ssub.s32 $0x10, s24;
	v15 =	vadd.s32 s28, v17;
	s17 =	spop (v2sf)  }
0x4dd: {  	(xrf0) =	vadd.scan.msk.s32 $0xffff, v5;
	(v2sf) =	vpush v16, $0xF;
	v5 =	vmov s29;
	vm0 =	vgt.s32 v15, v3;
	s11 =	spop (v2sf)  }
0x4de: {  	p3 =	por !p3, !p5;
	(xrf0) =	vadd.scan.msk.s32 $0xffff, v10;
	v10, _, _ =	vpop (xrf0);
	vm1 =	veq.s32 v5, v2;
	v5 =	vsel vm0, $0x1, v0;
	s28 =	sadd.s32 s28, s11  }
0x4df: {  	p0 =	sgt.s32 s21, s23;
	s9 =	ssub.s32 s9, s22;
	p3 =	por !p3, !p3;
	(v2sf) =	vpush v10, $0xF;
	(xrf0) =	vadd.scan.msk.s32 $0xffff, v5;
	v5 =	vadd.s32 s28, v10;
	v10, _, _ =	vpop (xrf0)  }
0x4e0: {  	[smem:$0x7B1] =	sst s0;
	s23 =	smov.u32 @p0 s21;
	s18 =	smov.u32 @p3 s9;
	v7 =	vnsel vm1, $0x0, v7;
	vm0 =	vgt.s32 v5, v3;
	(v2sf) =	vpush v10, $0xF  }
0x4e1: {  	p4 =	sgt.s32 s25, $0x0;
	s9 =	ssub.s32 s8, s25;
	p6 =	sgt.s32 s26, $0x0;
	v11 =	vnsel vm1, $0x0, v14;
	(xrf0) =	vadd.scan.msk.s32 $0xffff, v7;
	v3 =	vsel vm0, $0x1, v0  }
0x4e2: {  	s8 =	simm.s32 $0x1;
	s0 =	simm.s32 @!p6 $0x0;
	s29 =	simm.s32 $0x1;
	(xrf0) =	vadd.scan.msk.s32 $0xffff, v11  }
0x4e3: {  	s30 =	simm.s32 $0x1;
	s0 =	simm.s32 @p6 $0x1;
	s29 =	simm.s32 @!p4 $0x0;
	(xrf0) =	vadd.scan.msk.s32 $0xffff, v3  }
0x4e4: {  	s30 =	simm.s32 @!p6 $0x0;
	[smem:$0x7A7] =	sst s0;
	p0 =	sgt.s32 s23, s29;
	v3, _, _ =	vpop (xrf0)  }
0x4e5: {  	[smem:$0x7B4] =	sst s31;
	p6 =	sgt.s32 s24, $0x0;
	s29 =	smov.u32 @p0 s23;
	v7, _, _ =	vpop (xrf0);
	(v2sf) =	vpush v3, $0xF  }
0x4e6: {  	s31 =	simm.s32 $0x1;
	s0 =	simm.s32 @!p6 $0x0;
	p0 =	sgt.s32 s29, s30;
	(v2sf) =	vpush v7, $0xF;
	v3, _, _ =	vpop (xrf0)  }
0x4e7: {  	s31 =	simm.s32 @!p6 $0x0;
	s0 =	simm.s32 @p6 $0x1;
	s30 =	smov.u32 @p0 s29;
	(v2sf) =	vpush v3, $0xF;
	v3, _, _ =	vpop (xrf0)  }
0x4e8: {  	p6 =	seq.s32 s23, $0x0;
	[smem:$0x7A8] =	sst s0;
	p0 =	sgt.s32 s30, s31;
	v7, _, _ =	vpop (xrf0);
	(v2sf) =	vpush v3, $0xF  }
0x4e9: {  	s31 =	smov.u32 @p0 s30;
	p0 =	por !p6, !p4;
	s28 =	spop (v2sf);
	(v2sf) =	vpush v7, $0xF;
	v3, _, _ =	vpop (xrf0)  }
0x4ea: {  	s11 =	simm.s32 $0x1;
	p0 =	por !p0, !p0;
	p5 =	sgt.s32 s28, $0x0;
	(v2sf) =	vpush v3, $0xF  }
0x4eb: {  	s18 =	smov.u32 @p0 s9;
	s23 =	spop (v2sf);
	s0 =	simm.s32 @!p5 $0x0  }
0x4ec: {  	s11 =	simm.s32 @!p5 $0x0;
	s22 =	spop (v2sf);
	s0 =	simm.s32 @p5 $0x1  }
0x4ed: {  	p4 =	sgt.s32 s31, s11;
	[smem:$0x7AA] =	sst s0;
	s0 =	simm.s32 @!p3 $0x0  }
0x4ee: {  	s12 =	spop (v2sf);
	s11 =	smov.u32 @p4 s31;
	s0 =	simm.s32 @p3 $0x1  }
0x4ef: {  	[smem:$0x7B2] =	sst s0;
	s0 =	simm.s32 @!p0 $0x0;
	s25 =	spop (v2sf)  }
0x4f0: {  	s12 =	ssub.s32 s7, s26;
	s0 =	simm.s32 @p0 $0x1;
	p3 =	sgt.s32 s25, $0x0  }
0x4f1: {  	p4 =	seq.s32 s29, $0x0;
	[smem:$0x7B3] =	sst s0;
	s0 =	simm.s32 @!p3 $0x0  }
0x4f2: {  	s7 =	ssub.s32 $0x10, s25;
	s8 =	simm.s32 @!p3 $0x0;
	s0 =	simm.s32 @p3 $0x1  }
0x4f3: {  	p0 =	sgt.s32 s11, s8;
	[smem:$0x7AC] =	sst s0;
	s0 =	ssub.s32 $0x10, s28  }
0x4f4: {  	s8 =	smov.u32 @p0 s11;
	p0 =	seq.s32 s30, $0x0;
	s21 =	spop (v2sf)  }
0x4f5: {  	p3 =	seq.s32 s11, $0x0;
	v3 =	vmov s0;
	s0 =	simm.s32 @!p0 $0x0;
	s9 =	spop (v2sf)  }
0x4f6: {  	s0 =	simm.s32 @p0 $0x1;
	p0 =	seq.s32 s31, $0x0;
	s26 =	spop (v2sf)  }
0x4f7: {  	vm0 =	veq.s32 v3, v2;
	[smem:$0x7A9] =	sst s0;
	s0 =	simm.s32 $0x1;
	s30 =	spop (v2sf)  }
0x4f8: {  	v3 =	vmov s7;
	v4 =	vnsel vm0, $0x0, v4;
	s31 =	simm.s32 @!p0 $0x0;
	s7 =	ssub.s32 $0x10, s26;
	s29 =	spop (v2sf)  }
0x4f9: {  	v7 =	vnsel vm0, $0x0, v12;
	vm0 =	veq.s32 v3, v2;
	s31 =	simm.s32 @p0 $0x1;
	p0 =	seq.s32 s8, $0x0;
	v3 =	vmov s7;
	s7 =	spop (v2sf)  }
0x4fa: {  	(xrf0) =	vadd.scan.msk.s32 $0xffff, v4;
	v4 =	vnsel vm0, $0x0, v8;
	[smem:$0x7AB] =	sst s31;
	s31 =	simm.s32 @!p0 $0x0;
	s11 =	ssub.s32 $0x10, s7  }
0x4fb: {  	p6 =	sgt.s32 s26, $0x0;
	v6 =	vnsel vm0, $0x0, v6;
	vm0 =	veq.s32 v3, v2;
	s31 =	simm.s32 @p0 $0x1;
	v3 =	vmov s11;
	s11 =	sld [smem:$0x7A7]  }
0x4fc: {  	s0 =	simm.s32 @!p6 $0x0;
	[smem:$0x7AD] =	sst s31  }
0x4fd: {  	p5 =	sgt.s32 s8, s0;
	s31 =	sld [smem:$0x7A8]  }
0x4fe: {  	s0 =	smov.u32 @p5 s8;
	p5 =	seq.s32 s11, $0x1;
	s11 =	sld [smem:$0x7A9]  }
0x4ff: {  	_ = 	snop  }
0x500: {  	p0 =	por !p4, !p5  }
0x501: {  	p4 =	seq.s32 s31, $0x1;
	s31 =	sld [smem:$0x7AA];
	p5 =	seq.s32 s11, $0x1  }
0x502: {  	s11 =	sld [smem:$0x7AB];
	p4 =	por !p5, !p4  }
0x503: {  	s8 =	simm.s32 @!p4 $0x0  }
0x504: {  	s8 =	simm.s32 @p4 $0x1;
	p4 =	seq.s32 s31, $0x1;
	s31 =	sld [smem:$0x7AC]  }
0x505: {  	p5 =	seq.s32 s11, $0x1  }
0x506: {  	p4 =	por !p5, !p4  }
0x507: {  	[smem:$0x7AE] =	sst s8;
	s8 =	simm.s32 @!p4 $0x0;
	p5 =	seq.s32 s31, $0x1  }
0x508: {  	s8 =	simm.s32 @p4 $0x1;
	p3 =	por !p3, !p5  }
0x509: {  	[smem:$0x7AF] =	sst s8;
	s8 =	simm.s32 @!p3 $0x0  }
0x50a: {  	p0 =	por !p0, !p0;
	s11 =	sld [smem:$0x7AD];
	s8 =	simm.s32 @p3 $0x1  }
0x50b: {  	(xrf0) =	vadd.scan.msk.s32 $0xffff, v7;
	p4 =	seq.s32 s0, $0x0;
	[smem:$0x7B0] =	sst s8;
	s8 =	simm.s32 @!p0 $0x0  }
0x50c: {  	(xrf0) =	vadd.scan.msk.s32 $0xffff, v4;
	s0 =	ssub.s32 s4, s24;
	s24 =	sld [smem:$0x7AE];
	s8 =	simm.s32 @p0 $0x1  }
0x50d: {  	(xrf0) =	vadd.scan.msk.s32 $0xffff, v6;
	v4 =	vnsel vm0, $0x0, v13;
	v6 =	vnsel vm0, $0x0, v15;
	vm0 =	veq.s32 v3, v2;
	[smem:$0x7B5] =	sst s8  }
0x50e: {  	v3 =	vnsel vm0, $0x0, v9;
	p5 =	seq.s32 s11, $0x1;
	s8 =	sld [smem:$0x7AF]  }
0x50f: {  	(xrf0) =	vadd.scan.msk.s32 $0xffff, v4;
	s18 =	smov.u32 @p0 s12;
	p6 =	por !p5, !p6;
	p5 =	seq.s32 s24, $0x1  }
0x510: {  	(xrf0) =	vadd.scan.msk.s32 $0xffff, v6;
	v4, _, _ =	vpop (xrf0);
	p3 =	sgt.s32 s7, $0x0;
	p0 =	por !p5, !p5;
	s11 =	sld [smem:$0x7B0]  }
0x511: {  	(xrf0) =	vadd.scan.msk.s32 $0xffff, v3;
	(v2sf) =	vpush v4, $0xF;
	v3, _, _ =	vpop (xrf0);
	p4 =	por !p4, !p3;
	s4 =	simm.s32 @!p0 $0x0;
	p3 =	seq.s32 s8, $0x1  }
0x512: {  	v5 =	vnsel vm0, $0x0, v5;
	(v2sf) =	vpush v3, $0xF;
	v3, _, _ =	vpop (xrf0);
	s18 =	smov.u32 @p0 s0;
	s4 =	simm.s32 @p0 $0x1;
	p0 =	por !p3, !p3  }
0x513: {  	(xrf0) =	vadd.scan.msk.s32 $0xffff, v5;
	(v2sf) =	vpush v3, $0xF;
	s0 =	ssub.s32 s3, s28;
	p5 =	seq.s32 s11, $0x1;
	s3 =	simm.s32 @!p0 $0x0  }
0x514: {  	v4, _, _ =	vpop (xrf0);
	s18 =	smov.u32 @p0 s0;
	s3 =	simm.s32 @p0 $0x1;
	p0 =	por !p5, !p5  }
0x515: {  	(v2sf) =	vpush v4, $0xF;
	[smem:$0x7B6] =	sst s4;
	s0 =	ssub.s32 s2, s25;
	s2 =	simm.s32 @!p0 $0x0  }
0x516: {  	v5, _, _ =	vpop (xrf0);
	s31 =	simm.s32 $0x8040;
	[smem:$0x7B7] =	sst s3;
	s2 =	simm.s32 @p0 $0x1  }
0x517: {  	v6, _, _ =	vpop (xrf0);
	(v2sf) =	vpush v5, $0xF;
	v19 =	vld [tilespmem:s31+$0xFFFFFFC0];
	[smem:$0x7B8] =	sst s2  }
0x518: {  	s12 =	sld [smem:$0x7BA];
	(v2sf) =	vpush v6, $0xF;
	v7, _, _ =	vpop (xrf0);
	v3 =	vld [tilespmem:s31+$0xFFFFFFD0]  }
0x519: {  	v8, _, _ =	vpop (xrf0);
	(v2sf) =	vpush v7, $0xF;
	p5 =	por !p6, !p6;
	s18 =	smov.u32 @p0 s0;
	s0 =	ssub.s32 s5, s26;
	v4 =	vld [tilespmem:s31+$0xFFFFFFE0]  }
0x51a: {  	(v2sf) =	vpush v8, $0xF;
	p3 =	por !p4, !p4;
	s18 =	smov.u32 @p5 s0;
	s0 =	ssub.s32 s6, s7;
	v5 =	vld [tilespmem:s31+$0xFFFFFFF0]  }
0x51b: {  	s18 =	smov.u32 @p3 s0;
	s0 =	sld [smem:$0x7B1];
	v6 =	vld [tilespmem:s31+$0x0]  }
0x51c: {  	p6 =	seq.s32 s12, $0x1;
	v10 =	vmov s18;
	v7 =	vld [tilespmem:s31+$0x10];
	v9 =	vshrl.u32 v19, $0x15  }
0x51d: {  	p1 =	por p1, p1;
	p0 =	por p6, p6;
	vm1 =	veq.s32 v9, v10  }
0x51e: {  	p1 =	por p1, p1;
	s24 =	sld [smem:$0x7B5];
	v8 =	vld [tilespmem:s31+$0x20];
	s1 =	smov.u32 @p0 s0;
	v9 =	vshrl.u32 v3, $0x15;
	v11 =	vsel vm1, $0x1, v0;
	v12 =	vshrl.u32 v4, $0x15  }
0x51f: {  	p2 =	por p2, p2;
	s1 =	smov.u32 @p1 s13;
	s13 =	sld [smem:$0x7B2];
	vm0 =	veq.s32 v9, v10;
	v9 =	vld [tilespmem:s31+$0x30];
	vm3 =	veq.s32 v12, v10;
	v12 =	vshrl.u32 v5, $0x15  }
0x520: {  	p2 =	por p2, p2;
	s25 =	sld [smem:$0x7B6];
	s5 =	spop (v2sf);
	(xrf0) =	vadd.scan.msk.s32 $0xffff, v11;
	v13 =	vsel vm0, $0x1, v0;
	vm2 =	veq.s32 v12, v10;
	v12 =	vshrl.u32 v6, $0x15  }
0x521: {  	s6 =	spop (v2sf);
	s26 =	sld [smem:$0x7B7];
	s19 =	smov.u32 @p0 s10;
	v11 =	vsel vm3, $0x1, v0;
	(xrf0) =	vadd.scan.msk.s32 $0xffff, v13;
	vm4 =	veq.s32 v12, v10;
	v12 =	vshrl.u32 v7, $0x15  }
0x522: {  	s4 =	spop (v2sf);
	s0 =	sld [smem:$0x7B4];
	p4 =	seq.s32 s13, $0x1;
	v13 =	vsel vm2, $0x1, v0;
	(xrf0) =	vadd.scan.msk.s32 $0xffff, v11;
	vm7 =	veq.s32 v12, v10  }
0x523: {  	s19 =	smov.u32 @p1 s15;
	s15 =	sld [smem:$0x7B3];
	p1 =	por p4, p4;
	v11 =	vsel vm4, $0x1, v0;
	v12 =	vshrl.u32 v8, $0x15;
	(xrf0) =	vadd.scan.msk.s32 $0xffff, v13;
	v13 =	vsel vm7, $0x1, v0  }
0x524: {  	s3 =	spop (v2sf);
	p0 =	por p2, p2;
	p1 =	por p1, p1;
	vm5 =	veq.s32 v12, v10;
	v12 =	vshrl.u32 v9, $0x15;
	(xrf0) =	vadd.scan.msk.s32 $0xffff, v11  }
0x525: {  	s19 =	smov.u32 @p0 s16;
	s1 =	smov.u32 @p0 s0;
	p0 =	por p1, p1;
	v11 =	vsel vm5, $0x1, v0;
	vm6 =	veq.s32 v12, v10;
	(xrf0) =	vadd.scan.msk.s32 $0xffff, v13  }
0x526: {  	s10 =	spop (v2sf);
	s19 =	smov.u32 @p0 s20;
	s20 =	simm.s32 $0x80C0;
	v12 =	vsel vm6, $0x1, v0;
	v13, _, _ =	vpop (xrf0);
	(xrf0) =	vadd.scan.msk.s32 $0xffff, v11  }
0x527: {  	s2 =	simm.s32 $0x0;
	s11 =	spop (v2sf);
	p6 =	seq.s32 s15, $0x1;
	v11 =	vld [tilespmem:s20+$0xFFFFFFC0];
	(v2sf) =	vpush v13, $0xF;
	v13, _, _ =	vpop (xrf0);
	(xrf0) =	vadd.scan.msk.s32 $0xffff, v12  }
0x528: {  	s28 =	sld [smem:$0x7B8];
	s7 =	spop (v2sf);
	p2 =	por p6, p6;
	v12 =	vld [tilespmem:s20+$0xFFFFFFD0];
	(v2sf) =	vpush v13, $0xF;
	v13, _, _ =	vpop (xrf0)  }
0x529: {  	p6 =	seq.s32 s24, $0x1;
	s8 =	spop (v2sf);
	vm8 =	vmmov vm1;
	p4 =	por p2, p2;
	(v2sf) =	vpush v13, $0xF;
	v14, _, _ =	vpop (xrf0);
	v13 =	vld [tilespmem:s20+$0xFFFFFFE0]  }
0x52a: {  	vm1 =	vmmov vm0;
	vm0 =	vmmov vm3;
	p1 =	por p6, p6;
	p6 =	seq.s32 s26, $0x1;
	s1 =	smov.u32 @p0 s17;
	(v2sf) =	vpush v14, $0xF;
	v15, _, _ =	vpop (xrf0);
	v14 =	vld [tilespmem:s20+$0xFFFFFFF0]  }
0x52b: {  	vm3 =	vmmov vm2;
	vm2 =	vmmov vm4;
	p0 =	por p4, p4;
	p2 =	por p1, p1;
	p4 =	seq.s32 s25, $0x1;
	(v2sf) =	vpush v15, $0xF;
	v16, _, _ =	vpop (xrf0);
	v15 =	vld [tilespmem:s20+$0x0]  }
0x52c: {  	vm4 =	vmmov vm7;
	s19 =	smov.u32 @p0 s23;
	s1 =	smov.u32 @p0 s22;
	p1 =	por p4, p4;
	v18 =	vshrl.u32 v11, $0x15;
	(v2sf) =	vpush v16, $0xF;
	v17, _, _ =	vpop (xrf0);
	v16 =	vld [tilespmem:s20+$0x10]  }
0x52d: {  	vm5 =	vmmov vm5;
	p0 =	por p2, p2;
	p2 =	por p6, p6;
	p6 =	seq.s32 s28, $0x1;
	vm12 =	veq.s32 v18, v10;
	(v2sf) =	vpush v17, $0xF;
	v20, _, _ =	vpop (xrf0)  }
0x52e: {  	p1 =	por p1, p1;
	s19 =	smov.u32 @p0 s21;
	s1 =	smov.u32 @p0 s9;
	v18 =	vshrl.u32 v12, $0x15;
	v17 =	vld [tilespmem:s20+$0x20];
	(v2sf) =	vpush v20, $0xF;
	v21 =	vshrl.u32 v13, $0x15  }
0x52f: {  	[tilespmem:s2+$0x10800] =	vst.msk vm8, v19;
	p4 =	por p2, p2;
	p2 =	por p6, p6;
	p0 =	por p1, p1;
	vm9 =	veq.s32 v18, v10;
	v18 =	vld [tilespmem:s20+$0x30];
	v20 =	vsel vm12, $0x1, v0;
	vm11 =	veq.s32 v21, v10  }
0x530: {  	p6 =	por p3, p3;
	p2 =	por p2, p2;
	s19 =	smov.u32 @p0 s30;
	v19 =	vsel vm9, $0x1, v0;
	v59 =	vshrl.u32 v14, $0x15;
	(xrf0) =	vadd.scan.msk.s32 $0xffff, v20;
	v20 =	vsel vm11, $0x1, v0  }
0x531: {  	s1 =	smov.u32 @p0 s29;
	p0 =	por p4, p4;
	p4 =	por p5, p5;
	vm10 =	veq.s32 v59, v10;
	v60 =	vshrl.u32 v15, $0x15;
	(xrf0) =	vadd.scan.msk.s32 $0xffff, v19;
	v61 =	vshrl.u32 v16, $0x15  }
0x532: {  	s19 =	smov.u32 @p0 s5;
	s1 =	smov.u32 @p0 s6;
	p0 =	por p2, p2;
	v19 =	vsel vm10, $0x1, v0;
	vm8 =	veq.s32 v60, v10;
	(xrf0) =	vadd.scan.msk.s32 $0xffff, v20;
	vm7 =	veq.s32 v61, v10  }
0x533: {  	p5 =	por p4, p4;
	p2 =	por p6, p6;
	s19 =	smov.u32 @p0 s4;
	v20 =	vsel vm8, $0x1, v0;
	v62 =	vshrl.u32 v17, $0x15;
	(xrf0) =	vadd.scan.msk.s32 $0xffff, v19;
	v19 =	vsel vm7, $0x1, v0  }
0x534: {  	vm13 =	vmmov vm5;
	p1 =	por p5, p5;
	s1 =	smov.u32 @p0 s3;
	p0 =	por p2, p2;
	v63 =	vshrl.u32 v18, $0x15;
	vm14 =	veq.s32 v62, v10;
	(xrf0) =	vadd.scan.msk.s32 $0xffff, v20  }
0x535: {  	vm6 =	vmmov vm6;
	s3 =	simm.s32 $0x8;
	s4 =	simm.s32 $0x8140;
	s19 =	smov.u32 @p1 s10;
	vm15 =	veq.s32 v63, v10;
	v20 =	vsel vm14, $0x1, v0;
	(xrf0) =	vadd.scan.msk.s32 $0xffff, v19  }
0x536: {  	s1 =	smov.u32 @p1 s11;
	s19 =	smov.u32 @p0 s7;
	vm12 =	vmmov vm12;
	v21 =	vsel vm15, $0x1, v0;
	vm5 =	vmmov vm14;
	v19, _, _ =	vpop (xrf0);
	(xrf0) =	vadd.scan.msk.s32 $0xffff, v20;
	s31 =	spop (v2sf)  }
0x537: {  	s1 =	smov.u32 @p0 s8;
	vm14 =	vmmov vm6;
	vm6 =	vmmov vm15;
	(v2sf) =	vpush v19, $0xF;
	v19, _, _ =	vpop (xrf0);
	(xrf0) =	vadd.scan.msk.s32 $0xffff, v21;
	s5 =	sadd.s32 $0x0, s31;
	s6 =	spop (v2sf)  }
.LBB2_73:
0x538: {  	v20 =	vld [tilespmem:s4+$0xFFFFFFC0];
	s3 =	sadd.s32 $0x8, s3;
	(v2sf) =	vpush v19, $0xF;
	v19, _, _ =	vpop (xrf0);
	[tilespmem:s5+$0x10800] =	vst.msk vm1, v3;
	s0 =	sadd.s32 s5, s6;
	s5 =	spop (v2sf);
	v3 =	vmov v12;
	vm1 =	vmmov vm9  }
0x539: {  	v12 =	vld [tilespmem:s4+$0xFFFFFFD0];
	p0 =	slt.u32 s3, $0x7F8;
	(v2sf) =	vpush v19, $0xF;
	v19, _, _ =	vpop (xrf0);
	[tilespmem:s0+$0x10800] =	vst.msk vm0, v4;
	s0 =	sadd.s32 s0, s5;
	s5 =	spop (v2sf);
	v4 =	vmov v13;
	vm0 =	vmmov vm11  }
0x53a: {  	v13 =	vld [tilespmem:s4+$0xFFFFFFE0];
	(v2sf) =	vpush v19, $0xF;
	v19, _, _ =	vpop (xrf0);
	[tilespmem:s0+$0x10800] =	vst.msk vm3, v5;
	s0 =	sadd.s32 s0, s5;
	s5 =	spop (v2sf);
	v5 =	vmov v14;
	vm3 =	vmmov vm10  }
0x53b: {  	v14 =	vld [tilespmem:s4+$0xFFFFFFF0];
	(v2sf) =	vpush v19, $0xF;
	v19, _, _ =	vpop (xrf0);
	[tilespmem:s0+$0x10800] =	vst.msk vm2, v6;
	s0 =	sadd.s32 s0, s5;
	s5 =	spop (v2sf);
	v6 =	vmov v15;
	vm2 =	vmmov vm8  }
0x53c: {  	v15 =	vld [tilespmem:s4+$0x0];
	(v2sf) =	vpush v19, $0xF;
	v19, _, _ =	vpop (xrf0);
	[tilespmem:s0+$0x10800] =	vst.msk vm4, v7;
	s0 =	sadd.s32 s0, s5;
	s5 =	spop (v2sf);
	v7 =	vmov v16;
	vm4 =	vmmov vm7  }
0x53d: {  	v21 =	vshrl.u32 v20, $0x15;
	v16 =	vld [tilespmem:s4+$0x10];
	(v2sf) =	vpush v19, $0xF;
	v19, _, _ =	vpop (xrf0);
	[tilespmem:s0+$0x10800] =	vst.msk vm13, v8;
	s0 =	sadd.s32 s0, s5;
	s5 =	spop (v2sf);
	v8 =	vmov v17  }
0x53e: {  	vm13 =	veq.s32 v21, v10;
	v21 =	vshrl.u32 v12, $0x15;
	v17 =	vld [tilespmem:s4+$0x20];
	(v2sf) =	vpush v19, $0xF;
	[tilespmem:s0+$0x10800] =	vst.msk vm14, v9;
	s0 =	sadd.s32 s0, s5;
	v9 =	vmovc v18  }
0x53f: {  	v19 =	vsel vm13, $0x1, v0;
	vm9 =	veq.s32 v21, v10;
	v21 =	vshrl.u32 v13, $0x15;
	v18 =	vld [tilespmem:s4+$0x30];
	[tilespmem:s0+$0x10800] =	vst.msk vm12, v11;
	v11 =	vmovc v20  }
0x540: {  	v20 =	vsel vm9, $0x1, v0;
	vm11 =	veq.s32 v21, v10;
	v21 =	vshrl.u32 v14, $0x15;
	(xrf0) =	vadd.scan.msk.s32 $0xffff, v19  }
0x541: {  	v19 =	vsel vm11, $0x1, v0;
	vm10 =	veq.s32 v21, v10;
	v21 =	vshrl.u32 v15, $0x15;
	(xrf0) =	vadd.scan.msk.s32 $0xffff, v20  }
0x542: {  	v20 =	vsel vm10, $0x1, v0;
	vm8 =	veq.s32 v21, v10;
	v21 =	vshrl.u32 v16, $0x15;
	(xrf0) =	vadd.scan.msk.s32 $0xffff, v19  }
.Ltmp37:
0x543: {  	v19 =	vsel vm8, $0x1, v0;
	vm7 =	veq.s32 v21, v10;
	v21 =	vshrl.u32 v17, $0x15;
	(xrf0) =	vadd.scan.msk.s32 $0xffff, v20;
	(pc) =	sbr.rel @p0 .LBB2_73-.Ltmp37, $4  }
0x544: {  	v20 =	vsel vm7, $0x1, v0;
	vm14 =	veq.s32 v21, v10;
	v22 =	vshrl.u32 v18, $0x15;
	(xrf0) =	vadd.scan.msk.s32 $0xffff, v19  }
0x545: {  	vm12 =	vmmov vm13;
	v23 =	vsel vm14, $0x1, v0;
	vm15 =	veq.s32 v22, v10;
	(xrf0) =	vadd.scan.msk.s32 $0xffff, v20  }
0x546: {  	vm13 =	vmmov vm5;
	vm5 =	vmmov vm14;
	v20 =	vsel vm15, $0x1, v0;
	v21, _, _ =	vpop (xrf0);
	(xrf0) =	vadd.scan.msk.s32 $0xffff, v23;
	s5 =	spop (v2sf)  }
0x547: {  	s4 =	sadd.s32 $0x80, s4;
	vm14 =	vmmov vm6;
	vm6 =	vmmov vm15;
	(v2sf) =	vpush v21, $0xF;
	v19, _, _ =	vpop (xrf0);
	(xrf0) =	vadd.scan.msk.s32 $0xffff, v20;
	s5 =	sadd.s32 s0, s5;
	s6 =	spop (v2sf)  }
0x548: {  	(v2sf) =	vpush v19, $0xF;
	v10, _, _ =	vpop (xrf0)  }
0x549: {  	(v2sf) =	vpush v10, $0xF;
	v59, _, _ =	vpop (xrf0)  }
0x54a: {  	(v2sf) =	vpush v59, $0xF;
	v60, _, _ =	vpop (xrf0)  }
0x54b: {  	(v2sf) =	vpush v60, $0xF;
	v61, _, _ =	vpop (xrf0)  }
0x54c: {  	(v2sf) =	vpush v61, $0xF;
	v62, _, _ =	vpop (xrf0)  }
0x54d: {  	(v2sf) =	vpush v62, $0xF  }
0x54e: {  	v63, _, _ =	vpop (xrf0)  }
0x54f: {  	(v2sf) =	vpush v63, $0xF  }
0x550: {  	[tilespmem:s5+$0x10800] =	vst.msk vm1, v3;
	s0 =	sadd.s32 s5, s6;
	s3 =	spop (v2sf)  }
0x551: {  	[tilespmem:s0+$0x10800] =	vst.msk vm0, v4;
	s0 =	sadd.s32 s0, s3;
	s16 =	spop (v2sf)  }
0x552: {  	[tilespmem:s0+$0x10800] =	vst.msk vm3, v5;
	s0 =	sadd.s32 s0, s16;
	s17 =	spop (v2sf)  }
0x553: {  	[tilespmem:s0+$0x10800] =	vst.msk vm2, v6;
	s0 =	sadd.s32 s0, s17;
	s20 =	spop (v2sf)  }
0x554: {  	[tilespmem:s0+$0x10800] =	vst.msk vm4, v7;
	s0 =	sadd.s32 s0, s20;
	s21 =	spop (v2sf)  }
0x555: {  	[tilespmem:s0+$0x10800] =	vst.msk vm13, v8;
	s0 =	sadd.s32 s0, s21;
	s22 =	spop (v2sf)  }
0x556: {  	[tilespmem:s0+$0x10800] =	vst.msk vm14, v9;
	s0 =	sadd.s32 s0, s22;
	s23 =	spop (v2sf)  }
0x557: {  	vm4 =	vmmov vm9;
	[tilespmem:s0+$0x10800] =	vst.msk vm12, v11;
	s0 =	sadd.s32 s0, s23;
	s24 =	spop (v2sf)  }
0x558: {  	vm9 =	vmmov vm11;
	[tilespmem:s0+$0x10800] =	vst.msk vm4, v12;
	s0 =	sadd.s32 s0, s24;
	s25 =	spop (v2sf)  }
0x559: {  	vm11 =	vmmov vm10;
	[tilespmem:s0+$0x10800] =	vst.msk vm9, v13;
	s0 =	sadd.s32 s0, s25;
	s26 =	spop (v2sf)  }
0x55a: {  	vm12 =	vmmov vm8;
	[tilespmem:s0+$0x10800] =	vst.msk vm11, v14;
	s0 =	sadd.s32 s0, s26;
	s28 =	spop (v2sf)  }
0x55b: {  	vm13 =	vmmov vm7;
	[tilespmem:s0+$0x10800] =	vst.msk vm12, v15;
	s0 =	sadd.s32 s0, s28;
	s29 =	spop (v2sf)  }
0x55c: {  	vm14 =	vmmov vm5;
	[tilespmem:s0+$0x10800] =	vst.msk vm13, v16;
	s0 =	sadd.s32 s0, s29;
	s30 =	spop (v2sf)  }
0x55d: {  	vm15 =	vmmov vm6;
	[tilespmem:s0+$0x10800] =	vst.msk vm14, v17;
	s0 =	sadd.s32 s0, s30  }
0x55e: {  	p0 =	por $0x1, $0x1;
	s31 =	spop (v2sf);
	[tilespmem:s0+$0x10800] =	vst.msk vm15, v18  }
.LBB2_75:
0x55f: {  	s0 =	sshra.s32 s2, $0x2  }
0x560: {  	[tilespmem:s0+$0x10000] =	vst v0  }
0x561: {  	[tilespmem:s0+$0x10010] =	vst v0  }
0x562: {  	p1 =	por p0, p0;
	[tilespmem:s0+$0x10020] =	vst v0  }
.Ltmp38:
0x563: {  	[tilespmem:s0+$0x10030] =	vst v0;
	(pc) =	sbr.rel @p1 .LBB2_75-.Ltmp38, $4  }
0x564: {  	[tilespmem:s0+$0x10040] =	vst v0  }
0x565: {  	[tilespmem:s0+$0x10050] =	vst v0  }
0x566: {  	[tilespmem:s0+$0x10060] =	vst v0  }
0x567: {  	s2 =	simm.s32 $0x200;
	p0 =	por $0x0, $0x0;
	[tilespmem:s0+$0x10070] =	vst v0  }
0x568: {  	s0 =	sadd.s32 $0xF, s19  }
0x569: {  	p0 =	slt.s32 s0, $0x10  }
.Ltmp39:
0x56a: {  	s2 =	sshra.s32 s0, $0x1F;
	(pc) =	sbr.rel @p0 .LBB2_83-.Ltmp39, $4  }
0x56b: {  	s2 =	sshrl.u32 s2, $0x1C  }
0x56c: {  	s2 =	sadd.s32 s2, s0;
	s0 =	simm.s32 @!p0 $0x0  }
0x56d: {  	s0 =	simm.s32 @p0 $0x1  }
0x56e: {  	v3 =	vmov s19;
	s6 =	sshra.s32 s2, $0x4;
	[smem:$0x7A6] =	sst s0  }
0x56f: {  	p1 =	sne.s32 s6, $0x1  }
.Ltmp40:
0x570: {  	_ = 	snop;
	(pc) =	sbr.rel @!p1 .LBB2_78-.Ltmp40, $3  }
0x571: {  	_ =	sdelay $0x1  }
0x572: {  	s3 =	simm.s32 $0x10800  }
0x573: {  	s2 =	simm.s32 $0x0;
	p0 =	por $0x0, $0x0;
	v4 =	vld [tilespmem:s3+$0x0];
	s3 =	sadd.s32 $0xFFFFFFFF, s6  }
0x574: {  	_ =	sdelay $0x2  }
0x575: {  	v5 =	vor.u32 s2, v2  }
0x576: {  	vm0 =	vlt.s32 v5, v3;
	v4 =	vshrl.u32 v4, $0xD  }
0x577: {  	v4 =	vand.u32 $0xFF, v4  }
0x578: {  	p1 =	sne.s32 s3, $0x1  }
.Ltmp41:
0x579: {  	_ = 	snop;
	(pc) =	sbr.rel @!p1 .LBB2_80-.Ltmp41, $3  }
0x57a: {  	_ =	sdelay $0x1  }
0x57b: {  	s4 =	simm.s32 $0x10810;
	[tilespmem:v4+s14+$0x0] =	vst.idx.add.s32.msk vm0, v1  }
0x57c: {  	s5 =	sadd.s32 $0xFFFFFFFF, s3;
	p0 =	por $0x1, $0x1;
	s3 =	simm.s32 $0x0;
	v4 =	vld [tilespmem:s4+$0x0]  }
.LBB2_81:
0x57d: {  	p1 =	sne.s32 s5, $0x1;
	_ =	sdelay $0x1  }
0x57e: {  	s3 =	sadd.s32 $0x10, s3  }
0x57f: {  	v5 =	vor.u32 s3, v2  }
0x580: {  	vm0 =	vlt.s32 v5, v3;
	v4 =	vshrl.u32 v4, $0xD  }
0x581: {  	v4 =	vand.u32 $0xFF, v4;
	_ =	sdelay $0x1  }
.Ltmp42:
0x582: {  	(pc) =	sbr.rel @p1 .LBB2_81-.Ltmp42, $3  }
0x583: {  	_ =	sdelay $0x1  }
0x584: {  	s4 =	sadd.s32 $0x10, s4;
	[tilespmem:v4+s14+$0x0] =	vst.idx.add.s32.msk vm0, v1  }
0x585: {  	s5 =	sadd.s32 $0xFFFFFFFF, s5;
	v4 =	vld [tilespmem:s4+$0x0]  }
.LBB2_82:
0x586: {  	_ = 	snop  }
0x587: {  	s0 =	sadd.s32 @p0 $0x10, s3  }
0x588: {  	s2 =	smov.u32 @p0 s0  }
0x589: {  	v5 =	vor.u32 s2, v2  }
0x58a: {  	vm0 =	vlt.s32 v5, v3;
	v4 =	vshrl.u32 v4, $0xD  }
0x58b: {  	v4 =	vand.u32 $0xFF, v4;
	_ =	sdelay $0x4  }
0x58c: {  	[tilespmem:v4+s14+$0x0] =	vst.idx.add.s32.msk vm0, v1  }
.LBB2_83:
0x58d: {  	p0 =	por $0x0, $0x0  }
.Ltmp43:
0x58e: {  	s0 =	rddreg [dreg:$0x1b];
	(pc) =	sbr.rel @p0 .LBB2_84-.Ltmp43, $4  }
0x58f: {  	s0 =	sadd.s32 s1, s0  }
0x590: {  	s21 =	sadd.s32 $0xFFFF8100, s0  }
0x591: {  	s0 =	ssub.s32 s19, s21  }
0x592: {  	s22 =	simm.s32 $0x0;
	s28 =	simm.s32 $0x10000;
	[dreg:$0xb] =	wrdreg s6;
	v4 =	vmov s0  }
0x593: {  	p0 =	por $0x0, $0x0  }
.Ltmp44:
0x594: {  	_ = 	snop;
	(pc) =	sbr.rel @p0 .LBB2_86-.Ltmp44, $1  }
0x595: {  	_ =	sdelay $0x3  }
0x596: {  	p0 =	por $0x0, $0x0  }
.Ltmp45:
0x597: {  	_ = 	snop;
	(pc) =	sbr.rel @p0 .LBB2_88-.Ltmp45, $2  }
0x598: {  	_ =	sdelay $0x2  }
0x599: {  	v11 =	vld [tilespmem:s28+$0x0]  }
0x59a: {  	_ =	sdelay $0x3  }
0x59b: {  	(xrf0) =	vadd.scan.msk.s32 $0xffff, v11;
	_ =	sdelay $0x1  }
0x59c: {  	p0 =	por $0x0, $0x0  }
.Ltmp46:
0x59d: {  	_ = 	snop;
	(pc) =	sbr.rel @p0 .LBB2_90-.Ltmp46, $3  }
0x59e: {  	_ =	sdelay $0x1  }
0x59f: {  	s0 =	simm.s32 $0x10010;
	v7, _, _ =	vpop (xrf0)  }
0x5a0: {  	v6 =	vld [tilespmem:s0+$0x0];
	(v2sf) =	vpush v7, $0xF  }
0x5a1: {  	_ =	sdelay $0x3  }
0x5a2: {  	(xrf0) =	vadd.scan.msk.s32 $0xffff, v6;
	_ =	sdelay $0x1  }
0x5a3: {  	p0 =	por $0x0, $0x0  }
.Ltmp47:
0x5a4: {  	_ = 	snop;
	(pc) =	sbr.rel @p0 .LBB2_92-.Ltmp47, $3  }
0x5a5: {  	_ =	sdelay $0x1  }
0x5a6: {  	s0 =	simm.s32 $0x10020;
	v21, _, _ =	vpop (xrf0)  }
0x5a7: {  	v13 =	vadd.s32 s22, v7;
	v5 =	vld [tilespmem:s0+$0x0];
	(v2sf) =	vpush v21, $0xF  }
0x5a8: {  	_ =	sdelay $0x2  }
0x5a9: {  	vm0 =	vgt.s32 v13, v4  }
0x5aa: {  	v7 =	vsel vm0, $0x1, v0;
	(xrf0) =	vadd.scan.msk.s32 $0xffff, v5  }
0x5ab: {  	(xrf0) =	vadd.scan.msk.s32 $0xffff, v7  }
0x5ac: {  	p0 =	por $0x0, $0x0  }
.Ltmp48:
0x5ad: {  	_ = 	snop;
	(pc) =	sbr.rel @p0 .LBB2_94-.Ltmp48, $4  }
0x5ae: {  	_ = 	snop  }
0x5af: {  	s1 =	spop (v2sf)  }
0x5b0: {  	s0 =	simm.s32 $0x10030;
	s4 =	sadd.s32 $0x0, s1;
	v10, _, _ =	vpop (xrf0)  }
0x5b1: {  	v9 =	vadd.s32 s4, v21;
	v7 =	vld [tilespmem:s0+$0x0];
	(v2sf) =	vpush v10, $0xF;
	v28, _, _ =	vpop (xrf0)  }
0x5b2: {  	_ =	sdelay $0x2  }
0x5b3: {  	vm0 =	vgt.s32 v9, v4  }
0x5b4: {  	v8 =	vsel vm0, $0x1, v0;
	(xrf0) =	vadd.scan.msk.s32 $0xffff, v7  }
0x5b5: {  	(xrf0) =	vadd.scan.msk.s32 $0xffff, v8  }
0x5b6: {  	p0 =	por $0x0, $0x0  }
.Ltmp49:
0x5b7: {  	_ = 	snop;
	(pc) =	sbr.rel @p0 .LBB2_96-.Ltmp49, $4  }
0x5b8: {  	_ = 	snop  }
0x5b9: {  	s1 =	spop (v2sf)  }
0x5ba: {  	s0 =	simm.s32 $0x10040;
	(v2sf) =	vpush v28, $0xF;
	s4 =	sadd.s32 s4, s1;
	v21, _, _ =	vpop (xrf0)  }
0x5bb: {  	v16 =	vld [tilespmem:s0+$0x0];
	v10 =	vadd.s32 s4, v10;
	(v2sf) =	vpush v21, $0xF;
	v19, _, _ =	vpop (xrf0)  }
0x5bc: {  	_ =	sdelay $0x8  }
0x5bd: {  	vm0 =	vgt.s32 v10, v4  }
0x5be: {  	v8 =	vsel vm0, $0x1, v0;
	(xrf0) =	vadd.scan.msk.s32 $0xffff, v16  }
0x5bf: {  	s1 =	spop (v2sf);
	(xrf0) =	vadd.scan.msk.s32 $0xffff, v8  }
0x5c0: {  	p0 =	por $0x0, $0x0;
	p2 =	por $0x1, $0x1;
	s4 =	sadd.s32 s4, s1  }
.Ltmp50:
0x5c1: {  	s1 =	simm.s32 @!p2 $0x0;
	s17 =	spop (v2sf);
	(pc) =	sbr.rel @p0 .LBB2_98-.Ltmp50, $4  }
0x5c2: {  	s0 =	simm.s32 $0x10050;
	s1 =	simm.s32 @p2 $0x1;
	p3 =	sgt.s32 s17, $0x0  }
0x5c3: {  	s29 =	simm.s32 $0x1;
	[smem:$0x799] =	sst s1;
	s1 =	simm.s32 @!p3 $0x0  }
0x5c4: {  	v18, _, _ =	vpop (xrf0);
	(v2sf) =	vpush v19, $0xF;
	s31 =	ssub.s32 $0x10, s17;
	[smem:$0x798] =	sst s17;
	s1 =	simm.s32 @p3 $0x1  }
0x5c5: {  	s30 =	simm.s32 $0x90;
	v14 =	vld [tilespmem:s0+$0x0];
	v17 =	vadd.s32 s4, v21;
	v29, _, _ =	vpop (xrf0);
	(v2sf) =	vpush v18, $0xF;
	v22 =	vmov s31;
	s29 =	simm.s32 @!p3 $0x0;
	[smem:$0x79A] =	sst s1  }
0x5c6: {  	_ =	sdelay $0x5  }
0x5c7: {  	p1 =	slt.s32 s29, $0x0;
	s20 =	smov.u32 s29  }
0x5c8: {  	s1 =	spop (v2sf);
	s20 =	smov.u32 @p1 s22;
	p1 =	por $0x1, $0x1  }
0x5c9: {  	p2 =	por !p2, !p3;
	s4 =	sadd.s32 s4, s1;
	s1 =	simm.s32 @!p1 $0x0  }
0x5ca: {  	vm0 =	vgt.s32 v17, v4;
	p4 =	por !p2, !p2;
	s1 =	simm.s32 @p1 $0x1  }
0x5cb: {  	v8 =	vsel vm0, $0x1, v0;
	(xrf0) =	vadd.scan.msk.s32 $0xffff, v14;
	[smem:$0x79D] =	sst s1;
	s1 =	simm.s32 @!p4 $0x0  }
0x5cc: {  	p0 =	por $0x0, $0x0;
	s0 =	ssub.s32 $0x10, s17;
	(xrf0) =	vadd.scan.msk.s32 $0xffff, v8;
	s1 =	simm.s32 @p4 $0x1  }
0x5cd: {  	s2 =	simm.s32 $0x0;
	p6 =	seq.s32 s20, $0x0;
	[smem:$0x795] =	sst s1  }
.Ltmp51:
0x5ce: {  	s1 =	simm.s32 @!p6 $0x0;
	s11 =	spop (v2sf);
	(pc) =	sbr.rel @p0 .LBB2_100-.Ltmp51, $4  }
0x5cf: {  	vm15 =	veq.s32 v22, v2;
	s31 =	simm.s32 $0x1;
	s1 =	simm.s32 @p6 $0x1;
	p2 =	sgt.s32 s11, $0x0  }
0x5d0: {  	s2 =	smov.u32 @p4 s0;
	v8 =	vnsel vm15, $0x0, v11;
	[smem:$0x796] =	sst s1;
	s1 =	simm.s32 @!p2 $0x0  }
0x5d1: {  	v12 =	vnsel vm15, $0x0, v13;
	s0 =	simm.s32 $0x10060;
	(xrf0) =	vadd.scan.msk.s32 $0xffff, v8;
	v34, _, _ =	vpop (xrf0);
	(v2sf) =	vpush v29, $0xF;
	s26 =	ssub.s32 $0x10, s11;
	s1 =	simm.s32 @p2 $0x1  }
0x5d2: {  	v24 =	vadd.s32 s4, v18;
	v20 =	vld [tilespmem:s0+$0x0];
	(xrf0) =	vadd.scan.msk.s32 $0xffff, v12;
	v40, _, _ =	vpop (xrf0);
	(v2sf) =	vpush v34, $0xF;
	v32 =	vmov s26;
	s26 =	simm.s32 $0xA0;
	s31 =	simm.s32 @!p2 $0x0;
	[smem:$0x797] =	sst s1  }
0x5d3: {  	s0 =	simm.s32 $0x70;
	s12 =	simm.s32 $0x80;
	s13 =	simm.s32 $0x50  }
0x5d4: {  	s15 =	simm.s32 $0x10;
	s16 =	simm.s32 $0x60;
	[dreg:$0x1f] =	wrdreg s0  }
0x5d5: {  	s17 =	simm.s32 $0x30;
	s23 =	simm.s32 $0x20;
	[dreg:$0x1d] =	wrdreg s12  }
0x5d6: {  	s24 =	simm.s32 $0x40;
	p0 =	por $0x1, $0x1;
	[dreg:$0x19] =	wrdreg s13  }
0x5d7: {  	p1 =	sgt.s32 s20, s31;
	p5 =	por p4, p4;
	[dreg:$0x17] =	wrdreg s15  }
0x5d8: {  	p2 =	por !p6, !p2;
	s3 =	smov.u32 s31;
	[dreg:$0x15] =	wrdreg s16  }
0x5d9: {  	vm0 =	vgt.s32 v24, v4;
	s1 =	smov.u32 s2;
	s5 =	spop (v2sf);
	[dreg:$0x13] =	wrdreg s17  }
0x5da: {  	[dreg:$0x11] =	wrdreg s23;
	s0 =	simm.s32 @!p0 $0x0;
	v8 =	vsel vm0, $0x1, v0;
	s3 =	smov.u32 @p1 s20  }
0x5db: {  	p3 =	por !p2, !p2;
	s4 =	sadd.s32 s4, s5;
	p1 =	por $0x1, $0x1  }
0x5dc: {  	s0 =	simm.s32 @p0 $0x1;
	p0 =	por $0x1, $0x1;
	s5 =	simm.s32 @!p1 $0x0;
	(xrf0) =	vadd.scan.msk.s32 $0xffff, v20  }
0x5dd: {  	(v2sf) =	vpush v40, $0xF;
	[smem:$0x79E] =	sst s0;
	s0 =	simm.s32 @!p0 $0x0;
	s5 =	simm.s32 @p1 $0x1;
	(xrf0) =	vadd.scan.msk.s32 $0xffff, v8;
	v8, _, _ =	vpop (xrf0)  }
0x5de: {  	s0 =	simm.s32 @p0 $0x1;
	p0 =	por $0x1, $0x1;
	[smem:$0x79C] =	sst s5;
	v15, _, _ =	vpop (xrf0);
	(v2sf) =	vpush v8, $0xF  }
0x5df: {  	s5 =	simm.s32 @!p3 $0x0;
	[smem:$0x79F] =	sst s0;
	s0 =	simm.s32 @!p0 $0x0;
	(v2sf) =	vpush v15, $0xF  }
0x5e0: {  	[dreg:$0xf] =	wrdreg s24;
	s5 =	simm.s32 @p3 $0x1;
	s0 =	simm.s32 @p0 $0x1  }
0x5e1: {  	p0 =	por $0x1, $0x1;
	[smem:$0x790] =	sst s5;
	s5 =	simm.s32 @!p5 $0x0  }
0x5e2: {  	[smem:$0x7A0] =	sst s0;
	s0 =	simm.s32 @!p0 $0x0;
	s5 =	simm.s32 @p5 $0x1  }
0x5e3: {  	s0 =	simm.s32 @p0 $0x1;
	p0 =	por $0x1, $0x1;
	[smem:$0x791] =	sst s5  }
0x5e4: {  	p6 =	seq.s32 s3, $0x0;
	[smem:$0x7A1] =	sst s0;
	s0 =	simm.s32 @!p0 $0x0  }
0x5e5: {  	s5 =	simm.s32 @!p6 $0x0;
	s0 =	simm.s32 @p0 $0x1;
	p0 =	por $0x1, $0x1  }
0x5e6: {  	s5 =	simm.s32 @p6 $0x1;
	[smem:$0x7A2] =	sst s0;
	s0 =	simm.s32 @!p0 $0x0  }
0x5e7: {  	v35, _, _ =	vpop (xrf0);
	[smem:$0x792] =	sst s5;
	s0 =	simm.s32 @p0 $0x1;
	p0 =	por $0x0, $0x0  }
.Ltmp52:
0x5e8: {  	s24 =	simm.s32 $0x1;
	(v2sf) =	vpush v35, $0xF;
	s8 =	spop (v2sf);
	(pc) =	sbr.rel @p0 .LBB2_102-.Ltmp52, $4  }
0x5e9: {  	vm15 =	veq.s32 v32, v2;
	[smem:$0x7A3] =	sst s0;
	s0 =	ssub.s32 $0x20, s11;
	p4 =	sgt.s32 s8, $0x0  }
0x5ea: {  	v12 =	vnsel vm15, $0x0, v6;
	s1 =	smov.u32 @p3 s0;
	s0 =	simm.s32 $0x10070;
	s5 =	simm.s32 @!p4 $0x0  }
0x5eb: {  	v8 =	vnsel vm15, $0x0, v9;
	(xrf0) =	vadd.scan.msk.s32 $0xffff, v12;
	s25 =	ssub.s32 $0x10, s8;
	[smem:$0x7A5] =	sst s1;
	s5 =	simm.s32 @p4 $0x1  }
0x5ec: {  	s23 =	simm.s32 $0xB0;
	v37 =	vadd.s32 s4, v34;
	(xrf0) =	vadd.scan.msk.s32 $0xffff, v8;
	v38, _, _ =	vpop (xrf0);
	v39 =	vld [tilespmem:s0+$0x0];
	v33 =	vmov s25;
	s24 =	simm.s32 @!p4 $0x0;
	[smem:$0x793] =	sst s5  }
0x5ed: {  	_ = 	snop  }
0x5ee: {  	[dreg:$0xd] =	wrdreg s21;
	p0 =	sgt.s32 s3, s24;
	p2 =	por p5, p5  }
0x5ef: {  	p1 =	por p4, p4;
	p4 =	por p3, p3;
	s20 =	smov.u32 s24  }
0x5f0: {  	s0 =	ssub.s32 $0x30, s8;
	s7 =	smov.u32 s1;
	s16 =	spop (v2sf)  }
0x5f1: {  	vm0 =	vgt.s32 v37, v4;
	s9 =	simm.s32 $0x1;
	s28 =	simm.s32 $0xC0;
	p1 =	por !p6, !p1;
	(xrf0) =	vadd.scan.msk.s32 $0xffff, v39  }
0x5f2: {  	v8 =	vsel vm0, $0x1, v0;
	s20 =	smov.u32 @p0 s3;
	p0 =	por !p1, !p1;
	p1 =	por $0x1, $0x1  }
0x5f3: {  	s13 =	simm.s32 $0x40;
	s5 =	simm.s32 $0x0;
	s1 =	simm.s32 @!p1 $0x0;
	(xrf0) =	vadd.scan.msk.s32 $0xffff, v8  }
0x5f4: {  	(v2sf) =	vpush v38, $0xF;
	s6 =	simm.s32 $0x0;
	s1 =	simm.s32 @p1 $0x1;
	p1 =	por $0x0, $0x0  }
.Ltmp53:
0x5f5: {  	vm15 =	veq.s32 v33, v2;
	s10 =	simm.s32 $0x50;
	v27 =	vmov v7;
	v31 =	vmov v17;
	s15 =	simm.s32 $0x70;
	v8, _, _ =	vpop (xrf0);
	(pc) =	sbr.rel @p1 .LBB2_104-.Ltmp53, $4  }
0x5f6: {  	v30 =	vmov v16;
	v23 =	vmov v14;
	s17 =	spop (v2sf);
	s4 =	sadd.s32 s4, s16;
	s16 =	simm.s32 $0x60;
	v15, _, _ =	vpop (xrf0);
	(v2sf) =	vpush v8, $0xF  }
0x5f7: {  	v18 =	vmov v20;
	v12 =	vnsel vm15, $0x0, v5;
	s3 =	simm.s32 $0x80;
	p6 =	seq.s32 s20, $0x0;
	p3 =	sgt.s32 s17, $0x0;
	(v2sf) =	vpush v15, $0xF;
	v21, _, _ =	vpop (xrf0)  }
0x5f8: {  	v36 =	vmovc v24;
	v25 =	vmov v37;
	s21 =	ssub.s32 $0x10, s17;
	s7 =	smov.u32 @p0 s0;
	s0 =	simm.s32 $0x10080;
	v8 =	vnsel vm15, $0x0, v10;
	(xrf0) =	vadd.scan.msk.s32 $0xffff, v12;
	(v2sf) =	vpush v21, $0xF  }
0x5f9: {  	s25 =	spop (v2sf);
	s9 =	simm.s32 @!p3 $0x0;
	v26 =	vmov s21;
	[smem:$0x79B] =	sst s1;
	v12 =	vadd.s32 s4, v35;
	(xrf0) =	vadd.scan.msk.s32 $0xffff, v8;
	v8 =	vld [tilespmem:s0+$0x0];
	v15 =	vmov v39;
	v28, _, _ =	vpop (xrf0)  }
.LBB2_105:
0x5fa: {  	s12 =	smov.u32 s20;
	p1 =	seq.s32 s28, $0x100  }
0x5fb: {  	p5 =	sgt.s32 s20, s9;
	s21 =	spop (v2sf);
	p3 =	por !p6, !p3  }
0x5fc: {  	s13 =	ssub.s32 s13, s17;
	s20 =	smov.u32 s9;
	s1 =	simm.s32 @!p1 $0x0  }
0x5fd: {  	s0 =	sadd.s32 $0x10, s0;
	s9 =	simm.s32 $0x1;
	s1 =	simm.s32 @p1 $0x1  }
0x5fe: {  	s20 =	smov.u32 @p5 s12;
	p1 =	por p2, p2;
	[smem:$0x78E] =	sst s1  }
0x5ff: {  	vm0 =	vgt.s32 v12, v4;
	(v2sf) =	vpush v28, $0xF;
	p2 =	por p4, p4;
	s6 =	smov.u32 @p1 s21;
	s21 =	sld [smem:$0x78E]  }
0x600: {  	vm1 =	veq.s32 v26, v2;
	v28 =	vmov v21;
	v21 =	vsel vm0, $0x1, v0;
	p4 =	por p0, p0;
	p6 =	seq.s32 s20, $0x0;
	p0 =	por !p3, !p3;
	v26, _, _ =	vpop (xrf0);
	(xrf0) =	vadd.scan.msk.s32 $0xffff, v8  }
0x601: {  	v42 =	vnsel vm1, $0x0, v31;
	s1 =	smov.u32 s26;
	s26 =	smov.u32 s23;
	s23 =	smov.u32 s28;
	v31, _, _ =	vpop (xrf0);
	(xrf0) =	vadd.scan.msk.s32 $0xffff, v21  }
0x602: {  	s5 =	smov.u32 @p1 s25;
	s7 =	smov.u32 @p0 s13;
	p1 =	seq.s32 s21, $0x1  }
.Ltmp54:
0x603: {  	s13 =	smov.u32 s10;
	s10 =	smov.u32 s16;
	(pc) =	sbr.rel @!p1 .LBB2_105-.Ltmp54, $4  }
0x604: {  	v41 =	vnsel vm1, $0x0, v27;
	v27 =	vmov v30;
	s25 =	spop (v2sf);
	s16 =	smov.u32 s15;
	s15 =	smov.u32 s3;
	(v2sf) =	vpush v26, $0xF  }
0x605: {  	v30 =	vmovc v23;
	v23 =	vmovc v18;
	v18 =	vmov v15;
	s3 =	smov.u32 s30;
	s28 =	sadd.s32 $0x10, s28;
	v15 =	vmov v8;
	(v2sf) =	vpush v31, $0xF;
	s17 =	spop (v2sf)  }
0x606: {  	s4 =	sadd.s32 s4, s25;
	(xrf0) =	vadd.scan.msk.s32 $0xffff, v41;
	v31 =	vmov v36;
	v36 =	vmov v25;
	v25 =	vmov v12;
	s12 =	ssub.s32 $0x10, s17;
	p3 =	sgt.s32 s17, $0x0;
	v21, _, _ =	vpop (xrf0)  }
0x607: {  	v8 =	vld [tilespmem:s0+$0x0];
	s30 =	smov.u32 s1;
	v12 =	vadd.s32 s4, v28;
	(xrf0) =	vadd.scan.msk.s32 $0xffff, v42;
	v26 =	vmov s12;
	s9 =	simm.s32 @!p3 $0x0;
	(v2sf) =	vpush v21, $0xF;
	v28, _, _ =	vpop (xrf0);
	s25 =	spop (v2sf)  }
0x608: {  	s1 =	simm.s32 @!p0 $0x0  }
0x609: {  	s1 =	simm.s32 @p0 $0x1  }
0x60a: {  	[smem:$0x794] =	sst s1;
	s1 =	simm.s32 @!p4 $0x0  }
0x60b: {  	s21 =	smov.u32 s26;
	p1 =	por $0x1, $0x1;
	s1 =	simm.s32 @p4 $0x1  }
0x60c: {  	s26 =	smov.u32 s23;
	[smem:$0x78F] =	sst s1;
	s1 =	simm.s32 @!p1 $0x0  }
0x60d: {  	s23 =	smov.u32 s21;
	s21 =	rddreg [dreg:$0xd];
	s1 =	simm.s32 @p1 $0x1  }
0x60e: {  	s28 =	simm.s32 $0x10000;
	[smem:$0x7A4] =	sst s1  }
.LBB2_107:
0x60f: {  	s1 =	sld [smem:$0x79E];
	_ =	sdelay $0x2  }
0x610: {  	p0 =	seq.s32 s1, $0x1  }
0x611: {  	p1 =	sgt.s32 @p0 s20, s9;
	s1 =	ssub.s32 @p0 s13, s17;
	s17 =	sld [smem:$0x79B]  }
0x612: {  	s12 =	sld [smem:$0x7A1];
	p1 =	por !p1, !p0  }
0x613: {  	s13 =	simm.s32 $0x0;
	s20 =	smov.u32 @p1 s9;
	p1 =	por @p0 !p6, !p3  }
0x614: {  	s13 =	smov.u32 @p0 s20;
	p3 =	seq.s32 s17, $0x1;
	p5 =	por @p0 !p1, !p1  }
0x615: {  	s20 =	sld [smem:$0x7A0];
	p2 =	por @p3 p2, p2;
	s9 =	simm.s32 @!p5 $0x0  }
0x616: {  	s17 =	sld [smem:$0x79F];
	s9 =	simm.s32 @p5 $0x1;
	p1 =	por !p2, !p3  }
0x617: {  	p2 =	por !p5, !p0;
	p5 =	seq.s32 s12, $0x1;
	[smem:$0x781] =	sst s9  }
0x618: {  	s9 =	simm.s32 @!p0 $0x0;
	s25 =	smov.u32 @p1 s5;
	p6 =	seq.s32 s20, $0x1  }
0x619: {  	s5 =	simm.s32 @!p5 $0x0;
	s20 =	sld [smem:$0x7A3];
	s9 =	simm.s32 @p0 $0x1  }
0x61a: {  	s1 =	smov.u32 @p2 s7;
	[smem:$0x79E] =	sst s9;
	s9 =	spop @p3 (v2sf)  }
0x61b: {  	s5 =	simm.s32 @p5 $0x1;
	p0 =	seq.s32 s17, $0x1;
	s12 =	spop @p5 (v2sf)  }
0x61c: {  	s7 =	simm.s32 $0x1;
	[smem:$0x7A1] =	sst s5;
	s5 =	spop @p0 (v2sf)  }
0x61d: {  	s17 =	rddreg [dreg:$0xf];
	s9 =	smov.u32 @p1 s6;
	p1 =	sgt.s32 @p0 s5, $0x0  }
0x61e: {  	p2 =	seq.s32 s20, $0x1;
	s20 =	sld [smem:$0x7A5];
	s6 =	simm.s32 @!p1 $0x0  }
0x61f: {  	s0 =	sadd.s32 @p2 $0x10, s0;
	p4 =	por !p1, !p0;
	s6 =	simm.s32 @p1 $0x1  }
0x620: {  	s7 =	simm.s32 @p4 $0x0;
	[smem:$0x77B] =	sst s6;
	s6 =	simm.s32 $0x10000  }
0x621: {  	s24 =	smov.u32 @p0 s7;
	s7 =	simm.s32 $0x0;
	s6 =	smov.u32 @p2 s0  }
0x622: {  	s0 =	simm.s32 @!p2 $0x0;
	s7 =	smov.u32 @p3 s25;
	p1 =	sgt.s32 @p0 s13, s24  }
0x623: {  	(xrf0) =	vadd.scan.msk.s32 @p2 $0xffff, v8;
	s25 =	sld [smem:$0x79E];
	s0 =	simm.s32 @p2 $0x1;
	p2 =	seq.s32 @p0 s13, $0x0  }
0x624: {  	[smem:$0x7A3] =	sst s0;
	s0 =	sadd.s32 @p5 s4, s12;
	s12 =	simm.s32 $0x0  }
0x625: {  	s4 =	simm.s32 $0x0;
	s12 =	smov.u32 @p3 s9;
	p3 =	por !p1, !p0  }
0x626: {  	s4 =	smov.u32 @p5 s0;
	s13 =	smov.u32 @p3 s24;
	s24 =	rddreg [dreg:$0x13]  }
0x627: {  	s0 =	smov.u32 @p0 s10;
	p1 =	seq.s32 s25, $0x1;
	s9 =	smov.u32 s24  }
0x628: {  	s8 =	smov.u32 @p0 s5;
	s20 =	smov.u32 @p1 s1;
	s9 =	smov.u32 @p0 s0  }
0x629: {  	s0 =	simm.s32 @!p6 $0x0;
	s1 =	ssub.s32 @p0 s9, s8;
	s9 =	sld [smem:$0x79D]  }
0x62a: {  	s0 =	simm.s32 @p6 $0x1;
	s8 =	sld [smem:$0x77B]  }
0x62b: {  	[smem:$0x7A0] =	sst s0  }
0x62c: {  	vm0 =	vgt.s32 @p5 v12, v4;
	s10 =	smov.u32 s17;
	s0 =	smov.u32 @p6 s16;
	s16 =	sld [smem:$0x792]  }
0x62d: {  	(v2sf) =	vpush @p6 v28, $0xF;
	v28 =	vsel @p5 vm0, $0x1, v0;
	s25 =	sld [smem:$0x793];
	s10 =	smov.u32 @p6 s0  }
0x62e: {  	(xrf0) =	vadd.scan.msk.s32 @p5 $0xffff, v28;
	p6 =	por p0, p0;
	p5 =	seq.s32 s9, $0x1;
	s9 =	sld [smem:$0x79C]  }
0x62f: {  	p4 =	seq.s32 s8, $0x1;
	p0 =	seq.s32 s16, $0x1;
	s16 =	sld [smem:$0x78F]  }
0x630: {  	s8 =	sld [smem:$0x7A3];
	p2 =	por @!p6 p0, p0;
	p0 =	seq.s32 s25, $0x1  }
0x631: {  	s25 =	sld [smem:$0x7A1];
	p4 =	por @!p6 p0, p0  }
0x632: {  	p1 =	seq.s32 s9, $0x1;
	p3 =	seq.s32 s16, $0x1;
	p2 =	por @p6 !p2, !p4  }
0x633: {  	v28, _, _ =	vpop @p5 (xrf0);
	s0 =	spop @p1 (v2sf);
	p3 =	por @p1 p3, p3;
	p4 =	por @p6 !p2, !p2  }
0x634: {  	(v2sf) =	vpush @p5 v28, $0xF;
	v28, _, _ =	vpop @p5 (xrf0);
	p3 =	por @!p1 p0, p0;
	p0 =	seq.s32 s8, $0x1;
	s8 =	smov.u32 @p1 s0  }
0x635: {  	(v2sf) =	vpush @p5 v28, $0xF;
	s0 =	simm.s32 @!p4 $0x0;
	v28, _, _ =	vpop @p0 (xrf0);
	p0 =	por @p1 p3, p3;
	p3 =	seq.s32 s25, $0x1  }
0x636: {  	s0 =	simm.s32 @p4 $0x1;
	s25 =	sld [smem:$0x7A3];
	p0 =	por !p0, !p1  }
0x637: {  	[smem:$0x785] =	sst s0;
	s0 =	simm.s32 @!p0 $0x0  }
0x638: {  	s9 =	sld [smem:$0x7A2];
	s0 =	simm.s32 @p0 $0x1  }
0x639: {  	[smem:$0x77C] =	sst s0  }
0x63a: {  	s8 =	smov.u32 @p0 s7;
	p0 =	seq.s32 s25, $0x1;
	s25 =	sld [smem:$0x77C]  }
0x63b: {  	s16 =	spop @p1 (v2sf);
	p2 =	por p6, p6  }
0x63c: {  	p6 =	seq.s32 s9, $0x1;
	p4 =	por !p4, !p2;
	s7 =	sld [smem:$0x7A0]  }
0x63d: {  	s9 =	spop @p6 (v2sf);
	s1 =	smov.u32 @p4 s20;
	p4 =	seq.s32 s25, $0x1  }
0x63e: {  	s20 =	rddreg [dreg:$0x11];
	s16 =	smov.u32 @p4 s12;
	s12 =	simm.s32 $0x0  }
0x63f: {  	v41, _, _ =	vpop @p3 (xrf0);
	(v2sf) =	vpush @p0 v28, $0xF;
	p0 =	seq.s32 s7, $0x1;
	s12 =	smov.u32 @p2 s13;
	s13 =	simm.s32 @!p2 $0x0  }
0x640: {  	v38 =	vpsel p3, v41, v38;
	s2 =	smov.u32 @p2 s1;
	s0 =	spop @p0 (v2sf);
	s13 =	simm.s32 @p2 $0x1  }
0x641: {  	(v2sf) =	vpush @p3 v38, $0xF;
	p3 =	sgt.s32 @p0 s0, $0x0;
	[smem:$0x79F] =	sst s13;
	s13 =	smov.u32 s20  }
0x642: {  	s7 =	simm.s32 @!p3 $0x0;
	s13 =	smov.u32 @p0 s10;
	s10 =	sld [smem:$0x7A4]  }
0x643: {  	s1 =	simm.s32 $0x0;
	s25 =	sld [smem:$0x79E];
	s7 =	simm.s32 @p3 $0x1  }
0x644: {  	p3 =	por !p3, !p0;
	[smem:$0x77D] =	sst s7;
	s7 =	simm.s32 $0x1  }
0x645: {  	s7 =	simm.s32 @p3 $0x0;
	p3 =	seq.s32 s10, $0x1;
	s10 =	simm.s32 $0x0  }
0x646: {  	p4 =	por p0, p0;
	s10 =	smov.u32 @p1 s8;
	s8 =	sld [smem:$0x794]  }
0x647: {  	s1 =	smov.u32 @p1 s16;
	s11 =	smov.u32 @p4 s0;
	s16 =	sld [smem:$0x791]  }
0x648: {  	p2 =	seq.s32 s25, $0x1;
	s25 =	sld [smem:$0x796];
	s31 =	smov.u32 @p0 s7  }
0x649: {  	s7 =	ssub.s32 @p4 s13, s11;
	s11 =	sld [smem:$0x797];
	p0 =	seq.s32 s8, $0x1  }
0x64a: {  	vm0 =	veq.s32 @p2 v26, v2;
	s13 =	sld [smem:$0x77D];
	p1 =	seq.s32 s16, $0x1;
	p0 =	por @p5 p0, p0  }
0x64b: {  	v26 =	vnsel @p2 vm0, $0x0, v27;
	p2 =	seq.s32 s25, $0x1;
	p0 =	por @!p5 p1, p1;
	p1 =	seq.s32 @p4 s12, $0x0  }
0x64c: {  	s8 =	simm.s32 @!p0 $0x0;
	p1 =	por @!p4 p2, p2  }
0x64d: {  	p2 =	seq.s32 s11, $0x1;
	s8 =	simm.s32 @p0 $0x1;
	p0 =	seq.s32 s13, $0x1  }
0x64e: {  	s16 =	sld [smem:$0x79E];
	p0 =	por @!p4 p2, p2  }
0x64f: {  	[smem:$0x77E] =	sst s8;
	s8 =	simm.s32 @!p0 $0x0  }
0x650: {  	s11 =	sld [smem:$0x77E];
	s8 =	simm.s32 @p0 $0x1;
	p0 =	sgt.s32 @p4 s12, s31  }
0x651: {  	[smem:$0x77D] =	sst s8;
	s8 =	simm.s32 @!p0 $0x0  }
0x652: {  	s8 =	simm.s32 @p0 $0x1;
	s25 =	sld [smem:$0x77D]  }
0x653: {  	[smem:$0x77F] =	sst s8  }
0x654: {  	s13 =	sld [smem:$0x77F]  }
0x655: {  	p2 =	seq.s32 s16, $0x1;
	s16 =	sld [smem:$0x790];
	p0 =	seq.s32 s25, $0x1  }
0x656: {  	v31 =	vnsel @p2 vm0, $0x0, v31;
	(xrf0) =	vadd.scan.msk.s32 @p2 $0xffff, v26;
	s25 =	sld [smem:$0x79E];
	p1 =	por @p4 !p1, !p0;
	p0 =	seq.s32 s11, $0x1  }
0x657: {  	(xrf0) =	vadd.scan.msk.s32 @p2 $0xffff, v31;
	s11 =	sld [smem:$0x7A3];
	p0 =	por @p5 p0, p0;
	p2 =	seq.s32 s13, $0x1  }
0x658: {  	p1 =	por @p4 !p1, !p1;
	s13 =	sld [smem:$0x7A0];
	p2 =	por !p2, !p4  }
0x659: {  	p0 =	por @!p5 p0, p0;
	s8 =	simm.s32 @!p1 $0x0;
	s12 =	smov.u32 @p2 s31  }
0x65a: {  	s8 =	simm.s32 @p1 $0x1;
	p0 =	por @p5 p0, p0;
	s31 =	sld [smem:$0x781]  }
0x65b: {  	p1 =	por !p1, !p4;
	p2 =	seq.s32 s25, $0x1;
	s25 =	sld [smem:$0x795]  }
0x65c: {  	[smem:$0x787] =	sst s8;
	s8 =	spop @p5 (v2sf);
	s7 =	smov.u32 @p1 s2  }
0x65d: {  	v38 =	vld @p3 [tilespmem:s6+$0x0];
	p4 =	por !p0, !p5;
	p1 =	seq.s32 s16, $0x1;
	s2 =	smov.u32 @p5 s8  }
0x65e: {  	v21 =	vadd.s32 @p6 s4, v21;
	s16 =	sld [smem:$0x7A1];
	s2 =	smov.u32 @p4 s10;
	p0 =	seq.s32 s31, $0x1  }
0x65f: {  	v27 =	vpsel p6, v21, v37;
	s10 =	spop @p5 (v2sf);
	s31 =	sld [smem:$0x785];
	p0 =	por @!p2 p1, p1  }
0x660: {  	vm0 =	vgt.s32 @p6 v27, v4;
	s10 =	smov.u32 @p4 s1;
	s1 =	sadd.s32 @p3 $0x10, s6;
	s8 =	simm.s32 @!p0 $0x0  }
0x661: {  	v21 =	vsel @p6 vm0, $0x1, v0;
	s6 =	simm.s32 $0x0;
	s8 =	simm.s32 @p0 $0x1;
	p0 =	seq.s32 s11, $0x1  }
0x662: {  	v26 =	vpsel p3, v38, v39;
	[smem:$0x781] =	sst s8;
	s8 =	spop @p0 (v2sf);
	p0 =	seq.s32 s13, $0x1  }
0x663: {  	(xrf0) =	vadd.scan.msk.s32 @p3 $0xffff, v26;
	s6 =	smov.u32 @p0 s12;
	s12 =	sld [smem:$0x79F]  }
0x664: {  	(xrf0) =	vadd.scan.msk.s32 @p6 $0xffff, v21;
	v21, _, _ =	vpop @p2 (xrf0)  }
0x665: {  	v31, _, _ =	vpop @p2 (xrf0);
	(v2sf) =	vpush @p2 v21, $0xF;
	s28 =	smov.u32 @p3 s1;
	p1 =	seq.s32 s31, $0x1  }
0x666: {  	(v2sf) =	vpush @p2 v31, $0xF;
	p2 =	seq.s32 s16, $0x1;
	p0 =	seq.s32 s25, $0x1;
	p4 =	seq.s32 s12, $0x1  }
0x667: {  	s31 =	sld [smem:$0x79A];
	s1 =	spop @p2 (v2sf);
	p1 =	por @!p4 p0, p0  }
0x668: {  	s5 =	ssub.s32 @p4 $0x10, s5;
	p4 =	sgt.s32 @p2 s1, $0x0;
	s11 =	simm.s32 @!p1 $0x0  }
0x669: {  	v58 =	vld [tilespmem:s28+$0x0];
	s28 =	sld [smem:$0x79E];
	s11 =	simm.s32 @p1 $0x1;
	p1 =	por !p4, !p2  }
0x66a: {  	[smem:$0x785] =	sst s11;
	s11 =	simm.s32 @!p1 $0x0  }
0x66b: {  	s13 =	sld [smem:$0x79F];
	s11 =	simm.s32 @p1 $0x1  }
0x66c: {  	[smem:$0x780] =	sst s11  }
0x66d: {  	s16 =	sld [smem:$0x780]  }
0x66e: {  	s4 =	sadd.s32 @p6 s4, s9;
	s25 =	sld [smem:$0x799]  }
0x66f: {  	s12 =	sld [smem:$0x79F];
	p0 =	seq.s32 @p2 s6, $0x0;
	p1 =	seq.s32 s13, $0x1  }
0x670: {  	s13 =	sld [smem:$0x7A3];
	s11 =	simm.s32 $0x1;
	v37 =	vmov @p1 s5;
	p1 =	seq.s32 s16, $0x1  }
0x671: {  	s16 =	sld [smem:$0x79E];
	s11 =	simm.s32 @p1 $0x0;
	p1 =	seq.s32 s25, $0x1  }
0x672: {  	s9 =	simm.s32 $0x0;
	s25 =	rddreg [dreg:$0x19];
	p0 =	por @!p2 p1, p1  }
0x673: {  	p1 =	seq.s32 s31, $0x1;
	s29 =	smov.u32 @p2 s11;
	s5 =	simm.s32 @!p0 $0x0  }
0x674: {  	s11 =	sld [smem:$0x798];
	p4 =	por @!p2 p1, p1;
	s5 =	simm.s32 @p0 $0x1  }
0x675: {  	s9 =	smov.u32 @p5 s10;
	[smem:$0x782] =	sst s5;
	s5 =	simm.s32 @!p4 $0x0  }
0x676: {  	p1 =	seq.s32 s12, $0x1;
	p0 =	seq.s32 s16, $0x1;
	s5 =	simm.s32 @p4 $0x1  }
0x677: {  	v33 =	vpsel p1, v37, v33;
	p4 =	seq.s32 s13, $0x1;
	[smem:$0x783] =	sst s5;
	s5 =	simm.s32 $0x0  }
0x678: {  	v30 =	vpsel p1, v30, v5;
	s16 =	rddreg [dreg:$0x17];
	vm0 =	veq.s32 @p1 v33, v2;
	v28 =	vpsel p4, v28, v35;
	v35 =	vmovc @p1 v36;
	s5 =	smov.u32 @p6 s4;
	s4 =	simm.s32 $0x0  }
0x679: {  	v30 =	vnsel @p1 vm0, $0x0, v30;
	v33 =	vpsel p1, v35, v10;
	s4 =	smov.u32 @p5 s2;
	s2 =	smov.u32 @p2 s15;
	s15 =	sld [smem:$0x781]  }
0x67a: {  	s10 =	smov.u32 s25;
	s13 =	sld [smem:$0x79F];
	(xrf0) =	vadd.scan.msk.s32 @p1 $0xffff, v30;
	v33 =	vnsel @p1 vm0, $0x0, v33;
	p5 =	por p1, p1  }
0x67b: {  	s31 =	sld [smem:$0x783];
	s10 =	smov.u32 @p2 s2;
	(xrf0) =	vadd.scan.msk.s32 @p5 $0xffff, v33;
	p5 =	sgt.s32 @p2 s6, s29  }
0x67c: {  	s2 =	smov.u32 @p2 s10;
	s10 =	smov.u32 s24;
	p1 =	seq.s32 s15, $0x1  }
0x67d: {  	p5 =	por !p5, !p2;
	s10 =	smov.u32 @p2 s2;
	p1 =	por @p0 p1, p1  }
0x67e: {  	v31, _, _ =	vpop @p3 (xrf0);
	v28 =	vadd.s32 @p4 s5, v28;
	p1 =	por @!p0 p0, p0;
	p0 =	por p2, p2;
	p2 =	seq.s32 s28, $0x1  }
0x67f: {  	v21, _, _ =	vpop @p6 (xrf0);
	v28 =	vpsel p4, v28, v24;
	s6 =	smov.u32 @p5 s29;
	s29 =	sld [smem:$0x782];
	p1 =	por @p2 p1, p1  }
0x680: {  	(v2sf) =	vpush @p3 v31, $0xF;
	v21 =	vpsel p6, v21, v40;
	vm0 =	vgt.s32 @p4 v28, v4;
	s15 =	sld [smem:$0x7A0];
	s2 =	simm.s32 @!p1 $0x0  }
0x681: {  	(v2sf) =	vpush @p6 v21, $0xF;
	(xrf0) =	vadd.scan.msk.s32 $0xffff, v58;
	v30 =	vsel @p4 vm0, $0x1, v0;
	s28 =	sld [smem:$0x79E];
	s2 =	simm.s32 @p1 $0x1  }
0x682: {  	(xrf0) =	vadd.scan.msk.s32 @p4 $0xffff, v30;
	p4 =	seq.s32 s13, $0x1;
	p5 =	por p0, p0;
	[smem:$0x784] =	sst s2  }
0x683: {  	s11 =	smov.u32 @p5 s1;
	p1 =	seq.s32 s31, $0x1;
	s12 =	sld [smem:$0x784]  }
0x684: {  	s31 =	sld [smem:$0x7A0];
	s2 =	smov.u32 @p0 s10;
	p0 =	seq.s32 s29, $0x1  }
0x685: {  	s10 =	smov.u32 s16;
	s29 =	sld [smem:$0x7A3];
	p0 =	por @p5 !p0, !p1  }
0x686: {  	s10 =	smov.u32 @p5 s2;
	s2 =	simm.s32 $0x0;
	p1 =	seq.s32 s12, $0x1  }
0x687: {  	s10 =	ssub.s32 @p5 s10, s11;
	p1 =	por @!p2 p0, p0;
	p0 =	por @p5 !p0, !p0  }
0x688: {  	p2 =	seq.s32 s15, $0x1;
	s15 =	rddreg [dreg:$0x15];
	s12 =	simm.s32 @!p0 $0x0  }
0x689: {  	s2 =	smov.u32 @p2 s7;
	p2 =	por !p0, !p5;
	s7 =	simm.s32 $0x0  }
0x68a: {  	s13 =	smov.u32 s15;
	s12 =	simm.s32 @p0 $0x1;
	s10 =	smov.u32 @p2 s2  }
0x68b: {  	p0 =	seq.s32 s28, $0x1;
	s13 =	smov.u32 @p6 s3;
	s28 =	sld [smem:$0x7A1]  }
0x68c: {  	v30, _, _ =	vpop @p4 (xrf0);
	[smem:$0x789] =	sst s12;
	s2 =	spop @p0 (v2sf);
	p1 =	por @p0 p1, p1  }
0x68d: {  	v33, _, _ =	vpop @p4 (xrf0);
	(v2sf) =	vpush @p4 v30, $0xF;
	s3 =	smov.u32 @p6 s13;
	s13 =	sld [smem:$0x79F];
	s11 =	smov.u32 @p0 s2  }
0x68e: {  	s12 =	spop @p0 (v2sf);
	p1 =	por !p1, !p0;
	(v2sf) =	vpush @p4 v33, $0xF;
	p4 =	seq.s32 s29, $0x1  }
0x68f: {  	s11 =	smov.u32 @p1 s4;
	s12 =	smov.u32 @p1 s9;
	s4 =	spop @p3 (v2sf)  }
0x690: {  	s9 =	simm.s32 $0x0;
	s2 =	spop @p6 (v2sf);
	s7 =	smov.u32 @p0 s11  }
0x691: {  	v59, _, _ =	vpop (xrf0);
	s9 =	smov.u32 @p0 s12;
	s11 =	smov.u32 s17;
	s12 =	simm.s32 $0x1  }
0x692: {  	v33, _, _ =	vpop @p4 (xrf0);
	p0 =	seq.s32 s31, $0x1;
	s31 =	sld [smem:$0x7A3];
	p2 =	sgt.s32 @p6 s2, $0x0  }
0x693: {  	(v2sf) =	vpush v59, $0xF;
	v29 =	vpsel p4, v33, v29;
	s11 =	smov.u32 @p6 s3;
	s0 =	ssub.s32 @p0 $0x10, s0;
	s3 =	sadd.s32 @p4 s5, s8  }
0x694: {  	(v2sf) =	vpush @p4 v29, $0xF;
	s5 =	simm.s32 $0x0;
	p1 =	por !p2, !p6;
	s8 =	smov.u32 @p6 s11  }
0x695: {  	s5 =	smov.u32 @p5 s6;
	s6 =	simm.s32 $0x0;
	p5 =	por p0, p0  }
0x696: {  	p2 =	por @!p6 p0, p0;
	s12 =	simm.s32 @p1 $0x0;
	s6 =	smov.u32 @p4 s3  }
0x697: {  	v29 =	vmov @p0 s0;
	p1 =	seq.s32 @p6 s5, $0x0;
	s0 =	smov.u32 @p6 s12;
	s12 =	sld [smem:$0x785]  }
0x698: {  	v23 =	vpsel p0, v23, v7;
	v25 =	vpsel p0, v25, v17;
	v29 =	vpsel p0, v29, v32;
	s3 =	smov.u32 s20;
	p1 =	por @!p6 p0, p0;
	p0 =	sgt.s32 @p6 s5, s0  }
0x699: {  	s3 =	smov.u32 @p6 s8;
	p1 =	por @p6 !p1, !p2;
	p2 =	por !p0, !p6  }
0x69a: {  	s5 =	smov.u32 @p2 s0;
	p0 =	seq.s32 s12, $0x1;
	p2 =	seq.s32 s13, $0x1  }
0x69b: {  	v31 =	vpsel p3, v31, v34;
	s8 =	simm.s32 $0x0;
	s4 =	sadd.s32 @p3 s6, s4;
	p4 =	por @p2 p0, p0  }
0x69c: {  	vm0 =	veq.s32 @p5 v29, v2;
	v29 =	vadd.s32 @p3 s6, v31;
	s6 =	simm.s32 $0x0;
	p4 =	por @!p2 p0, p0;
	p0 =	seq.s32 s28, $0x1  }
0x69d: {  	v23 =	vpsel p5, v23, v6;
	s0 =	smov.u32 @p6 s3;
	s8 =	smov.u32 @p0 s10;
	p0 =	por @p6 !p1, !p1  }
0x69e: {  	v25 =	vpsel p5, v25, v9;
	v31 =	vnsel @p5 vm0, $0x0, v23;
	v23 =	vpsel p3, v29, v17;
	s3 =	smov.u32 @p6 s2;
	s0 =	smov.u32 @p6 s0;
	s10 =	simm.s32 @!p0 $0x0  }
0x69f: {  	v25 =	vnsel @p5 vm0, $0x0, v25;
	(xrf0) =	vadd.scan.msk.s32 @p5 $0xffff, v31;
	vm0 =	vgt.s32 @p3 v23, v4;
	s3 =	ssub.s32 @p6 s0, s3;
	s0 =	sld [smem:$0x7A1];
	s10 =	simm.s32 @p0 $0x1  }
0x6a0: {  	(xrf0) =	vadd.scan.msk.s32 @p5 $0xffff, v25;
	v25 =	vsel @p3 vm0, $0x1, v0;
	p1 =	por !p0, !p6;
	[smem:$0x78B] =	sst s10;
	s10 =	spop @p2 (v2sf)  }
0x6a1: {  	(xrf0) =	vadd.scan.msk.s32 @p3 $0xffff, v25;
	s3 =	smov.u32 @p1 s8;
	p1 =	por @p2 p4, p4;
	s8 =	spop @p2 (v2sf)  }
0x6a2: {  	p4 =	seq.s32 s31, $0x1;
	p1 =	por @!p2 p0, p0;
	s29 =	spop (v2sf)  }
0x6a3: {  	p0 =	seq.s32 s0, $0x1;
	p1 =	por @p2 p1, p1;
	s0 =	spop @p4 (v2sf)  }
0x6a4: {  	s10 =	smov.u32 @p2 s10;
	p1 =	por !p1, !p2;
	p2 =	sgt.s32 @p4 s0, $0x0  }
0x6a5: {  	s6 =	smov.u32 @p3 s4;
	v25, _, _ =	vpop @p5 (xrf0);
	s1 =	ssub.s32 @p0 $0x10, s1;
	s11 =	simm.s32 @!p2 $0x0  }
0x6a6: {  	v29, _, _ =	vpop @p5 (xrf0);
	s8 =	smov.u32 @p1 s9;
	s9 =	rddreg [dreg:$0x1f];
	s11 =	simm.s32 @p2 $0x1  }
0x6a7: {  	s4 =	simm.s32 $0x0;
	(v2sf) =	vpush @p5 v25, $0xF;
	v60 =	vpsel p0, v12, v24;
	v24, _, _ =	vpop @p3 (xrf0);
	v25 =	vmov @p0 s1;
	s1 =	smov.u32 @p4 s30;
	[smem:$0x786] =	sst s11  }
0x6a8: {  	v18 =	vpsel p0, v18, v16;
	v19 =	vpsel p3, v24, v19;
	s10 =	smov.u32 @p1 s7;
	s7 =	simm.s32 $0x1;
	s11 =	sld [smem:$0x79F]  }
0x6a9: {  	v18 =	vpsel p0, v18, v5;
	s9 =	smov.u32 @p4 s1;
	s1 =	simm.s32 $0x0;
	p2 =	por !p2, !p4  }
0x6aa: {  	(v2sf) =	vpush @p5 v29, $0xF;
	v12 =	vpsel p0, v60, v10;
	v22 =	vpsel p0, v25, v22;
	s1 =	smov.u32 @p6 s5;
	s5 =	simm.s32 $0x0;
	s7 =	simm.s32 @p2 $0x0  }
0x6ab: {  	(v2sf) =	vpush @p3 v19, $0xF;
	v18 =	vpsel p0, v18, v11;
	vm0 =	veq.s32 @p0 v22, v2;
	v19 =	vmovc @p0 v12;
	s7 =	smov.u32 @p4 s7;
	s12 =	sld [smem:$0x786];
	p1 =	seq.s32 s11, $0x1  }
0x6ac: {  	v18 =	vnsel @p0 vm0, $0x0, v18;
	v19 =	vpsel p0, v19, v13;
	s4 =	smov.u32 @p1 s10;
	s5 =	smov.u32 @p1 s8;
	p1 =	sgt.s32 @p4 s1, s7  }
0x6ad: {  	(xrf0) =	vadd.scan.msk.s32 @p0 $0xffff, v18;
	v18 =	vnsel @p0 vm0, $0x0, v19;
	p2 =	por p0, p0;
	p0 =	seq.s32 @p4 s1, $0x0;
	p1 =	por !p1, !p4  }
0x6ae: {  	p0 =	por @!p4 p0, p0;
	s1 =	smov.u32 @p1 s7;
	p1 =	seq.s32 s12, $0x1  }
0x6af: {  	s13 =	sld [smem:$0x787];
	p1 =	por @!p4 p0, p0  }
0x6b0: {  	p0 =	por @p4 !p0, !p1  }
0x6b1: {  	s25 =	smov.u32 @p4 s9;
	s7 =	simm.s32 @!p0 $0x0  }
0x6b2: {  	v61 =	vadd.s32 s6, v59;
	s6 =	smov.u32 @p4 s25;
	s7 =	simm.s32 @p0 $0x1;
	p0 =	seq.s32 s13, $0x1  }
0x6b3: {  	s24 =	smov.u32 @p4 s6;
	[smem:$0x788] =	sst s7;
	p0 =	por @!p5 p0, p0  }
0x6b4: {  	s6 =	smov.u32 @p4 s24;
	p1 =	por @p5 p0, p0;
	s24 =	sld [smem:$0x788]  }
0x6b5: {  	p1 =	por @!p5 p0, p0  }
0x6b6: {  	vm14 =	vgt.s32 v61, v4;
	s2 =	ssub.s32 @p6 $0x10, s2;
	p1 =	por @p5 p1, p1  }
0x6b7: {  	v4 =	vsel vm14, $0x1, v0;
	s28 =	sld [smem:$0x7A1];
	v62 =	vpsel p4, v8, v20;
	(xrf0) =	vadd.scan.msk.s32 @p2 $0xffff, v18;
	p1 =	por @!p5 p0, p0;
	p0 =	seq.s32 s24, $0x1  }
0x6b8: {  	v8 =	vpsel p4, v62, v16;
	(xrf0) =	vadd.scan.msk.s32 $0xffff, v4;
	v4 =	vpsel p6, v15, v14;
	s16 =	smov.u32 @p4 s6;
	v15 =	vmov @p6 v27;
	s7 =	simm.s32 $0x0;
	p0 =	por @p4 !p0, !p0  }
0x6b9: {  	v18 =	vmov @p6 s2;
	s6 =	smov.u32 @p4 s16;
	v4 =	vpsel p6, v4, v7;
	v15 =	vpsel p6, v15, v17;
	v17, _, _ =	vpop @p2 (xrf0);
	s7 =	smov.u32 @p6 s3;
	s3 =	simm.s32 @!p0 $0x0  }
0x6ba: {  	s2 =	smov.u32 @p4 s0;
	s6 =	smov.u32 @p4 s6;
	v4 =	vpsel p6, v4, v6;
	(v2sf) =	vpush @p2 v17, $0xF;
	v17 =	vpsel p6, v18, v0;
	s3 =	simm.s32 @p0 $0x1  }
0x6bb: {  	v15 =	vpsel p6, v15, v9;
	v4 =	vpsel p6, v4, v0;
	vm0 =	veq.s32 @p6 v17, v2;
	p1 =	por @p5 p1, p1;
	[smem:$0x78C] =	sst s3;
	s3 =	spop @p5 (v2sf)  }
0x6bc: {  	v5 =	vpsel p4, v8, v5;
	s2 =	ssub.s32 @p4 s6, s2;
	v8 =	vpsel p6, v15, v0;
	v4 =	vnsel @p6 vm0, $0x0, v4;
	p1 =	por !p1, !p5;
	s6 =	smov.u32 @p5 s3  }
0x6bd: {  	s0 =	ssub.s32 @p4 $0x10, s0;
	v16, _, _ =	vpop @p2 (xrf0);
	v8 =	vnsel @p6 vm0, $0x0, v8;
	(xrf0) =	vadd.scan.msk.s32 @p6 $0xffff, v4;
	s6 =	smov.u32 @p1 s4;
	s4 =	spop @p5 (v2sf)  }
0x6be: {  	s9 =	simm.s32 $0x0;
	s25 =	sld [smem:$0x789];
	(v2sf) =	vpush @p2 v16, $0xF;
	v63, _, _ =	vpop (xrf0);
	(xrf0) =	vadd.scan.msk.s32 @p6 $0xffff, v8;
	v8 =	vmov @p4 s0;
	s3 =	spop @p3 (v2sf)  }
0x6bf: {  	v16 =	vmov @p4 v28;
	(v2sf) =	vpush v63, $0xF;
	s0 =	simm.s32 $0x0;
	v8 =	vpsel p4, v8, v0;
	p2 =	por !p0, !p4;
	p0 =	sgt.s32 @p3 s3, $0x0  }
0x6c0: {  	v5 =	vpsel p4, v5, v11;
	v4 =	vpsel p4, v16, v10;
	v10 =	vmov @p3 v26;
	s0 =	smov.u32 @p4 s1;
	s2 =	smov.u32 @p2 s7;
	s7 =	simm.s32 @!p0 $0x0  }
0x6c1: {  	v5 =	vpsel p4, v5, v0;
	v10 =	vpsel p3, v10, v14;
	s1 =	simm.s32 $0x0;
	vm0 =	veq.s32 @p4 v8, v2;
	s30 =	sld [smem:$0x78C];
	s7 =	simm.s32 @p0 $0x1  }
0x6c2: {  	v5 =	vnsel @p4 vm0, $0x0, v5;
	v8 =	vmov @p3 v10;
	p2 =	seq.s32 @p3 s0, $0x0;
	s9 =	smov.u32 @p4 s2;
	[smem:$0x78A] =	sst s7  }
0x6c3: {  	s4 =	smov.u32 @p1 s5;
	s5 =	smov.u32 @p3 s23;
	s7 =	rddreg [dreg:$0x1d]  }
0x6c4: {  	v7 =	vpsel p3, v8, v7;
	p1 =	por !p0, !p3;
	s7 =	smov.u32 @p3 s5;
	s5 =	simm.s32 $0x1  }
0x6c5: {  	v4 =	vpsel p4, v4, v13;
	(xrf0) =	vadd.scan.msk.s32 @p4 $0xffff, v5;
	v5 =	vmov @p3 v7;
	v8, _, _ =	vpop @p6 (xrf0);
	s1 =	smov.u32 @p5 s6;
	p0 =	seq.s32 s25, $0x1;
	s5 =	simm.s32 @p1 $0x0  }
0x6c6: {  	v4 =	vpsel p4, v4, v0;
	(v2sf) =	vpush @p6 v8, $0xF;
	s15 =	smov.u32 @p3 s7;
	s7 =	smov.u32 @p3 s5;
	s5 =	simm.s32 $0x0  }
0x6c7: {  	v4 =	vnsel @p4 vm0, $0x0, v4;
	s5 =	smov.u32 @p5 s4;
	s4 =	smov.u32 @p3 s15;
	p1 =	sgt.s32 @p3 s0, s7  }
0x6c8: {  	(xrf0) =	vadd.scan.msk.s32 @p4 $0xffff, v4;
	v4 =	vpsel p3, v5, v6;
	v5, _, _ =	vpop @p6 (xrf0);
	s17 =	smov.u32 @p3 s4;
	p5 =	por !p1, !p3;
	p1 =	seq.s32 s28, $0x1  }
0x6c9: {  	(v2sf) =	vpush @p6 v5, $0xF;
	s0 =	smov.u32 @p5 s7;
	s4 =	smov.u32 @p3 s17;
	p0 =	por @!p1 p0, p0  }
0x6ca: {  	s6 =	spop @p1 (v2sf);
	s7 =	sld [smem:$0x78A];
	s20 =	smov.u32 @p3 s4  }
0x6cb: {  	v6 =	vmov @p3 v23;
	p5 =	por @p1 p0, p0;
	s4 =	ssub.s32 @p3 $0x10, s3;
	p0 =	por p1, p1  }
0x6cc: {  	v5 =	vpsel p3, v6, v9;
	s3 =	smov.u32 @p3 s3;
	p5 =	por @!p1 p0, p0;
	v6 =	vmov @p3 s4;
	s4 =	smov.u32 @p3 s20  }
0x6cd: {  	v4 =	vpsel p3, v4, v0;
	p2 =	por @!p3 p0, p0;
	s8 =	spop @p0 (v2sf);
	v6 =	vpsel p3, v6, v0;
	p1 =	seq.s32 s7, $0x1  }
0x6ce: {  	v4 =	vpsel p3, v4, v0;
	s7 =	smov.u32 @p3 s4;
	s29 =	spop (v2sf);
	p1 =	por @!p3 p0, p0;
	vm0 =	veq.s32 @p3 v6, v2  }
0x6cf: {  	s2 =	ssub.s32 $0x10, s29;
	p2 =	por @p3 !p2, !p1;
	p1 =	por @p0 p5, p5;
	v4 =	vnsel @p3 vm0, $0x0, v4  }
0x6d0: {  	v5 =	vpsel p3, v5, v0;
	p5 =	por p0, p0;
	(xrf0) =	vadd.scan.msk.s32 @p3 $0xffff, v4;
	v4 =	vmov s2;
	s2 =	smov.u32 @p3 s7;
	p0 =	por @p3 !p2, !p2  }
0x6d1: {  	v5 =	vpsel p3, v5, v0;
	v6, _, _ =	vpop @p4 (xrf0);
	s7 =	simm.s32 @!p0 $0x0;
	s2 =	ssub.s32 @p3 s2, s3;
	s3 =	sld [smem:$0x78B]  }
0x6d2: {  	v5 =	vnsel @p3 vm0, $0x0, v5;
	v7, _, _ =	vpop @p4 (xrf0);
	(v2sf) =	vpush @p4 v6, $0xF;
	p1 =	por @!p5 p0, p0;
	p2 =	por !p0, !p3;
	s7 =	simm.s32 @p0 $0x1  }
0x6d3: {  	(xrf0) =	vadd.scan.msk.s32 @p3 $0xffff, v5;
	vm15 =	veq.s32 v4, v2;
	(v2sf) =	vpush @p4 v7, $0xF;
	s2 =	smov.u32 @p2 s9;
	p1 =	por @p5 p1, p1;
	[smem:$0x78D] =	sst s7  }
0x6d4: {  	v4 =	vnsel vm15, $0x0, v58;
	p1 =	por !p1, !p5;
	p0 =	seq.s32 s3, $0x1;
	s3 =	smov.u32 @p5 s6  }
0x6d5: {  	v5 =	vnsel vm15, $0x0, v61;
	(xrf0) =	vadd.scan.msk.s32 $0xffff, v4;
	s8 =	smov.u32 @p1 s5;
	s5 =	spop @p6 (v2sf);
	p0 =	por @!p6 p0, p0  }
0x6d6: {  	(xrf0) =	vadd.scan.msk.s32 $0xffff, v5;
	s31 =	sld [smem:$0x78D];
	s3 =	smov.u32 @p1 s1;
	p2 =	por @p6 p0, p0  }
0x6d7: {  	s1 =	simm.s32 $0x0;
	s5 =	smov.u32 @p6 s5;
	p2 =	por @!p6 p0, p0  }
0x6d8: {  	s6 =	spop @p6 (v2sf);
	v4, _, _ =	vpop @p3 (xrf0);
	s1 =	smov.u32 @p5 s3;
	p1 =	por @p6 p2, p2  }
0x6d9: {  	s3 =	simm.s32 $0x0;
	(v2sf) =	vpush @p3 v4, $0xF;
	v4, _, _ =	vpop @p3 (xrf0);
	p1 =	por @!p6 p0, p0;
	p0 =	seq.s32 s30, $0x1  }
0x6da: {  	s3 =	smov.u32 @p5 s8;
	(v2sf) =	vpush @p3 v4, $0xF;
	p1 =	por @p6 p1, p1;
	p0 =	por @!p4 p0, p0  }
0x6db: {  	p5 =	sgt.s32 s29, $0x0;
	v4, _, _ =	vpop (xrf0);
	p1 =	por !p1, !p6;
	p2 =	por @p4 p0, p0  }
0x6dc: {  	v5, _, _ =	vpop (xrf0);
	(v2sf) =	vpush v4, $0xF;
	s5 =	smov.u32 @p1 s1;
	s6 =	smov.u32 @p1 s3;
	p2 =	por @!p4 p0, p0  }
0x6dd: {  	(v2sf) =	vpush v5, $0xF;
	s1 =	simm.s32 $0x0;
	s3 =	simm.s32 $0x0;
	p1 =	por @p4 p2, p2  }
0x6de: {  	s1 =	smov.u32 @p6 s5;
	s3 =	smov.u32 @p6 s6;
	s5 =	simm.s32 $0x0  }
0x6df: {  	p1 =	por @!p4 p0, p0;
	s5 =	smov.u32 @p3 s0;
	p0 =	seq.s32 s31, $0x1  }
0x6e0: {  	p1 =	por @p4 p1, p1;
	p2 =	seq.s32 s5, $0x0;
	p0 =	por @!p3 p0, p0  }
0x6e1: {  	s0 =	spop @p4 (v2sf);
	p1 =	por !p1, !p4;
	p0 =	por @p3 p0, p0  }
0x6e2: {  	s6 =	smov.u32 @p4 s0;
	s7 =	spop @p4 (v2sf);
	s0 =	simm.s32 $0x0  }
0x6e3: {  	p0 =	por @!p3 p0, p0;
	s6 =	smov.u32 @p1 s1;
	s7 =	smov.u32 @p1 s3  }
0x6e4: {  	s0 =	smov.u32 @p3 s2;
	s1 =	simm.s32 $0x0;
	s2 =	simm.s32 $0x0  }
0x6e5: {  	p0 =	por @p3 p0, p0;
	p1 =	por !p2, !p5;
	s3 =	ssub.s32 s26, s29  }
0x6e6: {  	s1 =	smov.u32 @p4 s6;
	p0 =	por @!p3 p0, p0;
	p1 =	por !p1, !p1  }
0x6e7: {  	s2 =	smov.u32 @p4 s7;
	p0 =	por @p3 p0, p0;
	s0 =	smov.u32 @p1 s3  }
0x6e8: {  	p1 =	por p1, p1;
	p0 =	por !p0, !p3;
	s4 =	spop @p3 (v2sf)  }
0x6e9: {  	p6 =	por p1, p1;
	s3 =	smov.u32 @p3 s4;
	s4 =	spop @p3 (v2sf)  }
0x6ea: {  	s3 =	smov.u32 @p0 s1;
	s4 =	smov.u32 @p0 s2;
	s1 =	simm.s32 $0x0  }
0x6eb: {  	s2 =	simm.s32 $0x0;
	p0 =	por p6, p6;
	s5 =	spop (v2sf)  }
0x6ec: {  	s1 =	smov.u32 @p3 s3;
	s2 =	smov.u32 @p3 s4;
	s3 =	spop (v2sf)  }
0x6ed: {  	s1 =	smov.u32 @p0 s5;
	s2 =	smov.u32 @p0 s3;
	p0 =	por $0x1, $0x1  }
.LBB2_108:
0x6ee: {  	s3 =	sshra.s32 s22, $0x2  }
0x6ef: {  	[tilespmem:s3+$0x10000] =	vst v0  }
0x6f0: {  	[tilespmem:s3+$0x10010] =	vst v0  }
0x6f1: {  	p1 =	por p0, p0;
	[tilespmem:s3+$0x10020] =	vst v0  }
.Ltmp55:
0x6f2: {  	[tilespmem:s3+$0x10030] =	vst v0;
	(pc) =	sbr.rel @p1 .LBB2_108-.Ltmp55, $4  }
0x6f3: {  	[tilespmem:s3+$0x10040] =	vst v0  }
0x6f4: {  	[tilespmem:s3+$0x10050] =	vst v0  }
0x6f5: {  	[tilespmem:s3+$0x10060] =	vst v0  }
0x6f6: {  	s22 =	simm.s32 $0x200;
	p0 =	por $0x0, $0x0;
	[tilespmem:s3+$0x10070] =	vst v0  }
0x6f7: {  	s3 =	sld [smem:$0x7A6];
	_ =	sdelay $0x2  }
0x6f8: {  	p0 =	seq.s32 s3, $0x1  }
.Ltmp56:
0x6f9: {  	_ = 	snop;
	(pc) =	sbr.rel @p0 .LBB2_116-.Ltmp56, $1  }
0x6fa: {  	_ =	sdelay $0x3  }
0x6fb: {  	s7 =	rddreg [dreg:$0xb]  }
0x6fc: {  	p1 =	sne.s32 s7, $0x1  }
.Ltmp57:
0x6fd: {  	_ = 	snop;
	(pc) =	sbr.rel @!p1 .LBB2_111-.Ltmp57, $3  }
0x6fe: {  	_ =	sdelay $0x1  }
0x6ff: {  	s4 =	simm.s32 $0x10800  }
0x700: {  	v4 =	vmov s0;
	s3 =	simm.s32 $0x0;
	p0 =	por $0x0, $0x0;
	v5 =	vld [tilespmem:s4+$0x0];
	s4 =	sadd.s32 $0xFFFFFFFF, s7  }
0x701: {  	_ =	sdelay $0x3  }
0x702: {  	v6 =	vshrl.u32 v5, $0xD  }
0x703: {  	v7 =	vor.u32 s3, v2;
	v6 =	vand.u32 $0xFF, v6  }
0x704: {  	vm0 =	vlt.s32 v7, v3;
	vm1 =	veq.s32 v6, v4  }
0x705: {  	v5 =	vshrl.u32 v5, $0x5;
	vm0 =	vmand vm0, vm1  }
0x706: {  	v5 =	vand.u32 $0xFF, v5  }
0x707: {  	p1 =	sne.s32 s4, $0x1  }
.Ltmp58:
0x708: {  	_ = 	snop;
	(pc) =	sbr.rel @!p1 .LBB2_113-.Ltmp58, $3  }
0x709: {  	_ =	sdelay $0x1  }
0x70a: {  	s5 =	simm.s32 $0x10810;
	[tilespmem:v5+s14+$0x0] =	vst.idx.add.s32.msk vm0, v1  }
0x70b: {  	s6 =	sadd.s32 $0xFFFFFFFF, s4;
	p0 =	por $0x1, $0x1;
	s4 =	simm.s32 $0x0;
	v5 =	vld [tilespmem:s5+$0x0]  }
.LBB2_114:
0x70c: {  	p1 =	sne.s32 s6, $0x1;
	_ =	sdelay $0x3  }
0x70d: {  	s4 =	sadd.s32 $0x10, s4;
	v6 =	vshrl.u32 v5, $0xD  }
0x70e: {  	v7 =	vor.u32 s4, v2;
	v6 =	vand.u32 $0xFF, v6  }
0x70f: {  	vm0 =	vlt.s32 v7, v3;
	vm1 =	veq.s32 v6, v4  }
0x710: {  	v5 =	vshrl.u32 v5, $0x5;
	vm0 =	vmand vm0, vm1  }
0x711: {  	v5 =	vand.u32 $0xFF, v5;
	_ =	sdelay $0x1  }
.Ltmp59:
0x712: {  	(pc) =	sbr.rel @p1 .LBB2_114-.Ltmp59, $3  }
0x713: {  	_ =	sdelay $0x1  }
0x714: {  	s5 =	sadd.s32 $0x10, s5;
	[tilespmem:v5+s14+$0x0] =	vst.idx.add.s32.msk vm0, v1  }
0x715: {  	s6 =	sadd.s32 $0xFFFFFFFF, s6;
	v5 =	vld [tilespmem:s5+$0x0]  }
.LBB2_115:
0x716: {  	_ =	sdelay $0x2  }
0x717: {  	s4 =	sadd.s32 @p0 $0x10, s4  }
0x718: {  	s3 =	smov.u32 @p0 s4;
	v6 =	vshrl.u32 v5, $0xD  }
0x719: {  	v7 =	vor.u32 s3, v2;
	v6 =	vand.u32 $0xFF, v6  }
0x71a: {  	vm0 =	vlt.s32 v7, v3;
	vm1 =	veq.s32 v6, v4  }
0x71b: {  	v4 =	vshrl.u32 v5, $0x5;
	vm0 =	vmand vm0, vm1  }
0x71c: {  	v4 =	vand.u32 $0xFF, v4;
	_ =	sdelay $0x4  }
0x71d: {  	[tilespmem:v4+s14+$0x0] =	vst.idx.add.s32.msk vm0, v1  }
.LBB2_116:
0x71e: {  	s3 =	simm.s32 $0x10000  }
0x71f: {  	v5 =	vld [tilespmem:s3+$0x0];
	_ =	sdelay $0x4  }
0x720: {  	(xrf0) =	vadd.scan.msk.s32 $0xffff, v5  }
0x721: {  	s16 =	simm.s32 $0x10010  }
0x722: {  	v11 =	vld [tilespmem:s16+$0x0];
	_ =	sdelay $0x3  }
0x723: {  	v6, _, _ =	vpop (xrf0)  }
0x724: {  	s17 =	simm.s32 $0x10020;
	(xrf0) =	vadd.scan.msk.s32 $0xffff, v11;
	(v2sf) =	vpush v6, $0xF  }
0x725: {  	s2 =	ssub.s32 s2, s19;
	v8 =	vld [tilespmem:s17+$0x0]  }
0x726: {  	s2 =	sadd.s32 s21, s2  }
0x727: {  	s3 =	simm.s32 $0x0;
	s4 =	ssub.s32 s1, s2  }
0x728: {  	v4 =	vmov s4;
	v12 =	vadd.s32 s3, v6  }
0x729: {  	vm0 =	vgt.s32 v12, v4  }
0x72a: {  	(xrf0) =	vadd.scan.msk.s32 $0xffff, v8;
	v7, _, _ =	vpop (xrf0);
	v6 =	vsel vm0, $0x1, v0  }
0x72b: {  	(v2sf) =	vpush v7, $0xF;
	(xrf0) =	vadd.scan.msk.s32 $0xffff, v6;
	_ =	sdelay $0x4  }
0x72c: {  	v6, _, _ =	vpop (xrf0)  }
0x72d: {  	s19 =	simm.s32 $0x10030;
	(v2sf) =	vpush v6, $0xF;
	v9, _, _ =	vpop (xrf0)  }
0x72e: {  	v10 =	vld [tilespmem:s19+$0x0];
	(v2sf) =	vpush v9, $0xF  }
0x72f: {  	s20 =	spop (v2sf)  }
0x730: {  	s4 =	sadd.s32 $0x0, s20  }
0x731: {  	s5 =	simm.s32 $0x10040;
	v14 =	vadd.s32 s4, v7  }
0x732: {  	v7 =	vld [tilespmem:s5+$0x0];
	vm9 =	vgt.s32 v14, v4  }
0x733: {  	(xrf0) =	vadd.scan.msk.s32 $0xffff, v10;
	v9 =	vsel vm9, $0x1, v0  }
0x734: {  	(xrf0) =	vadd.scan.msk.s32 $0xffff, v9;
	_ =	sdelay $0x1  }
0x735: {  	s21 =	spop (v2sf)  }
0x736: {  	s4 =	sadd.s32 s4, s21;
	(xrf0) =	vadd.scan.msk.s32 $0xffff, v7  }
0x737: {  	v15 =	vadd.s32 s4, v6  }
0x738: {  	vm10 =	vgt.s32 v15, v4;
	v9, _, _ =	vpop (xrf0)  }
0x739: {  	s22 =	simm.s32 $0x10050;
	v6 =	vsel vm10, $0x1, v0;
	(v2sf) =	vpush v9, $0xF;
	v13, _, _ =	vpop (xrf0)  }
0x73a: {  	(xrf0) =	vadd.scan.msk.s32 $0xffff, v6;
	v6 =	vld [tilespmem:s22+$0x0];
	(v2sf) =	vpush v13, $0xF  }
0x73b: {  	s23 =	spop (v2sf)  }
0x73c: {  	s5 =	sadd.s32 s4, s23;
	s24 =	spop (v2sf);
	v16, _, _ =	vpop (xrf0)  }
0x73d: {  	s6 =	ssub.s32 $0x10, s24;
	v13 =	vadd.s32 s5, v9;
	(v2sf) =	vpush v16, $0xF  }
0x73e: {  	v18 =	vmov s6;
	vm11 =	vgt.s32 v13, v4  }
0x73f: {  	(xrf0) =	vadd.scan.msk.s32 $0xffff, v6;
	vm12 =	veq.s32 v18, v2;
	v9 =	vsel vm11, $0x1, v0  }
0x740: {  	v5 =	vnsel vm12, $0x0, v5;
	(xrf0) =	vadd.scan.msk.s32 $0xffff, v9  }
0x741: {  	(xrf0) =	vadd.scan.msk.s32 $0xffff, v5;
	_ =	sdelay $0x1  }
0x742: {  	v17, _, _ =	vpop (xrf0)  }
0x743: {  	(v2sf) =	vpush v17, $0xF  }
0x744: {  	v17, _, _ =	vpop (xrf0)  }
0x745: {  	s7 =	simm.s32 $0x10060;
	(v2sf) =	vpush v17, $0xF;
	v5, _, _ =	vpop (xrf0)  }
0x746: {  	s13 =	simm.s32 $0x40;
	v9 =	vld [tilespmem:s7+$0x0];
	(v2sf) =	vpush v5, $0xF;
	v5, _, _ =	vpop (xrf0)  }
0x747: {  	s12 =	simm.s32 $0x50;
	s11 =	simm.s32 $0x60;
	s25 =	spop (v2sf);
	(v2sf) =	vpush v5, $0xF;
	v5 =	vnsel vm12, $0x0, v12  }
0x748: {  	s10 =	simm.s32 $0x70;
	s5 =	sadd.s32 s5, s25;
	(xrf0) =	vadd.scan.msk.s32 $0xffff, v5;
	s16 =	spop (v2sf)  }
0x749: {  	s9 =	simm.s32 $0x80;
	s8 =	simm.s32 $0x1;
	v12 =	vadd.s32 s5, v16;
	s17 =	ssub.s32 $0x10, s16  }
0x74a: {  	p1 =	por $0x1, $0x1;
	s19 =	simm.s32 $0x1;
	[smem:$0x779] =	sst s2;
	vm13 =	vgt.s32 v12, v4;
	v16 =	vmov s17  }
0x74b: {  	s20 =	simm.s32 $0x10070;
	s21 =	simm.s32 $0x10080;
	(xrf0) =	vadd.scan.msk.s32 $0xffff, v9;
	s26 =	spop (v2sf);
	vm1 =	veq.s32 v16, v2;
	v16 =	vsel vm13, $0x1, v0  }
0x74c: {  	s4 =	simm.s32 $0x0;
	p0 =	sgt.s32 s24, $0x0;
	v5 =	vld [tilespmem:s20+$0x0];
	s5 =	sadd.s32 s5, s26;
	v11 =	vnsel vm1, $0x0, v11;
	(xrf0) =	vadd.scan.msk.s32 $0xffff, v16  }
0x74d: {  	s22 =	simm.s32 $0xC0;
	s8 =	simm.s32 @!p0 $0x0;
	p0 =	por !p1, !p0;
	(xrf0) =	vadd.scan.msk.s32 $0xffff, v11;
	v11 =	vadd.s32 s5, v17  }
0x74e: {  	s15 =	ssub.s32 $0x10, s24;
	p2 =	slt.s32 s8, $0x0;
	p0 =	por !p0, !p0;
	v14 =	vnsel vm1, $0x0, v14;
	vm14 =	vgt.s32 v11, v4;
	v16, _, _ =	vpop (xrf0)  }
0x74f: {  	s6 =	simm.s32 $0x90;
	s8 =	smov.u32 @p2 s3;
	s4 =	smov.u32 @p0 s15;
	(xrf0) =	vadd.scan.msk.s32 $0xffff, v14;
	v14 =	vsel vm14, $0x1, v0;
	(v2sf) =	vpush v16, $0xF  }
0x750: {  	p0 =	por p0, p0;
	s15 =	simm.s32 $0x1;
	p2 =	sgt.s32 s16, $0x0  }
0x751: {  	p5 =	seq.s32 s8, $0x0;
	s7 =	simm.s32 $0xA0;
	s19 =	simm.s32 @!p2 $0x0;
	(xrf0) =	vadd.scan.msk.s32 $0xffff, v5  }
0x752: {  	p2 =	por !p5, !p2;
	p3 =	sgt.s32 s8, s19;
	s28 =	spop (v2sf);
	(xrf0) =	vadd.scan.msk.s32 $0xffff, v14;
	v14, _, _ =	vpop (xrf0)  }
0x753: {  	s19 =	smov.u32 @p3 s8;
	s8 =	ssub.s32 $0x20, s16;
	p3 =	por !p2, !p2;
	(v2sf) =	vpush v14, $0xF  }
0x754: {  	p4 =	sgt.s32 s28, $0x0;
	s29 =	ssub.s32 $0x10, s28;
	p2 =	por p0, p0  }
0x755: {  	s16 =	ssub.s32 $0x30, s28;
	p6 =	seq.s32 s19, $0x0;
	s4 =	smov.u32 @p3 s8  }
0x756: {  	s15 =	simm.s32 @!p4 $0x0;
	s8 =	simm.s32 $0xB0;
	p0 =	por p3, p3  }
0x757: {  	v17 =	vmov s29;
	p5 =	sgt.s32 s19, s15;
	s2 =	simm.s32 @!p0 $0x0;
	p6 =	por !p6, !p4  }
0x758: {  	s2 =	simm.s32 @p0 $0x1;
	s15 =	smov.u32 @p5 s19;
	p1 =	por !p6, !p6;
	v16, _, _ =	vpop (xrf0)  }
0x759: {  	vm15 =	veq.s32 v17, v2;
	[smem:$0x77A] =	sst s2;
	s30 =	spop (v2sf);
	p4 =	seq.s32 s15, $0x0;
	(v2sf) =	vpush v16, $0xF;
	v16, _, _ =	vpop (xrf0)  }
0x75a: {  	v8 =	vnsel vm15, $0x0, v8;
	s4 =	smov.u32 @p1 s16;
	s16 =	simm.s32 $0x1;
	s17 =	spop (v2sf);
	v17, _, _ =	vpop (xrf0);
	(v2sf) =	vpush v16, $0xF  }
0x75b: {  	v15 =	vnsel vm15, $0x0, v15;
	s20 =	sadd.s32 s5, s30;
	(xrf0) =	vadd.scan.msk.s32 $0xffff, v8;
	s31 =	ssub.s32 $0x10, s17;
	p5 =	sgt.s32 s17, $0x0;
	(v2sf) =	vpush v17, $0xF;
	v16, _, _ =	vpop (xrf0)  }
0x75c: {  	s5 =	simm.s32 $0x0;
	v8 =	vld [tilespmem:s21+$0x0];
	(xrf0) =	vadd.scan.msk.s32 $0xffff, v15;
	v15 =	vadd.s32 s20, v14;
	s19 =	spop (v2sf);
	v18 =	vmov s31;
	s16 =	simm.s32 @!p5 $0x0;
	(v2sf) =	vpush v16, $0xF;
	v17, _, _ =	vpop (xrf0)  }
.LBB2_117:
0x75d: {  	s23 =	smov.u32 s15;
	p0 =	sne.s32 s22, $0x100  }
0x75e: {  	s24 =	spop (v2sf);
	s25 =	smov.u32 s7;
	s7 =	smov.u32 s8  }
0x75f: {  	s8 =	smov.u32 s22;
	p6 =	por p2, p2;
	s28 =	sld [smem:$0x77A]  }
0x760: {  	p5 =	por !p4, !p5;
	s13 =	ssub.s32 s13, s17;
	s21 =	sadd.s32 $0x10, s21  }
0x761: {  	s22 =	sadd.s32 $0x10, s22;
	s2 =	simm.s32 @!p0 $0x0;
	s3 =	smov.u32 @p6 s19  }
0x762: {  	s5 =	smov.u32 @p6 s24;
	s29 =	spop (v2sf);
	s2 =	simm.s32 @p0 $0x1  }
0x763: {  	p0 =	sgt.s32 s15, s16;
	s15 =	smov.u32 s16;
	[smem:$0x778] =	sst s2  }
0x764: {  	vm0 =	vgt.s32 v15, v4;
	(v2sf) =	vpush v17, $0xF;
	s20 =	sadd.s32 s20, s29;
	p2 =	seq.s32 s28, $0x1;
	s31 =	sld [smem:$0x778]  }
0x765: {  	vm1 =	veq.s32 v18, v2;
	v17 =	vmov v16;
	v16 =	vsel vm0, $0x1, v0;
	s16 =	simm.s32 $0x1;
	s15 =	smov.u32 @p0 s23;
	v14, _, _ =	vpop (xrf0);
	p3 =	por p2, p2;
	(xrf0) =	vadd.scan.msk.s32 $0xffff, v8  }
0x766: {  	v19 =	vnsel vm1, $0x0, v13;
	p2 =	por p1, p1;
	p4 =	seq.s32 s15, $0x0;
	p1 =	por !p5, !p5;
	v13, _, _ =	vpop (xrf0);
	(xrf0) =	vadd.scan.msk.s32 $0xffff, v16  }
0x767: {  	s2 =	simm.s32 @!p2 $0x0;
	s4 =	smov.u32 @p1 s13;
	p0 =	seq.s32 s31, $0x1  }
.Ltmp60:
0x768: {  	s13 =	smov.u32 s12;
	s12 =	smov.u32 s11;
	(pc) =	sbr.rel @p0 .LBB2_117-.Ltmp60, $4  }
0x769: {  	v18 =	vnsel vm1, $0x0, v10;
	v10 =	vmov v7;
	(v2sf) =	vpush v14, $0xF;
	s11 =	smov.u32 s10;
	s10 =	smov.u32 s9;
	s9 =	smov.u32 s6  }
0x76a: {  	v7 =	vmovc v6;
	v6 =	vmovc v9;
	v9 =	vmov v5;
	v5 =	vmov v8;
	s6 =	smov.u32 s25;
	s2 =	simm.s32 @p2 $0x1;
	(v2sf) =	vpush v13, $0xF;
	s17 =	spop (v2sf)  }
0x76b: {  	p2 =	por p3, p3;
	(xrf0) =	vadd.scan.msk.s32 $0xffff, v18;
	v13 =	vmov v12;
	v12 =	vmov v11;
	v11 =	vmov v15;
	s30 =	ssub.s32 $0x10, s17;
	p5 =	sgt.s32 s17, $0x0;
	v16, _, _ =	vpop (xrf0)  }
0x76c: {  	v8 =	vld [tilespmem:s21+$0x0];
	v15 =	vadd.s32 s20, v17;
	[smem:$0x77A] =	sst s2;
	(xrf0) =	vadd.scan.msk.s32 $0xffff, v19;
	v18 =	vmov s30;
	s16 =	simm.s32 @!p5 $0x0;
	(v2sf) =	vpush v16, $0xF;
	v17, _, _ =	vpop (xrf0);
	s19 =	spop (v2sf)  }
0x76d: {  	_ =	sdelay $0x1  }
0x76e: {  	s21 =	sadd.s32 $0x10, s21  }
0x76f: {  	vm0 =	vgt.s32 v15, v4;
	v14 =	vld [tilespmem:s21+$0x0]  }
0x770: {  	vm1 =	veq.s32 v18, v2;
	v36 =	vsel vm0, $0x1, v0;
	(xrf0) =	vadd.scan.msk.s32 $0xffff, v8  }
0x771: {  	v10 =	vnsel vm1, $0x0, v10;
	(xrf0) =	vadd.scan.msk.s32 $0xffff, v36  }
0x772: {  	v13 =	vnsel vm1, $0x0, v13;
	(xrf0) =	vadd.scan.msk.s32 $0xffff, v10  }
0x773: {  	(xrf0) =	vadd.scan.msk.s32 $0xffff, v13  }
0x774: {  	(v2sf) =	vpush v17, $0xF;
	v37, _, _ =	vpop (xrf0);
	(xrf0) =	vadd.scan.msk.s32 $0xffff, v14  }
0x775: {  	v38, _, _ =	vpop (xrf0);
	(v2sf) =	vpush v37, $0xF  }
0x776: {  	(v2sf) =	vpush v38, $0xF;
	v39, _, _ =	vpop (xrf0)  }
0x777: {  	(v2sf) =	vpush v39, $0xF;
	v40, _, _ =	vpop (xrf0)  }
0x778: {  	(v2sf) =	vpush v40, $0xF;
	v41, _, _ =	vpop (xrf0)  }
0x779: {  	s30 =	spop (v2sf);
	v42, _, _ =	vpop (xrf0);
	(v2sf) =	vpush v41, $0xF  }
0x77a: {  	s22 =	spop (v2sf);
	(v2sf) =	vpush v42, $0xF;
	v43, _, _ =	vpop (xrf0)  }
0x77b: {  	s28 =	spop (v2sf);
	(v2sf) =	vpush v43, $0xF  }
0x77c: {  	s20 =	sadd.s32 s20, s22  }
0x77d: {  	v16 =	vadd.s32 s20, v16;
	s29 =	ssub.s32 $0x10, s28  }
0x77e: {  	vm5 =	vgt.s32 v16, v4;
	v44 =	vmov s29  }
0x77f: {  	s21 =	sadd.s32 $0x10, s21;
	v45 =	vsel vm5, $0x1, v0;
	vm6 =	veq.s32 v44, v2  }
0x780: {  	v46 =	vld [tilespmem:s21+$0x0];
	v7 =	vnsel vm6, $0x0, v7;
	(xrf0) =	vadd.scan.msk.s32 $0xffff, v45;
	s29 =	spop (v2sf)  }
0x781: {  	(xrf0) =	vadd.scan.msk.s32 $0xffff, v7;
	s25 =	spop (v2sf)  }
0x782: {  	s31 =	spop (v2sf)  }
0x783: {  	v12 =	vnsel vm6, $0x0, v12;
	s26 =	spop (v2sf)  }
0x784: {  	(xrf0) =	vadd.scan.msk.s32 $0xffff, v12;
	s24 =	spop (v2sf)  }
0x785: {  	(xrf0) =	vadd.scan.msk.s32 $0xffff, v46;
	s23 =	spop (v2sf)  }
0x786: {  	s20 =	sadd.s32 s20, s31;
	v47, _, _ =	vpop (xrf0);
	s31 =	spop (v2sf)  }
0x787: {  	s2 =	ssub.s32 $0x10, s26;
	v10 =	vadd.s32 s20, v39;
	(v2sf) =	vpush v47, $0xF;
	v48, _, _ =	vpop (xrf0);
	s22 =	spop (v2sf)  }
0x788: {  	v49 =	vmov s2;
	vm7 =	vgt.s32 v10, v4;
	(v2sf) =	vpush v48, $0xF;
	s21 =	spop (v2sf)  }
0x789: {  	vm8 =	veq.s32 v49, v2;
	v50 =	vsel vm7, $0x1, v0;
	s31 =	sadd.s32 s20, s31;
	s2 =	ssub.s32 $0x10, s22;
	s20 =	spop (v2sf)  }
0x78a: {  	v51, _, _ =	vpop (xrf0);
	v6 =	vnsel vm8, $0x0, v6;
	(xrf0) =	vadd.scan.msk.s32 $0xffff, v50;
	v52 =	vadd.s32 s31, v43;
	v53 =	vmov s2;
	s2 =	spop (v2sf)  }
0x78b: {  	v11 =	vnsel vm8, $0x0, v11;
	v54, _, _ =	vpop (xrf0);
	(xrf0) =	vadd.scan.msk.s32 $0xffff, v6;
	vm9 =	vgt.s32 v52, v4;
	s2 =	sadd.s32 s31, s2  }
0x78c: {  	(xrf0) =	vadd.scan.msk.s32 $0xffff, v11;
	vm10 =	veq.s32 v53, v2;
	v55 =	vsel vm9, $0x1, v0;
	v56 =	vadd.s32 s2, v54  }
0x78d: {  	v9 =	vnsel vm10, $0x0, v9;
	(xrf0) =	vadd.scan.msk.s32 $0xffff, v55;
	vm11 =	vgt.s32 v56, v4  }
0x78e: {  	v57 =	vnsel vm10, $0x0, v15;
	(xrf0) =	vadd.scan.msk.s32 $0xffff, v9;
	v4 =	vsel vm11, $0x1, v0  }
0x78f: {  	(v2sf) =	vpush v51, $0xF;
	(xrf0) =	vadd.scan.msk.s32 $0xffff, v57  }
0x790: {  	v58, _, _ =	vpop (xrf0);
	(v2sf) =	vpush v54, $0xF;
	(xrf0) =	vadd.scan.msk.s32 $0xffff, v4  }
0x791: {  	(v2sf) =	vpush v58, $0xF;
	v4, _, _ =	vpop (xrf0)  }
0x792: {  	v59, _, _ =	vpop (xrf0);
	(v2sf) =	vpush v4, $0xF  }
0x793: {  	p0 =	sgt.s32 s15, s16;
	(v2sf) =	vpush v59, $0xF;
	v4, _, _ =	vpop (xrf0)  }
0x794: {  	s16 =	smov.u32 @p0 s15;
	p0 =	por p2, p2;
	(v2sf) =	vpush v4, $0xF;
	v4, _, _ =	vpop (xrf0)  }
0x795: {  	s3 =	smov.u32 @p0 s19;
	s19 =	sld [smem:$0x77A];
	v60, _, _ =	vpop (xrf0);
	(v2sf) =	vpush v4, $0xF  }
0x796: {  	p3 =	por !p4, !p5;
	s5 =	smov.u32 @p0 s30;
	s30 =	spop (v2sf);
	(v2sf) =	vpush v60, $0xF;
	v4, _, _ =	vpop (xrf0)  }
0x797: {  	p1 =	por p1, p1;
	s2 =	ssub.s32 s13, s17;
	s13 =	spop (v2sf);
	(v2sf) =	vpush v4, $0xF  }
0x798: {  	p2 =	por !p3, !p3;
	p6 =	seq.s32 s16, $0x0;
	p5 =	seq.s32 s19, $0x1  }
0x799: {  	p4 =	por p5, p5;
	p3 =	sgt.s32 s28, $0x0;
	s15 =	ssub.s32 s12, s28  }
0x79a: {  	p4 =	por p4, p4;
	s28 =	simm.s32 $0x1;
	p6 =	por !p6, !p3  }
0x79b: {  	s3 =	smov.u32 @p4 s29;
	s4 =	smov.u32 @p2 s2;
	s2 =	simm.s32 $0x1  }
0x79c: {  	s5 =	smov.u32 @p4 s25;
	s11 =	ssub.s32 s11, s26;
	s2 =	simm.s32 @!p3 $0x0  }
0x79d: {  	p2 =	por p2, p2;
	p3 =	sgt.s32 s26, $0x0;
	p0 =	sgt.s32 s16, s2  }
0x79e: {  	s2 =	smov.u32 @p0 s16;
	p0 =	por p1, p1;
	s12 =	spop (v2sf)  }
0x79f: {  	p1 =	por !p6, !p6;
	p6 =	por p0, p0;
	s26 =	spop (v2sf)  }
0x7a0: {  	s25 =	ssub.s32 $0x10, s30;
	s3 =	smov.u32 @p6 s24;
	s24 =	spop (v2sf)  }
0x7a1: {  	s9 =	ssub.s32 s9, s30;
	s4 =	smov.u32 @p1 s15;
	v4 =	vmov s25;
	s15 =	spop (v2sf)  }
0x7a2: {  	p2 =	por p2, p2;
	s28 =	simm.s32 @!p3 $0x0;
	vm12 =	veq.s32 v4, v2;
	s16 =	spop (v2sf)  }
0x7a3: {  	p5 =	seq.s32 s2, $0x0;
	p4 =	sgt.s32 s2, s28;
	v4 =	vnsel vm12, $0x0, v5;
	s31 =	spop (v2sf)  }
0x7a4: {  	p5 =	por !p5, !p3;
	v5 =	vnsel vm12, $0x0, v16;
	(xrf0) =	vadd.scan.msk.s32 $0xffff, v4;
	s29 =	ssub.s32 $0x10, s24;
	s17 =	spop (v2sf)  }
0x7a5: {  	p3 =	sgt.s32 s22, $0x0;
	s22 =	ssub.s32 s10, s22;
	(xrf0) =	vadd.scan.msk.s32 $0xffff, v5;
	v4 =	vmov s29;
	s10 =	spop (v2sf)  }
0x7a6: {  	p2 =	por p2, p2;
	s28 =	smov.u32 @p4 s2;
	vm13 =	veq.s32 v4, v2;
	s26 =	spop (v2sf)  }
0x7a7: {  	s5 =	smov.u32 @p6 s23;
	v4 =	vnsel vm13, $0x0, v8;
	s25 =	ssub.s32 $0x10, s31;
	s29 =	ssub.s32 $0x10, s26  }
0x7a8: {  	s2 =	simm.s32 $0x1;
	p6 =	por p1, p1;
	p0 =	por !p5, !p5;
	(xrf0) =	vadd.scan.msk.s32 $0xffff, v4;
	v5 =	vmov s25;
	v4 =	vmov s29  }
0x7a9: {  	p4 =	seq.s32 s28, $0x0;
	s2 =	simm.s32 @!p3 $0x0;
	s3 =	smov.u32 @p2 s21;
	v61 =	vnsel vm13, $0x0, v10;
	vm14 =	veq.s32 v5, v2  }
0x7aa: {  	s5 =	smov.u32 @p2 s20;
	s20 =	simm.s32 $0x1;
	s4 =	smov.u32 @p0 s11;
	(xrf0) =	vadd.scan.msk.s32 $0xffff, v61;
	v62, _, _ =	vpop (xrf0);
	v5 =	vnsel vm14, $0x0, v14  }
0x7ab: {  	p5 =	sgt.s32 s28, s2;
	p3 =	por !p4, !p3;
	p4 =	por p6, p6;
	(v2sf) =	vpush v62, $0xF;
	v63 =	vnsel vm14, $0x0, v52;
	(xrf0) =	vadd.scan.msk.s32 $0xffff, v5;
	vm15 =	veq.s32 v4, v2;
	v4, _, _ =	vpop (xrf0)  }
0x7ac: {  	p0 =	por p0, p0;
	s2 =	smov.u32 @p5 s28;
	p1 =	por !p3, !p3;
	(xrf0) =	vadd.scan.msk.s32 $0xffff, v63;
	v5 =	vnsel vm15, $0x0, v46;
	(v2sf) =	vpush v4, $0xF;
	v4 =	vnsel vm15, $0x0, v56  }
0x7ad: {  	p3 =	sgt.s32 s30, $0x0;
	p4 =	por p4, p4;
	p0 =	por p0, p0;
	(xrf0) =	vadd.scan.msk.s32 $0xffff, v5  }
0x7ae: {  	s4 =	smov.u32 @p1 s22;
	p5 =	seq.s32 s2, $0x0;
	s20 =	simm.s32 @!p3 $0x0;
	(xrf0) =	vadd.scan.msk.s32 $0xffff, v4  }
0x7af: {  	p1 =	por p1, p1;
	s3 =	smov.u32 @p4 s13;
	p6 =	sgt.s32 s2, s20;
	v4, _, _ =	vpop (xrf0)  }
0x7b0: {  	p3 =	por !p5, !p3;
	s20 =	smov.u32 @p6 s2;
	s2 =	simm.s32 $0x1;
	v5, _, _ =	vpop (xrf0);
	(v2sf) =	vpush v4, $0xF  }
0x7b1: {  	p6 =	por !p3, !p3;
	s5 =	smov.u32 @p4 s12;
	p3 =	por p0, p0;
	(v2sf) =	vpush v5, $0xF;
	v4, _, _ =	vpop (xrf0)  }
0x7b2: {  	p0 =	por p1, p1;
	p2 =	seq.s32 s20, $0x0;
	s4 =	smov.u32 @p6 s9;
	v5, _, _ =	vpop (xrf0);
	(v2sf) =	vpush v4, $0xF  }
0x7b3: {  	p1 =	por p6, p6;
	s9 =	simm.s32 $0x1;
	p5 =	sgt.s32 s24, $0x0;
	(v2sf) =	vpush v5, $0xF;
	v4, _, _ =	vpop (xrf0)  }
0x7b4: {  	p6 =	por p0, p0;
	s6 =	ssub.s32 s6, s24;
	p2 =	por !p2, !p5;
	v5, _, _ =	vpop (xrf0);
	(v2sf) =	vpush v4, $0xF  }
0x7b5: {  	p1 =	por p1, p1;
	s2 =	simm.s32 @!p5 $0x0;
	p2 =	por !p2, !p2;
	(v2sf) =	vpush v5, $0xF  }
0x7b6: {  	p1 =	por p1, p1;
	p4 =	sgt.s32 s20, s2;
	p0 =	por p2, p2  }
0x7b7: {  	s2 =	smov.u32 @p4 s20;
	s4 =	smov.u32 @p2 s6;
	p0 =	por p0, p0  }
0x7b8: {  	p4 =	seq.s32 s2, $0x0;
	p0 =	por p0, p0;
	s3 =	smov.u32 @p3 s15  }
0x7b9: {  	s5 =	smov.u32 @p3 s16;
	p5 =	sgt.s32 s31, $0x0;
	s6 =	ssub.s32 s7, s31  }
0x7ba: {  	s31 =	sld [smem:$0x7A6];
	s9 =	simm.s32 @!p5 $0x0;
	p4 =	por !p4, !p5  }
0x7bb: {  	s3 =	smov.u32 @p6 s17;
	p3 =	sgt.s32 s2, s9;
	p2 =	por !p4, !p4  }
0x7bc: {  	s5 =	smov.u32 @p6 s10;
	s9 =	smov.u32 @p3 s2;
	s4 =	smov.u32 @p2 s6  }
0x7bd: {  	p5 =	sgt.s32 s26, $0x0;
	p2 =	por p2, p2;
	s2 =	spop (v2sf)  }
0x7be: {  	p3 =	seq.s32 s9, $0x0;
	p4 =	por p2, p2;
	s6 =	spop (v2sf)  }
0x7bf: {  	p3 =	por !p3, !p5;
	s3 =	smov.u32 @p1 s2;
	s2 =	spop (v2sf)  }
0x7c0: {  	p3 =	por !p3, !p3;
	s5 =	smov.u32 @p1 s6;
	s6 =	spop (v2sf)  }
0x7c1: {  	p5 =	por p3, p3;
	s3 =	smov.u32 @p0 s2;
	s2 =	spop (v2sf)  }
0x7c2: {  	s5 =	smov.u32 @p0 s6;
	p0 =	por p4, p4;
	s6 =	spop (v2sf)  }
0x7c3: {  	p6 =	por p5, p5;
	s3 =	smov.u32 @p0 s2;
	s2 =	spop (v2sf)  }
0x7c4: {  	s5 =	smov.u32 @p0 s6;
	p0 =	por p6, p6;
	s6 =	spop (v2sf)  }
0x7c5: {  	s3 =	smov.u32 @p0 s2;
	s5 =	smov.u32 @p0 s6;
	p0 =	seq.s32 s31, $0x1  }
.Ltmp61:
0x7c6: {  	_ = 	snop;
	(pc) =	sbr.rel @p0 .LBB2_125-.Ltmp61, $3  }
0x7c7: {  	_ =	sdelay $0x1  }
0x7c8: {  	[tilespmem:$0x10000] =	vst v0;
	s7 =	ssub.s32 s8, s26  }
0x7c9: {  	[tilespmem:$0x10010] =	vst v0;
	s4 =	smov.u32 @p3 s7  }
0x7ca: {  	s8 =	rddreg [dreg:$0xb]  }
0x7cb: {  	p1 =	sne.s32 s8, $0x1  }
.Ltmp62:
0x7cc: {  	_ = 	snop;
	(pc) =	sbr.rel @!p1 .LBB2_120-.Ltmp62, $4  }
0x7cd: {  	_ = 	snop  }
0x7ce: {  	s2 =	sshll.u32 s0, $0x8  }
0x7cf: {  	s7 =	simm.s32 $0x10800;
	s2 =	sor.u32 s2, s4  }
0x7d0: {  	s6 =	simm.s32 $0x0;
	p0 =	por $0x0, $0x0;
	v5 =	vld [tilespmem:s7+$0x0];
	s7 =	sadd.s32 $0xFFFFFFFF, s8;
	v4 =	vmov s2  }
0x7d1: {  	_ =	sdelay $0x3  }
0x7d2: {  	v6 =	vshrl.u32 v5, $0x5  }
0x7d3: {  	v7 =	vor.u32 s6, v2;
	v6 =	vand.u32 $0xFFFF, v6  }
0x7d4: {  	vm0 =	vlt.s32 v7, v3;
	vm1 =	veq.s32 v6, v4  }
0x7d5: {  	vm0 =	vmand vm0, vm1  }
0x7d6: {  	v5 =	vand.u32 $0x1F, v5  }
0x7d7: {  	p1 =	sne.s32 s7, $0x1  }
.Ltmp63:
0x7d8: {  	_ = 	snop;
	(pc) =	sbr.rel @!p1 .LBB2_122-.Ltmp63, $3  }
0x7d9: {  	_ =	sdelay $0x1  }
0x7da: {  	s8 =	simm.s32 $0x10810;
	[tilespmem:v5+s14+$0x0] =	vst.idx.add.s32.msk vm0, v1  }
0x7db: {  	s9 =	sadd.s32 $0xFFFFFFFF, s7;
	p0 =	por $0x1, $0x1;
	s7 =	simm.s32 $0x0;
	v5 =	vld [tilespmem:s8+$0x0]  }
.LBB2_123:
0x7dc: {  	p1 =	sne.s32 s9, $0x1;
	_ =	sdelay $0x3  }
0x7dd: {  	s7 =	sadd.s32 $0x10, s7;
	v6 =	vshrl.u32 v5, $0x5  }
0x7de: {  	v7 =	vor.u32 s7, v2;
	v6 =	vand.u32 $0xFFFF, v6  }
0x7df: {  	vm0 =	vlt.s32 v7, v3;
	vm1 =	veq.s32 v6, v4  }
0x7e0: {  	vm0 =	vmand vm0, vm1  }
0x7e1: {  	v5 =	vand.u32 $0x1F, v5;
	_ =	sdelay $0x1  }
.Ltmp64:
0x7e2: {  	(pc) =	sbr.rel @p1 .LBB2_123-.Ltmp64, $3  }
0x7e3: {  	_ =	sdelay $0x1  }
0x7e4: {  	s8 =	sadd.s32 $0x10, s8;
	[tilespmem:v5+s14+$0x0] =	vst.idx.add.s32.msk vm0, v1  }
0x7e5: {  	s9 =	sadd.s32 $0xFFFFFFFF, s9;
	v5 =	vld [tilespmem:s8+$0x0]  }
.LBB2_124:
0x7e6: {  	_ =	sdelay $0x2  }
0x7e7: {  	s2 =	sadd.s32 @p0 $0x10, s7  }
0x7e8: {  	s6 =	smov.u32 @p0 s2;
	v6 =	vshrl.u32 v5, $0x5  }
0x7e9: {  	v7 =	vor.u32 s6, v2;
	v6 =	vand.u32 $0xFFFF, v6  }
0x7ea: {  	vm0 =	vlt.s32 v7, v3;
	vm1 =	veq.s32 v6, v4  }
0x7eb: {  	vm0 =	vmand vm0, vm1  }
0x7ec: {  	v3 =	vand.u32 $0x1F, v5;
	_ =	sdelay $0x4  }
0x7ed: {  	[tilespmem:v3+s14+$0x0] =	vst.idx.add.s32.msk vm0, v1  }
.LBB2_125:
0x7ee: {  	v3 =	vld [tilespmem:$0x10000];
	_ =	sdelay $0x4  }
0x7ef: {  	(xrf0) =	vadd.scan.msk.s32 $0xffff, v3;
	_ =	sdelay $0x1  }
0x7f0: {  	s2 =	sld [smem:$0x779];
	_ =	sdelay $0x2  }
0x7f1: {  	s1 =	sadd.s32 s3, s1;
	s2 =	sadd.s32 s5, s2;
	v3 =	vld [tilespmem:$0x10010]  }
0x7f2: {  	s1 =	ssub.s32 s1, s2;
	v4, _, _ =	vpop (xrf0)  }
0x7f3: {  	vm0 =	vgt.s32 v4, s1  }
0x7f4: {  	v5 =	vsel vm0, $0x1, v0  }
0x7f5: {  	(xrf0) =	vadd.scan.msk.s32 $0xffff, v5  }
0x7f6: {  	(xrf0) =	vadd.scan.msk.s32 $0xffff, v3;
	_ =	sdelay $0x4  }
0x7f7: {  	v4 =	vbroadcast v4, $0xF;
	v3, _, _ =	vpop (xrf0)  }
0x7f8: {  	v5, _, _ =	vpop (xrf0)  }
0x7f9: {  	v4 =	vadd.s32 v4, v5  }
0x7fa: {  	vm0 =	vgt.s32 v4, s1  }
0x7fb: {  	v4 =	vsel vm0, $0x1, v0  }
0x7fc: {  	(xrf0) =	vadd.scan.msk.s32 $0xffff, v4;
	_ =	sdelay $0x5  }
0x7fd: {  	(v2sf) =	vpush v3, $0xF;
	v3, _, _ =	vpop (xrf0)  }
0x7fe: {  	(v2sf) =	vpush v3, $0xF;
	_ =	sdelay $0xd  }
0x7ff: {  	s31 =	sshll.u32 s18, $0x15;
	s0 =	sshll.u32 s0, $0xD;
	s29 =	spop (v2sf)  }
0x800: {  	s4 =	sshll.u32 s4, $0x5;
	s1 =	simm.s32 $0x8040;
	s30 =	spop (v2sf)  }
0x801: {  	s0 =	sor.u32 s31, s0;
	v7 =	vld [tilespmem:s1+$0x30];
	p1 =	sgt.s32 s30, $0x0;
	s2 =	ssub.s32 $0x20, s30  }
0x802: {  	v10 =	vld [tilespmem:s1+$0xFFFFFFD0];
	p0 =	slt.s32 s29, $0x1;
	s3 =	ssub.s32 $0x10, s29;
	s2 =	simm.s32 @!p1 $0x0  }
0x803: {  	s0 =	sor.u32 s4, s0;
	v9 =	vld [tilespmem:s1+$0xFFFFFFE0];
	s3 =	smov.u32 @p0 s2  }
0x804: {  	v8 =	vld [tilespmem:s1+$0xFFFFFFF0];
	s0 =	sor.u32 s3, s0  }
0x805: {  	v6 =	vld [tilespmem:s1+$0x0];
	v3 =	vmov s0  }
0x806: {  	v5 =	vld [tilespmem:s1+$0x10];
	vm0 =	vlt.s32 v7, v3  }
0x807: {  	v4 =	vld [tilespmem:s1+$0x20];
	vm1 =	vlt.s32 v10, v3;
	v11 =	vsel vm0, $0x0, v7  }
0x808: {  	s2 =	simm.s32 $0x80C0;
	s0 =	simm.s32 $0x0;
	v7 =	vld [tilespmem:s1+$0xFFFFFFC0];
	v10 =	vsel vm1, $0x0, v10;
	vm0 =	vlt.s32 v9, v3;
	[tilespmem:s1+$0x30] =	vst v11  }
.LBB2_126:
0x809: {  	v11 =	vld [tilespmem:s2+$0x30];
	s0 =	sadd.s32 $0x8, s0;
	[tilespmem:s1+$0xFFFFFFD0] =	vst v10;
	v9 =	vsel vm0, $0x0, v9;
	vm0 =	vlt.s32 v8, v3  }
0x80a: {  	v10 =	vld [tilespmem:s2+$0xFFFFFFD0];
	p0 =	slt.u32 s0, $0x7F8;
	[tilespmem:s1+$0xFFFFFFE0] =	vst v9;
	v8 =	vsel vm0, $0x0, v8;
	vm0 =	vlt.s32 v6, v3  }
0x80b: {  	v9 =	vld [tilespmem:s2+$0xFFFFFFE0];
	[tilespmem:s1+$0xFFFFFFF0] =	vst v8;
	v6 =	vsel vm0, $0x0, v6;
	vm0 =	vlt.s32 v5, v3  }
.Ltmp65:
0x80c: {  	v8 =	vld [tilespmem:s2+$0xFFFFFFF0];
	[tilespmem:s1+$0x0] =	vst v6;
	v5 =	vsel vm0, $0x0, v5;
	vm0 =	vlt.s32 v4, v3;
	(pc) =	sbr.rel @p0 .LBB2_126-.Ltmp65, $4  }
0x80d: {  	v6 =	vld [tilespmem:s2+$0x0];
	vm1 =	vlt.s32 v7, v3;
	[tilespmem:s1+$0x10] =	vst v5;
	v4 =	vsel vm0, $0x0, v4  }
0x80e: {  	v5 =	vld [tilespmem:s2+$0x10];
	vm0 =	vlt.s32 v11, v3;
	v7 =	vsel vm1, $0x0, v7;
	[tilespmem:s1+$0x20] =	vst v4  }
0x80f: {  	vm1 =	vlt.s32 v10, v3;
	v4 =	vld [tilespmem:s2+$0x20];
	v11 =	vsel vm0, $0x0, v11;
	[tilespmem:s1+$0xFFFFFFC0] =	vst v7;
	s1 =	smov.u32 s2  }
0x810: {  	s2 =	sadd.s32 $0x80, s2;
	v7 =	vld [tilespmem:s1+$0xFFFFFFC0];
	v10 =	vsel vm1, $0x0, v10;
	vm0 =	vlt.s32 v9, v3;
	[tilespmem:s1+$0x30] =	vst v11  }
0x811: {  	[tilespmem:s1+$0xFFFFFFD0] =	vst v10;
	v9 =	vsel vm0, $0x0, v9;
	vm12 =	vlt.s32 v8, v3  }
0x812: {  	[tilespmem:s1+$0xFFFFFFE0] =	vst v9;
	v8 =	vsel vm12, $0x0, v8;
	vm13 =	vlt.s32 v6, v3  }
0x813: {  	[tilespmem:s1+$0xFFFFFFF0] =	vst v8;
	v6 =	vsel vm13, $0x0, v6;
	vm14 =	vlt.s32 v5, v3  }
0x814: {  	[tilespmem:s1+$0x0] =	vst v6;
	v5 =	vsel vm14, $0x0, v5;
	vm15 =	vlt.s32 v4, v3  }
0x815: {  	vm1 =	vlt.s32 v7, v3;
	[tilespmem:s1+$0x10] =	vst v5;
	v3 =	vsel vm15, $0x0, v4  }
0x816: {  	v63 =	vsel vm1, $0x0, v7;
	[tilespmem:s1+$0x20] =	vst v3  }
0x817: {  	s2 =	simm.s32 $0x80;
	s3 =	simm.s32 $0x400;
	[tilespmem:s1+$0xFFFFFFC0] =	vst v63  }
0x818: {  	s4 =	simm.s32 $0x8000;
	s30 =	simm.s32 $0x3;
	s0 =	rddreg [dreg:$0x7]  }
0x819: {  	[hbm4b:s0+s2] =	stream.strided.scatter [tilespmem:s4], [sflag:$0x3], $0x8000, s3, s2, $0x38;
	[tilespmem:$0x18880] =	vst v63  }
0x81a: {  	_ =	swait.ge [sflag:s30], $0x8000  }
0x81b: {  	[sflag:s30] =	ssyncset.done $0x0  }
0x81c: {  	[sflag:s30] =	ssyncadd.s32 $0xFFFF8000  }
0x81d: {  	_ =	swait.ge [sflag:s30], $0x8000  }
0x81e: {  	s5 =	rddreg [dreg:$0x9]  }
0x81f: {  	s31 =	rddreg [dreg:$0x8];
	s5 =	sadd.s32 $0x1, s5  }
0x820: {  	p0 =	sne.s32 s5, s31  }
.Ltmp66:
0x821: {  	_ = 	snop;
	(pc) =	sbr.rel @p0 .LBB2_1-.Ltmp66, $4  }
.Ltmp67:
0x822: {  	_ = 	snop;
	(pc) =	sbr.rel @!p0 .LBB2_128-.Ltmp67, $4  }
0x823: {  	_ = 	snop  }
0x824: {  	[sflag:s30] =	ssyncset.done $0x0  }
0x825: {  	[sflag:s30] =	ssyncadd.s32 $0xFFFF8000  }
0x826: {  	_ = 	snop  }
.LBB2_21:
0x827: {  	p0 =	por $0x0, $0x0  }
0x828: {  	s0 =	simm.s32 @!p0 $0x0  }
0x829: {  	s0 =	simm.s32 @p0 $0x1;
	p0 =	por $0x0, $0x0  }
0x82a: {  	[smem:$0x7DE] =	sst s0;
	s0 =	simm.s32 @!p0 $0x0  }
0x82b: {  	s0 =	simm.s32 @p0 $0x1;
	p0 =	por $0x0, $0x0  }
0x82c: {  	[smem:$0x7DF] =	sst s0;
	s0 =	simm.s32 @!p0 $0x0  }
0x82d: {  	s0 =	simm.s32 @p0 $0x1;
	p0 =	por $0x0, $0x0  }
0x82e: {  	[smem:$0x7E0] =	sst s0;
	s0 =	simm.s32 @!p0 $0x0  }
0x82f: {  	s0 =	simm.s32 @p0 $0x1;
	p0 =	por $0x0, $0x0  }
0x830: {  	[smem:$0x7E1] =	sst s0;
	s0 =	simm.s32 @!p0 $0x0  }
0x831: {  	s0 =	simm.s32 @p0 $0x1;
	p0 =	por $0x0, $0x0  }
0x832: {  	[smem:$0x7E2] =	sst s0;
	s0 =	simm.s32 @!p0 $0x0  }
0x833: {  	s0 =	simm.s32 @p0 $0x1;
	p0 =	por $0x0, $0x0  }
0x834: {  	[smem:$0x7E3] =	sst s0;
	s0 =	simm.s32 @!p0 $0x0  }
0x835: {  	s0 =	simm.s32 @p0 $0x1;
	p0 =	por $0x0, $0x0  }
0x836: {  	[smem:$0x7E4] =	sst s0;
	s0 =	simm.s32 @!p0 $0x0  }
0x837: {  	s0 =	simm.s32 @p0 $0x1;
	p0 =	por $0x0, $0x0  }
0x838: {  	p1 =	por $0x0, $0x0;
	[smem:$0x7E5] =	sst s0;
	s0 =	simm.s32 @!p0 $0x0  }
0x839: {  	s1 =	simm.s32 @!p1 $0x0;
	s0 =	simm.s32 @p0 $0x1  }
0x83a: {  	s1 =	simm.s32 @p1 $0x1  }
0x83b: {  	[smem:$0x7E7] =	sst s1  }
0x83c: {  	_ = 	snop  }
0x83d: {  	_ = 	snop  }
0x83e: {  	_ = 	snop  }
.Ltmp68:
0x83f: {  	(pc) =	sbr.rel .LBB2_44-.Ltmp68, $4  }
0x840: {  	s20 =	simm.s32 $0x0;
	s26 =	simm.s32 $0x10  }
0x841: {  	s5 =	simm.s32 $0x0;
	s7 =	simm.s32 $0x0;
	s11 =	simm.s32 $0x0  }
0x842: {  	s6 =	simm.s32 $0x0;
	s4 =	simm.s32 $0x0;
	[smem:$0x7E8] =	sst s11  }
0x843: {  	s2 =	simm.s32 $0x0;
	[smem:$0x7E6] =	sst s0;
	s0 =	simm.s32 $0x10000  }
.LBB2_84:
0x844: {  	p0 =	por $0x0, $0x0  }
0x845: {  	s0 =	simm.s32 @!p0 $0x0  }
0x846: {  	s0 =	simm.s32 @p0 $0x1;
	p0 =	por $0x0, $0x0  }
0x847: {  	[smem:$0x79B] =	sst s0;
	s0 =	simm.s32 @!p0 $0x0  }
0x848: {  	s0 =	simm.s32 @p0 $0x1;
	p0 =	por $0x0, $0x0  }
0x849: {  	[smem:$0x79C] =	sst s0;
	s0 =	simm.s32 @!p0 $0x0  }
0x84a: {  	s0 =	simm.s32 @p0 $0x1;
	p0 =	por $0x0, $0x0  }
0x84b: {  	[smem:$0x79D] =	sst s0;
	s0 =	simm.s32 @!p0 $0x0  }
0x84c: {  	s0 =	simm.s32 @p0 $0x1;
	p0 =	por $0x0, $0x0  }
0x84d: {  	[smem:$0x79E] =	sst s0;
	s0 =	simm.s32 @!p0 $0x0  }
0x84e: {  	s0 =	simm.s32 @p0 $0x1;
	p0 =	por $0x0, $0x0  }
0x84f: {  	[smem:$0x79F] =	sst s0;
	s0 =	simm.s32 @!p0 $0x0  }
0x850: {  	s0 =	simm.s32 @p0 $0x1;
	p0 =	por $0x0, $0x0  }
0x851: {  	[smem:$0x7A0] =	sst s0;
	s0 =	simm.s32 @!p0 $0x0  }
0x852: {  	s0 =	simm.s32 @p0 $0x1;
	p0 =	por $0x0, $0x0  }
0x853: {  	[smem:$0x7A1] =	sst s0;
	s0 =	simm.s32 @!p0 $0x0  }
0x854: {  	s0 =	simm.s32 @p0 $0x1;
	p0 =	por $0x0, $0x0  }
0x855: {  	p1 =	por $0x0, $0x0;
	[smem:$0x7A2] =	sst s0;
	s0 =	simm.s32 @!p0 $0x0  }
0x856: {  	s1 =	simm.s32 @!p1 $0x0;
	s0 =	simm.s32 @p0 $0x1  }
0x857: {  	s1 =	simm.s32 @p1 $0x1  }
0x858: {  	[smem:$0x7A4] =	sst s1  }
0x859: {  	_ = 	snop  }
0x85a: {  	_ = 	snop  }
0x85b: {  	_ = 	snop  }
.Ltmp69:
0x85c: {  	(pc) =	sbr.rel .LBB2_107-.Ltmp69, $4  }
0x85d: {  	s20 =	simm.s32 $0x0;
	s26 =	simm.s32 $0x10  }
0x85e: {  	s5 =	simm.s32 $0x0;
	s7 =	simm.s32 $0x0;
	s12 =	simm.s32 $0x0  }
0x85f: {  	s6 =	simm.s32 $0x0;
	s4 =	simm.s32 $0x0;
	[smem:$0x7A5] =	sst s12  }
0x860: {  	s2 =	simm.s32 $0x0;
	[smem:$0x7A3] =	sst s0;
	s0 =	simm.s32 $0x10000  }
.LBB2_23:
0x861: {  	p0 =	por $0x0, $0x0  }
0x862: {  	s0 =	simm.s32 @!p0 $0x0  }
0x863: {  	s0 =	simm.s32 @p0 $0x1;
	p0 =	por $0x0, $0x0  }
0x864: {  	[smem:$0x7DE] =	sst s0;
	s0 =	simm.s32 @!p0 $0x0  }
0x865: {  	s0 =	simm.s32 @p0 $0x1;
	p0 =	por $0x0, $0x0  }
0x866: {  	[smem:$0x7DF] =	sst s0;
	s0 =	simm.s32 @!p0 $0x0  }
0x867: {  	s0 =	simm.s32 @p0 $0x1;
	p0 =	por $0x0, $0x0  }
0x868: {  	[smem:$0x7E0] =	sst s0;
	s0 =	simm.s32 @!p0 $0x0  }
0x869: {  	s0 =	simm.s32 @p0 $0x1;
	p0 =	por $0x0, $0x0  }
0x86a: {  	[smem:$0x7E1] =	sst s0;
	s0 =	simm.s32 @!p0 $0x0  }
0x86b: {  	s0 =	simm.s32 @p0 $0x1;
	p0 =	por $0x0, $0x0  }
0x86c: {  	[smem:$0x7E2] =	sst s0;
	s0 =	simm.s32 @!p0 $0x0  }
0x86d: {  	s0 =	simm.s32 @p0 $0x1;
	p0 =	por $0x0, $0x0  }
0x86e: {  	[smem:$0x7E3] =	sst s0;
	s0 =	simm.s32 @!p0 $0x0  }
0x86f: {  	s0 =	simm.s32 @p0 $0x1;
	p0 =	por $0x0, $0x0  }
0x870: {  	[smem:$0x7E4] =	sst s0;
	s0 =	simm.s32 @!p0 $0x0  }
0x871: {  	s0 =	simm.s32 @p0 $0x1;
	p0 =	por $0x0, $0x0  }
0x872: {  	p1 =	por $0x1, $0x1;
	[smem:$0x7E5] =	sst s0;
	s0 =	simm.s32 @!p0 $0x0  }
0x873: {  	s1 =	simm.s32 @!p1 $0x0;
	s0 =	simm.s32 @p0 $0x1  }
0x874: {  	s1 =	simm.s32 @p1 $0x1  }
0x875: {  	[smem:$0x7E7] =	sst s1  }
0x876: {  	_ = 	snop  }
0x877: {  	_ = 	snop  }
0x878: {  	_ = 	snop  }
.Ltmp70:
0x879: {  	(pc) =	sbr.rel .LBB2_44-.Ltmp70, $4  }
0x87a: {  	s20 =	simm.s32 $0x0;
	s23 =	simm.s32 $0x10;
	s26 =	simm.s32 $0x20  }
0x87b: {  	s5 =	simm.s32 $0x0;
	s7 =	simm.s32 $0x0;
	s11 =	simm.s32 $0x0  }
0x87c: {  	s6 =	simm.s32 $0x0;
	s4 =	simm.s32 $0x0;
	[smem:$0x7E8] =	sst s11  }
0x87d: {  	s2 =	simm.s32 $0x0;
	[smem:$0x7E6] =	sst s0;
	s0 =	simm.s32 $0x10000  }
.LBB2_86:
0x87e: {  	p0 =	por $0x0, $0x0  }
0x87f: {  	s0 =	simm.s32 @!p0 $0x0  }
0x880: {  	s0 =	simm.s32 @p0 $0x1;
	p0 =	por $0x0, $0x0  }
0x881: {  	[smem:$0x79B] =	sst s0;
	s0 =	simm.s32 @!p0 $0x0  }
0x882: {  	s0 =	simm.s32 @p0 $0x1;
	p0 =	por $0x0, $0x0  }
0x883: {  	[smem:$0x79C] =	sst s0;
	s0 =	simm.s32 @!p0 $0x0  }
0x884: {  	s0 =	simm.s32 @p0 $0x1;
	p0 =	por $0x0, $0x0  }
0x885: {  	[smem:$0x79D] =	sst s0;
	s0 =	simm.s32 @!p0 $0x0  }
0x886: {  	s0 =	simm.s32 @p0 $0x1;
	p0 =	por $0x0, $0x0  }
0x887: {  	[smem:$0x79E] =	sst s0;
	s0 =	simm.s32 @!p0 $0x0  }
0x888: {  	s0 =	simm.s32 @p0 $0x1;
	p0 =	por $0x0, $0x0  }
0x889: {  	[smem:$0x79F] =	sst s0;
	s0 =	simm.s32 @!p0 $0x0  }
0x88a: {  	s0 =	simm.s32 @p0 $0x1;
	p0 =	por $0x0, $0x0  }
0x88b: {  	[smem:$0x7A0] =	sst s0;
	s0 =	simm.s32 @!p0 $0x0  }
0x88c: {  	s0 =	simm.s32 @p0 $0x1;
	p0 =	por $0x0, $0x0  }
0x88d: {  	[smem:$0x7A1] =	sst s0;
	s0 =	simm.s32 @!p0 $0x0  }
0x88e: {  	s0 =	simm.s32 @p0 $0x1;
	p0 =	por $0x0, $0x0  }
0x88f: {  	p1 =	por $0x1, $0x1;
	[smem:$0x7A2] =	sst s0;
	s0 =	simm.s32 @!p0 $0x0  }
0x890: {  	s1 =	simm.s32 @!p1 $0x0;
	s0 =	simm.s32 @p0 $0x1  }
0x891: {  	s1 =	simm.s32 @p1 $0x1  }
0x892: {  	[smem:$0x7A4] =	sst s1  }
0x893: {  	_ = 	snop  }
0x894: {  	_ = 	snop  }
0x895: {  	_ = 	snop  }
.Ltmp71:
0x896: {  	(pc) =	sbr.rel .LBB2_107-.Ltmp71, $4  }
0x897: {  	s20 =	simm.s32 $0x0;
	s23 =	simm.s32 $0x10;
	s26 =	simm.s32 $0x20  }
0x898: {  	s5 =	simm.s32 $0x0;
	s7 =	simm.s32 $0x0;
	s12 =	simm.s32 $0x0  }
0x899: {  	s6 =	simm.s32 $0x0;
	s4 =	simm.s32 $0x0;
	[smem:$0x7A5] =	sst s12  }
0x89a: {  	s2 =	simm.s32 $0x0;
	[smem:$0x7A3] =	sst s0;
	s0 =	simm.s32 $0x10000  }
.LBB2_25:
0x89b: {  	p0 =	por $0x0, $0x0  }
0x89c: {  	s0 =	simm.s32 @!p0 $0x0  }
0x89d: {  	s0 =	simm.s32 @p0 $0x1;
	p0 =	por $0x0, $0x0  }
0x89e: {  	[smem:$0x7DE] =	sst s0;
	s0 =	simm.s32 @!p0 $0x0  }
0x89f: {  	s0 =	simm.s32 @p0 $0x1;
	p0 =	por $0x0, $0x0  }
0x8a0: {  	[smem:$0x7DF] =	sst s0;
	s0 =	simm.s32 @!p0 $0x0  }
0x8a1: {  	s0 =	simm.s32 @p0 $0x1;
	p0 =	por $0x0, $0x0  }
0x8a2: {  	[smem:$0x7E0] =	sst s0;
	s0 =	simm.s32 @!p0 $0x0  }
0x8a3: {  	s0 =	simm.s32 @p0 $0x1;
	p0 =	por $0x0, $0x0  }
0x8a4: {  	[smem:$0x7E1] =	sst s0;
	s0 =	simm.s32 @!p0 $0x0  }
0x8a5: {  	s0 =	simm.s32 @p0 $0x1;
	p0 =	por $0x0, $0x0  }
0x8a6: {  	[smem:$0x7E2] =	sst s0;
	s0 =	simm.s32 @!p0 $0x0  }
0x8a7: {  	s0 =	simm.s32 @p0 $0x1;
	p0 =	por $0x0, $0x0  }
0x8a8: {  	[smem:$0x7E3] =	sst s0;
	s0 =	simm.s32 @!p0 $0x0  }
0x8a9: {  	s0 =	simm.s32 @p0 $0x1;
	p0 =	por $0x0, $0x0  }
0x8aa: {  	[smem:$0x7E4] =	sst s0;
	s0 =	simm.s32 @!p0 $0x0  }
0x8ab: {  	s0 =	simm.s32 @p0 $0x1;
	p0 =	por $0x1, $0x1  }
0x8ac: {  	p1 =	por $0x1, $0x1;
	[smem:$0x7E5] =	sst s0;
	s0 =	simm.s32 @!p0 $0x0  }
0x8ad: {  	s1 =	simm.s32 @!p1 $0x0;
	s0 =	simm.s32 @p0 $0x1  }
0x8ae: {  	s1 =	simm.s32 @p1 $0x1  }
0x8af: {  	[smem:$0x7E7] =	sst s1  }
0x8b0: {  	_ = 	snop  }
0x8b1: {  	_ = 	snop  }
0x8b2: {  	_ = 	snop  }
.Ltmp72:
0x8b3: {  	s20 =	simm.s32 $0x0;
	(pc) =	sbr.rel .LBB2_44-.Ltmp72, $4  }
0x8b4: {  	s23 =	simm.s32 $0x20;
	s26 =	simm.s32 $0x30;
	s5 =	simm.s32 $0x0  }
0x8b5: {  	s7 =	simm.s32 $0x0;
	s6 =	simm.s32 $0x0;
	s11 =	simm.s32 $0x0  }
0x8b6: {  	s30 =	simm.s32 $0x10;
	s4 =	simm.s32 $0x0;
	[smem:$0x7E8] =	sst s11  }
0x8b7: {  	s2 =	simm.s32 $0x0;
	v8 =	vmov v11;
	[smem:$0x7E6] =	sst s0;
	s0 =	simm.s32 $0x10000  }
.LBB2_88:
0x8b8: {  	p0 =	por $0x0, $0x0  }
0x8b9: {  	s0 =	simm.s32 @!p0 $0x0  }
0x8ba: {  	s0 =	simm.s32 @p0 $0x1;
	p0 =	por $0x0, $0x0  }
0x8bb: {  	[smem:$0x79B] =	sst s0;
	s0 =	simm.s32 @!p0 $0x0  }
0x8bc: {  	s0 =	simm.s32 @p0 $0x1;
	p0 =	por $0x0, $0x0  }
0x8bd: {  	[smem:$0x79C] =	sst s0;
	s0 =	simm.s32 @!p0 $0x0  }
0x8be: {  	s0 =	simm.s32 @p0 $0x1;
	p0 =	por $0x0, $0x0  }
0x8bf: {  	[smem:$0x79D] =	sst s0;
	s0 =	simm.s32 @!p0 $0x0  }
0x8c0: {  	s0 =	simm.s32 @p0 $0x1;
	p0 =	por $0x0, $0x0  }
0x8c1: {  	[smem:$0x79E] =	sst s0;
	s0 =	simm.s32 @!p0 $0x0  }
0x8c2: {  	s0 =	simm.s32 @p0 $0x1;
	p0 =	por $0x0, $0x0  }
0x8c3: {  	[smem:$0x79F] =	sst s0;
	s0 =	simm.s32 @!p0 $0x0  }
0x8c4: {  	s0 =	simm.s32 @p0 $0x1;
	p0 =	por $0x0, $0x0  }
0x8c5: {  	[smem:$0x7A0] =	sst s0;
	s0 =	simm.s32 @!p0 $0x0  }
0x8c6: {  	s0 =	simm.s32 @p0 $0x1;
	p0 =	por $0x0, $0x0  }
0x8c7: {  	[smem:$0x7A1] =	sst s0;
	s0 =	simm.s32 @!p0 $0x0  }
0x8c8: {  	s0 =	simm.s32 @p0 $0x1;
	p0 =	por $0x1, $0x1  }
0x8c9: {  	p1 =	por $0x1, $0x1;
	[smem:$0x7A2] =	sst s0;
	s0 =	simm.s32 @!p0 $0x0  }
0x8ca: {  	s1 =	simm.s32 @!p1 $0x0;
	s0 =	simm.s32 @p0 $0x1  }
0x8cb: {  	s1 =	simm.s32 @p1 $0x1  }
0x8cc: {  	[smem:$0x7A4] =	sst s1  }
0x8cd: {  	_ = 	snop  }
0x8ce: {  	_ = 	snop  }
0x8cf: {  	_ = 	snop  }
.Ltmp73:
0x8d0: {  	s20 =	simm.s32 $0x0;
	(pc) =	sbr.rel .LBB2_107-.Ltmp73, $4  }
0x8d1: {  	s23 =	simm.s32 $0x20;
	s26 =	simm.s32 $0x30;
	s5 =	simm.s32 $0x0  }
0x8d2: {  	s7 =	simm.s32 $0x0;
	s6 =	simm.s32 $0x0;
	s12 =	simm.s32 $0x0  }
0x8d3: {  	s30 =	simm.s32 $0x10;
	s4 =	simm.s32 $0x0;
	[smem:$0x7A5] =	sst s12  }
0x8d4: {  	s2 =	simm.s32 $0x0;
	v8 =	vmov v11;
	[smem:$0x7A3] =	sst s0;
	s0 =	simm.s32 $0x10000  }
.LBB2_27:
0x8d5: {  	p0 =	por $0x0, $0x0  }
0x8d6: {  	s1 =	simm.s32 @!p0 $0x0  }
0x8d7: {  	s1 =	simm.s32 @p0 $0x1;
	p0 =	por $0x0, $0x0  }
0x8d8: {  	[smem:$0x7DE] =	sst s1;
	s1 =	simm.s32 @!p0 $0x0  }
0x8d9: {  	s1 =	simm.s32 @p0 $0x1;
	p0 =	por $0x0, $0x0  }
0x8da: {  	[smem:$0x7DF] =	sst s1;
	s1 =	simm.s32 @!p0 $0x0  }
0x8db: {  	s1 =	simm.s32 @p0 $0x1;
	p0 =	por $0x0, $0x0  }
0x8dc: {  	[smem:$0x7E0] =	sst s1;
	s1 =	simm.s32 @!p0 $0x0  }
0x8dd: {  	s1 =	simm.s32 @p0 $0x1;
	p0 =	por $0x0, $0x0  }
0x8de: {  	[smem:$0x7E1] =	sst s1;
	s1 =	simm.s32 @!p0 $0x0  }
0x8df: {  	s1 =	simm.s32 @p0 $0x1;
	p0 =	por $0x0, $0x0  }
0x8e0: {  	[smem:$0x7E2] =	sst s1;
	s1 =	simm.s32 @!p0 $0x0  }
0x8e1: {  	s1 =	simm.s32 @p0 $0x1;
	p0 =	por $0x0, $0x0  }
0x8e2: {  	[smem:$0x7E3] =	sst s1;
	s1 =	simm.s32 @!p0 $0x0  }
0x8e3: {  	s1 =	simm.s32 @p0 $0x1;
	p0 =	por $0x1, $0x1  }
0x8e4: {  	[smem:$0x7E4] =	sst s1;
	s1 =	simm.s32 @!p0 $0x0  }
0x8e5: {  	s1 =	simm.s32 @p0 $0x1;
	p0 =	por $0x1, $0x1  }
0x8e6: {  	[smem:$0x7E5] =	sst s1;
	s1 =	simm.s32 @!p0 $0x0  }
0x8e7: {  	p1 =	por $0x1, $0x1;
	s1 =	simm.s32 @p0 $0x1  }
0x8e8: {  	[smem:$0x7E6] =	sst s1;
	s1 =	simm.s32 @!p1 $0x0  }
0x8e9: {  	s1 =	simm.s32 @p1 $0x1  }
0x8ea: {  	[smem:$0x7E7] =	sst s1  }
0x8eb: {  	_ = 	snop  }
0x8ec: {  	_ = 	snop  }
0x8ed: {  	_ = 	snop  }
.Ltmp74:
0x8ee: {  	(pc) =	sbr.rel .LBB2_44-.Ltmp74, $4  }
0x8ef: {  	s20 =	simm.s32 $0x0;
	s23 =	simm.s32 $0x30;
	s26 =	simm.s32 $0x40  }
0x8f0: {  	s5 =	simm.s32 $0x0;
	s7 =	simm.s32 $0x0;
	s6 =	simm.s32 $0x0  }
0x8f1: {  	s3 =	simm.s32 $0x10;
	s30 =	simm.s32 $0x20;
	s11 =	simm.s32 $0x0  }
0x8f2: {  	v15 =	vmov v11;
	v21 =	vmov v7;
	s4 =	simm.s32 $0x0;
	s2 =	simm.s32 $0x0;
	[smem:$0x7E8] =	sst s11;
	v8 =	vmov v6  }
.LBB2_90:
0x8f3: {  	p0 =	por $0x0, $0x0  }
0x8f4: {  	s1 =	simm.s32 @!p0 $0x0  }
0x8f5: {  	s1 =	simm.s32 @p0 $0x1;
	p0 =	por $0x0, $0x0  }
0x8f6: {  	[smem:$0x79B] =	sst s1;
	s1 =	simm.s32 @!p0 $0x0  }
0x8f7: {  	s1 =	simm.s32 @p0 $0x1;
	p0 =	por $0x0, $0x0  }
0x8f8: {  	[smem:$0x79C] =	sst s1;
	s1 =	simm.s32 @!p0 $0x0  }
0x8f9: {  	s1 =	simm.s32 @p0 $0x1;
	p0 =	por $0x0, $0x0  }
0x8fa: {  	[smem:$0x79D] =	sst s1;
	s1 =	simm.s32 @!p0 $0x0  }
0x8fb: {  	s1 =	simm.s32 @p0 $0x1;
	p0 =	por $0x0, $0x0  }
0x8fc: {  	[smem:$0x79E] =	sst s1;
	s1 =	simm.s32 @!p0 $0x0  }
0x8fd: {  	s1 =	simm.s32 @p0 $0x1;
	p0 =	por $0x0, $0x0  }
0x8fe: {  	[smem:$0x79F] =	sst s1;
	s1 =	simm.s32 @!p0 $0x0  }
0x8ff: {  	s1 =	simm.s32 @p0 $0x1;
	p0 =	por $0x0, $0x0  }
0x900: {  	[smem:$0x7A0] =	sst s1;
	s1 =	simm.s32 @!p0 $0x0  }
0x901: {  	s1 =	simm.s32 @p0 $0x1;
	p0 =	por $0x1, $0x1  }
0x902: {  	[smem:$0x7A1] =	sst s1;
	s1 =	simm.s32 @!p0 $0x0  }
0x903: {  	s1 =	simm.s32 @p0 $0x1;
	p0 =	por $0x1, $0x1  }
0x904: {  	[smem:$0x7A2] =	sst s1;
	s1 =	simm.s32 @!p0 $0x0  }
0x905: {  	p1 =	por $0x1, $0x1;
	s1 =	simm.s32 @p0 $0x1  }
0x906: {  	[smem:$0x7A3] =	sst s1;
	s1 =	simm.s32 @!p1 $0x0  }
0x907: {  	s1 =	simm.s32 @p1 $0x1  }
0x908: {  	[smem:$0x7A4] =	sst s1  }
0x909: {  	_ = 	snop  }
0x90a: {  	_ = 	snop  }
0x90b: {  	_ = 	snop  }
.Ltmp75:
0x90c: {  	(pc) =	sbr.rel .LBB2_107-.Ltmp75, $4  }
0x90d: {  	s20 =	simm.s32 $0x0;
	s23 =	simm.s32 $0x30;
	s26 =	simm.s32 $0x40  }
0x90e: {  	s5 =	simm.s32 $0x0;
	s7 =	simm.s32 $0x0;
	s6 =	simm.s32 $0x0  }
0x90f: {  	s3 =	simm.s32 $0x10;
	s30 =	simm.s32 $0x20;
	s12 =	simm.s32 $0x0  }
0x910: {  	v15 =	vmov v11;
	v21 =	vmov v7;
	s4 =	simm.s32 $0x0;
	s2 =	simm.s32 $0x0;
	[smem:$0x7A5] =	sst s12;
	v8 =	vmov v6  }
.LBB2_29:
0x911: {  	p0 =	por $0x0, $0x0  }
0x912: {  	s1 =	simm.s32 @!p0 $0x0  }
0x913: {  	s1 =	simm.s32 @p0 $0x1;
	p0 =	por $0x0, $0x0  }
0x914: {  	[smem:$0x7DE] =	sst s1;
	s1 =	simm.s32 @!p0 $0x0  }
0x915: {  	s1 =	simm.s32 @p0 $0x1;
	p0 =	por $0x0, $0x0  }
0x916: {  	[smem:$0x7DF] =	sst s1;
	s1 =	simm.s32 @!p0 $0x0  }
0x917: {  	s1 =	simm.s32 @p0 $0x1;
	p0 =	por $0x0, $0x0  }
0x918: {  	[smem:$0x7E0] =	sst s1;
	s1 =	simm.s32 @!p0 $0x0  }
0x919: {  	s1 =	simm.s32 @p0 $0x1;
	p0 =	por $0x0, $0x0  }
0x91a: {  	[smem:$0x7E1] =	sst s1;
	s1 =	simm.s32 @!p0 $0x0  }
0x91b: {  	s1 =	simm.s32 @p0 $0x1;
	p0 =	por $0x0, $0x0  }
0x91c: {  	[smem:$0x7E2] =	sst s1;
	s1 =	simm.s32 @!p0 $0x0  }
0x91d: {  	s1 =	simm.s32 @p0 $0x1;
	p0 =	por $0x1, $0x1  }
0x91e: {  	[smem:$0x7E3] =	sst s1;
	s1 =	simm.s32 @!p0 $0x0  }
0x91f: {  	s1 =	simm.s32 @p0 $0x1;
	p0 =	por $0x1, $0x1  }
0x920: {  	[smem:$0x7E4] =	sst s1;
	s1 =	simm.s32 @!p0 $0x0  }
0x921: {  	s1 =	simm.s32 @p0 $0x1;
	p0 =	por $0x1, $0x1  }
0x922: {  	[smem:$0x7E5] =	sst s1;
	s1 =	simm.s32 @!p0 $0x0  }
0x923: {  	p1 =	por $0x1, $0x1;
	s1 =	simm.s32 @p0 $0x1  }
0x924: {  	[smem:$0x7E6] =	sst s1;
	s1 =	simm.s32 @!p1 $0x0  }
0x925: {  	s1 =	simm.s32 @p1 $0x1  }
0x926: {  	[smem:$0x7E7] =	sst s1  }
0x927: {  	_ = 	snop  }
0x928: {  	_ = 	snop  }
0x929: {  	_ = 	snop  }
.Ltmp76:
0x92a: {  	s20 =	simm.s32 $0x0;
	(pc) =	sbr.rel .LBB2_44-.Ltmp76, $4  }
0x92b: {  	s23 =	simm.s32 $0x40;
	s26 =	simm.s32 $0x50;
	s5 =	simm.s32 $0x0  }
0x92c: {  	s7 =	simm.s32 $0x0;
	s6 =	simm.s32 $0x0;
	s15 =	simm.s32 $0x10  }
0x92d: {  	s3 =	simm.s32 $0x20;
	s30 =	simm.s32 $0x30;
	s11 =	simm.s32 $0x0  }
0x92e: {  	v12 =	vmovc v13;
	v18 =	vmov v11;
	v15 =	vmov v6;
	s4 =	simm.s32 $0x0;
	s2 =	simm.s32 $0x0;
	[smem:$0x7E8] =	sst s11;
	v8 =	vmov v5  }
.LBB2_92:
0x92f: {  	p0 =	por $0x0, $0x0  }
0x930: {  	s1 =	simm.s32 @!p0 $0x0  }
0x931: {  	s1 =	simm.s32 @p0 $0x1;
	p0 =	por $0x0, $0x0  }
0x932: {  	[smem:$0x79B] =	sst s1;
	s1 =	simm.s32 @!p0 $0x0  }
0x933: {  	s1 =	simm.s32 @p0 $0x1;
	p0 =	por $0x0, $0x0  }
0x934: {  	[smem:$0x79C] =	sst s1;
	s1 =	simm.s32 @!p0 $0x0  }
0x935: {  	s1 =	simm.s32 @p0 $0x1;
	p0 =	por $0x0, $0x0  }
0x936: {  	[smem:$0x79D] =	sst s1;
	s1 =	simm.s32 @!p0 $0x0  }
0x937: {  	s1 =	simm.s32 @p0 $0x1;
	p0 =	por $0x0, $0x0  }
0x938: {  	[smem:$0x79E] =	sst s1;
	s1 =	simm.s32 @!p0 $0x0  }
0x939: {  	s1 =	simm.s32 @p0 $0x1;
	p0 =	por $0x0, $0x0  }
0x93a: {  	[smem:$0x79F] =	sst s1;
	s1 =	simm.s32 @!p0 $0x0  }
0x93b: {  	s1 =	simm.s32 @p0 $0x1;
	p0 =	por $0x1, $0x1  }
0x93c: {  	[smem:$0x7A0] =	sst s1;
	s1 =	simm.s32 @!p0 $0x0  }
0x93d: {  	s1 =	simm.s32 @p0 $0x1;
	p0 =	por $0x1, $0x1  }
0x93e: {  	[smem:$0x7A1] =	sst s1;
	s1 =	simm.s32 @!p0 $0x0  }
0x93f: {  	s1 =	simm.s32 @p0 $0x1;
	p0 =	por $0x1, $0x1  }
0x940: {  	[smem:$0x7A2] =	sst s1;
	s1 =	simm.s32 @!p0 $0x0  }
0x941: {  	p1 =	por $0x1, $0x1;
	s1 =	simm.s32 @p0 $0x1  }
0x942: {  	[smem:$0x7A3] =	sst s1;
	s1 =	simm.s32 @!p1 $0x0  }
0x943: {  	s1 =	simm.s32 @p1 $0x1  }
0x944: {  	[smem:$0x7A4] =	sst s1  }
0x945: {  	_ = 	snop  }
0x946: {  	_ = 	snop  }
0x947: {  	_ = 	snop  }
.Ltmp77:
0x948: {  	s20 =	simm.s32 $0x0;
	(pc) =	sbr.rel .LBB2_107-.Ltmp77, $4  }
0x949: {  	s23 =	simm.s32 $0x40;
	s26 =	simm.s32 $0x50;
	s5 =	simm.s32 $0x0  }
0x94a: {  	s7 =	simm.s32 $0x0;
	s6 =	simm.s32 $0x0;
	s15 =	simm.s32 $0x10  }
0x94b: {  	s3 =	simm.s32 $0x20;
	s30 =	simm.s32 $0x30;
	s12 =	simm.s32 $0x0  }
0x94c: {  	v12 =	vmovc v13;
	v18 =	vmov v11;
	v15 =	vmov v6;
	s4 =	simm.s32 $0x0;
	s2 =	simm.s32 $0x0;
	[smem:$0x7A5] =	sst s12;
	v8 =	vmov v5  }
.LBB2_31:
0x94d: {  	p0 =	por $0x0, $0x0  }
0x94e: {  	s1 =	simm.s32 @!p0 $0x0  }
0x94f: {  	s1 =	simm.s32 @p0 $0x1;
	p0 =	por $0x0, $0x0  }
0x950: {  	[smem:$0x7DE] =	sst s1;
	s1 =	simm.s32 @!p0 $0x0  }
0x951: {  	s1 =	simm.s32 @p0 $0x1;
	p0 =	por $0x0, $0x0  }
0x952: {  	[smem:$0x7DF] =	sst s1;
	s1 =	simm.s32 @!p0 $0x0  }
0x953: {  	s1 =	simm.s32 @p0 $0x1;
	p0 =	por $0x0, $0x0  }
0x954: {  	[smem:$0x7E0] =	sst s1;
	s1 =	simm.s32 @!p0 $0x0  }
0x955: {  	s1 =	simm.s32 @p0 $0x1;
	p0 =	por $0x0, $0x0  }
0x956: {  	[smem:$0x7E1] =	sst s1;
	s1 =	simm.s32 @!p0 $0x0  }
0x957: {  	s1 =	simm.s32 @p0 $0x1;
	p0 =	por $0x1, $0x1  }
0x958: {  	[smem:$0x7E2] =	sst s1;
	s1 =	simm.s32 @!p0 $0x0  }
0x959: {  	s1 =	simm.s32 @p0 $0x1;
	p0 =	por $0x1, $0x1  }
0x95a: {  	[smem:$0x7E3] =	sst s1;
	s1 =	simm.s32 @!p0 $0x0  }
0x95b: {  	s1 =	simm.s32 @p0 $0x1;
	p0 =	por $0x1, $0x1  }
0x95c: {  	[smem:$0x7E4] =	sst s1;
	s1 =	simm.s32 @!p0 $0x0  }
0x95d: {  	s1 =	simm.s32 @p0 $0x1;
	p0 =	por $0x1, $0x1  }
0x95e: {  	[smem:$0x7E5] =	sst s1;
	s1 =	simm.s32 @!p0 $0x0  }
0x95f: {  	p1 =	por $0x1, $0x1;
	s1 =	simm.s32 @p0 $0x1  }
0x960: {  	[smem:$0x7E6] =	sst s1;
	s1 =	simm.s32 @!p1 $0x0  }
0x961: {  	s1 =	simm.s32 @p1 $0x1  }
0x962: {  	[smem:$0x7E7] =	sst s1  }
0x963: {  	_ = 	snop  }
0x964: {  	_ = 	snop  }
0x965: {  	_ = 	snop  }
.Ltmp78:
0x966: {  	s20 =	simm.s32 $0x0;
	(pc) =	sbr.rel .LBB2_44-.Ltmp78, $4  }
0x967: {  	s23 =	simm.s32 $0x50;
	s26 =	simm.s32 $0x60;
	s5 =	simm.s32 $0x0  }
0x968: {  	s7 =	simm.s32 $0x0;
	s6 =	simm.s32 $0x0;
	s16 =	simm.s32 $0x10  }
0x969: {  	v12 =	vmov v9;
	v23 =	vmov v11;
	s15 =	simm.s32 $0x20;
	s3 =	simm.s32 $0x30;
	s11 =	simm.s32 $0x0  }
0x96a: {  	v18 =	vmovc v6;
	v15 =	vmovc v5;
	v25 =	vmov v13;
	v21 =	vmov v10;
	s30 =	simm.s32 $0x40;
	s2 =	simm.s32 $0x0;
	[smem:$0x7E8] =	sst s11;
	v8 =	vmov v7  }
.LBB2_94:
0x96b: {  	p0 =	por $0x0, $0x0  }
0x96c: {  	s1 =	simm.s32 @!p0 $0x0  }
0x96d: {  	s1 =	simm.s32 @p0 $0x1;
	p0 =	por $0x0, $0x0  }
0x96e: {  	[smem:$0x79B] =	sst s1;
	s1 =	simm.s32 @!p0 $0x0  }
0x96f: {  	s1 =	simm.s32 @p0 $0x1;
	p0 =	por $0x0, $0x0  }
0x970: {  	[smem:$0x79C] =	sst s1;
	s1 =	simm.s32 @!p0 $0x0  }
0x971: {  	s1 =	simm.s32 @p0 $0x1;
	p0 =	por $0x0, $0x0  }
0x972: {  	[smem:$0x79D] =	sst s1;
	s1 =	simm.s32 @!p0 $0x0  }
0x973: {  	s1 =	simm.s32 @p0 $0x1;
	p0 =	por $0x0, $0x0  }
0x974: {  	[smem:$0x79E] =	sst s1;
	s1 =	simm.s32 @!p0 $0x0  }
0x975: {  	s1 =	simm.s32 @p0 $0x1;
	p0 =	por $0x1, $0x1  }
0x976: {  	[smem:$0x79F] =	sst s1;
	s1 =	simm.s32 @!p0 $0x0  }
0x977: {  	s1 =	simm.s32 @p0 $0x1;
	p0 =	por $0x1, $0x1  }
0x978: {  	[smem:$0x7A0] =	sst s1;
	s1 =	simm.s32 @!p0 $0x0  }
0x979: {  	s1 =	simm.s32 @p0 $0x1;
	p0 =	por $0x1, $0x1  }
0x97a: {  	[smem:$0x7A1] =	sst s1;
	s1 =	simm.s32 @!p0 $0x0  }
0x97b: {  	s1 =	simm.s32 @p0 $0x1;
	p0 =	por $0x1, $0x1  }
0x97c: {  	[smem:$0x7A2] =	sst s1;
	s1 =	simm.s32 @!p0 $0x0  }
0x97d: {  	p1 =	por $0x1, $0x1;
	s1 =	simm.s32 @p0 $0x1  }
0x97e: {  	[smem:$0x7A3] =	sst s1;
	s1 =	simm.s32 @!p1 $0x0  }
0x97f: {  	s1 =	simm.s32 @p1 $0x1  }
0x980: {  	[smem:$0x7A4] =	sst s1  }
0x981: {  	_ = 	snop  }
0x982: {  	_ = 	snop  }
0x983: {  	_ = 	snop  }
.Ltmp79:
0x984: {  	s20 =	simm.s32 $0x0;
	(pc) =	sbr.rel .LBB2_107-.Ltmp79, $4  }
0x985: {  	s23 =	simm.s32 $0x50;
	s26 =	simm.s32 $0x60;
	s5 =	simm.s32 $0x0  }
0x986: {  	s7 =	simm.s32 $0x0;
	s6 =	simm.s32 $0x0;
	s16 =	simm.s32 $0x10  }
0x987: {  	v12 =	vmov v9;
	v23 =	vmov v11;
	s15 =	simm.s32 $0x20;
	s3 =	simm.s32 $0x30;
	s12 =	simm.s32 $0x0  }
0x988: {  	v18 =	vmovc v6;
	v15 =	vmovc v5;
	v25 =	vmov v13;
	v21 =	vmov v10;
	s30 =	simm.s32 $0x40;
	s2 =	simm.s32 $0x0;
	[smem:$0x7A5] =	sst s12;
	v8 =	vmov v7  }
.LBB2_33:
0x989: {  	s1 =	simm.s32 $0x10;
	p0 =	por $0x0, $0x0  }
0x98a: {  	[dreg:$0x16] =	wrdreg s1;
	s1 =	simm.s32 @!p0 $0x0  }
0x98b: {  	s1 =	simm.s32 @p0 $0x1;
	p0 =	por $0x0, $0x0  }
0x98c: {  	[smem:$0x7DE] =	sst s1;
	s1 =	simm.s32 @!p0 $0x0  }
0x98d: {  	s1 =	simm.s32 @p0 $0x1;
	p0 =	por $0x0, $0x0  }
0x98e: {  	[smem:$0x7DF] =	sst s1;
	s1 =	simm.s32 @!p0 $0x0  }
0x98f: {  	s1 =	simm.s32 @p0 $0x1;
	p0 =	por $0x0, $0x0  }
0x990: {  	[smem:$0x7E0] =	sst s1;
	s1 =	simm.s32 @!p0 $0x0  }
0x991: {  	s1 =	simm.s32 @p0 $0x1;
	p0 =	por $0x1, $0x1  }
0x992: {  	[smem:$0x7E1] =	sst s1;
	s1 =	simm.s32 @!p0 $0x0  }
0x993: {  	s1 =	simm.s32 @p0 $0x1;
	p0 =	por $0x1, $0x1  }
0x994: {  	[smem:$0x7E2] =	sst s1;
	s1 =	simm.s32 @!p0 $0x0  }
0x995: {  	s1 =	simm.s32 @p0 $0x1;
	p0 =	por $0x1, $0x1  }
0x996: {  	[smem:$0x7E3] =	sst s1;
	s1 =	simm.s32 @!p0 $0x0  }
0x997: {  	s1 =	simm.s32 @p0 $0x1;
	p0 =	por $0x1, $0x1  }
0x998: {  	[smem:$0x7E4] =	sst s1;
	s1 =	simm.s32 @!p0 $0x0  }
0x999: {  	s1 =	simm.s32 @p0 $0x1;
	p0 =	por $0x1, $0x1  }
0x99a: {  	[smem:$0x7E5] =	sst s1;
	s1 =	simm.s32 @!p0 $0x0  }
0x99b: {  	s1 =	simm.s32 @p0 $0x1  }
0x99c: {  	p1 =	por $0x1, $0x1  }
0x99d: {  	[smem:$0x7E6] =	sst s1;
	s1 =	simm.s32 @!p1 $0x0  }
0x99e: {  	s1 =	simm.s32 @p1 $0x1  }
0x99f: {  	[smem:$0x7E7] =	sst s1  }
0x9a0: {  	s10 =	simm.s32 $0x20;
	s20 =	simm.s32 $0x0  }
.Ltmp80:
0x9a1: {  	s23 =	simm.s32 $0x60;
	s26 =	simm.s32 $0x70;
	(pc) =	sbr.rel .LBB2_44-.Ltmp80, $4  }
0x9a2: {  	s5 =	simm.s32 $0x0;
	s7 =	simm.s32 $0x0;
	s6 =	simm.s32 $0x0  }
0x9a3: {  	s16 =	simm.s32 $0x20;
	s15 =	simm.s32 $0x30;
	s3 =	simm.s32 $0x40  }
0x9a4: {  	v12 =	vmovc v10;
	v18 =	vmov v5;
	v15 =	vmov v7;
	v28 =	vmov v19;
	s30 =	simm.s32 $0x50;
	s11 =	simm.s32 $0x0;
	[dreg:$0x10] =	wrdreg s10  }
0x9a5: {  	v30 =	vmovc v11;
	v23 =	vmovc v6;
	v36 =	vmov v13;
	v25 =	vmov v9;
	s2 =	simm.s32 $0x0;
	s10 =	simm.s32 $0x10;
	[smem:$0x7E8] =	sst s11;
	v8 =	vmov v16  }
.LBB2_96:
0x9a6: {  	s1 =	simm.s32 $0x10;
	p0 =	por $0x0, $0x0  }
0x9a7: {  	[dreg:$0x17] =	wrdreg s1;
	s1 =	simm.s32 @!p0 $0x0  }
0x9a8: {  	s1 =	simm.s32 @p0 $0x1;
	p0 =	por $0x0, $0x0  }
0x9a9: {  	[smem:$0x79B] =	sst s1;
	s1 =	simm.s32 @!p0 $0x0  }
0x9aa: {  	s1 =	simm.s32 @p0 $0x1;
	p0 =	por $0x0, $0x0  }
0x9ab: {  	[smem:$0x79C] =	sst s1;
	s1 =	simm.s32 @!p0 $0x0  }
0x9ac: {  	s1 =	simm.s32 @p0 $0x1;
	p0 =	por $0x0, $0x0  }
0x9ad: {  	[smem:$0x79D] =	sst s1;
	s1 =	simm.s32 @!p0 $0x0  }
0x9ae: {  	s1 =	simm.s32 @p0 $0x1;
	p0 =	por $0x1, $0x1  }
0x9af: {  	[smem:$0x79E] =	sst s1;
	s1 =	simm.s32 @!p0 $0x0  }
0x9b0: {  	s1 =	simm.s32 @p0 $0x1;
	p0 =	por $0x1, $0x1  }
0x9b1: {  	[smem:$0x79F] =	sst s1;
	s1 =	simm.s32 @!p0 $0x0  }
0x9b2: {  	s1 =	simm.s32 @p0 $0x1;
	p0 =	por $0x1, $0x1  }
0x9b3: {  	[smem:$0x7A0] =	sst s1;
	s1 =	simm.s32 @!p0 $0x0  }
0x9b4: {  	s1 =	simm.s32 @p0 $0x1;
	p0 =	por $0x1, $0x1  }
0x9b5: {  	[smem:$0x7A1] =	sst s1;
	s1 =	simm.s32 @!p0 $0x0  }
0x9b6: {  	s1 =	simm.s32 @p0 $0x1;
	p0 =	por $0x1, $0x1  }
0x9b7: {  	[smem:$0x7A2] =	sst s1;
	s1 =	simm.s32 @!p0 $0x0  }
0x9b8: {  	s1 =	simm.s32 @p0 $0x1  }
0x9b9: {  	p1 =	por $0x1, $0x1  }
0x9ba: {  	[smem:$0x7A3] =	sst s1;
	s1 =	simm.s32 @!p1 $0x0  }
0x9bb: {  	s1 =	simm.s32 @p1 $0x1  }
0x9bc: {  	[smem:$0x7A4] =	sst s1  }
0x9bd: {  	s11 =	simm.s32 $0x20;
	s20 =	simm.s32 $0x0  }
.Ltmp81:
0x9be: {  	s23 =	simm.s32 $0x60;
	s26 =	simm.s32 $0x70;
	(pc) =	sbr.rel .LBB2_107-.Ltmp81, $4  }
0x9bf: {  	s5 =	simm.s32 $0x0;
	s7 =	simm.s32 $0x0;
	s6 =	simm.s32 $0x0  }
0x9c0: {  	s10 =	simm.s32 $0x10;
	s16 =	simm.s32 $0x20;
	s15 =	simm.s32 $0x30  }
0x9c1: {  	v12 =	vmovc v10;
	v18 =	vmov v5;
	v15 =	vmov v7;
	s3 =	simm.s32 $0x40;
	v28 =	vmov v19;
	s12 =	simm.s32 $0x0;
	[dreg:$0x11] =	wrdreg s11  }
0x9c2: {  	v30 =	vmovc v11;
	v23 =	vmovc v6;
	v36 =	vmov v13;
	v25 =	vmov v9;
	s30 =	simm.s32 $0x50;
	s2 =	simm.s32 $0x0;
	[smem:$0x7A5] =	sst s12;
	v8 =	vmov v16  }
.LBB2_35:
0x9c3: {  	s1 =	simm.s32 $0x10;
	p0 =	por $0x0, $0x0  }
0x9c4: {  	[dreg:$0x16] =	wrdreg s1;
	s1 =	simm.s32 @!p0 $0x0  }
0x9c5: {  	s1 =	simm.s32 @p0 $0x1;
	p0 =	por $0x0, $0x0  }
0x9c6: {  	[smem:$0x7DE] =	sst s1;
	s1 =	simm.s32 @!p0 $0x0  }
0x9c7: {  	s1 =	simm.s32 @p0 $0x1;
	p0 =	por $0x0, $0x0  }
0x9c8: {  	[smem:$0x7DF] =	sst s1;
	s1 =	simm.s32 @!p0 $0x0  }
0x9c9: {  	s1 =	simm.s32 @p0 $0x1;
	p0 =	por $0x1, $0x1  }
0x9ca: {  	[smem:$0x7E0] =	sst s1;
	s1 =	simm.s32 @!p0 $0x0  }
0x9cb: {  	s1 =	simm.s32 @p0 $0x1;
	p0 =	por $0x1, $0x1  }
0x9cc: {  	[smem:$0x7E1] =	sst s1;
	s1 =	simm.s32 @!p0 $0x0  }
0x9cd: {  	s1 =	simm.s32 @p0 $0x1;
	p0 =	por $0x1, $0x1  }
0x9ce: {  	[smem:$0x7E2] =	sst s1;
	s1 =	simm.s32 @!p0 $0x0  }
0x9cf: {  	s1 =	simm.s32 @p0 $0x1;
	p0 =	por $0x1, $0x1  }
0x9d0: {  	[smem:$0x7E3] =	sst s1;
	s1 =	simm.s32 @!p0 $0x0  }
0x9d1: {  	s1 =	simm.s32 @p0 $0x1;
	p0 =	por $0x1, $0x1  }
0x9d2: {  	s8 =	simm.s32 $0x30;
	[smem:$0x7E4] =	sst s1;
	s1 =	simm.s32 @!p0 $0x0  }
0x9d3: {  	s9 =	simm.s32 $0x20;
	s1 =	simm.s32 @p0 $0x1;
	p0 =	por $0x1, $0x1  }
0x9d4: {  	s10 =	simm.s32 $0x40;
	[smem:$0x7E5] =	sst s1;
	s1 =	simm.s32 @!p0 $0x0  }
0x9d5: {  	s20 =	simm.s32 $0x0;
	s23 =	simm.s32 $0x70;
	s1 =	simm.s32 @p0 $0x1  }
0x9d6: {  	s26 =	simm.s32 $0x80;
	p6 =	por $0x1, $0x1;
	s13 =	simm.s32 $0x10  }
0x9d7: {  	s5 =	simm.s32 $0x0;
	s7 =	simm.s32 $0x0;
	p1 =	por $0x1, $0x1  }
0x9d8: {  	s6 =	simm.s32 $0x0;
	[smem:$0x7E6] =	sst s1;
	s1 =	simm.s32 @!p1 $0x0  }
.Ltmp82:
0x9d9: {  	[dreg:$0x12] =	wrdreg s8;
	s1 =	simm.s32 @p1 $0x1;
	(pc) =	sbr.rel .LBB2_44-.Ltmp82, $4  }
0x9da: {  	s16 =	simm.s32 $0x30;
	s15 =	simm.s32 $0x40;
	[smem:$0x7E7] =	sst s1  }
0x9db: {  	v15 =	vmov v16;
	s3 =	simm.s32 $0x50;
	v12 =	vmov v17;
	v28 =	vmov v29;
	s12 =	smov.u32 s29;
	[dreg:$0x10] =	wrdreg s9  }
0x9dc: {  	v26 =	vmovc v22;
	v21 =	vmovc v18;
	v27 =	vmov v11;
	v31 =	vmov v13;
	v30 =	vmov v6;
	s30 =	simm.s32 $0x60;
	s11 =	simm.s32 $0x0;
	[dreg:$0xe] =	wrdreg s10  }
0x9dd: {  	v23 =	vmovc v5;
	v18 =	vmovc v7;
	v36 =	vmov v9;
	v25 =	vmov v10;
	s2 =	simm.s32 $0x0;
	s10 =	simm.s32 $0x20;
	[smem:$0x7E8] =	sst s11;
	v8 =	vmov v14  }
.LBB2_98:
0x9de: {  	s1 =	simm.s32 $0x10;
	p0 =	por $0x0, $0x0  }
0x9df: {  	[dreg:$0x17] =	wrdreg s1;
	s1 =	simm.s32 @!p0 $0x0  }
0x9e0: {  	s1 =	simm.s32 @p0 $0x1;
	p0 =	por $0x0, $0x0  }
0x9e1: {  	[smem:$0x79B] =	sst s1;
	s1 =	simm.s32 @!p0 $0x0  }
0x9e2: {  	s1 =	simm.s32 @p0 $0x1;
	p0 =	por $0x0, $0x0  }
0x9e3: {  	[smem:$0x79C] =	sst s1;
	s1 =	simm.s32 @!p0 $0x0  }
0x9e4: {  	s1 =	simm.s32 @p0 $0x1;
	p0 =	por $0x1, $0x1  }
0x9e5: {  	[smem:$0x79D] =	sst s1;
	s1 =	simm.s32 @!p0 $0x0  }
0x9e6: {  	s1 =	simm.s32 @p0 $0x1;
	p0 =	por $0x1, $0x1  }
0x9e7: {  	[smem:$0x79E] =	sst s1;
	s1 =	simm.s32 @!p0 $0x0  }
0x9e8: {  	s1 =	simm.s32 @p0 $0x1;
	p0 =	por $0x1, $0x1  }
0x9e9: {  	[smem:$0x79F] =	sst s1;
	s1 =	simm.s32 @!p0 $0x0  }
0x9ea: {  	s1 =	simm.s32 @p0 $0x1;
	p0 =	por $0x1, $0x1  }
0x9eb: {  	[smem:$0x7A0] =	sst s1;
	s1 =	simm.s32 @!p0 $0x0  }
0x9ec: {  	s1 =	simm.s32 @p0 $0x1;
	p0 =	por $0x1, $0x1  }
0x9ed: {  	s9 =	simm.s32 $0x30;
	[smem:$0x7A1] =	sst s1;
	s1 =	simm.s32 @!p0 $0x0  }
0x9ee: {  	s10 =	simm.s32 $0x20;
	s1 =	simm.s32 @p0 $0x1;
	p0 =	por $0x1, $0x1  }
0x9ef: {  	s11 =	simm.s32 $0x40;
	[smem:$0x7A2] =	sst s1;
	s1 =	simm.s32 @!p0 $0x0  }
0x9f0: {  	s20 =	simm.s32 $0x0;
	s23 =	simm.s32 $0x70;
	s1 =	simm.s32 @p0 $0x1  }
0x9f1: {  	s26 =	simm.s32 $0x80;
	p6 =	por $0x1, $0x1;
	s13 =	simm.s32 $0x10  }
0x9f2: {  	s5 =	simm.s32 $0x0;
	s7 =	simm.s32 $0x0;
	p1 =	por $0x1, $0x1  }
0x9f3: {  	s6 =	simm.s32 $0x0;
	[smem:$0x7A3] =	sst s1;
	s1 =	simm.s32 @!p1 $0x0  }
.Ltmp83:
0x9f4: {  	[dreg:$0x13] =	wrdreg s9;
	s1 =	simm.s32 @p1 $0x1;
	(pc) =	sbr.rel .LBB2_107-.Ltmp83, $4  }
0x9f5: {  	s16 =	simm.s32 $0x30;
	s15 =	simm.s32 $0x40;
	[smem:$0x7A4] =	sst s1  }
0x9f6: {  	v15 =	vmov v16;
	s3 =	simm.s32 $0x50;
	v12 =	vmov v17;
	v28 =	vmov v29;
	s30 =	simm.s32 $0x60;
	[dreg:$0x11] =	wrdreg s10  }
0x9f7: {  	v26 =	vmovc v22;
	v21 =	vmovc v18;
	v27 =	vmov v11;
	v31 =	vmov v13;
	v30 =	vmov v6;
	s12 =	simm.s32 $0x0;
	s2 =	simm.s32 $0x0;
	[dreg:$0xf] =	wrdreg s11  }
0x9f8: {  	v23 =	vmovc v5;
	v18 =	vmovc v7;
	v36 =	vmov v9;
	v25 =	vmov v10;
	s10 =	simm.s32 $0x20;
	s9 =	smov.u32 s29;
	[smem:$0x7A5] =	sst s12;
	v8 =	vmov v14  }
.LBB2_37:
0x9f9: {  	s1 =	simm.s32 $0x50;
	p0 =	por $0x0, $0x0  }
0x9fa: {  	s3 =	simm.s32 $0x10;
	[dreg:$0x18] =	wrdreg s1;
	s1 =	simm.s32 @!p0 $0x0  }
0x9fb: {  	s5 =	simm.s32 $0x60;
	s1 =	simm.s32 @p0 $0x1;
	p0 =	por $0x0, $0x0  }
0x9fc: {  	s6 =	simm.s32 $0x30;
	[smem:$0x7DE] =	sst s1;
	s1 =	simm.s32 @!p0 $0x0  }
0x9fd: {  	s7 =	simm.s32 $0x20;
	s1 =	simm.s32 @p0 $0x1;
	p0 =	por $0x1, $0x1  }
0x9fe: {  	s8 =	simm.s32 $0x40;
	[smem:$0x7DF] =	sst s1;
	s1 =	simm.s32 @!p0 $0x0  }
0x9ff: {  	s23 =	simm.s32 $0x80;
	s1 =	simm.s32 @p0 $0x1;
	p0 =	por $0x1, $0x1  }
0xa00: {  	s26 =	simm.s32 $0x90;
	[smem:$0x7E1] =	sst s1;
	s1 =	simm.s32 @!p0 $0x0  }
0xa01: {  	s13 =	simm.s32 $0x20;
	s1 =	simm.s32 @p0 $0x1;
	p0 =	por $0x1, $0x1  }
0xa02: {  	s10 =	simm.s32 $0x30;
	[smem:$0x7E2] =	sst s1;
	s1 =	simm.s32 @!p0 $0x0  }
0xa03: {  	s16 =	simm.s32 $0x40;
	s1 =	simm.s32 @p0 $0x1;
	p0 =	por $0x1, $0x1  }
0xa04: {  	s15 =	simm.s32 $0x50;
	[smem:$0x7E3] =	sst s1;
	s1 =	simm.s32 @!p0 $0x0  }
0xa05: {  	[dreg:$0x16] =	wrdreg s3;
	s1 =	simm.s32 @p0 $0x1;
	p0 =	por $0x1, $0x1  }
0xa06: {  	s12 =	smov.u32 s31;
	[smem:$0x7E4] =	sst s1;
	s1 =	simm.s32 @!p0 $0x0  }
0xa07: {  	[dreg:$0x14] =	wrdreg s5;
	s1 =	simm.s32 @p0 $0x1;
	p0 =	por $0x1, $0x1  }
0xa08: {  	p3 =	por p2, p2;
	[smem:$0x7E5] =	sst s1;
	s1 =	simm.s32 @!p0 $0x0  }
0xa09: {  	p1 =	por $0x1, $0x1;
	[dreg:$0x12] =	wrdreg s6;
	s1 =	simm.s32 @p0 $0x1  }
0xa0a: {  	s17 =	smov.u32 s11;
	[smem:$0x7E6] =	sst s1;
	s1 =	simm.s32 @!p4 $0x0  }
.Ltmp84:
0xa0b: {  	[dreg:$0x10] =	wrdreg s7;
	s1 =	simm.s32 @p4 $0x1;
	(pc) =	sbr.rel .LBB2_44-.Ltmp84, $4  }
0xa0c: {  	s30 =	simm.s32 $0x70;
	[smem:$0x7D7] =	sst s1;
	s1 =	simm.s32 @!p1 $0x0  }
0xa0d: {  	v12 =	vmov v24;
	v28 =	vmov v40;
	v26 =	vmov v32;
	s9 =	simm.s32 $0x0;
	[dreg:$0xe] =	wrdreg s8;
	s1 =	simm.s32 @p1 $0x1  }
0xa0e: {  	v21 =	vmovc v34;
	v27 =	vmovc v6;
	v31 =	vmov v9;
	v30 =	vmov v5;
	v23 =	vmov v7;
	s5 =	simm.s32 $0x0;
	s6 =	simm.s32 $0x0;
	[smem:$0x7E7] =	sst s1  }
0xa0f: {  	v18 =	vmovc v16;
	v15 =	vmovc v14;
	v36 =	vmov v10;
	v25 =	vmov v17;
	s7 =	smov.u32 s2;
	s3 =	simm.s32 $0x60;
	[smem:$0x7E8] =	sst s9;
	v8 =	vmov v20  }
.LBB2_100:
0xa10: {  	s1 =	simm.s32 $0x50;
	p0 =	por $0x0, $0x0  }
0xa11: {  	s6 =	simm.s32 $0x10;
	[dreg:$0x19] =	wrdreg s1;
	s1 =	simm.s32 @!p0 $0x0  }
0xa12: {  	s7 =	simm.s32 $0x60;
	s1 =	simm.s32 @p0 $0x1;
	p0 =	por $0x0, $0x0  }
0xa13: {  	s8 =	simm.s32 $0x30;
	[smem:$0x79B] =	sst s1;
	s1 =	simm.s32 @!p0 $0x0  }
0xa14: {  	s9 =	simm.s32 $0x20;
	s1 =	simm.s32 @p0 $0x1;
	p0 =	por $0x1, $0x1  }
0xa15: {  	s10 =	simm.s32 $0x40;
	[smem:$0x79C] =	sst s1;
	s1 =	simm.s32 @!p0 $0x0  }
0xa16: {  	s23 =	simm.s32 $0x80;
	s1 =	simm.s32 @p0 $0x1;
	p0 =	por $0x1, $0x1  }
0xa17: {  	s26 =	simm.s32 $0x90;
	[smem:$0x79E] =	sst s1;
	s1 =	simm.s32 @!p0 $0x0  }
0xa18: {  	s13 =	simm.s32 $0x20;
	s1 =	simm.s32 @p0 $0x1;
	p0 =	por $0x1, $0x1  }
0xa19: {  	s5 =	simm.s32 $0x0;
	[smem:$0x79F] =	sst s1;
	s1 =	simm.s32 @!p0 $0x0  }
0xa1a: {  	s16 =	simm.s32 $0x40;
	s1 =	simm.s32 @p0 $0x1;
	p0 =	por $0x1, $0x1  }
0xa1b: {  	s15 =	simm.s32 $0x50;
	[smem:$0x7A0] =	sst s1;
	s1 =	simm.s32 @!p0 $0x0  }
0xa1c: {  	[dreg:$0x17] =	wrdreg s6;
	s1 =	simm.s32 @p0 $0x1;
	p0 =	por $0x1, $0x1  }
0xa1d: {  	p3 =	por p2, p2;
	[smem:$0x7A1] =	sst s1;
	s1 =	simm.s32 @!p0 $0x0  }
0xa1e: {  	[dreg:$0x15] =	wrdreg s7;
	s1 =	simm.s32 @p0 $0x1;
	p0 =	por $0x1, $0x1  }
0xa1f: {  	p1 =	por $0x1, $0x1;
	[smem:$0x7A2] =	sst s1;
	s1 =	simm.s32 @!p0 $0x0  }
0xa20: {  	s17 =	smov.u32 s11;
	[dreg:$0x13] =	wrdreg s8;
	s1 =	simm.s32 @p0 $0x1  }
0xa21: {  	s3 =	simm.s32 $0x60;
	[smem:$0x7A3] =	sst s1;
	s1 =	simm.s32 @!p4 $0x0  }
.Ltmp85:
0xa22: {  	[dreg:$0x11] =	wrdreg s9;
	s1 =	simm.s32 @p4 $0x1;
	(pc) =	sbr.rel .LBB2_107-.Ltmp85, $4  }
0xa23: {  	s30 =	simm.s32 $0x70;
	[smem:$0x794] =	sst s1;
	s1 =	simm.s32 @!p1 $0x0  }
0xa24: {  	v12 =	vmov v24;
	v28 =	vmov v40;
	v26 =	vmov v32;
	s12 =	simm.s32 $0x0;
	[dreg:$0xf] =	wrdreg s10;
	s1 =	simm.s32 @p1 $0x1  }
0xa25: {  	v21 =	vmovc v34;
	v27 =	vmovc v6;
	v31 =	vmov v9;
	v30 =	vmov v5;
	v23 =	vmov v7;
	s6 =	simm.s32 $0x0;
	s10 =	simm.s32 $0x30;
	[smem:$0x7A4] =	sst s1  }
0xa26: {  	v18 =	vmovc v16;
	v15 =	vmovc v14;
	v36 =	vmov v10;
	v25 =	vmov v17;
	s9 =	smov.u32 s31;
	s7 =	smov.u32 s2;
	[smem:$0x7A5] =	sst s12;
	v8 =	vmov v20  }
.LBB2_39:
0xa27: {  	p0 =	por $0x0, $0x0  }
0xa28: {  	s23 =	simm.s32 $0x90;
	s13 =	simm.s32 $0x30;
	s1 =	simm.s32 @!p0 $0x0  }
0xa29: {  	s5 =	simm.s32 $0x0;
	s6 =	simm.s32 $0x0;
	s1 =	simm.s32 @p0 $0x1  }
0xa2a: {  	s10 =	simm.s32 $0x40;
	[smem:$0x7DE] =	sst s1;
	s1 =	simm.s32 @!p5 $0x0  }
0xa2b: {  	s16 =	simm.s32 $0x50;
	s20 =	smov.u32 s3;
	s1 =	simm.s32 @p5 $0x1  }
.Ltmp86:
0xa2c: {  	[smem:$0x7D2] =	sst s1;
	s1 =	simm.s32 @!p3 $0x0;
	(pc) =	sbr.rel .LBB2_44-.Ltmp86, $4  }
0xa2d: {  	s12 =	smov.u32 s24;
	p1 =	por $0x1, $0x1;
	s1 =	simm.s32 @p3 $0x1  }
0xa2e: {  	v12 =	vmov v37;
	v28 =	vmov v38;
	v26 =	vmov v33;
	s17 =	smov.u32 s8;
	[smem:$0x7D7] =	sst s1;
	s1 =	simm.s32 @!p1 $0x0  }
0xa2f: {  	v21 =	vmovc v35;
	v27 =	vmovc v5;
	v31 =	vmov v10;
	v30 =	vmov v7;
	v23 =	vmov v16;
	s15 =	simm.s32 $0x60;
	s3 =	simm.s32 $0x70;
	s1 =	simm.s32 @p1 $0x1  }
0xa30: {  	v18 =	vmovc v14;
	v15 =	vmovc v20;
	v36 =	vmov v17;
	v25 =	vmov v24;
	s30 =	simm.s32 $0x80;
	v8 =	vmov v39;
	p3 =	por p4, p4;
	[smem:$0x7E7] =	sst s1  }
.LBB2_102:
0xa31: {  	p0 =	por $0x0, $0x0;
	s23 =	simm.s32 $0x90  }
0xa32: {  	s13 =	simm.s32 $0x30;
	s6 =	simm.s32 $0x0;
	s10 =	simm.s32 $0x40  }
0xa33: {  	s16 =	simm.s32 $0x50;
	s20 =	smov.u32 s3;
	s9 =	smov.u32 s24  }
0xa34: {  	s3 =	simm.s32 @!p5 $0x0;
	p1 =	por $0x1, $0x1;
	s17 =	smov.u32 s8  }
0xa35: {  	s7 =	smov.u32 s1;
	s15 =	simm.s32 $0x60;
	s3 =	simm.s32 @p5 $0x1  }
.Ltmp87:
0xa36: {  	[smem:$0x78F] =	sst s3;
	s3 =	simm.s32 @!p3 $0x0;
	(pc) =	sbr.rel .LBB2_107-.Ltmp87, $4  }
0xa37: {  	s30 =	simm.s32 $0x80;
	s5 =	simm.s32 @!p0 $0x0;
	s3 =	simm.s32 @p3 $0x1  }
0xa38: {  	v12 =	vmov v37;
	v28 =	vmov v38;
	v26 =	vmov v33;
	s5 =	simm.s32 @p0 $0x1;
	[smem:$0x794] =	sst s3;
	s3 =	simm.s32 @!p1 $0x0  }
0xa39: {  	v21 =	vmovc v35;
	v27 =	vmovc v5;
	v31 =	vmov v10;
	v30 =	vmov v7;
	v23 =	vmov v16;
	[smem:$0x79B] =	sst s5;
	s5 =	simm.s32 $0x0;
	s3 =	simm.s32 @p1 $0x1  }
0xa3a: {  	v18 =	vmovc v14;
	v15 =	vmovc v20;
	v36 =	vmov v17;
	v25 =	vmov v24;
	p3 =	por p4, p4;
	v8 =	vmov v39;
	[smem:$0x7A4] =	sst s3;
	s3 =	simm.s32 $0x70  }
0xa3b: {  	_ = 	snop  }
.LBB2_41:
0xa3c: {  	s1 =	simm.s32 @!p0 $0x0  }
0xa3d: {  	s23 =	simm.s32 $0xA0;
	s26 =	simm.s32 $0xB0;
	s13 =	simm.s32 $0x40  }
0xa3e: {  	s5 =	simm.s32 $0x0;
	s6 =	simm.s32 $0x0;
	s1 =	simm.s32 @p0 $0x1  }
.Ltmp88:
0xa3f: {  	[smem:$0x7D7] =	sst s1;
	s1 =	simm.s32 @!p4 $0x0;
	(pc) =	sbr.rel .LBB2_44-.Ltmp88, $4  }
0xa40: {  	s10 =	simm.s32 $0x50;
	p1 =	por $0x1, $0x1;
	s1 =	simm.s32 @p4 $0x1  }
0xa41: {  	s16 =	simm.s32 $0x60;
	[smem:$0x7D2] =	sst s1;
	s1 =	simm.s32 @!p1 $0x0  }
0xa42: {  	v27 =	vmov v7;
	v31 =	vmov v17;
	v30 =	vmov v16;
	s15 =	simm.s32 $0x70;
	s21 =	rddreg [dreg:$0xc];
	s1 =	simm.s32 @p1 $0x1  }
0xa43: {  	v23 =	vmovc v14;
	v18 =	vmovc v20;
	v15 =	vmov v39;
	v36 =	vmov v24;
	v25 =	vmov v37;
	s3 =	simm.s32 $0x80;
	s28 =	simm.s32 $0x10000;
	[smem:$0x7E7] =	sst s1  }
.LBB2_104:
0xa44: {  	s1 =	simm.s32 @!p0 $0x0  }
0xa45: {  	s23 =	simm.s32 $0xA0;
	s26 =	simm.s32 $0xB0;
	s13 =	simm.s32 $0x40  }
0xa46: {  	s5 =	simm.s32 $0x0;
	s6 =	simm.s32 $0x0;
	s1 =	simm.s32 @p0 $0x1  }
.Ltmp89:
0xa47: {  	[smem:$0x794] =	sst s1;
	s1 =	simm.s32 @!p4 $0x0;
	(pc) =	sbr.rel .LBB2_107-.Ltmp89, $4  }
0xa48: {  	s10 =	simm.s32 $0x50;
	p1 =	por $0x1, $0x1;
	s1 =	simm.s32 @p4 $0x1  }
0xa49: {  	s16 =	simm.s32 $0x60;
	[smem:$0x78F] =	sst s1;
	s1 =	simm.s32 @!p1 $0x0  }
0xa4a: {  	v27 =	vmov v7;
	v31 =	vmov v17;
	v30 =	vmov v16;
	s15 =	simm.s32 $0x70;
	s21 =	rddreg [dreg:$0xd];
	s1 =	simm.s32 @p1 $0x1  }
0xa4b: {  	v23 =	vmovc v14;
	v18 =	vmovc v20;
	v15 =	vmov v39;
	v36 =	vmov v24;
	v25 =	vmov v37;
	s3 =	simm.s32 $0x80;
	s28 =	simm.s32 $0x10000;
	[smem:$0x7A4] =	sst s1  }
.LBB2_15:
.Ltmp90:
0xa4c: {  	(pc) =	sbr.rel .LBB2_19-.Ltmp90, $2  }
0xa4d: {  	_ =	sdelay $0x2  }
0xa4e: {  	s3 =	simm.s32 $0x0  }
.LBB2_48:
.Ltmp91:
0xa4f: {  	(pc) =	sbr.rel .LBB2_52-.Ltmp91, $2  }
0xa50: {  	_ =	sdelay $0x2  }
0xa51: {  	s4 =	simm.s32 $0x0  }
.LBB2_57:
.Ltmp92:
0xa52: {  	(pc) =	sbr.rel .LBB2_61-.Ltmp92, $2  }
0xa53: {  	_ =	sdelay $0x2  }
0xa54: {  	s7 =	simm.s32 $0x0  }
.LBB2_78:
.Ltmp93:
0xa55: {  	(pc) =	sbr.rel .LBB2_82-.Ltmp93, $2  }
0xa56: {  	_ =	sdelay $0x2  }
0xa57: {  	s3 =	simm.s32 $0x0  }
.LBB2_111:
.Ltmp94:
0xa58: {  	(pc) =	sbr.rel .LBB2_115-.Ltmp94, $2  }
0xa59: {  	_ =	sdelay $0x2  }
0xa5a: {  	s4 =	simm.s32 $0x0  }
.LBB2_120:
.Ltmp95:
0xa5b: {  	(pc) =	sbr.rel .LBB2_124-.Ltmp95, $2  }
0xa5c: {  	_ =	sdelay $0x2  }
0xa5d: {  	s7 =	simm.s32 $0x0  }
.LBB2_17:
.Ltmp96:
0xa5e: {  	(pc) =	sbr.rel .LBB2_19-.Ltmp96, $2  }
0xa5f: {  	_ =	sdelay $0x2  }
0xa60: {  	s3 =	simm.s32 $0x0  }
.LBB2_50:
.Ltmp97:
0xa61: {  	(pc) =	sbr.rel .LBB2_52-.Ltmp97, $2  }
0xa62: {  	_ =	sdelay $0x2  }
0xa63: {  	s4 =	simm.s32 $0x0  }
.LBB2_59:
.Ltmp98:
0xa64: {  	(pc) =	sbr.rel .LBB2_61-.Ltmp98, $2  }
0xa65: {  	_ =	sdelay $0x2  }
0xa66: {  	s7 =	simm.s32 $0x0  }
.LBB2_80:
.Ltmp99:
0xa67: {  	(pc) =	sbr.rel .LBB2_82-.Ltmp99, $2  }
0xa68: {  	_ =	sdelay $0x2  }
0xa69: {  	s3 =	simm.s32 $0x0  }
.LBB2_113:
.Ltmp100:
0xa6a: {  	(pc) =	sbr.rel .LBB2_115-.Ltmp100, $2  }
0xa6b: {  	_ =	sdelay $0x2  }
0xa6c: {  	s4 =	simm.s32 $0x0  }
.LBB2_122:
.Ltmp101:
0xa6d: {  	(pc) =	sbr.rel .LBB2_124-.Ltmp101, $2  }
0xa6e: {  	_ =	sdelay $0x2  }
0xa6f: {  	s7 =	simm.s32 $0x0  }
.LBB2_128:
0xa70: {  	_ =	sfence.sel $0x180000  }
0xa71: {  	[bflag:$0x0] =	sbarrier.arrive $0xFFFF  }
0xa72: {  	_ =	strace $0x90000047  }
0xa73: {  	s0 =	stileid.u32;
	[bflag:$0x2] =	sbarrier.arrive $0xFFFF  }
0xa74: {  	p0 =	sne.s32 s0, $0x0;
	s0 =	rddreg [dreg:$0x2]  }
0xa75: {  	s0 =	sadd.s32 @!p0 $0x100000, s0  }
0xa76: {  	[sflag:s0] =	ssyncadd.tile.s32 @!p0 $0x1;
	_ =	shalt  }
.Lfunc_end2:
_tile_overlayer_lowered:
.L_overlay_start_2:
0xa77: {  	(tag) =	ssettag $0x2  }
0xa78: {  	s0 =	rddreg [dreg:$0x0];
	s2 =	stileid.u32  }
0xa79: {  	s1 =	rddreg [dreg:$0x1];
	p0 =	sne.s32 s2, $0x0  }
0xa7a: {  	s3 =	rddreg [dreg:$0x2];
	[bflag:$0x3] =	sbarrier.arrive $0xFFFF;
	s2 =	simm.s32 @!p0 $0x1C04  }
0xa7b: {  	[timem:s3], [sflag:s2] =	dma.local @!p0 [hbm:s0], s1  }
0xa7c: {  	s0 =	simm.s32 @!p0 $0x4  }
0xa7d: {  	_ =	swait.ge @!p0 [sflag:s0], s1  }
0xa7e: {  	s1 =	ssub.s32 @!p0 $0x0, s1;
	[sflag:s0] =	ssyncset.done @!p0 $0x0  }
0xa7f: {  	[sflag:s0] =	ssyncadd.s32 @!p0 s1  }
0xa80: {  	[bflag:$0x3] =	sbarrier.arrive $0xFFFF  }
0xa81: {  	_ =	shalt  }

</sc_bundles>
